<compile_context>
chip_gen: v7x
topology: tpu7x:2x2x1
jax: 0.10.2.dev20260603
libtpu: 0.0.44.dev20260713+nightly
codegen_flags: <defaults>
</compile_context>

<pallas_src>
import functools

import jax
import jax.numpy as jnp
from jax import lax
from jax.experimental import pallas as pl
from jax.experimental.pallas import tpu as pltpu
from jax.experimental.pallas import tpu_sc as plsc

N = 10000
D = 256
H = 512
C = 2 * H
OUT = 256
EPS = 1e-5

NPAD = 10240
RB = 512
NRB = NPAD // RB
FB = 128
CHUNK = 128
NTILES = 16
NCH = 80
NH = 40
SC_ROWS = 10112
RPT = SC_ROWS // NTILES
DUMMY = N
F32 = jnp.float32
BF16 = jnp.bfloat16



def _make_spmm(slots, with_deg):
    per = slots // 2
    mesh = plsc.VectorSubcoreMesh(core_axis_name="c", subcore_axis_name="s",
                                  num_cores=2, num_subcores=NTILES)
    out_type = [jax.ShapeDtypeStruct((slots, NPAD, FB), F32)]
    scratch = [
        pltpu.VMEM((NH, CHUNK), jnp.int32),
        pltpu.VMEM((NH, CHUNK), jnp.int32),
        pltpu.VMEM((CHUNK, FB), F32),
        pltpu.VMEM((CHUNK, FB), F32),
        pltpu.VMEM_SHARED((SC_ROWS, FB), F32),
        pltpu.SemaphoreType.DMA,
        pltpu.SemaphoreType.DMA,
    ]
    if with_deg:
        out_type.append(jax.ShapeDtypeStruct((2, NPAD, FB), F32))

    @functools.partial(pl.kernel, mesh=mesh, out_type=out_type,
                       scratch_types=scratch)
    def spmm(xflat, idx, dstt, zrows, *refs):
        if with_deg:
            agg_out, deg_out = refs[0], refs[1]
            gidx, dstv, r0, r1, agg_sp, sem0, sem1 = refs[2:]
        else:
            agg_out = refs[0]
            gidx, dstv, r0, r1, agg_sp, sem0, sem1 = refs[1:]
        c = lax.axis_index("c")
        t = lax.axis_index("s")
        base_r = t * RPT

        def half_pass(slot, h):
            pltpu.sync_copy(idx.at[slot, pl.ds(t * NCH + h * NH, NH)], gidx)
            pltpu.sync_copy(dstt.at[pl.ds(t * NCH + h * NH, NH)], dstv)
            pltpu.async_copy(xflat.at[gidx.at[0]], r0, sem0)

            def body(j2, _):
                j = 2 * j2
                pltpu.async_copy(xflat.at[gidx.at[j + 1]], r1, sem1)
                pltpu.make_async_copy(xflat.at[gidx.at[j]], r0, sem0).wait()
                pltpu.sync_copy(r0, agg_sp.at[dstv.at[j]], add=True)

                @pl.when(j2 < NH // 2 - 1)
                def _():
                    pltpu.async_copy(xflat.at[gidx.at[j + 2]], r0, sem0)
                pltpu.make_async_copy(xflat.at[gidx.at[j + 1]], r1, sem1).wait()
                pltpu.sync_copy(r1, agg_sp.at[dstv.at[j + 1]], add=True)
                return 0
            lax.fori_loop(0, NH // 2, body, 0)

        for k in range(per):
            slot = c * per + k
            pltpu.sync_copy(zrows, agg_sp.at[pl.ds(base_r, RPT)])
            plsc.subcore_barrier()
            for h in range(NCH // NH):
                half_pass(slot, h)
            plsc.subcore_barrier()
            pltpu.sync_copy(agg_sp.at[pl.ds(base_r, RPT)],
                            agg_out.at[slot, pl.ds(base_r, RPT)])

        if with_deg:
            def orow(i, _):
                for l in range(FB // 16):
                    r0[i, pl.ds(l * 16, 16)] = jnp.ones((16,), F32)
                return 0
            lax.fori_loop(0, CHUNK, orow, 0)
            pltpu.sync_copy(zrows, agg_sp.at[pl.ds(base_r, RPT)])
            plsc.subcore_barrier()
            pltpu.sync_copy(dstt.at[pl.ds(t * NCH + c * NH, NH)], dstv)

            def dchunk(j, _):
                pltpu.sync_copy(r0, agg_sp.at[dstv.at[j]], add=True)
                return 0
            lax.fori_loop(0, NH, dchunk, 0)
            plsc.subcore_barrier()
            pltpu.sync_copy(agg_sp.at[pl.ds(base_r, RPT)],
                            deg_out.at[c, pl.ds(base_r, RPT)])

    return spmm


@functools.lru_cache(maxsize=None)
def _get_spmm(slots, with_deg):
    return _make_spmm(slots, with_deg)



def _inv_deg(deg_ref):
    return 1.0 / jnp.maximum(deg_ref[0, :, :1] + deg_ref[1, :, :1], 1.0)


def _k0a_body(xs_ref, wr_ref, b_ref, out_ref):
    out_ref[...] = (jnp.dot(xs_ref[0].astype(BF16), wr_ref[0],
                            preferred_element_type=F32) + b_ref[0])


def _k0b_body(agg_ref, xr_ref, deg_ref, wl_ref, out_ref):
    inv = _inv_deg(deg_ref)
    wl = wl_ref[0]
    acc = jnp.dot((agg_ref[0] * inv).astype(BF16), wl[:FB],
                  preferred_element_type=F32)
    acc += jnp.dot((agg_ref[1] * inv).astype(BF16), wl[FB:],
                   preferred_element_type=F32)
    out_ref[...] = jnp.maximum(acc + xr_ref[...], 0.0)


def _k1a_body(x_ref, wr1_ref, b1_ref, out_ref):
    out_ref[...] = (jnp.dot(x_ref[...].astype(BF16), wr1_ref[...],
                            preferred_element_type=F32) + b1_ref[0][None, :])


def _k1b_body(agg_ref, r1_ref, deg_ref, wl1_ref, wl2_ref, wr2_ref, b2_ref,
              y_ref, r2_ref):
    inv = _inv_deg(deg_ref)
    acc = r1_ref[...]
    for fb in range(C // FB):
        acc += jnp.dot((agg_ref[fb] * inv).astype(BF16),
                       wl1_ref[fb * FB:(fb + 1) * FB],
                       preferred_element_type=F32)
    xn = jnp.maximum(acc, 0.0)
    xnb = xn.astype(BF16)
    y_ref[...] = jnp.dot(xnb, wl2_ref[...], preferred_element_type=F32)
    r2_ref[...] = (jnp.dot(xnb, wr2_ref[...], preferred_element_type=F32)
                   + b2_ref[0][None, :])


def _k2_body(aggy_ref, r2_ref, deg_ref, out_ref):
    inv = _inv_deg(deg_ref)
    out_ref[...] = (jnp.concatenate([aggy_ref[0] * inv, aggy_ref[1] * inv],
                                    axis=1) + r2_ref[...])


def _conv0a(xs, wr0, b0):
    return pl.pallas_call(
        _k0a_body,
        grid=(2, NRB),
        in_specs=[
            pl.BlockSpec((1, RB, D), lambda s, r: (s, r, 0)),
            pl.BlockSpec((1, D, H), lambda s, r: (s, 0, 0)),
            pl.BlockSpec((1, 1, H), lambda s, r: (s, 0, 0)),
        ],
        out_specs=pl.BlockSpec((RB, H), lambda s, r: (r, s)),
        out_shape=jax.ShapeDtypeStruct((NPAD, C), F32),
    )(xs, wr0, b0)


def _conv0b(agg0, xr, deg, wl0):
    return pl.pallas_call(
        _k0b_body,
        grid=(2, NRB),
        in_specs=[
            pl.BlockSpec((2, RB, FB), lambda s, r: (s, r, 0)),
            pl.BlockSpec((RB, H), lambda s, r: (r, s)),
            pl.BlockSpec((2, RB, FB), lambda s, r: (0, r, 0)),
            pl.BlockSpec((1, D, H), lambda s, r: (s, 0, 0)),
        ],
        out_specs=pl.BlockSpec((RB, H), lambda s, r: (r, s)),
        out_shape=jax.ShapeDtypeStruct((NPAD, C), F32),
    )(agg0, xr, deg, wl0)


def _conv1a(xcat, wr1, b1):
    return pl.pallas_call(
        _k1a_body,
        grid=(NRB,),
        in_specs=[
            pl.BlockSpec((RB, C), lambda r: (r, 0)),
            pl.BlockSpec((C, C), lambda r: (0, 0)),
            pl.BlockSpec((1, C), lambda r: (0, 0)),
        ],
        out_specs=pl.BlockSpec((RB, C), lambda r: (r, 0)),
        out_shape=jax.ShapeDtypeStruct((NPAD, C), F32),
    )(xcat, wr1, b1)


def _conv1b(agg1, r1, deg, wl1, wl2, wr2, b2):
    return pl.pallas_call(
        _k1b_body,
        grid=(NRB,),
        in_specs=[
            pl.BlockSpec((C // FB, RB, FB), lambda r: (0, r, 0)),
            pl.BlockSpec((RB, C), lambda r: (r, 0)),
            pl.BlockSpec((2, RB, FB), lambda r: (0, r, 0)),
            pl.BlockSpec((C, C), lambda r: (0, 0)),
            pl.BlockSpec((C, OUT), lambda r: (0, 0)),
            pl.BlockSpec((C, OUT), lambda r: (0, 0)),
            pl.BlockSpec((1, OUT), lambda r: (0, 0)),
        ],
        out_specs=[
            pl.BlockSpec((RB, OUT), lambda r: (r, 0)),
            pl.BlockSpec((RB, OUT), lambda r: (r, 0)),
        ],
        out_shape=[
            jax.ShapeDtypeStruct((NPAD, OUT), F32),
            jax.ShapeDtypeStruct((NPAD, OUT), F32),
        ],
    )(agg1, r1, deg, wl1, wl2, wr2, b2)


def _final(aggy, r2, deg):
    return pl.pallas_call(
        _k2_body,
        grid=(NRB,),
        in_specs=[
            pl.BlockSpec((2, RB, FB), lambda r: (0, r, 0)),
            pl.BlockSpec((RB, OUT), lambda r: (r, 0)),
            pl.BlockSpec((2, RB, FB), lambda r: (0, r, 0)),
        ],
        out_specs=pl.BlockSpec((RB, OUT), lambda r: (r, 0)),
        out_shape=jax.ShapeDtypeStruct((NPAD, OUT), F32),
    )(aggy, r2, deg)



def kernel(x0, x1, edge_index, Wl0a, Wr0a, b0a, g0a, be0a,
           Wl0b, Wr0b, b0b, g0b, be0b, Wl1, Wr1, b1, g1, be1,
           Wl2, Wr2, b2):
    E = edge_index.shape[1]
    EPAD = NTILES * NCH * CHUNK
    src = edge_index[0]
    dst = edge_index[1]
    srcp = jnp.concatenate([src, jnp.zeros((EPAD - E,), jnp.int32)])
    dstp = jnp.concatenate([dst, jnp.full((EPAD - E,), DUMMY, jnp.int32)])
    dstp = dstp.reshape(NTILES * NCH, CHUNK)
    s2 = (srcp * 2).reshape(NTILES * NCH, CHUNK)
    s8 = (srcp * 8).reshape(NTILES * NCH, CHUNK)
    offs0 = jnp.array([0, 1, 2 * NPAD, 2 * NPAD + 1], jnp.int32)
    idx0 = s2[None] + offs0[:, None, None]
    idx1 = s8[None] + jnp.arange(8, dtype=jnp.int32)[:, None, None]
    idx2 = s2[None] + jnp.arange(2, dtype=jnp.int32)[:, None, None]

    xs = jnp.zeros((2, NPAD, D), F32).at[0, :N].set(x0).at[1, :N].set(x1)

    s0a = g0a / jnp.sqrt(1.0 + EPS)
    s0b = g0b / jnp.sqrt(1.0 + EPS)
    s1 = g1 / jnp.sqrt(1.0 + EPS)
    wl0 = jnp.stack([Wl0a * s0a, Wl0b * s0b]).astype(BF16)
    wr0 = jnp.stack([Wr0a * s0a, Wr0b * s0b]).astype(BF16)
    b0 = jnp.stack([b0a * s0a + be0a, b0b * s0b + be0b]).reshape(2, 1, H)
    wl1 = (Wl1 * s1).astype(BF16)
    wr1 = (Wr1 * s1).astype(BF16)
    b1f = (b1 * s1 + be1).reshape(1, C)
    b2f = b2.reshape(1, OUT)

    zrows = jnp.zeros((RPT, FB), F32)

    agg0, deg = _get_spmm(4, True)(xs.reshape(-1, FB), idx0, dstp, zrows)
    xr = _conv0a(xs, wr0, b0)
    xcat = _conv0b(agg0, xr, deg, wl0)
    (agg1,) = _get_spmm(8, False)(xcat.reshape(-1, FB), idx1, dstp, zrows)
    r1 = _conv1a(xcat, wr1, b1f)
    y, r2 = _conv1b(agg1, r1, deg, wl1, Wl2.astype(BF16), Wr2.astype(BF16),
                    b2f)
    (aggy,) = _get_spmm(2, False)(y.reshape(-1, FB), idx2, dstp, zrows)
    out = _final(aggy, r2, deg)
    return out[:N]

# --- scband reference (transcript-rebuilt; emitter-appended) ---
"""Pipeline reference for scband-lasage-85177791414858 (READ-ONLY COPY).

The authoritative reference and input builder live on the scoring server;
editing this copy changes nothing except your own understanding.
"""

import jax, jax.numpy as jnp
import numpy as np

N = 10000
E = 160000
D = 256
H = 512
C = 2 * H
OUT = 256
EPS = 1e-5


def _sage(x, src, dst, Wl, Wr, b):
    # PyG SAGEConv with mean aggregation: lin_l(mean_{j in N(i)} x_j) + lin_r(x_i) + bias
    msg = jnp.take(x, src, axis=0)
    agg = jax.ops.segment_sum(msg, dst, num_segments=N)
    deg = jax.ops.segment_sum(jnp.ones((src.shape[0], 1), x.dtype), dst, num_segments=N)
    agg = agg / jnp.clip(deg, 1.0)
    return agg @ Wl + x @ Wr + b


def _bn_eval(x, g, b):
    # BatchNorm1d in eval mode: running_mean=0, running_var=1
    return (x / jnp.sqrt(1.0 + EPS)) * g + b


def setup_inputs(seed: int = 0):
    key = jax.random.key(seed)
    ks = jax.random.split(key, 16)

    def lin(k, fi, fo):
        return jax.random.normal(k, (fi, fo), jnp.float32) / np.sqrt(fi)

    inp = {
        "x0": jax.random.normal(ks[0], (N, D), jnp.float32),
        "x1": jax.random.normal(ks[1], (N, D), jnp.float32),
        "edge_index": jax.random.randint(ks[2], (2, E), 0, N, dtype=jnp.int32),
        "Wl0a": lin(ks[3], D, H), "Wr0a": lin(ks[4], D, H), "b0a": jnp.zeros((H,), jnp.float32),
        "g0a": jnp.ones((H,), jnp.float32), "be0a": jnp.zeros((H,), jnp.float32),
        "Wl0b": lin(ks[5], D, H), "Wr0b": lin(ks[6], D, H), "b0b": jnp.zeros((H,), jnp.float32),
        "g0b": jnp.ones((H,), jnp.float32), "be0b": jnp.zeros((H,), jnp.float32),
        "Wl1": lin(ks[7], C, C), "Wr1": lin(ks[8], C, C), "b1": jnp.zeros((C,), jnp.float32),
        "g1": jnp.ones((C,), jnp.float32), "be1": jnp.zeros((C,), jnp.float32),
        "Wl2": lin(ks[9], C, OUT), "Wr2": lin(ks[10], C, OUT), "b2": jnp.zeros((OUT,), jnp.float32),
    }
    return inp


def reference(x0, x1, edge_index, Wl0a, Wr0a, b0a, g0a, be0a, Wl0b, Wr0b, b0b, g0b, be0b, Wl1, Wr1, b1, g1, be1, Wl2, Wr2, b2):
    src = edge_index[0]
    dst = edge_index[1]
    # initial convs, one per x in x_list (concat=2), each followed by BN + ReLU (dropout off in eval)
    h0 = jax.nn.relu(_bn_eval(_sage(x0, src, dst, Wl0a, Wr0a, b0a), g0a, be0a))
    h1 = jax.nn.relu(_bn_eval(_sage(x1, src, dst, Wl0b, Wr0b, b0b), g0b, be0b))
    x = jnp.concatenate([h0, h1], axis=-1)
    # middle conv (num_layers - 2 = 1)
    x = jax.nn.relu(_bn_eval(_sage(x, src, dst, Wl1, Wr1, b1), g1, be1))
    # final conv
    x = _sage(x, src, dst, Wl2, Wr2, b2)
    return x

if __name__ == "__main__":
    import jax
    _d = setup_inputs()
    print(jax.jit(kernel)(*tuple(_d.values())))

</pallas_src>

<mosaic_0001>
#map = affine_map<(d0, d1) -> (0, 0)>
#map1 = affine_map<(d0, d1) -> (0, 0, 0)>
module attributes {stable_mosaic.version = 14 : i64} {
  func.func @spmm(%arg0: i32, %arg1: i32, %arg2: memref<40960x128xf32, #tpu.memory_space<hbm>>, %arg3: memref<4x1280x128xi32, #tpu.memory_space<hbm>>, %arg4: memref<1280x128xi32, #tpu.memory_space<hbm>>, %arg5: memref<632x128xf32, #tpu.memory_space<hbm>>, %arg6: memref<4x10240x128xf32, #tpu.memory_space<hbm>>, %arg7: memref<2x10240x128xf32, #tpu.memory_space<hbm>>, %arg8: memref<40x128xi32, #tpu.memory_space<vmem>>, %arg9: memref<40x128xi32, #tpu.memory_space<vmem>>, %arg10: memref<128x128xf32, #tpu.memory_space<vmem>>, %arg11: memref<128x128xf32, #tpu.memory_space<vmem>>, %arg12: memref<10112x128xf32, #tpu.memory_space<vmem_shared>>, %arg13: memref<!tpu.dma_semaphore, #tpu.memory_space<semaphore_mem>>, %arg14: memref<!tpu.dma_semaphore, #tpu.memory_space<semaphore_mem>>) attributes {dimension_semantics = [#tpu.dimension_semantics<core_parallel>, #tpu.dimension_semantics<subcore_parallel>], iteration_bounds = array<i64: 2, 16>, scalar_prefetch = 0 : i64, scratch_operands = 7 : i64, tpu.core_type = #tpu.core_type<sc_vector_subcore>, window_params = [{transform_indices = #map}, {transform_indices = #map1}, {transform_indices = #map}, {transform_indices = #map}, {transform_indices = #map1}, {transform_indices = #map1}]} {
    %mul3A = arith.constant 632 : i32
    %mul3A_0 = arith.muli %arg1, %mul3A : i32
    %mul3A_1 = arith.constant 2 : i32
    %mul3A_2 = arith.muli %arg0, %mul3A_1 : i32
    %add3A = arith.constant 0 : i32
    %add3A_3 = arith.addi %mul3A_2, %add3A : i32
    "tpu.region"() ({
      %run_scoped3A = tpu.sem_alloc : memref<!tpu.dma_semaphore, #tpu.memory_space<semaphore_mem>>
      %dma_start3A_118 = arith.constant 0 : i32
      %dma_start3A_119 = tpu.memref_slice %arg12[%mul3A_0, %dma_start3A_118] : memref<10112x128xf32, #tpu.memory_space<vmem_shared>> -> memref<632x128xf32, #tpu.memory_space<vmem_shared>>
      tpu.enqueue_dma source(%arg5 : memref<632x128xf32, #tpu.memory_space<hbm>>) target(%dma_start3A_119 : memref<632x128xf32, #tpu.memory_space<vmem_shared>>) target_semaphore(%run_scoped3A : memref<!tpu.dma_semaphore, #tpu.memory_space<semaphore_mem>>)
      %dma_wait3A = arith.constant 0 : i32
      %dma_wait3A_120 = tpu.memref_slice %arg12[%mul3A_0, %dma_wait3A] : memref<10112x128xf32, #tpu.memory_space<vmem_shared>> -> memref<632x128xf32, #tpu.memory_space<vmem_shared>>
      tpu.wait_dma2 semaphore(%run_scoped3A : memref<!tpu.dma_semaphore, #tpu.memory_space<semaphore_mem>>) src(%arg5 : memref<632x128xf32, #tpu.memory_space<hbm>>) dst(%dma_wait3A_120 : memref<632x128xf32, #tpu.memory_space<vmem_shared>>)
      tpu.yield
    }) : () -> ()
    %barrier3A = arith.constant 0 : index
    tpu.barrier barrier_id(%barrier3A)
    %mul3A_4 = arith.constant 80 : i32
    %mul3A_5 = arith.muli %arg1, %mul3A_4 : i32
    %add3A_6 = arith.constant 0 : i32
    %add3A_7 = arith.addi %mul3A_5, %add3A_6 : i32
    "tpu.region"() ({
      %run_scoped3A = tpu.sem_alloc : memref<!tpu.dma_semaphore, #tpu.memory_space<semaphore_mem>>
      %dma_start3A_118 = arith.constant 0 : i32
      %dma_start3A_119 = tpu.memref_slice %arg3[%add3A_3, %add3A_7, %dma_start3A_118] : memref<4x1280x128xi32, #tpu.memory_space<hbm>> -> memref<1x40x128xi32, #tpu.memory_space<hbm>>
      %dma_start3A_120 = tpu.memref_squeeze %dma_start3A_119 : memref<1x40x128xi32, #tpu.memory_space<hbm>> -> memref<40x128xi32, #tpu.memory_space<hbm>>
      %dma_start3A_121 = arith.constant 0 : i32
      %dma_start3A_122 = tpu.memref_slice %arg3[%add3A_3, %add3A_7, %dma_start3A_121] : memref<4x1280x128xi32, #tpu.memory_space<hbm>> -> memref<1x40x128xi32, #tpu.memory_space<hbm>>
      %dma_start3A_123 = tpu.memref_squeeze %dma_start3A_122 : memref<1x40x128xi32, #tpu.memory_space<hbm>> -> memref<40x128xi32, #tpu.memory_space<hbm>>
      tpu.enqueue_dma source(%dma_start3A_123 : memref<40x128xi32, #tpu.memory_space<hbm>>) target(%arg8 : memref<40x128xi32, #tpu.memory_space<vmem>>) target_semaphore(%run_scoped3A : memref<!tpu.dma_semaphore, #tpu.memory_space<semaphore_mem>>)
      %dma_wait3A = arith.constant 0 : i32
      %dma_wait3A_124 = tpu.memref_slice %arg3[%add3A_3, %add3A_7, %dma_wait3A] : memref<4x1280x128xi32, #tpu.memory_space<hbm>> -> memref<1x40x128xi32, #tpu.memory_space<hbm>>
      %dma_wait3A_125 = tpu.memref_squeeze %dma_wait3A_124 : memref<1x40x128xi32, #tpu.memory_space<hbm>> -> memref<40x128xi32, #tpu.memory_space<hbm>>
      %dma_wait3A_126 = arith.constant 0 : i32
      %dma_wait3A_127 = tpu.memref_slice %arg3[%add3A_3, %add3A_7, %dma_wait3A_126] : memref<4x1280x128xi32, #tpu.memory_space<hbm>> -> memref<1x40x128xi32, #tpu.memory_space<hbm>>
      %dma_wait3A_128 = tpu.memref_squeeze %dma_wait3A_127 : memref<1x40x128xi32, #tpu.memory_space<hbm>> -> memref<40x128xi32, #tpu.memory_space<hbm>>
      tpu.wait_dma2 semaphore(%run_scoped3A : memref<!tpu.dma_semaphore, #tpu.memory_space<semaphore_mem>>) src(%dma_wait3A_128 : memref<40x128xi32, #tpu.memory_space<hbm>>) dst(%arg8 : memref<40x128xi32, #tpu.memory_space<vmem>>)
      tpu.yield
    }) : () -> ()
    %mul3A_8 = arith.constant 80 : i32
    %mul3A_9 = arith.muli %arg1, %mul3A_8 : i32
    %add3A_10 = arith.constant 0 : i32
    %add3A_11 = arith.addi %mul3A_9, %add3A_10 : i32
    "tpu.region"() ({
      %run_scoped3A = tpu.sem_alloc : memref<!tpu.dma_semaphore, #tpu.memory_space<semaphore_mem>>
      %dma_start3A_118 = arith.constant 0 : i32
      %dma_start3A_119 = tpu.memref_slice %arg4[%add3A_11, %dma_start3A_118] : memref<1280x128xi32, #tpu.memory_space<hbm>> -> memref<40x128xi32, #tpu.memory_space<hbm>>
      %dma_start3A_120 = arith.constant 0 : i32
      %dma_start3A_121 = tpu.memref_slice %arg4[%add3A_11, %dma_start3A_120] : memref<1280x128xi32, #tpu.memory_space<hbm>> -> memref<40x128xi32, #tpu.memory_space<hbm>>
      tpu.enqueue_dma source(%dma_start3A_121 : memref<40x128xi32, #tpu.memory_space<hbm>>) target(%arg9 : memref<40x128xi32, #tpu.memory_space<vmem>>) target_semaphore(%run_scoped3A : memref<!tpu.dma_semaphore, #tpu.memory_space<semaphore_mem>>)
      %dma_wait3A = arith.constant 0 : i32
      %dma_wait3A_122 = tpu.memref_slice %arg4[%add3A_11, %dma_wait3A] : memref<1280x128xi32, #tpu.memory_space<hbm>> -> memref<40x128xi32, #tpu.memory_space<hbm>>
      %dma_wait3A_123 = arith.constant 0 : i32
      %dma_wait3A_124 = tpu.memref_slice %arg4[%add3A_11, %dma_wait3A_123] : memref<1280x128xi32, #tpu.memory_space<hbm>> -> memref<40x128xi32, #tpu.memory_space<hbm>>
      tpu.wait_dma2 semaphore(%run_scoped3A : memref<!tpu.dma_semaphore, #tpu.memory_space<semaphore_mem>>) src(%dma_wait3A_124 : memref<40x128xi32, #tpu.memory_space<hbm>>) dst(%arg9 : memref<40x128xi32, #tpu.memory_space<vmem>>)
      tpu.yield
    }) : () -> ()
    %dma_start3A = arith.constant 0 : i32
    %dma_start3A_12 = arith.constant 0 : i32
    %dma_start3A_13 = tpu.memref_slice %arg8[%dma_start3A, %dma_start3A_12] : memref<40x128xi32, #tpu.memory_space<vmem>> -> memref<1x128xi32, #tpu.memory_space<vmem>>
    %dma_start3A_14 = tpu.memref_squeeze %dma_start3A_13 : memref<1x128xi32, #tpu.memory_space<vmem>> -> memref<128xi32, #tpu.memory_space<vmem>>
    %dma_start3A_15 = arith.constant 0 : i32
    %dma_start3A_16 = arith.constant 0 : i32
    %dma_start3A_17 = tpu.memref_slice %arg2[%dma_start3A_15, %dma_start3A_16] : memref<40960x128xf32, #tpu.memory_space<hbm>> -> memref<40960x128xf32, #tpu.memory_space<hbm>>
    tpu.enqueue_indirect_dma source(%dma_start3A_17 : memref<40960x128xf32, #tpu.memory_space<hbm>>) target(%arg10 : memref<128x128xf32, #tpu.memory_space<vmem>>) offsets(%dma_start3A_14 : memref<128xi32, #tpu.memory_space<vmem>>) semaphore(%arg13 : memref<!tpu.dma_semaphore, #tpu.memory_space<semaphore_mem>>)
    %scan3A = arith.constant 0 : i32
    %scan3A_18 = arith.constant 0 : i32
    %scan3A_19 = arith.constant 20 : i32
    %scan3A_20 = arith.addi %scan3A_18, %scan3A_19 : i32
    %scan3A_21 = arith.constant 1 : i32
    %scan3A_22 = scf.for %scan3A_118 = %scan3A_18 to %scan3A_20 step %scan3A_21 iter_args(%scan3A_119 = %scan3A) -> (i32)  : i32 {
      %mul3A_120 = arith.constant 2 : i32
      %mul3A_121 = arith.muli %mul3A_120, %scan3A_118 : i32
      %add3A_122 = arith.constant 1 : i32
      %add3A_123 = arith.addi %mul3A_121, %add3A_122 : i32
      %dma_start3A_124 = arith.constant 0 : i32
      %dma_start3A_125 = tpu.memref_slice %arg8[%add3A_123, %dma_start3A_124] : memref<40x128xi32, #tpu.memory_space<vmem>> -> memref<1x128xi32, #tpu.memory_space<vmem>>
      %dma_start3A_126 = tpu.memref_squeeze %dma_start3A_125 : memref<1x128xi32, #tpu.memory_space<vmem>> -> memref<128xi32, #tpu.memory_space<vmem>>
      %dma_start3A_127 = arith.constant 0 : i32
      %dma_start3A_128 = arith.constant 0 : i32
      %dma_start3A_129 = tpu.memref_slice %arg2[%dma_start3A_127, %dma_start3A_128] : memref<40960x128xf32, #tpu.memory_space<hbm>> -> memref<40960x128xf32, #tpu.memory_space<hbm>>
      tpu.enqueue_indirect_dma source(%dma_start3A_129 : memref<40960x128xf32, #tpu.memory_space<hbm>>) target(%arg11 : memref<128x128xf32, #tpu.memory_space<vmem>>) offsets(%dma_start3A_126 : memref<128xi32, #tpu.memory_space<vmem>>) semaphore(%arg14 : memref<!tpu.dma_semaphore, #tpu.memory_space<semaphore_mem>>)
      %dma_wait3A = arith.constant 0 : i32
      %dma_wait3A_130 = tpu.memref_slice %arg8[%mul3A_121, %dma_wait3A] : memref<40x128xi32, #tpu.memory_space<vmem>> -> memref<1x128xi32, #tpu.memory_space<vmem>>
      %dma_wait3A_131 = tpu.memref_squeeze %dma_wait3A_130 : memref<1x128xi32, #tpu.memory_space<vmem>> -> memref<128xi32, #tpu.memory_space<vmem>>
      %dma_wait3A_132 = arith.constant 0 : i32
      %dma_wait3A_133 = arith.constant 0 : i32
      %dma_wait3A_134 = tpu.memref_slice %arg2[%dma_wait3A_132, %dma_wait3A_133] : memref<40960x128xf32, #tpu.memory_space<hbm>> -> memref<40960x128xf32, #tpu.memory_space<hbm>>
      tpu.wait_indirect_dma semaphore(%arg13 : memref<!tpu.dma_semaphore, #tpu.memory_space<semaphore_mem>>) src(%dma_wait3A_134 : memref<40960x128xf32, #tpu.memory_space<hbm>>) dst(%arg10 : memref<128x128xf32, #tpu.memory_space<vmem>>)
      "tpu.region"() ({
        %run_scoped3A = tpu.sem_alloc : memref<!tpu.dma_semaphore, #tpu.memory_space<semaphore_mem>>
        %dma_start3A_148 = arith.constant 0 : i32
        %dma_start3A_149 = tpu.memref_slice %arg9[%mul3A_121, %dma_start3A_148] : memref<40x128xi32, #tpu.memory_space<vmem>> -> memref<1x128xi32, #tpu.memory_space<vmem>>
        %dma_start3A_150 = tpu.memref_squeeze %dma_start3A_149 : memref<1x128xi32, #tpu.memory_space<vmem>> -> memref<128xi32, #tpu.memory_space<vmem>>
        %dma_start3A_151 = arith.constant 0 : i32
        %dma_start3A_152 = arith.constant 0 : i32
        %dma_start3A_153 = tpu.memref_slice %arg12[%dma_start3A_151, %dma_start3A_152] : memref<10112x128xf32, #tpu.memory_space<vmem_shared>> -> memref<10112x128xf32, #tpu.memory_space<vmem_shared>>
        tpu.enqueue_indirect_dma source(%arg10 : memref<128x128xf32, #tpu.memory_space<vmem>>) target(%dma_start3A_153 : memref<10112x128xf32, #tpu.memory_space<vmem_shared>>) offsets(%dma_start3A_150 : memref<128xi32, #tpu.memory_space<vmem>>) semaphore(%run_scoped3A : memref<!tpu.dma_semaphore, #tpu.memory_space<semaphore_mem>>) {add = true}
        %dma_wait3A_154 = arith.constant 0 : i32
        %dma_wait3A_155 = tpu.memref_slice %arg9[%mul3A_121, %dma_wait3A_154] : memref<40x128xi32, #tpu.memory_space<vmem>> -> memref<1x128xi32, #tpu.memory_space<vmem>>
        %dma_wait3A_156 = tpu.memref_squeeze %dma_wait3A_155 : memref<1x128xi32, #tpu.memory_space<vmem>> -> memref<128xi32, #tpu.memory_space<vmem>>
        %dma_wait3A_157 = arith.constant 0 : i32
        %dma_wait3A_158 = arith.constant 0 : i32
        %dma_wait3A_159 = tpu.memref_slice %arg12[%dma_wait3A_157, %dma_wait3A_158] : memref<10112x128xf32, #tpu.memory_space<vmem_shared>> -> memref<10112x128xf32, #tpu.memory_space<vmem_shared>>
        tpu.wait_indirect_dma semaphore(%run_scoped3A : memref<!tpu.dma_semaphore, #tpu.memory_space<semaphore_mem>>) src(%arg10 : memref<128x128xf32, #tpu.memory_space<vmem>>) dst(%dma_wait3A_159 : memref<10112x128xf32, #tpu.memory_space<vmem_shared>>)
        tpu.yield
      }) : () -> ()
      %lt3A = arith.constant 19 : i32
      %lt3A_135 = arith.cmpi slt, %scan3A_118, %lt3A : i32
      %convert_element_type3A = arith.extui %lt3A_135 : i1 to i32
      %cond3A = arith.constant 0 : i32
      %cond3A_136 = arith.cmpi ne, %convert_element_type3A, %cond3A : i32
      scf.if %cond3A_136 {
        %add3A_148 = arith.constant 2 : i32
        %add3A_149 = arith.addi %mul3A_121, %add3A_148 : i32
        %dma_start3A_150 = arith.constant 0 : i32
        %dma_start3A_151 = tpu.memref_slice %arg8[%add3A_149, %dma_start3A_150] : memref<40x128xi32, #tpu.memory_space<vmem>> -> memref<1x128xi32, #tpu.memory_space<vmem>>
        %dma_start3A_152 = tpu.memref_squeeze %dma_start3A_151 : memref<1x128xi32, #tpu.memory_space<vmem>> -> memref<128xi32, #tpu.memory_space<vmem>>
        %dma_start3A_153 = arith.constant 0 : i32
        %dma_start3A_154 = arith.constant 0 : i32
        %dma_start3A_155 = tpu.memref_slice %arg2[%dma_start3A_153, %dma_start3A_154] : memref<40960x128xf32, #tpu.memory_space<hbm>> -> memref<40960x128xf32, #tpu.memory_space<hbm>>
        tpu.enqueue_indirect_dma source(%dma_start3A_155 : memref<40960x128xf32, #tpu.memory_space<hbm>>) target(%arg10 : memref<128x128xf32, #tpu.memory_space<vmem>>) offsets(%dma_start3A_152 : memref<128xi32, #tpu.memory_space<vmem>>) semaphore(%arg13 : memref<!tpu.dma_semaphore, #tpu.memory_space<semaphore_mem>>)
      } else {
      }
      %add3A_137 = arith.constant 1 : i32
      %add3A_138 = arith.addi %mul3A_121, %add3A_137 : i32
      %dma_wait3A_139 = arith.constant 0 : i32
      %dma_wait3A_140 = tpu.memref_slice %arg8[%add3A_138, %dma_wait3A_139] : memref<40x128xi32, #tpu.memory_space<vmem>> -> memref<1x128xi32, #tpu.memory_space<vmem>>
      %dma_wait3A_141 = tpu.memref_squeeze %dma_wait3A_140 : memref<1x128xi32, #tpu.memory_space<vmem>> -> memref<128xi32, #tpu.memory_space<vmem>>
      %dma_wait3A_142 = arith.constant 0 : i32
      %dma_wait3A_143 = arith.constant 0 : i32
      %dma_wait3A_144 = tpu.memref_slice %arg2[%dma_wait3A_142, %dma_wait3A_143] : memref<40960x128xf32, #tpu.memory_space<hbm>> -> memref<40960x128xf32, #tpu.memory_space<hbm>>
      tpu.wait_indirect_dma semaphore(%arg14 : memref<!tpu.dma_semaphore, #tpu.memory_space<semaphore_mem>>) src(%dma_wait3A_144 : memref<40960x128xf32, #tpu.memory_space<hbm>>) dst(%arg11 : memref<128x128xf32, #tpu.memory_space<vmem>>)
      %add3A_145 = arith.constant 1 : i32
      %add3A_146 = arith.addi %mul3A_121, %add3A_145 : i32
      "tpu.region"() ({
        %run_scoped3A = tpu.sem_alloc : memref<!tpu.dma_semaphore, #tpu.memory_space<semaphore_mem>>
        %dma_start3A_148 = arith.constant 0 : i32
        %dma_start3A_149 = tpu.memref_slice %arg9[%add3A_146, %dma_start3A_148] : memref<40x128xi32, #tpu.memory_space<vmem>> -> memref<1x128xi32, #tpu.memory_space<vmem>>
        %dma_start3A_150 = tpu.memref_squeeze %dma_start3A_149 : memref<1x128xi32, #tpu.memory_space<vmem>> -> memref<128xi32, #tpu.memory_space<vmem>>
        %dma_start3A_151 = arith.constant 0 : i32
        %dma_start3A_152 = arith.constant 0 : i32
        %dma_start3A_153 = tpu.memref_slice %arg12[%dma_start3A_151, %dma_start3A_152] : memref<10112x128xf32, #tpu.memory_space<vmem_shared>> -> memref<10112x128xf32, #tpu.memory_space<vmem_shared>>
        tpu.enqueue_indirect_dma source(%arg11 : memref<128x128xf32, #tpu.memory_space<vmem>>) target(%dma_start3A_153 : memref<10112x128xf32, #tpu.memory_space<vmem_shared>>) offsets(%dma_start3A_150 : memref<128xi32, #tpu.memory_space<vmem>>) semaphore(%run_scoped3A : memref<!tpu.dma_semaphore, #tpu.memory_space<semaphore_mem>>) {add = true}
        %dma_wait3A_154 = arith.constant 0 : i32
        %dma_wait3A_155 = tpu.memref_slice %arg9[%add3A_146, %dma_wait3A_154] : memref<40x128xi32, #tpu.memory_space<vmem>> -> memref<1x128xi32, #tpu.memory_space<vmem>>
        %dma_wait3A_156 = tpu.memref_squeeze %dma_wait3A_155 : memref<1x128xi32, #tpu.memory_space<vmem>> -> memref<128xi32, #tpu.memory_space<vmem>>
        %dma_wait3A_157 = arith.constant 0 : i32
        %dma_wait3A_158 = arith.constant 0 : i32
        %dma_wait3A_159 = tpu.memref_slice %arg12[%dma_wait3A_157, %dma_wait3A_158] : memref<10112x128xf32, #tpu.memory_space<vmem_shared>> -> memref<10112x128xf32, #tpu.memory_space<vmem_shared>>
        tpu.wait_indirect_dma semaphore(%run_scoped3A : memref<!tpu.dma_semaphore, #tpu.memory_space<semaphore_mem>>) src(%arg11 : memref<128x128xf32, #tpu.memory_space<vmem>>) dst(%dma_wait3A_159 : memref<10112x128xf32, #tpu.memory_space<vmem_shared>>)
        tpu.yield
      }) : () -> ()
      %scan3A_147 = arith.constant 0 : i32
      scf.yield %scan3A_147 : i32
    }
    %scan3A_23 = arith.constant 20 : i32
    %mul3A_24 = arith.constant 80 : i32
    %mul3A_25 = arith.muli %arg1, %mul3A_24 : i32
    %add3A_26 = arith.constant 40 : i32
    %add3A_27 = arith.addi %mul3A_25, %add3A_26 : i32
    "tpu.region"() ({
      %run_scoped3A = tpu.sem_alloc : memref<!tpu.dma_semaphore, #tpu.memory_space<semaphore_mem>>
      %dma_start3A_118 = arith.constant 0 : i32
      %dma_start3A_119 = tpu.memref_slice %arg3[%add3A_3, %add3A_27, %dma_start3A_118] : memref<4x1280x128xi32, #tpu.memory_space<hbm>> -> memref<1x40x128xi32, #tpu.memory_space<hbm>>
      %dma_start3A_120 = tpu.memref_squeeze %dma_start3A_119 : memref<1x40x128xi32, #tpu.memory_space<hbm>> -> memref<40x128xi32, #tpu.memory_space<hbm>>
      %dma_start3A_121 = arith.constant 0 : i32
      %dma_start3A_122 = tpu.memref_slice %arg3[%add3A_3, %add3A_27, %dma_start3A_121] : memref<4x1280x128xi32, #tpu.memory_space<hbm>> -> memref<1x40x128xi32, #tpu.memory_space<hbm>>
      %dma_start3A_123 = tpu.memref_squeeze %dma_start3A_122 : memref<1x40x128xi32, #tpu.memory_space<hbm>> -> memref<40x128xi32, #tpu.memory_space<hbm>>
      tpu.enqueue_dma source(%dma_start3A_123 : memref<40x128xi32, #tpu.memory_space<hbm>>) target(%arg8 : memref<40x128xi32, #tpu.memory_space<vmem>>) target_semaphore(%run_scoped3A : memref<!tpu.dma_semaphore, #tpu.memory_space<semaphore_mem>>)
      %dma_wait3A = arith.constant 0 : i32
      %dma_wait3A_124 = tpu.memref_slice %arg3[%add3A_3, %add3A_27, %dma_wait3A] : memref<4x1280x128xi32, #tpu.memory_space<hbm>> -> memref<1x40x128xi32, #tpu.memory_space<hbm>>
      %dma_wait3A_125 = tpu.memref_squeeze %dma_wait3A_124 : memref<1x40x128xi32, #tpu.memory_space<hbm>> -> memref<40x128xi32, #tpu.memory_space<hbm>>
      %dma_wait3A_126 = arith.constant 0 : i32
      %dma_wait3A_127 = tpu.memref_slice %arg3[%add3A_3, %add3A_27, %dma_wait3A_126] : memref<4x1280x128xi32, #tpu.memory_space<hbm>> -> memref<1x40x128xi32, #tpu.memory_space<hbm>>
      %dma_wait3A_128 = tpu.memref_squeeze %dma_wait3A_127 : memref<1x40x128xi32, #tpu.memory_space<hbm>> -> memref<40x128xi32, #tpu.memory_space<hbm>>
      tpu.wait_dma2 semaphore(%run_scoped3A : memref<!tpu.dma_semaphore, #tpu.memory_space<semaphore_mem>>) src(%dma_wait3A_128 : memref<40x128xi32, #tpu.memory_space<hbm>>) dst(%arg8 : memref<40x128xi32, #tpu.memory_space<vmem>>)
      tpu.yield
    }) : () -> ()
    %mul3A_28 = arith.constant 80 : i32
    %mul3A_29 = arith.muli %arg1, %mul3A_28 : i32
    %add3A_30 = arith.constant 40 : i32
    %add3A_31 = arith.addi %mul3A_29, %add3A_30 : i32
    "tpu.region"() ({
      %run_scoped3A = tpu.sem_alloc : memref<!tpu.dma_semaphore, #tpu.memory_space<semaphore_mem>>
      %dma_start3A_118 = arith.constant 0 : i32
      %dma_start3A_119 = tpu.memref_slice %arg4[%add3A_31, %dma_start3A_118] : memref<1280x128xi32, #tpu.memory_space<hbm>> -> memref<40x128xi32, #tpu.memory_space<hbm>>
      %dma_start3A_120 = arith.constant 0 : i32
      %dma_start3A_121 = tpu.memref_slice %arg4[%add3A_31, %dma_start3A_120] : memref<1280x128xi32, #tpu.memory_space<hbm>> -> memref<40x128xi32, #tpu.memory_space<hbm>>
      tpu.enqueue_dma source(%dma_start3A_121 : memref<40x128xi32, #tpu.memory_space<hbm>>) target(%arg9 : memref<40x128xi32, #tpu.memory_space<vmem>>) target_semaphore(%run_scoped3A : memref<!tpu.dma_semaphore, #tpu.memory_space<semaphore_mem>>)
      %dma_wait3A = arith.constant 0 : i32
      %dma_wait3A_122 = tpu.memref_slice %arg4[%add3A_31, %dma_wait3A] : memref<1280x128xi32, #tpu.memory_space<hbm>> -> memref<40x128xi32, #tpu.memory_space<hbm>>
      %dma_wait3A_123 = arith.constant 0 : i32
      %dma_wait3A_124 = tpu.memref_slice %arg4[%add3A_31, %dma_wait3A_123] : memref<1280x128xi32, #tpu.memory_space<hbm>> -> memref<40x128xi32, #tpu.memory_space<hbm>>
      tpu.wait_dma2 semaphore(%run_scoped3A : memref<!tpu.dma_semaphore, #tpu.memory_space<semaphore_mem>>) src(%dma_wait3A_124 : memref<40x128xi32, #tpu.memory_space<hbm>>) dst(%arg9 : memref<40x128xi32, #tpu.memory_space<vmem>>)
      tpu.yield
    }) : () -> ()
    %dma_start3A_32 = arith.constant 0 : i32
    %dma_start3A_33 = arith.constant 0 : i32
    %dma_start3A_34 = tpu.memref_slice %arg8[%dma_start3A_32, %dma_start3A_33] : memref<40x128xi32, #tpu.memory_space<vmem>> -> memref<1x128xi32, #tpu.memory_space<vmem>>
    %dma_start3A_35 = tpu.memref_squeeze %dma_start3A_34 : memref<1x128xi32, #tpu.memory_space<vmem>> -> memref<128xi32, #tpu.memory_space<vmem>>
    %dma_start3A_36 = arith.constant 0 : i32
    %dma_start3A_37 = arith.constant 0 : i32
    %dma_start3A_38 = tpu.memref_slice %arg2[%dma_start3A_36, %dma_start3A_37] : memref<40960x128xf32, #tpu.memory_space<hbm>> -> memref<40960x128xf32, #tpu.memory_space<hbm>>
    tpu.enqueue_indirect_dma source(%dma_start3A_38 : memref<40960x128xf32, #tpu.memory_space<hbm>>) target(%arg10 : memref<128x128xf32, #tpu.memory_space<vmem>>) offsets(%dma_start3A_35 : memref<128xi32, #tpu.memory_space<vmem>>) semaphore(%arg13 : memref<!tpu.dma_semaphore, #tpu.memory_space<semaphore_mem>>)
    %scan3A_39 = arith.constant 0 : i32
    %scan3A_40 = arith.constant 0 : i32
    %scan3A_41 = arith.constant 20 : i32
    %scan3A_42 = arith.addi %scan3A_40, %scan3A_41 : i32
    %scan3A_43 = arith.constant 1 : i32
    %scan3A_44 = scf.for %scan3A_118 = %scan3A_40 to %scan3A_42 step %scan3A_43 iter_args(%scan3A_119 = %scan3A_39) -> (i32)  : i32 {
      %mul3A_120 = arith.constant 2 : i32
      %mul3A_121 = arith.muli %mul3A_120, %scan3A_118 : i32
      %add3A_122 = arith.constant 1 : i32
      %add3A_123 = arith.addi %mul3A_121, %add3A_122 : i32
      %dma_start3A_124 = arith.constant 0 : i32
      %dma_start3A_125 = tpu.memref_slice %arg8[%add3A_123, %dma_start3A_124] : memref<40x128xi32, #tpu.memory_space<vmem>> -> memref<1x128xi32, #tpu.memory_space<vmem>>
      %dma_start3A_126 = tpu.memref_squeeze %dma_start3A_125 : memref<1x128xi32, #tpu.memory_space<vmem>> -> memref<128xi32, #tpu.memory_space<vmem>>
      %dma_start3A_127 = arith.constant 0 : i32
      %dma_start3A_128 = arith.constant 0 : i32
      %dma_start3A_129 = tpu.memref_slice %arg2[%dma_start3A_127, %dma_start3A_128] : memref<40960x128xf32, #tpu.memory_space<hbm>> -> memref<40960x128xf32, #tpu.memory_space<hbm>>
      tpu.enqueue_indirect_dma source(%dma_start3A_129 : memref<40960x128xf32, #tpu.memory_space<hbm>>) target(%arg11 : memref<128x128xf32, #tpu.memory_space<vmem>>) offsets(%dma_start3A_126 : memref<128xi32, #tpu.memory_space<vmem>>) semaphore(%arg14 : memref<!tpu.dma_semaphore, #tpu.memory_space<semaphore_mem>>)
      %dma_wait3A = arith.constant 0 : i32
      %dma_wait3A_130 = tpu.memref_slice %arg8[%mul3A_121, %dma_wait3A] : memref<40x128xi32, #tpu.memory_space<vmem>> -> memref<1x128xi32, #tpu.memory_space<vmem>>
      %dma_wait3A_131 = tpu.memref_squeeze %dma_wait3A_130 : memref<1x128xi32, #tpu.memory_space<vmem>> -> memref<128xi32, #tpu.memory_space<vmem>>
      %dma_wait3A_132 = arith.constant 0 : i32
      %dma_wait3A_133 = arith.constant 0 : i32
      %dma_wait3A_134 = tpu.memref_slice %arg2[%dma_wait3A_132, %dma_wait3A_133] : memref<40960x128xf32, #tpu.memory_space<hbm>> -> memref<40960x128xf32, #tpu.memory_space<hbm>>
      tpu.wait_indirect_dma semaphore(%arg13 : memref<!tpu.dma_semaphore, #tpu.memory_space<semaphore_mem>>) src(%dma_wait3A_134 : memref<40960x128xf32, #tpu.memory_space<hbm>>) dst(%arg10 : memref<128x128xf32, #tpu.memory_space<vmem>>)
      "tpu.region"() ({
        %run_scoped3A = tpu.sem_alloc : memref<!tpu.dma_semaphore, #tpu.memory_space<semaphore_mem>>
        %dma_start3A_148 = arith.constant 0 : i32
        %dma_start3A_149 = tpu.memref_slice %arg9[%mul3A_121, %dma_start3A_148] : memref<40x128xi32, #tpu.memory_space<vmem>> -> memref<1x128xi32, #tpu.memory_space<vmem>>
        %dma_start3A_150 = tpu.memref_squeeze %dma_start3A_149 : memref<1x128xi32, #tpu.memory_space<vmem>> -> memref<128xi32, #tpu.memory_space<vmem>>
        %dma_start3A_151 = arith.constant 0 : i32
        %dma_start3A_152 = arith.constant 0 : i32
        %dma_start3A_153 = tpu.memref_slice %arg12[%dma_start3A_151, %dma_start3A_152] : memref<10112x128xf32, #tpu.memory_space<vmem_shared>> -> memref<10112x128xf32, #tpu.memory_space<vmem_shared>>
        tpu.enqueue_indirect_dma source(%arg10 : memref<128x128xf32, #tpu.memory_space<vmem>>) target(%dma_start3A_153 : memref<10112x128xf32, #tpu.memory_space<vmem_shared>>) offsets(%dma_start3A_150 : memref<128xi32, #tpu.memory_space<vmem>>) semaphore(%run_scoped3A : memref<!tpu.dma_semaphore, #tpu.memory_space<semaphore_mem>>) {add = true}
        %dma_wait3A_154 = arith.constant 0 : i32
        %dma_wait3A_155 = tpu.memref_slice %arg9[%mul3A_121, %dma_wait3A_154] : memref<40x128xi32, #tpu.memory_space<vmem>> -> memref<1x128xi32, #tpu.memory_space<vmem>>
        %dma_wait3A_156 = tpu.memref_squeeze %dma_wait3A_155 : memref<1x128xi32, #tpu.memory_space<vmem>> -> memref<128xi32, #tpu.memory_space<vmem>>
        %dma_wait3A_157 = arith.constant 0 : i32
        %dma_wait3A_158 = arith.constant 0 : i32
        %dma_wait3A_159 = tpu.memref_slice %arg12[%dma_wait3A_157, %dma_wait3A_158] : memref<10112x128xf32, #tpu.memory_space<vmem_shared>> -> memref<10112x128xf32, #tpu.memory_space<vmem_shared>>
        tpu.wait_indirect_dma semaphore(%run_scoped3A : memref<!tpu.dma_semaphore, #tpu.memory_space<semaphore_mem>>) src(%arg10 : memref<128x128xf32, #tpu.memory_space<vmem>>) dst(%dma_wait3A_159 : memref<10112x128xf32, #tpu.memory_space<vmem_shared>>)
        tpu.yield
      }) : () -> ()
      %lt3A = arith.constant 19 : i32
      %lt3A_135 = arith.cmpi slt, %scan3A_118, %lt3A : i32
      %convert_element_type3A = arith.extui %lt3A_135 : i1 to i32
      %cond3A = arith.constant 0 : i32
      %cond3A_136 = arith.cmpi ne, %convert_element_type3A, %cond3A : i32
      scf.if %cond3A_136 {
        %add3A_148 = arith.constant 2 : i32
        %add3A_149 = arith.addi %mul3A_121, %add3A_148 : i32
        %dma_start3A_150 = arith.constant 0 : i32
        %dma_start3A_151 = tpu.memref_slice %arg8[%add3A_149, %dma_start3A_150] : memref<40x128xi32, #tpu.memory_space<vmem>> -> memref<1x128xi32, #tpu.memory_space<vmem>>
        %dma_start3A_152 = tpu.memref_squeeze %dma_start3A_151 : memref<1x128xi32, #tpu.memory_space<vmem>> -> memref<128xi32, #tpu.memory_space<vmem>>
        %dma_start3A_153 = arith.constant 0 : i32
        %dma_start3A_154 = arith.constant 0 : i32
        %dma_start3A_155 = tpu.memref_slice %arg2[%dma_start3A_153, %dma_start3A_154] : memref<40960x128xf32, #tpu.memory_space<hbm>> -> memref<40960x128xf32, #tpu.memory_space<hbm>>
        tpu.enqueue_indirect_dma source(%dma_start3A_155 : memref<40960x128xf32, #tpu.memory_space<hbm>>) target(%arg10 : memref<128x128xf32, #tpu.memory_space<vmem>>) offsets(%dma_start3A_152 : memref<128xi32, #tpu.memory_space<vmem>>) semaphore(%arg13 : memref<!tpu.dma_semaphore, #tpu.memory_space<semaphore_mem>>)
      } else {
      }
      %add3A_137 = arith.constant 1 : i32
      %add3A_138 = arith.addi %mul3A_121, %add3A_137 : i32
      %dma_wait3A_139 = arith.constant 0 : i32
      %dma_wait3A_140 = tpu.memref_slice %arg8[%add3A_138, %dma_wait3A_139] : memref<40x128xi32, #tpu.memory_space<vmem>> -> memref<1x128xi32, #tpu.memory_space<vmem>>
      %dma_wait3A_141 = tpu.memref_squeeze %dma_wait3A_140 : memref<1x128xi32, #tpu.memory_space<vmem>> -> memref<128xi32, #tpu.memory_space<vmem>>
      %dma_wait3A_142 = arith.constant 0 : i32
      %dma_wait3A_143 = arith.constant 0 : i32
      %dma_wait3A_144 = tpu.memref_slice %arg2[%dma_wait3A_142, %dma_wait3A_143] : memref<40960x128xf32, #tpu.memory_space<hbm>> -> memref<40960x128xf32, #tpu.memory_space<hbm>>
      tpu.wait_indirect_dma semaphore(%arg14 : memref<!tpu.dma_semaphore, #tpu.memory_space<semaphore_mem>>) src(%dma_wait3A_144 : memref<40960x128xf32, #tpu.memory_space<hbm>>) dst(%arg11 : memref<128x128xf32, #tpu.memory_space<vmem>>)
      %add3A_145 = arith.constant 1 : i32
      %add3A_146 = arith.addi %mul3A_121, %add3A_145 : i32
      "tpu.region"() ({
        %run_scoped3A = tpu.sem_alloc : memref<!tpu.dma_semaphore, #tpu.memory_space<semaphore_mem>>
        %dma_start3A_148 = arith.constant 0 : i32
        %dma_start3A_149 = tpu.memref_slice %arg9[%add3A_146, %dma_start3A_148] : memref<40x128xi32, #tpu.memory_space<vmem>> -> memref<1x128xi32, #tpu.memory_space<vmem>>
        %dma_start3A_150 = tpu.memref_squeeze %dma_start3A_149 : memref<1x128xi32, #tpu.memory_space<vmem>> -> memref<128xi32, #tpu.memory_space<vmem>>
        %dma_start3A_151 = arith.constant 0 : i32
        %dma_start3A_152 = arith.constant 0 : i32
        %dma_start3A_153 = tpu.memref_slice %arg12[%dma_start3A_151, %dma_start3A_152] : memref<10112x128xf32, #tpu.memory_space<vmem_shared>> -> memref<10112x128xf32, #tpu.memory_space<vmem_shared>>
        tpu.enqueue_indirect_dma source(%arg11 : memref<128x128xf32, #tpu.memory_space<vmem>>) target(%dma_start3A_153 : memref<10112x128xf32, #tpu.memory_space<vmem_shared>>) offsets(%dma_start3A_150 : memref<128xi32, #tpu.memory_space<vmem>>) semaphore(%run_scoped3A : memref<!tpu.dma_semaphore, #tpu.memory_space<semaphore_mem>>) {add = true}
        %dma_wait3A_154 = arith.constant 0 : i32
        %dma_wait3A_155 = tpu.memref_slice %arg9[%add3A_146, %dma_wait3A_154] : memref<40x128xi32, #tpu.memory_space<vmem>> -> memref<1x128xi32, #tpu.memory_space<vmem>>
        %dma_wait3A_156 = tpu.memref_squeeze %dma_wait3A_155 : memref<1x128xi32, #tpu.memory_space<vmem>> -> memref<128xi32, #tpu.memory_space<vmem>>
        %dma_wait3A_157 = arith.constant 0 : i32
        %dma_wait3A_158 = arith.constant 0 : i32
        %dma_wait3A_159 = tpu.memref_slice %arg12[%dma_wait3A_157, %dma_wait3A_158] : memref<10112x128xf32, #tpu.memory_space<vmem_shared>> -> memref<10112x128xf32, #tpu.memory_space<vmem_shared>>
        tpu.wait_indirect_dma semaphore(%run_scoped3A : memref<!tpu.dma_semaphore, #tpu.memory_space<semaphore_mem>>) src(%arg11 : memref<128x128xf32, #tpu.memory_space<vmem>>) dst(%dma_wait3A_159 : memref<10112x128xf32, #tpu.memory_space<vmem_shared>>)
        tpu.yield
      }) : () -> ()
      %scan3A_147 = arith.constant 0 : i32
      scf.yield %scan3A_147 : i32
    }
    %scan3A_45 = arith.constant 20 : i32
    %barrier3A_46 = arith.constant 0 : index
    tpu.barrier barrier_id(%barrier3A_46)
    "tpu.region"() ({
      %run_scoped3A = tpu.sem_alloc : memref<!tpu.dma_semaphore, #tpu.memory_space<semaphore_mem>>
      %dma_start3A_118 = arith.constant 0 : i32
      %dma_start3A_119 = tpu.memref_slice %arg6[%add3A_3, %mul3A_0, %dma_start3A_118] : memref<4x10240x128xf32, #tpu.memory_space<hbm>> -> memref<1x632x128xf32, #tpu.memory_space<hbm>>
      %dma_start3A_120 = tpu.memref_squeeze %dma_start3A_119 : memref<1x632x128xf32, #tpu.memory_space<hbm>> -> memref<632x128xf32, #tpu.memory_space<hbm>>
      %dma_start3A_121 = arith.constant 0 : i32
      %dma_start3A_122 = tpu.memref_slice %arg12[%mul3A_0, %dma_start3A_121] : memref<10112x128xf32, #tpu.memory_space<vmem_shared>> -> memref<632x128xf32, #tpu.memory_space<vmem_shared>>
      tpu.enqueue_dma source(%dma_start3A_122 : memref<632x128xf32, #tpu.memory_space<vmem_shared>>) target(%dma_start3A_120 : memref<632x128xf32, #tpu.memory_space<hbm>>) target_semaphore(%run_scoped3A : memref<!tpu.dma_semaphore, #tpu.memory_space<semaphore_mem>>)
      %dma_wait3A = arith.constant 0 : i32
      %dma_wait3A_123 = tpu.memref_slice %arg6[%add3A_3, %mul3A_0, %dma_wait3A] : memref<4x10240x128xf32, #tpu.memory_space<hbm>> -> memref<1x632x128xf32, #tpu.memory_space<hbm>>
      %dma_wait3A_124 = tpu.memref_squeeze %dma_wait3A_123 : memref<1x632x128xf32, #tpu.memory_space<hbm>> -> memref<632x128xf32, #tpu.memory_space<hbm>>
      %dma_wait3A_125 = arith.constant 0 : i32
      %dma_wait3A_126 = tpu.memref_slice %arg12[%mul3A_0, %dma_wait3A_125] : memref<10112x128xf32, #tpu.memory_space<vmem_shared>> -> memref<632x128xf32, #tpu.memory_space<vmem_shared>>
      tpu.wait_dma2 semaphore(%run_scoped3A : memref<!tpu.dma_semaphore, #tpu.memory_space<semaphore_mem>>) src(%dma_wait3A_126 : memref<632x128xf32, #tpu.memory_space<vmem_shared>>) dst(%dma_wait3A_124 : memref<632x128xf32, #tpu.memory_space<hbm>>)
      tpu.yield
    }) : () -> ()
    %mul3A_47 = arith.constant 2 : i32
    %mul3A_48 = arith.muli %arg0, %mul3A_47 : i32
    %add3A_49 = arith.constant 1 : i32
    %add3A_50 = arith.addi %mul3A_48, %add3A_49 : i32
    "tpu.region"() ({
      %run_scoped3A = tpu.sem_alloc : memref<!tpu.dma_semaphore, #tpu.memory_space<semaphore_mem>>
      %dma_start3A_118 = arith.constant 0 : i32
      %dma_start3A_119 = tpu.memref_slice %arg12[%mul3A_0, %dma_start3A_118] : memref<10112x128xf32, #tpu.memory_space<vmem_shared>> -> memref<632x128xf32, #tpu.memory_space<vmem_shared>>
      tpu.enqueue_dma source(%arg5 : memref<632x128xf32, #tpu.memory_space<hbm>>) target(%dma_start3A_119 : memref<632x128xf32, #tpu.memory_space<vmem_shared>>) target_semaphore(%run_scoped3A : memref<!tpu.dma_semaphore, #tpu.memory_space<semaphore_mem>>)
      %dma_wait3A = arith.constant 0 : i32
      %dma_wait3A_120 = tpu.memref_slice %arg12[%mul3A_0, %dma_wait3A] : memref<10112x128xf32, #tpu.memory_space<vmem_shared>> -> memref<632x128xf32, #tpu.memory_space<vmem_shared>>
      tpu.wait_dma2 semaphore(%run_scoped3A : memref<!tpu.dma_semaphore, #tpu.memory_space<semaphore_mem>>) src(%arg5 : memref<632x128xf32, #tpu.memory_space<hbm>>) dst(%dma_wait3A_120 : memref<632x128xf32, #tpu.memory_space<vmem_shared>>)
      tpu.yield
    }) : () -> ()
    %barrier3A_51 = arith.constant 0 : index
    tpu.barrier barrier_id(%barrier3A_51)
    %mul3A_52 = arith.constant 80 : i32
    %mul3A_53 = arith.muli %arg1, %mul3A_52 : i32
    %add3A_54 = arith.constant 0 : i32
    %add3A_55 = arith.addi %mul3A_53, %add3A_54 : i32
    "tpu.region"() ({
      %run_scoped3A = tpu.sem_alloc : memref<!tpu.dma_semaphore, #tpu.memory_space<semaphore_mem>>
      %dma_start3A_118 = arith.constant 0 : i32
      %dma_start3A_119 = tpu.memref_slice %arg3[%add3A_50, %add3A_55, %dma_start3A_118] : memref<4x1280x128xi32, #tpu.memory_space<hbm>> -> memref<1x40x128xi32, #tpu.memory_space<hbm>>
      %dma_start3A_120 = tpu.memref_squeeze %dma_start3A_119 : memref<1x40x128xi32, #tpu.memory_space<hbm>> -> memref<40x128xi32, #tpu.memory_space<hbm>>
      %dma_start3A_121 = arith.constant 0 : i32
      %dma_start3A_122 = tpu.memref_slice %arg3[%add3A_50, %add3A_55, %dma_start3A_121] : memref<4x1280x128xi32, #tpu.memory_space<hbm>> -> memref<1x40x128xi32, #tpu.memory_space<hbm>>
      %dma_start3A_123 = tpu.memref_squeeze %dma_start3A_122 : memref<1x40x128xi32, #tpu.memory_space<hbm>> -> memref<40x128xi32, #tpu.memory_space<hbm>>
      tpu.enqueue_dma source(%dma_start3A_123 : memref<40x128xi32, #tpu.memory_space<hbm>>) target(%arg8 : memref<40x128xi32, #tpu.memory_space<vmem>>) target_semaphore(%run_scoped3A : memref<!tpu.dma_semaphore, #tpu.memory_space<semaphore_mem>>)
      %dma_wait3A = arith.constant 0 : i32
      %dma_wait3A_124 = tpu.memref_slice %arg3[%add3A_50, %add3A_55, %dma_wait3A] : memref<4x1280x128xi32, #tpu.memory_space<hbm>> -> memref<1x40x128xi32, #tpu.memory_space<hbm>>
      %dma_wait3A_125 = tpu.memref_squeeze %dma_wait3A_124 : memref<1x40x128xi32, #tpu.memory_space<hbm>> -> memref<40x128xi32, #tpu.memory_space<hbm>>
      %dma_wait3A_126 = arith.constant 0 : i32
      %dma_wait3A_127 = tpu.memref_slice %arg3[%add3A_50, %add3A_55, %dma_wait3A_126] : memref<4x1280x128xi32, #tpu.memory_space<hbm>> -> memref<1x40x128xi32, #tpu.memory_space<hbm>>
      %dma_wait3A_128 = tpu.memref_squeeze %dma_wait3A_127 : memref<1x40x128xi32, #tpu.memory_space<hbm>> -> memref<40x128xi32, #tpu.memory_space<hbm>>
      tpu.wait_dma2 semaphore(%run_scoped3A : memref<!tpu.dma_semaphore, #tpu.memory_space<semaphore_mem>>) src(%dma_wait3A_128 : memref<40x128xi32, #tpu.memory_space<hbm>>) dst(%arg8 : memref<40x128xi32, #tpu.memory_space<vmem>>)
      tpu.yield
    }) : () -> ()
    %mul3A_56 = arith.constant 80 : i32
    %mul3A_57 = arith.muli %arg1, %mul3A_56 : i32
    %add3A_58 = arith.constant 0 : i32
    %add3A_59 = arith.addi %mul3A_57, %add3A_58 : i32
    "tpu.region"() ({
      %run_scoped3A = tpu.sem_alloc : memref<!tpu.dma_semaphore, #tpu.memory_space<semaphore_mem>>
      %dma_start3A_118 = arith.constant 0 : i32
      %dma_start3A_119 = tpu.memref_slice %arg4[%add3A_59, %dma_start3A_118] : memref<1280x128xi32, #tpu.memory_space<hbm>> -> memref<40x128xi32, #tpu.memory_space<hbm>>
      %dma_start3A_120 = arith.constant 0 : i32
      %dma_start3A_121 = tpu.memref_slice %arg4[%add3A_59, %dma_start3A_120] : memref<1280x128xi32, #tpu.memory_space<hbm>> -> memref<40x128xi32, #tpu.memory_space<hbm>>
      tpu.enqueue_dma source(%dma_start3A_121 : memref<40x128xi32, #tpu.memory_space<hbm>>) target(%arg9 : memref<40x128xi32, #tpu.memory_space<vmem>>) target_semaphore(%run_scoped3A : memref<!tpu.dma_semaphore, #tpu.memory_space<semaphore_mem>>)
      %dma_wait3A = arith.constant 0 : i32
      %dma_wait3A_122 = tpu.memref_slice %arg4[%add3A_59, %dma_wait3A] : memref<1280x128xi32, #tpu.memory_space<hbm>> -> memref<40x128xi32, #tpu.memory_space<hbm>>
      %dma_wait3A_123 = arith.constant 0 : i32
      %dma_wait3A_124 = tpu.memref_slice %arg4[%add3A_59, %dma_wait3A_123] : memref<1280x128xi32, #tpu.memory_space<hbm>> -> memref<40x128xi32, #tpu.memory_space<hbm>>
      tpu.wait_dma2 semaphore(%run_scoped3A : memref<!tpu.dma_semaphore, #tpu.memory_space<semaphore_mem>>) src(%dma_wait3A_124 : memref<40x128xi32, #tpu.memory_space<hbm>>) dst(%arg9 : memref<40x128xi32, #tpu.memory_space<vmem>>)
      tpu.yield
    }) : () -> ()
    %dma_start3A_60 = arith.constant 0 : i32
    %dma_start3A_61 = arith.constant 0 : i32
    %dma_start3A_62 = tpu.memref_slice %arg8[%dma_start3A_60, %dma_start3A_61] : memref<40x128xi32, #tpu.memory_space<vmem>> -> memref<1x128xi32, #tpu.memory_space<vmem>>
    %dma_start3A_63 = tpu.memref_squeeze %dma_start3A_62 : memref<1x128xi32, #tpu.memory_space<vmem>> -> memref<128xi32, #tpu.memory_space<vmem>>
    %dma_start3A_64 = arith.constant 0 : i32
    %dma_start3A_65 = arith.constant 0 : i32
    %dma_start3A_66 = tpu.memref_slice %arg2[%dma_start3A_64, %dma_start3A_65] : memref<40960x128xf32, #tpu.memory_space<hbm>> -> memref<40960x128xf32, #tpu.memory_space<hbm>>
    tpu.enqueue_indirect_dma source(%dma_start3A_66 : memref<40960x128xf32, #tpu.memory_space<hbm>>) target(%arg10 : memref<128x128xf32, #tpu.memory_space<vmem>>) offsets(%dma_start3A_63 : memref<128xi32, #tpu.memory_space<vmem>>) semaphore(%arg13 : memref<!tpu.dma_semaphore, #tpu.memory_space<semaphore_mem>>)
    %scan3A_67 = arith.constant 0 : i32
    %scan3A_68 = arith.constant 0 : i32
    %scan3A_69 = arith.constant 20 : i32
    %scan3A_70 = arith.addi %scan3A_68, %scan3A_69 : i32
    %scan3A_71 = arith.constant 1 : i32
    %scan3A_72 = scf.for %scan3A_118 = %scan3A_68 to %scan3A_70 step %scan3A_71 iter_args(%scan3A_119 = %scan3A_67) -> (i32)  : i32 {
      %mul3A_120 = arith.constant 2 : i32
      %mul3A_121 = arith.muli %mul3A_120, %scan3A_118 : i32
      %add3A_122 = arith.constant 1 : i32
      %add3A_123 = arith.addi %mul3A_121, %add3A_122 : i32
      %dma_start3A_124 = arith.constant 0 : i32
      %dma_start3A_125 = tpu.memref_slice %arg8[%add3A_123, %dma_start3A_124] : memref<40x128xi32, #tpu.memory_space<vmem>> -> memref<1x128xi32, #tpu.memory_space<vmem>>
      %dma_start3A_126 = tpu.memref_squeeze %dma_start3A_125 : memref<1x128xi32, #tpu.memory_space<vmem>> -> memref<128xi32, #tpu.memory_space<vmem>>
      %dma_start3A_127 = arith.constant 0 : i32
      %dma_start3A_128 = arith.constant 0 : i32
      %dma_start3A_129 = tpu.memref_slice %arg2[%dma_start3A_127, %dma_start3A_128] : memref<40960x128xf32, #tpu.memory_space<hbm>> -> memref<40960x128xf32, #tpu.memory_space<hbm>>
      tpu.enqueue_indirect_dma source(%dma_start3A_129 : memref<40960x128xf32, #tpu.memory_space<hbm>>) target(%arg11 : memref<128x128xf32, #tpu.memory_space<vmem>>) offsets(%dma_start3A_126 : memref<128xi32, #tpu.memory_space<vmem>>) semaphore(%arg14 : memref<!tpu.dma_semaphore, #tpu.memory_space<semaphore_mem>>)
      %dma_wait3A = arith.constant 0 : i32
      %dma_wait3A_130 = tpu.memref_slice %arg8[%mul3A_121, %dma_wait3A] : memref<40x128xi32, #tpu.memory_space<vmem>> -> memref<1x128xi32, #tpu.memory_space<vmem>>
      %dma_wait3A_131 = tpu.memref_squeeze %dma_wait3A_130 : memref<1x128xi32, #tpu.memory_space<vmem>> -> memref<128xi32, #tpu.memory_space<vmem>>
      %dma_wait3A_132 = arith.constant 0 : i32
      %dma_wait3A_133 = arith.constant 0 : i32
      %dma_wait3A_134 = tpu.memref_slice %arg2[%dma_wait3A_132, %dma_wait3A_133] : memref<40960x128xf32, #tpu.memory_space<hbm>> -> memref<40960x128xf32, #tpu.memory_space<hbm>>
      tpu.wait_indirect_dma semaphore(%arg13 : memref<!tpu.dma_semaphore, #tpu.memory_space<semaphore_mem>>) src(%dma_wait3A_134 : memref<40960x128xf32, #tpu.memory_space<hbm>>) dst(%arg10 : memref<128x128xf32, #tpu.memory_space<vmem>>)
      "tpu.region"() ({
        %run_scoped3A = tpu.sem_alloc : memref<!tpu.dma_semaphore, #tpu.memory_space<semaphore_mem>>
        %dma_start3A_148 = arith.constant 0 : i32
        %dma_start3A_149 = tpu.memref_slice %arg9[%mul3A_121, %dma_start3A_148] : memref<40x128xi32, #tpu.memory_space<vmem>> -> memref<1x128xi32, #tpu.memory_space<vmem>>
        %dma_start3A_150 = tpu.memref_squeeze %dma_start3A_149 : memref<1x128xi32, #tpu.memory_space<vmem>> -> memref<128xi32, #tpu.memory_space<vmem>>
        %dma_start3A_151 = arith.constant 0 : i32
        %dma_start3A_152 = arith.constant 0 : i32
        %dma_start3A_153 = tpu.memref_slice %arg12[%dma_start3A_151, %dma_start3A_152] : memref<10112x128xf32, #tpu.memory_space<vmem_shared>> -> memref<10112x128xf32, #tpu.memory_space<vmem_shared>>
        tpu.enqueue_indirect_dma source(%arg10 : memref<128x128xf32, #tpu.memory_space<vmem>>) target(%dma_start3A_153 : memref<10112x128xf32, #tpu.memory_space<vmem_shared>>) offsets(%dma_start3A_150 : memref<128xi32, #tpu.memory_space<vmem>>) semaphore(%run_scoped3A : memref<!tpu.dma_semaphore, #tpu.memory_space<semaphore_mem>>) {add = true}
        %dma_wait3A_154 = arith.constant 0 : i32
        %dma_wait3A_155 = tpu.memref_slice %arg9[%mul3A_121, %dma_wait3A_154] : memref<40x128xi32, #tpu.memory_space<vmem>> -> memref<1x128xi32, #tpu.memory_space<vmem>>
        %dma_wait3A_156 = tpu.memref_squeeze %dma_wait3A_155 : memref<1x128xi32, #tpu.memory_space<vmem>> -> memref<128xi32, #tpu.memory_space<vmem>>
        %dma_wait3A_157 = arith.constant 0 : i32
        %dma_wait3A_158 = arith.constant 0 : i32
        %dma_wait3A_159 = tpu.memref_slice %arg12[%dma_wait3A_157, %dma_wait3A_158] : memref<10112x128xf32, #tpu.memory_space<vmem_shared>> -> memref<10112x128xf32, #tpu.memory_space<vmem_shared>>
        tpu.wait_indirect_dma semaphore(%run_scoped3A : memref<!tpu.dma_semaphore, #tpu.memory_space<semaphore_mem>>) src(%arg10 : memref<128x128xf32, #tpu.memory_space<vmem>>) dst(%dma_wait3A_159 : memref<10112x128xf32, #tpu.memory_space<vmem_shared>>)
        tpu.yield
      }) : () -> ()
      %lt3A = arith.constant 19 : i32
      %lt3A_135 = arith.cmpi slt, %scan3A_118, %lt3A : i32
      %convert_element_type3A = arith.extui %lt3A_135 : i1 to i32
      %cond3A = arith.constant 0 : i32
      %cond3A_136 = arith.cmpi ne, %convert_element_type3A, %cond3A : i32
      scf.if %cond3A_136 {
        %add3A_148 = arith.constant 2 : i32
        %add3A_149 = arith.addi %mul3A_121, %add3A_148 : i32
        %dma_start3A_150 = arith.constant 0 : i32
        %dma_start3A_151 = tpu.memref_slice %arg8[%add3A_149, %dma_start3A_150] : memref<40x128xi32, #tpu.memory_space<vmem>> -> memref<1x128xi32, #tpu.memory_space<vmem>>
        %dma_start3A_152 = tpu.memref_squeeze %dma_start3A_151 : memref<1x128xi32, #tpu.memory_space<vmem>> -> memref<128xi32, #tpu.memory_space<vmem>>
        %dma_start3A_153 = arith.constant 0 : i32
        %dma_start3A_154 = arith.constant 0 : i32
        %dma_start3A_155 = tpu.memref_slice %arg2[%dma_start3A_153, %dma_start3A_154] : memref<40960x128xf32, #tpu.memory_space<hbm>> -> memref<40960x128xf32, #tpu.memory_space<hbm>>
        tpu.enqueue_indirect_dma source(%dma_start3A_155 : memref<40960x128xf32, #tpu.memory_space<hbm>>) target(%arg10 : memref<128x128xf32, #tpu.memory_space<vmem>>) offsets(%dma_start3A_152 : memref<128xi32, #tpu.memory_space<vmem>>) semaphore(%arg13 : memref<!tpu.dma_semaphore, #tpu.memory_space<semaphore_mem>>)
      } else {
      }
      %add3A_137 = arith.constant 1 : i32
      %add3A_138 = arith.addi %mul3A_121, %add3A_137 : i32
      %dma_wait3A_139 = arith.constant 0 : i32
      %dma_wait3A_140 = tpu.memref_slice %arg8[%add3A_138, %dma_wait3A_139] : memref<40x128xi32, #tpu.memory_space<vmem>> -> memref<1x128xi32, #tpu.memory_space<vmem>>
      %dma_wait3A_141 = tpu.memref_squeeze %dma_wait3A_140 : memref<1x128xi32, #tpu.memory_space<vmem>> -> memref<128xi32, #tpu.memory_space<vmem>>
      %dma_wait3A_142 = arith.constant 0 : i32
      %dma_wait3A_143 = arith.constant 0 : i32
      %dma_wait3A_144 = tpu.memref_slice %arg2[%dma_wait3A_142, %dma_wait3A_143] : memref<40960x128xf32, #tpu.memory_space<hbm>> -> memref<40960x128xf32, #tpu.memory_space<hbm>>
      tpu.wait_indirect_dma semaphore(%arg14 : memref<!tpu.dma_semaphore, #tpu.memory_space<semaphore_mem>>) src(%dma_wait3A_144 : memref<40960x128xf32, #tpu.memory_space<hbm>>) dst(%arg11 : memref<128x128xf32, #tpu.memory_space<vmem>>)
      %add3A_145 = arith.constant 1 : i32
      %add3A_146 = arith.addi %mul3A_121, %add3A_145 : i32
      "tpu.region"() ({
        %run_scoped3A = tpu.sem_alloc : memref<!tpu.dma_semaphore, #tpu.memory_space<semaphore_mem>>
        %dma_start3A_148 = arith.constant 0 : i32
        %dma_start3A_149 = tpu.memref_slice %arg9[%add3A_146, %dma_start3A_148] : memref<40x128xi32, #tpu.memory_space<vmem>> -> memref<1x128xi32, #tpu.memory_space<vmem>>
        %dma_start3A_150 = tpu.memref_squeeze %dma_start3A_149 : memref<1x128xi32, #tpu.memory_space<vmem>> -> memref<128xi32, #tpu.memory_space<vmem>>
        %dma_start3A_151 = arith.constant 0 : i32
        %dma_start3A_152 = arith.constant 0 : i32
        %dma_start3A_153 = tpu.memref_slice %arg12[%dma_start3A_151, %dma_start3A_152] : memref<10112x128xf32, #tpu.memory_space<vmem_shared>> -> memref<10112x128xf32, #tpu.memory_space<vmem_shared>>
        tpu.enqueue_indirect_dma source(%arg11 : memref<128x128xf32, #tpu.memory_space<vmem>>) target(%dma_start3A_153 : memref<10112x128xf32, #tpu.memory_space<vmem_shared>>) offsets(%dma_start3A_150 : memref<128xi32, #tpu.memory_space<vmem>>) semaphore(%run_scoped3A : memref<!tpu.dma_semaphore, #tpu.memory_space<semaphore_mem>>) {add = true}
        %dma_wait3A_154 = arith.constant 0 : i32
        %dma_wait3A_155 = tpu.memref_slice %arg9[%add3A_146, %dma_wait3A_154] : memref<40x128xi32, #tpu.memory_space<vmem>> -> memref<1x128xi32, #tpu.memory_space<vmem>>
        %dma_wait3A_156 = tpu.memref_squeeze %dma_wait3A_155 : memref<1x128xi32, #tpu.memory_space<vmem>> -> memref<128xi32, #tpu.memory_space<vmem>>
        %dma_wait3A_157 = arith.constant 0 : i32
        %dma_wait3A_158 = arith.constant 0 : i32
        %dma_wait3A_159 = tpu.memref_slice %arg12[%dma_wait3A_157, %dma_wait3A_158] : memref<10112x128xf32, #tpu.memory_space<vmem_shared>> -> memref<10112x128xf32, #tpu.memory_space<vmem_shared>>
        tpu.wait_indirect_dma semaphore(%run_scoped3A : memref<!tpu.dma_semaphore, #tpu.memory_space<semaphore_mem>>) src(%arg11 : memref<128x128xf32, #tpu.memory_space<vmem>>) dst(%dma_wait3A_159 : memref<10112x128xf32, #tpu.memory_space<vmem_shared>>)
        tpu.yield
      }) : () -> ()
      %scan3A_147 = arith.constant 0 : i32
      scf.yield %scan3A_147 : i32
    }
    %scan3A_73 = arith.constant 20 : i32
    %mul3A_74 = arith.constant 80 : i32
    %mul3A_75 = arith.muli %arg1, %mul3A_74 : i32
    %add3A_76 = arith.constant 40 : i32
    %add3A_77 = arith.addi %mul3A_75, %add3A_76 : i32
    "tpu.region"() ({
      %run_scoped3A = tpu.sem_alloc : memref<!tpu.dma_semaphore, #tpu.memory_space<semaphore_mem>>
      %dma_start3A_118 = arith.constant 0 : i32
      %dma_start3A_119 = tpu.memref_slice %arg3[%add3A_50, %add3A_77, %dma_start3A_118] : memref<4x1280x128xi32, #tpu.memory_space<hbm>> -> memref<1x40x128xi32, #tpu.memory_space<hbm>>
      %dma_start3A_120 = tpu.memref_squeeze %dma_start3A_119 : memref<1x40x128xi32, #tpu.memory_space<hbm>> -> memref<40x128xi32, #tpu.memory_space<hbm>>
      %dma_start3A_121 = arith.constant 0 : i32
      %dma_start3A_122 = tpu.memref_slice %arg3[%add3A_50, %add3A_77, %dma_start3A_121] : memref<4x1280x128xi32, #tpu.memory_space<hbm>> -> memref<1x40x128xi32, #tpu.memory_space<hbm>>
      %dma_start3A_123 = tpu.memref_squeeze %dma_start3A_122 : memref<1x40x128xi32, #tpu.memory_space<hbm>> -> memref<40x128xi32, #tpu.memory_space<hbm>>
      tpu.enqueue_dma source(%dma_start3A_123 : memref<40x128xi32, #tpu.memory_space<hbm>>) target(%arg8 : memref<40x128xi32, #tpu.memory_space<vmem>>) target_semaphore(%run_scoped3A : memref<!tpu.dma_semaphore, #tpu.memory_space<semaphore_mem>>)
      %dma_wait3A = arith.constant 0 : i32
      %dma_wait3A_124 = tpu.memref_slice %arg3[%add3A_50, %add3A_77, %dma_wait3A] : memref<4x1280x128xi32, #tpu.memory_space<hbm>> -> memref<1x40x128xi32, #tpu.memory_space<hbm>>
      %dma_wait3A_125 = tpu.memref_squeeze %dma_wait3A_124 : memref<1x40x128xi32, #tpu.memory_space<hbm>> -> memref<40x128xi32, #tpu.memory_space<hbm>>
      %dma_wait3A_126 = arith.constant 0 : i32
      %dma_wait3A_127 = tpu.memref_slice %arg3[%add3A_50, %add3A_77, %dma_wait3A_126] : memref<4x1280x128xi32, #tpu.memory_space<hbm>> -> memref<1x40x128xi32, #tpu.memory_space<hbm>>
      %dma_wait3A_128 = tpu.memref_squeeze %dma_wait3A_127 : memref<1x40x128xi32, #tpu.memory_space<hbm>> -> memref<40x128xi32, #tpu.memory_space<hbm>>
      tpu.wait_dma2 semaphore(%run_scoped3A : memref<!tpu.dma_semaphore, #tpu.memory_space<semaphore_mem>>) src(%dma_wait3A_128 : memref<40x128xi32, #tpu.memory_space<hbm>>) dst(%arg8 : memref<40x128xi32, #tpu.memory_space<vmem>>)
      tpu.yield
    }) : () -> ()
    %mul3A_78 = arith.constant 80 : i32
    %mul3A_79 = arith.muli %arg1, %mul3A_78 : i32
    %add3A_80 = arith.constant 40 : i32
    %add3A_81 = arith.addi %mul3A_79, %add3A_80 : i32
    "tpu.region"() ({
      %run_scoped3A = tpu.sem_alloc : memref<!tpu.dma_semaphore, #tpu.memory_space<semaphore_mem>>
      %dma_start3A_118 = arith.constant 0 : i32
      %dma_start3A_119 = tpu.memref_slice %arg4[%add3A_81, %dma_start3A_118] : memref<1280x128xi32, #tpu.memory_space<hbm>> -> memref<40x128xi32, #tpu.memory_space<hbm>>
      %dma_start3A_120 = arith.constant 0 : i32
      %dma_start3A_121 = tpu.memref_slice %arg4[%add3A_81, %dma_start3A_120] : memref<1280x128xi32, #tpu.memory_space<hbm>> -> memref<40x128xi32, #tpu.memory_space<hbm>>
      tpu.enqueue_dma source(%dma_start3A_121 : memref<40x128xi32, #tpu.memory_space<hbm>>) target(%arg9 : memref<40x128xi32, #tpu.memory_space<vmem>>) target_semaphore(%run_scoped3A : memref<!tpu.dma_semaphore, #tpu.memory_space<semaphore_mem>>)
      %dma_wait3A = arith.constant 0 : i32
      %dma_wait3A_122 = tpu.memref_slice %arg4[%add3A_81, %dma_wait3A] : memref<1280x128xi32, #tpu.memory_space<hbm>> -> memref<40x128xi32, #tpu.memory_space<hbm>>
      %dma_wait3A_123 = arith.constant 0 : i32
      %dma_wait3A_124 = tpu.memref_slice %arg4[%add3A_81, %dma_wait3A_123] : memref<1280x128xi32, #tpu.memory_space<hbm>> -> memref<40x128xi32, #tpu.memory_space<hbm>>
      tpu.wait_dma2 semaphore(%run_scoped3A : memref<!tpu.dma_semaphore, #tpu.memory_space<semaphore_mem>>) src(%dma_wait3A_124 : memref<40x128xi32, #tpu.memory_space<hbm>>) dst(%arg9 : memref<40x128xi32, #tpu.memory_space<vmem>>)
      tpu.yield
    }) : () -> ()
    %dma_start3A_82 = arith.constant 0 : i32
    %dma_start3A_83 = arith.constant 0 : i32
    %dma_start3A_84 = tpu.memref_slice %arg8[%dma_start3A_82, %dma_start3A_83] : memref<40x128xi32, #tpu.memory_space<vmem>> -> memref<1x128xi32, #tpu.memory_space<vmem>>
    %dma_start3A_85 = tpu.memref_squeeze %dma_start3A_84 : memref<1x128xi32, #tpu.memory_space<vmem>> -> memref<128xi32, #tpu.memory_space<vmem>>
    %dma_start3A_86 = arith.constant 0 : i32
    %dma_start3A_87 = arith.constant 0 : i32
    %dma_start3A_88 = tpu.memref_slice %arg2[%dma_start3A_86, %dma_start3A_87] : memref<40960x128xf32, #tpu.memory_space<hbm>> -> memref<40960x128xf32, #tpu.memory_space<hbm>>
    tpu.enqueue_indirect_dma source(%dma_start3A_88 : memref<40960x128xf32, #tpu.memory_space<hbm>>) target(%arg10 : memref<128x128xf32, #tpu.memory_space<vmem>>) offsets(%dma_start3A_85 : memref<128xi32, #tpu.memory_space<vmem>>) semaphore(%arg13 : memref<!tpu.dma_semaphore, #tpu.memory_space<semaphore_mem>>)
    %scan3A_89 = arith.constant 0 : i32
    %scan3A_90 = arith.constant 0 : i32
    %scan3A_91 = arith.constant 20 : i32
    %scan3A_92 = arith.addi %scan3A_90, %scan3A_91 : i32
    %scan3A_93 = arith.constant 1 : i32
    %scan3A_94 = scf.for %scan3A_118 = %scan3A_90 to %scan3A_92 step %scan3A_93 iter_args(%scan3A_119 = %scan3A_89) -> (i32)  : i32 {
      %mul3A_120 = arith.constant 2 : i32
      %mul3A_121 = arith.muli %mul3A_120, %scan3A_118 : i32
      %add3A_122 = arith.constant 1 : i32
      %add3A_123 = arith.addi %mul3A_121, %add3A_122 : i32
      %dma_start3A_124 = arith.constant 0 : i32
      %dma_start3A_125 = tpu.memref_slice %arg8[%add3A_123, %dma_start3A_124] : memref<40x128xi32, #tpu.memory_space<vmem>> -> memref<1x128xi32, #tpu.memory_space<vmem>>
      %dma_start3A_126 = tpu.memref_squeeze %dma_start3A_125 : memref<1x128xi32, #tpu.memory_space<vmem>> -> memref<128xi32, #tpu.memory_space<vmem>>
      %dma_start3A_127 = arith.constant 0 : i32
      %dma_start3A_128 = arith.constant 0 : i32
      %dma_start3A_129 = tpu.memref_slice %arg2[%dma_start3A_127, %dma_start3A_128] : memref<40960x128xf32, #tpu.memory_space<hbm>> -> memref<40960x128xf32, #tpu.memory_space<hbm>>
      tpu.enqueue_indirect_dma source(%dma_start3A_129 : memref<40960x128xf32, #tpu.memory_space<hbm>>) target(%arg11 : memref<128x128xf32, #tpu.memory_space<vmem>>) offsets(%dma_start3A_126 : memref<128xi32, #tpu.memory_space<vmem>>) semaphore(%arg14 : memref<!tpu.dma_semaphore, #tpu.memory_space<semaphore_mem>>)
      %dma_wait3A = arith.constant 0 : i32
      %dma_wait3A_130 = tpu.memref_slice %arg8[%mul3A_121, %dma_wait3A] : memref<40x128xi32, #tpu.memory_space<vmem>> -> memref<1x128xi32, #tpu.memory_space<vmem>>
      %dma_wait3A_131 = tpu.memref_squeeze %dma_wait3A_130 : memref<1x128xi32, #tpu.memory_space<vmem>> -> memref<128xi32, #tpu.memory_space<vmem>>
      %dma_wait3A_132 = arith.constant 0 : i32
      %dma_wait3A_133 = arith.constant 0 : i32
      %dma_wait3A_134 = tpu.memref_slice %arg2[%dma_wait3A_132, %dma_wait3A_133] : memref<40960x128xf32, #tpu.memory_space<hbm>> -> memref<40960x128xf32, #tpu.memory_space<hbm>>
      tpu.wait_indirect_dma semaphore(%arg13 : memref<!tpu.dma_semaphore, #tpu.memory_space<semaphore_mem>>) src(%dma_wait3A_134 : memref<40960x128xf32, #tpu.memory_space<hbm>>) dst(%arg10 : memref<128x128xf32, #tpu.memory_space<vmem>>)
      "tpu.region"() ({
        %run_scoped3A = tpu.sem_alloc : memref<!tpu.dma_semaphore, #tpu.memory_space<semaphore_mem>>
        %dma_start3A_148 = arith.constant 0 : i32
        %dma_start3A_149 = tpu.memref_slice %arg9[%mul3A_121, %dma_start3A_148] : memref<40x128xi32, #tpu.memory_space<vmem>> -> memref<1x128xi32, #tpu.memory_space<vmem>>
        %dma_start3A_150 = tpu.memref_squeeze %dma_start3A_149 : memref<1x128xi32, #tpu.memory_space<vmem>> -> memref<128xi32, #tpu.memory_space<vmem>>
        %dma_start3A_151 = arith.constant 0 : i32
        %dma_start3A_152 = arith.constant 0 : i32
        %dma_start3A_153 = tpu.memref_slice %arg12[%dma_start3A_151, %dma_start3A_152] : memref<10112x128xf32, #tpu.memory_space<vmem_shared>> -> memref<10112x128xf32, #tpu.memory_space<vmem_shared>>
        tpu.enqueue_indirect_dma source(%arg10 : memref<128x128xf32, #tpu.memory_space<vmem>>) target(%dma_start3A_153 : memref<10112x128xf32, #tpu.memory_space<vmem_shared>>) offsets(%dma_start3A_150 : memref<128xi32, #tpu.memory_space<vmem>>) semaphore(%run_scoped3A : memref<!tpu.dma_semaphore, #tpu.memory_space<semaphore_mem>>) {add = true}
        %dma_wait3A_154 = arith.constant 0 : i32
        %dma_wait3A_155 = tpu.memref_slice %arg9[%mul3A_121, %dma_wait3A_154] : memref<40x128xi32, #tpu.memory_space<vmem>> -> memref<1x128xi32, #tpu.memory_space<vmem>>
        %dma_wait3A_156 = tpu.memref_squeeze %dma_wait3A_155 : memref<1x128xi32, #tpu.memory_space<vmem>> -> memref<128xi32, #tpu.memory_space<vmem>>
        %dma_wait3A_157 = arith.constant 0 : i32
        %dma_wait3A_158 = arith.constant 0 : i32
        %dma_wait3A_159 = tpu.memref_slice %arg12[%dma_wait3A_157, %dma_wait3A_158] : memref<10112x128xf32, #tpu.memory_space<vmem_shared>> -> memref<10112x128xf32, #tpu.memory_space<vmem_shared>>
        tpu.wait_indirect_dma semaphore(%run_scoped3A : memref<!tpu.dma_semaphore, #tpu.memory_space<semaphore_mem>>) src(%arg10 : memref<128x128xf32, #tpu.memory_space<vmem>>) dst(%dma_wait3A_159 : memref<10112x128xf32, #tpu.memory_space<vmem_shared>>)
        tpu.yield
      }) : () -> ()
      %lt3A = arith.constant 19 : i32
      %lt3A_135 = arith.cmpi slt, %scan3A_118, %lt3A : i32
      %convert_element_type3A = arith.extui %lt3A_135 : i1 to i32
      %cond3A = arith.constant 0 : i32
      %cond3A_136 = arith.cmpi ne, %convert_element_type3A, %cond3A : i32
      scf.if %cond3A_136 {
        %add3A_148 = arith.constant 2 : i32
        %add3A_149 = arith.addi %mul3A_121, %add3A_148 : i32
        %dma_start3A_150 = arith.constant 0 : i32
        %dma_start3A_151 = tpu.memref_slice %arg8[%add3A_149, %dma_start3A_150] : memref<40x128xi32, #tpu.memory_space<vmem>> -> memref<1x128xi32, #tpu.memory_space<vmem>>
        %dma_start3A_152 = tpu.memref_squeeze %dma_start3A_151 : memref<1x128xi32, #tpu.memory_space<vmem>> -> memref<128xi32, #tpu.memory_space<vmem>>
        %dma_start3A_153 = arith.constant 0 : i32
        %dma_start3A_154 = arith.constant 0 : i32
        %dma_start3A_155 = tpu.memref_slice %arg2[%dma_start3A_153, %dma_start3A_154] : memref<40960x128xf32, #tpu.memory_space<hbm>> -> memref<40960x128xf32, #tpu.memory_space<hbm>>
        tpu.enqueue_indirect_dma source(%dma_start3A_155 : memref<40960x128xf32, #tpu.memory_space<hbm>>) target(%arg10 : memref<128x128xf32, #tpu.memory_space<vmem>>) offsets(%dma_start3A_152 : memref<128xi32, #tpu.memory_space<vmem>>) semaphore(%arg13 : memref<!tpu.dma_semaphore, #tpu.memory_space<semaphore_mem>>)
      } else {
      }
      %add3A_137 = arith.constant 1 : i32
      %add3A_138 = arith.addi %mul3A_121, %add3A_137 : i32
      %dma_wait3A_139 = arith.constant 0 : i32
      %dma_wait3A_140 = tpu.memref_slice %arg8[%add3A_138, %dma_wait3A_139] : memref<40x128xi32, #tpu.memory_space<vmem>> -> memref<1x128xi32, #tpu.memory_space<vmem>>
      %dma_wait3A_141 = tpu.memref_squeeze %dma_wait3A_140 : memref<1x128xi32, #tpu.memory_space<vmem>> -> memref<128xi32, #tpu.memory_space<vmem>>
      %dma_wait3A_142 = arith.constant 0 : i32
      %dma_wait3A_143 = arith.constant 0 : i32
      %dma_wait3A_144 = tpu.memref_slice %arg2[%dma_wait3A_142, %dma_wait3A_143] : memref<40960x128xf32, #tpu.memory_space<hbm>> -> memref<40960x128xf32, #tpu.memory_space<hbm>>
      tpu.wait_indirect_dma semaphore(%arg14 : memref<!tpu.dma_semaphore, #tpu.memory_space<semaphore_mem>>) src(%dma_wait3A_144 : memref<40960x128xf32, #tpu.memory_space<hbm>>) dst(%arg11 : memref<128x128xf32, #tpu.memory_space<vmem>>)
      %add3A_145 = arith.constant 1 : i32
      %add3A_146 = arith.addi %mul3A_121, %add3A_145 : i32
      "tpu.region"() ({
        %run_scoped3A = tpu.sem_alloc : memref<!tpu.dma_semaphore, #tpu.memory_space<semaphore_mem>>
        %dma_start3A_148 = arith.constant 0 : i32
        %dma_start3A_149 = tpu.memref_slice %arg9[%add3A_146, %dma_start3A_148] : memref<40x128xi32, #tpu.memory_space<vmem>> -> memref<1x128xi32, #tpu.memory_space<vmem>>
        %dma_start3A_150 = tpu.memref_squeeze %dma_start3A_149 : memref<1x128xi32, #tpu.memory_space<vmem>> -> memref<128xi32, #tpu.memory_space<vmem>>
        %dma_start3A_151 = arith.constant 0 : i32
        %dma_start3A_152 = arith.constant 0 : i32
        %dma_start3A_153 = tpu.memref_slice %arg12[%dma_start3A_151, %dma_start3A_152] : memref<10112x128xf32, #tpu.memory_space<vmem_shared>> -> memref<10112x128xf32, #tpu.memory_space<vmem_shared>>
        tpu.enqueue_indirect_dma source(%arg11 : memref<128x128xf32, #tpu.memory_space<vmem>>) target(%dma_start3A_153 : memref<10112x128xf32, #tpu.memory_space<vmem_shared>>) offsets(%dma_start3A_150 : memref<128xi32, #tpu.memory_space<vmem>>) semaphore(%run_scoped3A : memref<!tpu.dma_semaphore, #tpu.memory_space<semaphore_mem>>) {add = true}
        %dma_wait3A_154 = arith.constant 0 : i32
        %dma_wait3A_155 = tpu.memref_slice %arg9[%add3A_146, %dma_wait3A_154] : memref<40x128xi32, #tpu.memory_space<vmem>> -> memref<1x128xi32, #tpu.memory_space<vmem>>
        %dma_wait3A_156 = tpu.memref_squeeze %dma_wait3A_155 : memref<1x128xi32, #tpu.memory_space<vmem>> -> memref<128xi32, #tpu.memory_space<vmem>>
        %dma_wait3A_157 = arith.constant 0 : i32
        %dma_wait3A_158 = arith.constant 0 : i32
        %dma_wait3A_159 = tpu.memref_slice %arg12[%dma_wait3A_157, %dma_wait3A_158] : memref<10112x128xf32, #tpu.memory_space<vmem_shared>> -> memref<10112x128xf32, #tpu.memory_space<vmem_shared>>
        tpu.wait_indirect_dma semaphore(%run_scoped3A : memref<!tpu.dma_semaphore, #tpu.memory_space<semaphore_mem>>) src(%arg11 : memref<128x128xf32, #tpu.memory_space<vmem>>) dst(%dma_wait3A_159 : memref<10112x128xf32, #tpu.memory_space<vmem_shared>>)
        tpu.yield
      }) : () -> ()
      %scan3A_147 = arith.constant 0 : i32
      scf.yield %scan3A_147 : i32
    }
    %scan3A_95 = arith.constant 20 : i32
    %barrier3A_96 = arith.constant 0 : index
    tpu.barrier barrier_id(%barrier3A_96)
    "tpu.region"() ({
      %run_scoped3A = tpu.sem_alloc : memref<!tpu.dma_semaphore, #tpu.memory_space<semaphore_mem>>
      %dma_start3A_118 = arith.constant 0 : i32
      %dma_start3A_119 = tpu.memref_slice %arg6[%add3A_50, %mul3A_0, %dma_start3A_118] : memref<4x10240x128xf32, #tpu.memory_space<hbm>> -> memref<1x632x128xf32, #tpu.memory_space<hbm>>
      %dma_start3A_120 = tpu.memref_squeeze %dma_start3A_119 : memref<1x632x128xf32, #tpu.memory_space<hbm>> -> memref<632x128xf32, #tpu.memory_space<hbm>>
      %dma_start3A_121 = arith.constant 0 : i32
      %dma_start3A_122 = tpu.memref_slice %arg12[%mul3A_0, %dma_start3A_121] : memref<10112x128xf32, #tpu.memory_space<vmem_shared>> -> memref<632x128xf32, #tpu.memory_space<vmem_shared>>
      tpu.enqueue_dma source(%dma_start3A_122 : memref<632x128xf32, #tpu.memory_space<vmem_shared>>) target(%dma_start3A_120 : memref<632x128xf32, #tpu.memory_space<hbm>>) target_semaphore(%run_scoped3A : memref<!tpu.dma_semaphore, #tpu.memory_space<semaphore_mem>>)
      %dma_wait3A = arith.constant 0 : i32
      %dma_wait3A_123 = tpu.memref_slice %arg6[%add3A_50, %mul3A_0, %dma_wait3A] : memref<4x10240x128xf32, #tpu.memory_space<hbm>> -> memref<1x632x128xf32, #tpu.memory_space<hbm>>
      %dma_wait3A_124 = tpu.memref_squeeze %dma_wait3A_123 : memref<1x632x128xf32, #tpu.memory_space<hbm>> -> memref<632x128xf32, #tpu.memory_space<hbm>>
      %dma_wait3A_125 = arith.constant 0 : i32
      %dma_wait3A_126 = tpu.memref_slice %arg12[%mul3A_0, %dma_wait3A_125] : memref<10112x128xf32, #tpu.memory_space<vmem_shared>> -> memref<632x128xf32, #tpu.memory_space<vmem_shared>>
      tpu.wait_dma2 semaphore(%run_scoped3A : memref<!tpu.dma_semaphore, #tpu.memory_space<semaphore_mem>>) src(%dma_wait3A_126 : memref<632x128xf32, #tpu.memory_space<vmem_shared>>) dst(%dma_wait3A_124 : memref<632x128xf32, #tpu.memory_space<hbm>>)
      tpu.yield
    }) : () -> ()
    %scan3A_97 = arith.constant 0 : i32
    %scan3A_98 = arith.constant 0 : i32
    %scan3A_99 = arith.constant 128 : i32
    %scan3A_100 = arith.addi %scan3A_98, %scan3A_99 : i32
    %scan3A_101 = arith.constant 1 : i32
    %scan3A_102 = scf.for %scan3A_118 = %scan3A_98 to %scan3A_100 step %scan3A_101 iter_args(%scan3A_119 = %scan3A_97) -> (i32)  : i32 {
      %broadcast_in_dim3A = arith.constant 1.000000e+00 : f32
      %broadcast_in_dim3A_120 = vector.broadcast %broadcast_in_dim3A : f32 to vector<16xf32>
      %swap3A = arith.index_cast %scan3A_118 : i32 to index
      %swap3A_121 = arith.constant 0 : index
      %swap3A_122 = tpu.vector_load %arg10[%swap3A, %swap3A_121] {strides = array<i32>} : memref<128x128xf32, #tpu.memory_space<vmem>>, vector<1x16xf32>,
      %swap3A_123 = vector.shape_cast %swap3A_122 : vector<1x16xf32> to vector<16xf32>
      %swap3A_124 = vector.shape_cast %broadcast_in_dim3A_120 : vector<16xf32> to vector<1x16xf32>
      tpu.vector_store %arg10[%swap3A, %swap3A_121], %swap3A_124 {strides = array<i32>} : memref<128x128xf32, #tpu.memory_space<vmem>>, vector<1x16xf32>,
      %broadcast_in_dim3A_125 = arith.constant 1.000000e+00 : f32
      %broadcast_in_dim3A_126 = vector.broadcast %broadcast_in_dim3A_125 : f32 to vector<16xf32>
      %swap3A_127 = arith.index_cast %scan3A_118 : i32 to index
      %swap3A_128 = arith.constant 16 : index
      %swap3A_129 = tpu.vector_load %arg10[%swap3A_127, %swap3A_128] {strides = array<i32>} : memref<128x128xf32, #tpu.memory_space<vmem>>, vector<1x16xf32>,
      %swap3A_130 = vector.shape_cast %swap3A_129 : vector<1x16xf32> to vector<16xf32>
      %swap3A_131 = vector.shape_cast %broadcast_in_dim3A_126 : vector<16xf32> to vector<1x16xf32>
      tpu.vector_store %arg10[%swap3A_127, %swap3A_128], %swap3A_131 {strides = array<i32>} : memref<128x128xf32, #tpu.memory_space<vmem>>, vector<1x16xf32>,
      %broadcast_in_dim3A_132 = arith.constant 1.000000e+00 : f32
      %broadcast_in_dim3A_133 = vector.broadcast %broadcast_in_dim3A_132 : f32 to vector<16xf32>
      %swap3A_134 = arith.index_cast %scan3A_118 : i32 to index
      %swap3A_135 = arith.constant 32 : index
      %swap3A_136 = tpu.vector_load %arg10[%swap3A_134, %swap3A_135] {strides = array<i32>} : memref<128x128xf32, #tpu.memory_space<vmem>>, vector<1x16xf32>,
      %swap3A_137 = vector.shape_cast %swap3A_136 : vector<1x16xf32> to vector<16xf32>
      %swap3A_138 = vector.shape_cast %broadcast_in_dim3A_133 : vector<16xf32> to vector<1x16xf32>
      tpu.vector_store %arg10[%swap3A_134, %swap3A_135], %swap3A_138 {strides = array<i32>} : memref<128x128xf32, #tpu.memory_space<vmem>>, vector<1x16xf32>,
      %broadcast_in_dim3A_139 = arith.constant 1.000000e+00 : f32
      %broadcast_in_dim3A_140 = vector.broadcast %broadcast_in_dim3A_139 : f32 to vector<16xf32>
      %swap3A_141 = arith.index_cast %scan3A_118 : i32 to index
      %swap3A_142 = arith.constant 48 : index
      %swap3A_143 = tpu.vector_load %arg10[%swap3A_141, %swap3A_142] {strides = array<i32>} : memref<128x128xf32, #tpu.memory_space<vmem>>, vector<1x16xf32>,
      %swap3A_144 = vector.shape_cast %swap3A_143 : vector<1x16xf32> to vector<16xf32>
      %swap3A_145 = vector.shape_cast %broadcast_in_dim3A_140 : vector<16xf32> to vector<1x16xf32>
      tpu.vector_store %arg10[%swap3A_141, %swap3A_142], %swap3A_145 {strides = array<i32>} : memref<128x128xf32, #tpu.memory_space<vmem>>, vector<1x16xf32>,
      %broadcast_in_dim3A_146 = arith.constant 1.000000e+00 : f32
      %broadcast_in_dim3A_147 = vector.broadcast %broadcast_in_dim3A_146 : f32 to vector<16xf32>
      %swap3A_148 = arith.index_cast %scan3A_118 : i32 to index
      %swap3A_149 = arith.constant 64 : index
      %swap3A_150 = tpu.vector_load %arg10[%swap3A_148, %swap3A_149] {strides = array<i32>} : memref<128x128xf32, #tpu.memory_space<vmem>>, vector<1x16xf32>,
      %swap3A_151 = vector.shape_cast %swap3A_150 : vector<1x16xf32> to vector<16xf32>
      %swap3A_152 = vector.shape_cast %broadcast_in_dim3A_147 : vector<16xf32> to vector<1x16xf32>
      tpu.vector_store %arg10[%swap3A_148, %swap3A_149], %swap3A_152 {strides = array<i32>} : memref<128x128xf32, #tpu.memory_space<vmem>>, vector<1x16xf32>,
      %broadcast_in_dim3A_153 = arith.constant 1.000000e+00 : f32
      %broadcast_in_dim3A_154 = vector.broadcast %broadcast_in_dim3A_153 : f32 to vector<16xf32>
      %swap3A_155 = arith.index_cast %scan3A_118 : i32 to index
      %swap3A_156 = arith.constant 80 : index
      %swap3A_157 = tpu.vector_load %arg10[%swap3A_155, %swap3A_156] {strides = array<i32>} : memref<128x128xf32, #tpu.memory_space<vmem>>, vector<1x16xf32>,
      %swap3A_158 = vector.shape_cast %swap3A_157 : vector<1x16xf32> to vector<16xf32>
      %swap3A_159 = vector.shape_cast %broadcast_in_dim3A_154 : vector<16xf32> to vector<1x16xf32>
      tpu.vector_store %arg10[%swap3A_155, %swap3A_156], %swap3A_159 {strides = array<i32>} : memref<128x128xf32, #tpu.memory_space<vmem>>, vector<1x16xf32>,
      %broadcast_in_dim3A_160 = arith.constant 1.000000e+00 : f32
      %broadcast_in_dim3A_161 = vector.broadcast %broadcast_in_dim3A_160 : f32 to vector<16xf32>
      %swap3A_162 = arith.index_cast %scan3A_118 : i32 to index
      %swap3A_163 = arith.constant 96 : index
      %swap3A_164 = tpu.vector_load %arg10[%swap3A_162, %swap3A_163] {strides = array<i32>} : memref<128x128xf32, #tpu.memory_space<vmem>>, vector<1x16xf32>,
      %swap3A_165 = vector.shape_cast %swap3A_164 : vector<1x16xf32> to vector<16xf32>
      %swap3A_166 = vector.shape_cast %broadcast_in_dim3A_161 : vector<16xf32> to vector<1x16xf32>
      tpu.vector_store %arg10[%swap3A_162, %swap3A_163], %swap3A_166 {strides = array<i32>} : memref<128x128xf32, #tpu.memory_space<vmem>>, vector<1x16xf32>,
      %broadcast_in_dim3A_167 = arith.constant 1.000000e+00 : f32
      %broadcast_in_dim3A_168 = vector.broadcast %broadcast_in_dim3A_167 : f32 to vector<16xf32>
      %swap3A_169 = arith.index_cast %scan3A_118 : i32 to index
      %swap3A_170 = arith.constant 112 : index
      %swap3A_171 = tpu.vector_load %arg10[%swap3A_169, %swap3A_170] {strides = array<i32>} : memref<128x128xf32, #tpu.memory_space<vmem>>, vector<1x16xf32>,
      %swap3A_172 = vector.shape_cast %swap3A_171 : vector<1x16xf32> to vector<16xf32>
      %swap3A_173 = vector.shape_cast %broadcast_in_dim3A_168 : vector<16xf32> to vector<1x16xf32>
      tpu.vector_store %arg10[%swap3A_169, %swap3A_170], %swap3A_173 {strides = array<i32>} : memref<128x128xf32, #tpu.memory_space<vmem>>, vector<1x16xf32>,
      %scan3A_174 = arith.constant 0 : i32
      scf.yield %scan3A_174 : i32
    }
    %scan3A_103 = arith.constant 128 : i32
    "tpu.region"() ({
      %run_scoped3A = tpu.sem_alloc : memref<!tpu.dma_semaphore, #tpu.memory_space<semaphore_mem>>
      %dma_start3A_118 = arith.constant 0 : i32
      %dma_start3A_119 = tpu.memref_slice %arg12[%mul3A_0, %dma_start3A_118] : memref<10112x128xf32, #tpu.memory_space<vmem_shared>> -> memref<632x128xf32, #tpu.memory_space<vmem_shared>>
      tpu.enqueue_dma source(%arg5 : memref<632x128xf32, #tpu.memory_space<hbm>>) target(%dma_start3A_119 : memref<632x128xf32, #tpu.memory_space<vmem_shared>>) target_semaphore(%run_scoped3A : memref<!tpu.dma_semaphore, #tpu.memory_space<semaphore_mem>>)
      %dma_wait3A = arith.constant 0 : i32
      %dma_wait3A_120 = tpu.memref_slice %arg12[%mul3A_0, %dma_wait3A] : memref<10112x128xf32, #tpu.memory_space<vmem_shared>> -> memref<632x128xf32, #tpu.memory_space<vmem_shared>>
      tpu.wait_dma2 semaphore(%run_scoped3A : memref<!tpu.dma_semaphore, #tpu.memory_space<semaphore_mem>>) src(%arg5 : memref<632x128xf32, #tpu.memory_space<hbm>>) dst(%dma_wait3A_120 : memref<632x128xf32, #tpu.memory_space<vmem_shared>>)
      tpu.yield
    }) : () -> ()
    %barrier3A_104 = arith.constant 0 : index
    tpu.barrier barrier_id(%barrier3A_104)
    %mul3A_105 = arith.constant 80 : i32
    %mul3A_106 = arith.muli %arg1, %mul3A_105 : i32
    %mul3A_107 = arith.constant 40 : i32
    %mul3A_108 = arith.muli %arg0, %mul3A_107 : i32
    %add3A_109 = arith.addi %mul3A_106, %mul3A_108 : i32
    "tpu.region"() ({
      %run_scoped3A = tpu.sem_alloc : memref<!tpu.dma_semaphore, #tpu.memory_space<semaphore_mem>>
      %dma_start3A_118 = arith.constant 0 : i32
      %dma_start3A_119 = tpu.memref_slice %arg4[%add3A_109, %dma_start3A_118] : memref<1280x128xi32, #tpu.memory_space<hbm>> -> memref<40x128xi32, #tpu.memory_space<hbm>>
      %dma_start3A_120 = arith.constant 0 : i32
      %dma_start3A_121 = tpu.memref_slice %arg4[%add3A_109, %dma_start3A_120] : memref<1280x128xi32, #tpu.memory_space<hbm>> -> memref<40x128xi32, #tpu.memory_space<hbm>>
      tpu.enqueue_dma source(%dma_start3A_121 : memref<40x128xi32, #tpu.memory_space<hbm>>) target(%arg9 : memref<40x128xi32, #tpu.memory_space<vmem>>) target_semaphore(%run_scoped3A : memref<!tpu.dma_semaphore, #tpu.memory_space<semaphore_mem>>)
      %dma_wait3A = arith.constant 0 : i32
      %dma_wait3A_122 = tpu.memref_slice %arg4[%add3A_109, %dma_wait3A] : memref<1280x128xi32, #tpu.memory_space<hbm>> -> memref<40x128xi32, #tpu.memory_space<hbm>>
      %dma_wait3A_123 = arith.constant 0 : i32
      %dma_wait3A_124 = tpu.memref_slice %arg4[%add3A_109, %dma_wait3A_123] : memref<1280x128xi32, #tpu.memory_space<hbm>> -> memref<40x128xi32, #tpu.memory_space<hbm>>
      tpu.wait_dma2 semaphore(%run_scoped3A : memref<!tpu.dma_semaphore, #tpu.memory_space<semaphore_mem>>) src(%dma_wait3A_124 : memref<40x128xi32, #tpu.memory_space<hbm>>) dst(%arg9 : memref<40x128xi32, #tpu.memory_space<vmem>>)
      tpu.yield
    }) : () -> ()
    %scan3A_110 = arith.constant 0 : i32
    %scan3A_111 = arith.constant 0 : i32
    %scan3A_112 = arith.constant 40 : i32
    %scan3A_113 = arith.addi %scan3A_111, %scan3A_112 : i32
    %scan3A_114 = arith.constant 1 : i32
    %scan3A_115 = scf.for %scan3A_118 = %scan3A_111 to %scan3A_113 step %scan3A_114 iter_args(%scan3A_119 = %scan3A_110) -> (i32)  : i32 {
      "tpu.region"() ({
        %run_scoped3A = tpu.sem_alloc : memref<!tpu.dma_semaphore, #tpu.memory_space<semaphore_mem>>
        %dma_start3A_121 = arith.constant 0 : i32
        %dma_start3A_122 = tpu.memref_slice %arg9[%scan3A_118, %dma_start3A_121] : memref<40x128xi32, #tpu.memory_space<vmem>> -> memref<1x128xi32, #tpu.memory_space<vmem>>
        %dma_start3A_123 = tpu.memref_squeeze %dma_start3A_122 : memref<1x128xi32, #tpu.memory_space<vmem>> -> memref<128xi32, #tpu.memory_space<vmem>>
        %dma_start3A_124 = arith.constant 0 : i32
        %dma_start3A_125 = arith.constant 0 : i32
        %dma_start3A_126 = tpu.memref_slice %arg12[%dma_start3A_124, %dma_start3A_125] : memref<10112x128xf32, #tpu.memory_space<vmem_shared>> -> memref<10112x128xf32, #tpu.memory_space<vmem_shared>>
        tpu.enqueue_indirect_dma source(%arg10 : memref<128x128xf32, #tpu.memory_space<vmem>>) target(%dma_start3A_126 : memref<10112x128xf32, #tpu.memory_space<vmem_shared>>) offsets(%dma_start3A_123 : memref<128xi32, #tpu.memory_space<vmem>>) semaphore(%run_scoped3A : memref<!tpu.dma_semaphore, #tpu.memory_space<semaphore_mem>>) {add = true}
        %dma_wait3A = arith.constant 0 : i32
        %dma_wait3A_127 = tpu.memref_slice %arg9[%scan3A_118, %dma_wait3A] : memref<40x128xi32, #tpu.memory_space<vmem>> -> memref<1x128xi32, #tpu.memory_space<vmem>>
        %dma_wait3A_128 = tpu.memref_squeeze %dma_wait3A_127 : memref<1x128xi32, #tpu.memory_space<vmem>> -> memref<128xi32, #tpu.memory_space<vmem>>
        %dma_wait3A_129 = arith.constant 0 : i32
        %dma_wait3A_130 = arith.constant 0 : i32
        %dma_wait3A_131 = tpu.memref_slice %arg12[%dma_wait3A_129, %dma_wait3A_130] : memref<10112x128xf32, #tpu.memory_space<vmem_shared>> -> memref<10112x128xf32, #tpu.memory_space<vmem_shared>>
        tpu.wait_indirect_dma semaphore(%run_scoped3A : memref<!tpu.dma_semaphore, #tpu.memory_space<semaphore_mem>>) src(%arg10 : memref<128x128xf32, #tpu.memory_space<vmem>>) dst(%dma_wait3A_131 : memref<10112x128xf32, #tpu.memory_space<vmem_shared>>)
        tpu.yield
      }) : () -> ()
      %scan3A_120 = arith.constant 0 : i32
      scf.yield %scan3A_120 : i32
    }
    %scan3A_116 = arith.constant 40 : i32
    %barrier3A_117 = arith.constant 0 : index
    tpu.barrier barrier_id(%barrier3A_117)
    "tpu.region"() ({
      %run_scoped3A = tpu.sem_alloc : memref<!tpu.dma_semaphore, #tpu.memory_space<semaphore_mem>>
      %dma_start3A_118 = arith.constant 0 : i32
      %dma_start3A_119 = tpu.memref_slice %arg7[%arg0, %mul3A_0, %dma_start3A_118] : memref<2x10240x128xf32, #tpu.memory_space<hbm>> -> memref<1x632x128xf32, #tpu.memory_space<hbm>>
      %dma_start3A_120 = tpu.memref_squeeze %dma_start3A_119 : memref<1x632x128xf32, #tpu.memory_space<hbm>> -> memref<632x128xf32, #tpu.memory_space<hbm>>
      %dma_start3A_121 = arith.constant 0 : i32
      %dma_start3A_122 = tpu.memref_slice %arg12[%mul3A_0, %dma_start3A_121] : memref<10112x128xf32, #tpu.memory_space<vmem_shared>> -> memref<632x128xf32, #tpu.memory_space<vmem_shared>>
      tpu.enqueue_dma source(%dma_start3A_122 : memref<632x128xf32, #tpu.memory_space<vmem_shared>>) target(%dma_start3A_120 : memref<632x128xf32, #tpu.memory_space<hbm>>) target_semaphore(%run_scoped3A : memref<!tpu.dma_semaphore, #tpu.memory_space<semaphore_mem>>)
      %dma_wait3A = arith.constant 0 : i32
      %dma_wait3A_123 = tpu.memref_slice %arg7[%arg0, %mul3A_0, %dma_wait3A] : memref<2x10240x128xf32, #tpu.memory_space<hbm>> -> memref<1x632x128xf32, #tpu.memory_space<hbm>>
      %dma_wait3A_124 = tpu.memref_squeeze %dma_wait3A_123 : memref<1x632x128xf32, #tpu.memory_space<hbm>> -> memref<632x128xf32, #tpu.memory_space<hbm>>
      %dma_wait3A_125 = arith.constant 0 : i32
      %dma_wait3A_126 = tpu.memref_slice %arg12[%mul3A_0, %dma_wait3A_125] : memref<10112x128xf32, #tpu.memory_space<vmem_shared>> -> memref<632x128xf32, #tpu.memory_space<vmem_shared>>
      tpu.wait_dma2 semaphore(%run_scoped3A : memref<!tpu.dma_semaphore, #tpu.memory_space<semaphore_mem>>) src(%dma_wait3A_126 : memref<632x128xf32, #tpu.memory_space<vmem_shared>>) dst(%dma_wait3A_124 : memref<632x128xf32, #tpu.memory_space<hbm>>)
      tpu.yield
    }) : () -> ()
    return
  }
}

#map = affine_map<(d0, d1) -> (0, 0)>
#map1 = affine_map<(d0, d1) -> (0, 0, 0)>
module attributes {stable_mosaic.version = 14 : i64} {
  func.func @spmm(%arg0: i32, %arg1: i32, %arg2: memref<20480x128xf32, #tpu.memory_space<hbm>>, %arg3: memref<2x1280x128xi32, #tpu.memory_space<hbm>>, %arg4: memref<1280x128xi32, #tpu.memory_space<hbm>>, %arg5: memref<632x128xf32, #tpu.memory_space<hbm>>, %arg6: memref<2x10240x128xf32, #tpu.memory_space<hbm>>, %arg7: memref<40x128xi32, #tpu.memory_space<vmem>>, %arg8: memref<40x128xi32, #tpu.memory_space<vmem>>, %arg9: memref<128x128xf32, #tpu.memory_space<vmem>>, %arg10: memref<128x128xf32, #tpu.memory_space<vmem>>, %arg11: memref<10112x128xf32, #tpu.memory_space<vmem_shared>>, %arg12: memref<!tpu.dma_semaphore, #tpu.memory_space<semaphore_mem>>, %arg13: memref<!tpu.dma_semaphore, #tpu.memory_space<semaphore_mem>>) attributes {dimension_semantics = [#tpu.dimension_semantics<core_parallel>, #tpu.dimension_semantics<subcore_parallel>], iteration_bounds = array<i64: 2, 16>, scalar_prefetch = 0 : i64, scratch_operands = 7 : i64, tpu.core_type = #tpu.core_type<sc_vector_subcore>, window_params = [{transform_indices = #map}, {transform_indices = #map1}, {transform_indices = #map}, {transform_indices = #map}, {transform_indices = #map1}]} {
    %mul3A = arith.constant 632 : i32
    %mul3A_0 = arith.muli %arg1, %mul3A : i32
    %mul3A_1 = arith.constant 1 : i32
    %mul3A_2 = arith.muli %arg0, %mul3A_1 : i32
    %add3A = arith.constant 0 : i32
    %add3A_3 = arith.addi %mul3A_2, %add3A : i32
    "tpu.region"() ({
      %run_scoped3A = tpu.sem_alloc : memref<!tpu.dma_semaphore, #tpu.memory_space<semaphore_mem>>
      %dma_start3A_47 = arith.constant 0 : i32
      %dma_start3A_48 = tpu.memref_slice %arg11[%mul3A_0, %dma_start3A_47] : memref<10112x128xf32, #tpu.memory_space<vmem_shared>> -> memref<632x128xf32, #tpu.memory_space<vmem_shared>>
      tpu.enqueue_dma source(%arg5 : memref<632x128xf32, #tpu.memory_space<hbm>>) target(%dma_start3A_48 : memref<632x128xf32, #tpu.memory_space<vmem_shared>>) target_semaphore(%run_scoped3A : memref<!tpu.dma_semaphore, #tpu.memory_space<semaphore_mem>>)
      %dma_wait3A = arith.constant 0 : i32
      %dma_wait3A_49 = tpu.memref_slice %arg11[%mul3A_0, %dma_wait3A] : memref<10112x128xf32, #tpu.memory_space<vmem_shared>> -> memref<632x128xf32, #tpu.memory_space<vmem_shared>>
      tpu.wait_dma2 semaphore(%run_scoped3A : memref<!tpu.dma_semaphore, #tpu.memory_space<semaphore_mem>>) src(%arg5 : memref<632x128xf32, #tpu.memory_space<hbm>>) dst(%dma_wait3A_49 : memref<632x128xf32, #tpu.memory_space<vmem_shared>>)
      tpu.yield
    }) : () -> ()
    %barrier3A = arith.constant 0 : index
    tpu.barrier barrier_id(%barrier3A)
    %mul3A_4 = arith.constant 80 : i32
    %mul3A_5 = arith.muli %arg1, %mul3A_4 : i32
    %add3A_6 = arith.constant 0 : i32
    %add3A_7 = arith.addi %mul3A_5, %add3A_6 : i32
    "tpu.region"() ({
      %run_scoped3A = tpu.sem_alloc : memref<!tpu.dma_semaphore, #tpu.memory_space<semaphore_mem>>
      %dma_start3A_47 = arith.constant 0 : i32
      %dma_start3A_48 = tpu.memref_slice %arg3[%add3A_3, %add3A_7, %dma_start3A_47] : memref<2x1280x128xi32, #tpu.memory_space<hbm>> -> memref<1x40x128xi32, #tpu.memory_space<hbm>>
      %dma_start3A_49 = tpu.memref_squeeze %dma_start3A_48 : memref<1x40x128xi32, #tpu.memory_space<hbm>> -> memref<40x128xi32, #tpu.memory_space<hbm>>
      %dma_start3A_50 = arith.constant 0 : i32
      %dma_start3A_51 = tpu.memref_slice %arg3[%add3A_3, %add3A_7, %dma_start3A_50] : memref<2x1280x128xi32, #tpu.memory_space<hbm>> -> memref<1x40x128xi32, #tpu.memory_space<hbm>>
      %dma_start3A_52 = tpu.memref_squeeze %dma_start3A_51 : memref<1x40x128xi32, #tpu.memory_space<hbm>> -> memref<40x128xi32, #tpu.memory_space<hbm>>
      tpu.enqueue_dma source(%dma_start3A_52 : memref<40x128xi32, #tpu.memory_space<hbm>>) target(%arg7 : memref<40x128xi32, #tpu.memory_space<vmem>>) target_semaphore(%run_scoped3A : memref<!tpu.dma_semaphore, #tpu.memory_space<semaphore_mem>>)
      %dma_wait3A = arith.constant 0 : i32
      %dma_wait3A_53 = tpu.memref_slice %arg3[%add3A_3, %add3A_7, %dma_wait3A] : memref<2x1280x128xi32, #tpu.memory_space<hbm>> -> memref<1x40x128xi32, #tpu.memory_space<hbm>>
      %dma_wait3A_54 = tpu.memref_squeeze %dma_wait3A_53 : memref<1x40x128xi32, #tpu.memory_space<hbm>> -> memref<40x128xi32, #tpu.memory_space<hbm>>
      %dma_wait3A_55 = arith.constant 0 : i32
      %dma_wait3A_56 = tpu.memref_slice %arg3[%add3A_3, %add3A_7, %dma_wait3A_55] : memref<2x1280x128xi32, #tpu.memory_space<hbm>> -> memref<1x40x128xi32, #tpu.memory_space<hbm>>
      %dma_wait3A_57 = tpu.memref_squeeze %dma_wait3A_56 : memref<1x40x128xi32, #tpu.memory_space<hbm>> -> memref<40x128xi32, #tpu.memory_space<hbm>>
      tpu.wait_dma2 semaphore(%run_scoped3A : memref<!tpu.dma_semaphore, #tpu.memory_space<semaphore_mem>>) src(%dma_wait3A_57 : memref<40x128xi32, #tpu.memory_space<hbm>>) dst(%arg7 : memref<40x128xi32, #tpu.memory_space<vmem>>)
      tpu.yield
    }) : () -> ()
    %mul3A_8 = arith.constant 80 : i32
    %mul3A_9 = arith.muli %arg1, %mul3A_8 : i32
    %add3A_10 = arith.constant 0 : i32
    %add3A_11 = arith.addi %mul3A_9, %add3A_10 : i32
    "tpu.region"() ({
      %run_scoped3A = tpu.sem_alloc : memref<!tpu.dma_semaphore, #tpu.memory_space<semaphore_mem>>
      %dma_start3A_47 = arith.constant 0 : i32
      %dma_start3A_48 = tpu.memref_slice %arg4[%add3A_11, %dma_start3A_47] : memref<1280x128xi32, #tpu.memory_space<hbm>> -> memref<40x128xi32, #tpu.memory_space<hbm>>
      %dma_start3A_49 = arith.constant 0 : i32
      %dma_start3A_50 = tpu.memref_slice %arg4[%add3A_11, %dma_start3A_49] : memref<1280x128xi32, #tpu.memory_space<hbm>> -> memref<40x128xi32, #tpu.memory_space<hbm>>
      tpu.enqueue_dma source(%dma_start3A_50 : memref<40x128xi32, #tpu.memory_space<hbm>>) target(%arg8 : memref<40x128xi32, #tpu.memory_space<vmem>>) target_semaphore(%run_scoped3A : memref<!tpu.dma_semaphore, #tpu.memory_space<semaphore_mem>>)
      %dma_wait3A = arith.constant 0 : i32
      %dma_wait3A_51 = tpu.memref_slice %arg4[%add3A_11, %dma_wait3A] : memref<1280x128xi32, #tpu.memory_space<hbm>> -> memref<40x128xi32, #tpu.memory_space<hbm>>
      %dma_wait3A_52 = arith.constant 0 : i32
      %dma_wait3A_53 = tpu.memref_slice %arg4[%add3A_11, %dma_wait3A_52] : memref<1280x128xi32, #tpu.memory_space<hbm>> -> memref<40x128xi32, #tpu.memory_space<hbm>>
      tpu.wait_dma2 semaphore(%run_scoped3A : memref<!tpu.dma_semaphore, #tpu.memory_space<semaphore_mem>>) src(%dma_wait3A_53 : memref<40x128xi32, #tpu.memory_space<hbm>>) dst(%arg8 : memref<40x128xi32, #tpu.memory_space<vmem>>)
      tpu.yield
    }) : () -> ()
    %dma_start3A = arith.constant 0 : i32
    %dma_start3A_12 = arith.constant 0 : i32
    %dma_start3A_13 = tpu.memref_slice %arg7[%dma_start3A, %dma_start3A_12] : memref<40x128xi32, #tpu.memory_space<vmem>> -> memref<1x128xi32, #tpu.memory_space<vmem>>
    %dma_start3A_14 = tpu.memref_squeeze %dma_start3A_13 : memref<1x128xi32, #tpu.memory_space<vmem>> -> memref<128xi32, #tpu.memory_space<vmem>>
    %dma_start3A_15 = arith.constant 0 : i32
    %dma_start3A_16 = arith.constant 0 : i32
    %dma_start3A_17 = tpu.memref_slice %arg2[%dma_start3A_15, %dma_start3A_16] : memref<20480x128xf32, #tpu.memory_space<hbm>> -> memref<20480x128xf32, #tpu.memory_space<hbm>>
    tpu.enqueue_indirect_dma source(%dma_start3A_17 : memref<20480x128xf32, #tpu.memory_space<hbm>>) target(%arg9 : memref<128x128xf32, #tpu.memory_space<vmem>>) offsets(%dma_start3A_14 : memref<128xi32, #tpu.memory_space<vmem>>) semaphore(%arg12 : memref<!tpu.dma_semaphore, #tpu.memory_space<semaphore_mem>>)
    %scan3A = arith.constant 0 : i32
    %scan3A_18 = arith.constant 0 : i32
    %scan3A_19 = arith.constant 20 : i32
    %scan3A_20 = arith.addi %scan3A_18, %scan3A_19 : i32
    %scan3A_21 = arith.constant 1 : i32
    %scan3A_22 = scf.for %scan3A_47 = %scan3A_18 to %scan3A_20 step %scan3A_21 iter_args(%scan3A_48 = %scan3A) -> (i32)  : i32 {
      %mul3A_49 = arith.constant 2 : i32
      %mul3A_50 = arith.muli %mul3A_49, %scan3A_47 : i32
      %add3A_51 = arith.constant 1 : i32
      %add3A_52 = arith.addi %mul3A_50, %add3A_51 : i32
      %dma_start3A_53 = arith.constant 0 : i32
      %dma_start3A_54 = tpu.memref_slice %arg7[%add3A_52, %dma_start3A_53] : memref<40x128xi32, #tpu.memory_space<vmem>> -> memref<1x128xi32, #tpu.memory_space<vmem>>
      %dma_start3A_55 = tpu.memref_squeeze %dma_start3A_54 : memref<1x128xi32, #tpu.memory_space<vmem>> -> memref<128xi32, #tpu.memory_space<vmem>>
      %dma_start3A_56 = arith.constant 0 : i32
      %dma_start3A_57 = arith.constant 0 : i32
      %dma_start3A_58 = tpu.memref_slice %arg2[%dma_start3A_56, %dma_start3A_57] : memref<20480x128xf32, #tpu.memory_space<hbm>> -> memref<20480x128xf32, #tpu.memory_space<hbm>>
      tpu.enqueue_indirect_dma source(%dma_start3A_58 : memref<20480x128xf32, #tpu.memory_space<hbm>>) target(%arg10 : memref<128x128xf32, #tpu.memory_space<vmem>>) offsets(%dma_start3A_55 : memref<128xi32, #tpu.memory_space<vmem>>) semaphore(%arg13 : memref<!tpu.dma_semaphore, #tpu.memory_space<semaphore_mem>>)
      %dma_wait3A = arith.constant 0 : i32
      %dma_wait3A_59 = tpu.memref_slice %arg7[%mul3A_50, %dma_wait3A] : memref<40x128xi32, #tpu.memory_space<vmem>> -> memref<1x128xi32, #tpu.memory_space<vmem>>
      %dma_wait3A_60 = tpu.memref_squeeze %dma_wait3A_59 : memref<1x128xi32, #tpu.memory_space<vmem>> -> memref<128xi32, #tpu.memory_space<vmem>>
      %dma_wait3A_61 = arith.constant 0 : i32
      %dma_wait3A_62 = arith.constant 0 : i32
      %dma_wait3A_63 = tpu.memref_slice %arg2[%dma_wait3A_61, %dma_wait3A_62] : memref<20480x128xf32, #tpu.memory_space<hbm>> -> memref<20480x128xf32, #tpu.memory_space<hbm>>
      tpu.wait_indirect_dma semaphore(%arg12 : memref<!tpu.dma_semaphore, #tpu.memory_space<semaphore_mem>>) src(%dma_wait3A_63 : memref<20480x128xf32, #tpu.memory_space<hbm>>) dst(%arg9 : memref<128x128xf32, #tpu.memory_space<vmem>>)
      "tpu.region"() ({
        %run_scoped3A = tpu.sem_alloc : memref<!tpu.dma_semaphore, #tpu.memory_space<semaphore_mem>>
        %dma_start3A_77 = arith.constant 0 : i32
        %dma_start3A_78 = tpu.memref_slice %arg8[%mul3A_50, %dma_start3A_77] : memref<40x128xi32, #tpu.memory_space<vmem>> -> memref<1x128xi32, #tpu.memory_space<vmem>>
        %dma_start3A_79 = tpu.memref_squeeze %dma_start3A_78 : memref<1x128xi32, #tpu.memory_space<vmem>> -> memref<128xi32, #tpu.memory_space<vmem>>
        %dma_start3A_80 = arith.constant 0 : i32
        %dma_start3A_81 = arith.constant 0 : i32
        %dma_start3A_82 = tpu.memref_slice %arg11[%dma_start3A_80, %dma_start3A_81] : memref<10112x128xf32, #tpu.memory_space<vmem_shared>> -> memref<10112x128xf32, #tpu.memory_space<vmem_shared>>
        tpu.enqueue_indirect_dma source(%arg9 : memref<128x128xf32, #tpu.memory_space<vmem>>) target(%dma_start3A_82 : memref<10112x128xf32, #tpu.memory_space<vmem_shared>>) offsets(%dma_start3A_79 : memref<128xi32, #tpu.memory_space<vmem>>) semaphore(%run_scoped3A : memref<!tpu.dma_semaphore, #tpu.memory_space<semaphore_mem>>) {add = true}
        %dma_wait3A_83 = arith.constant 0 : i32
        %dma_wait3A_84 = tpu.memref_slice %arg8[%mul3A_50, %dma_wait3A_83] : memref<40x128xi32, #tpu.memory_space<vmem>> -> memref<1x128xi32, #tpu.memory_space<vmem>>
        %dma_wait3A_85 = tpu.memref_squeeze %dma_wait3A_84 : memref<1x128xi32, #tpu.memory_space<vmem>> -> memref<128xi32, #tpu.memory_space<vmem>>
        %dma_wait3A_86 = arith.constant 0 : i32
        %dma_wait3A_87 = arith.constant 0 : i32
        %dma_wait3A_88 = tpu.memref_slice %arg11[%dma_wait3A_86, %dma_wait3A_87] : memref<10112x128xf32, #tpu.memory_space<vmem_shared>> -> memref<10112x128xf32, #tpu.memory_space<vmem_shared>>
        tpu.wait_indirect_dma semaphore(%run_scoped3A : memref<!tpu.dma_semaphore, #tpu.memory_space<semaphore_mem>>) src(%arg9 : memref<128x128xf32, #tpu.memory_space<vmem>>) dst(%dma_wait3A_88 : memref<10112x128xf32, #tpu.memory_space<vmem_shared>>)
        tpu.yield
      }) : () -> ()
      %lt3A = arith.constant 19 : i32
      %lt3A_64 = arith.cmpi slt, %scan3A_47, %lt3A : i32
      %convert_element_type3A = arith.extui %lt3A_64 : i1 to i32
      %cond3A = arith.constant 0 : i32
      %cond3A_65 = arith.cmpi ne, %convert_element_type3A, %cond3A : i32
      scf.if %cond3A_65 {
        %add3A_77 = arith.constant 2 : i32
        %add3A_78 = arith.addi %mul3A_50, %add3A_77 : i32
        %dma_start3A_79 = arith.constant 0 : i32
        %dma_start3A_80 = tpu.memref_slice %arg7[%add3A_78, %dma_start3A_79] : memref<40x128xi32, #tpu.memory_space<vmem>> -> memref<1x128xi32, #tpu.memory_space<vmem>>
        %dma_start3A_81 = tpu.memref_squeeze %dma_start3A_80 : memref<1x128xi32, #tpu.memory_space<vmem>> -> memref<128xi32, #tpu.memory_space<vmem>>
        %dma_start3A_82 = arith.constant 0 : i32
        %dma_start3A_83 = arith.constant 0 : i32
        %dma_start3A_84 = tpu.memref_slice %arg2[%dma_start3A_82, %dma_start3A_83] : memref<20480x128xf32, #tpu.memory_space<hbm>> -> memref<20480x128xf32, #tpu.memory_space<hbm>>
        tpu.enqueue_indirect_dma source(%dma_start3A_84 : memref<20480x128xf32, #tpu.memory_space<hbm>>) target(%arg9 : memref<128x128xf32, #tpu.memory_space<vmem>>) offsets(%dma_start3A_81 : memref<128xi32, #tpu.memory_space<vmem>>) semaphore(%arg12 : memref<!tpu.dma_semaphore, #tpu.memory_space<semaphore_mem>>)
      } else {
      }
      %add3A_66 = arith.constant 1 : i32
      %add3A_67 = arith.addi %mul3A_50, %add3A_66 : i32
      %dma_wait3A_68 = arith.constant 0 : i32
      %dma_wait3A_69 = tpu.memref_slice %arg7[%add3A_67, %dma_wait3A_68] : memref<40x128xi32, #tpu.memory_space<vmem>> -> memref<1x128xi32, #tpu.memory_space<vmem>>
      %dma_wait3A_70 = tpu.memref_squeeze %dma_wait3A_69 : memref<1x128xi32, #tpu.memory_space<vmem>> -> memref<128xi32, #tpu.memory_space<vmem>>
      %dma_wait3A_71 = arith.constant 0 : i32
      %dma_wait3A_72 = arith.constant 0 : i32
      %dma_wait3A_73 = tpu.memref_slice %arg2[%dma_wait3A_71, %dma_wait3A_72] : memref<20480x128xf32, #tpu.memory_space<hbm>> -> memref<20480x128xf32, #tpu.memory_space<hbm>>
      tpu.wait_indirect_dma semaphore(%arg13 : memref<!tpu.dma_semaphore, #tpu.memory_space<semaphore_mem>>) src(%dma_wait3A_73 : memref<20480x128xf32, #tpu.memory_space<hbm>>) dst(%arg10 : memref<128x128xf32, #tpu.memory_space<vmem>>)
      %add3A_74 = arith.constant 1 : i32
      %add3A_75 = arith.addi %mul3A_50, %add3A_74 : i32
      "tpu.region"() ({
        %run_scoped3A = tpu.sem_alloc : memref<!tpu.dma_semaphore, #tpu.memory_space<semaphore_mem>>
        %dma_start3A_77 = arith.constant 0 : i32
        %dma_start3A_78 = tpu.memref_slice %arg8[%add3A_75, %dma_start3A_77] : memref<40x128xi32, #tpu.memory_space<vmem>> -> memref<1x128xi32, #tpu.memory_space<vmem>>
        %dma_start3A_79 = tpu.memref_squeeze %dma_start3A_78 : memref<1x128xi32, #tpu.memory_space<vmem>> -> memref<128xi32, #tpu.memory_space<vmem>>
        %dma_start3A_80 = arith.constant 0 : i32
        %dma_start3A_81 = arith.constant 0 : i32
        %dma_start3A_82 = tpu.memref_slice %arg11[%dma_start3A_80, %dma_start3A_81] : memref<10112x128xf32, #tpu.memory_space<vmem_shared>> -> memref<10112x128xf32, #tpu.memory_space<vmem_shared>>
        tpu.enqueue_indirect_dma source(%arg10 : memref<128x128xf32, #tpu.memory_space<vmem>>) target(%dma_start3A_82 : memref<10112x128xf32, #tpu.memory_space<vmem_shared>>) offsets(%dma_start3A_79 : memref<128xi32, #tpu.memory_space<vmem>>) semaphore(%run_scoped3A : memref<!tpu.dma_semaphore, #tpu.memory_space<semaphore_mem>>) {add = true}
        %dma_wait3A_83 = arith.constant 0 : i32
        %dma_wait3A_84 = tpu.memref_slice %arg8[%add3A_75, %dma_wait3A_83] : memref<40x128xi32, #tpu.memory_space<vmem>> -> memref<1x128xi32, #tpu.memory_space<vmem>>
        %dma_wait3A_85 = tpu.memref_squeeze %dma_wait3A_84 : memref<1x128xi32, #tpu.memory_space<vmem>> -> memref<128xi32, #tpu.memory_space<vmem>>
        %dma_wait3A_86 = arith.constant 0 : i32
        %dma_wait3A_87 = arith.constant 0 : i32
        %dma_wait3A_88 = tpu.memref_slice %arg11[%dma_wait3A_86, %dma_wait3A_87] : memref<10112x128xf32, #tpu.memory_space<vmem_shared>> -> memref<10112x128xf32, #tpu.memory_space<vmem_shared>>
        tpu.wait_indirect_dma semaphore(%run_scoped3A : memref<!tpu.dma_semaphore, #tpu.memory_space<semaphore_mem>>) src(%arg10 : memref<128x128xf32, #tpu.memory_space<vmem>>) dst(%dma_wait3A_88 : memref<10112x128xf32, #tpu.memory_space<vmem_shared>>)
        tpu.yield
      }) : () -> ()
      %scan3A_76 = arith.constant 0 : i32
      scf.yield %scan3A_76 : i32
    }
    %scan3A_23 = arith.constant 20 : i32
    %mul3A_24 = arith.constant 80 : i32
    %mul3A_25 = arith.muli %arg1, %mul3A_24 : i32
    %add3A_26 = arith.constant 40 : i32
    %add3A_27 = arith.addi %mul3A_25, %add3A_26 : i32
    "tpu.region"() ({
      %run_scoped3A = tpu.sem_alloc : memref<!tpu.dma_semaphore, #tpu.memory_space<semaphore_mem>>
      %dma_start3A_47 = arith.constant 0 : i32
      %dma_start3A_48 = tpu.memref_slice %arg3[%add3A_3, %add3A_27, %dma_start3A_47] : memref<2x1280x128xi32, #tpu.memory_space<hbm>> -> memref<1x40x128xi32, #tpu.memory_space<hbm>>
      %dma_start3A_49 = tpu.memref_squeeze %dma_start3A_48 : memref<1x40x128xi32, #tpu.memory_space<hbm>> -> memref<40x128xi32, #tpu.memory_space<hbm>>
      %dma_start3A_50 = arith.constant 0 : i32
      %dma_start3A_51 = tpu.memref_slice %arg3[%add3A_3, %add3A_27, %dma_start3A_50] : memref<2x1280x128xi32, #tpu.memory_space<hbm>> -> memref<1x40x128xi32, #tpu.memory_space<hbm>>
      %dma_start3A_52 = tpu.memref_squeeze %dma_start3A_51 : memref<1x40x128xi32, #tpu.memory_space<hbm>> -> memref<40x128xi32, #tpu.memory_space<hbm>>
      tpu.enqueue_dma source(%dma_start3A_52 : memref<40x128xi32, #tpu.memory_space<hbm>>) target(%arg7 : memref<40x128xi32, #tpu.memory_space<vmem>>) target_semaphore(%run_scoped3A : memref<!tpu.dma_semaphore, #tpu.memory_space<semaphore_mem>>)
      %dma_wait3A = arith.constant 0 : i32
      %dma_wait3A_53 = tpu.memref_slice %arg3[%add3A_3, %add3A_27, %dma_wait3A] : memref<2x1280x128xi32, #tpu.memory_space<hbm>> -> memref<1x40x128xi32, #tpu.memory_space<hbm>>
      %dma_wait3A_54 = tpu.memref_squeeze %dma_wait3A_53 : memref<1x40x128xi32, #tpu.memory_space<hbm>> -> memref<40x128xi32, #tpu.memory_space<hbm>>
      %dma_wait3A_55 = arith.constant 0 : i32
      %dma_wait3A_56 = tpu.memref_slice %arg3[%add3A_3, %add3A_27, %dma_wait3A_55] : memref<2x1280x128xi32, #tpu.memory_space<hbm>> -> memref<1x40x128xi32, #tpu.memory_space<hbm>>
      %dma_wait3A_57 = tpu.memref_squeeze %dma_wait3A_56 : memref<1x40x128xi32, #tpu.memory_space<hbm>> -> memref<40x128xi32, #tpu.memory_space<hbm>>
      tpu.wait_dma2 semaphore(%run_scoped3A : memref<!tpu.dma_semaphore, #tpu.memory_space<semaphore_mem>>) src(%dma_wait3A_57 : memref<40x128xi32, #tpu.memory_space<hbm>>) dst(%arg7 : memref<40x128xi32, #tpu.memory_space<vmem>>)
      tpu.yield
    }) : () -> ()
    %mul3A_28 = arith.constant 80 : i32
    %mul3A_29 = arith.muli %arg1, %mul3A_28 : i32
    %add3A_30 = arith.constant 40 : i32
    %add3A_31 = arith.addi %mul3A_29, %add3A_30 : i32
    "tpu.region"() ({
      %run_scoped3A = tpu.sem_alloc : memref<!tpu.dma_semaphore, #tpu.memory_space<semaphore_mem>>
      %dma_start3A_47 = arith.constant 0 : i32
      %dma_start3A_48 = tpu.memref_slice %arg4[%add3A_31, %dma_start3A_47] : memref<1280x128xi32, #tpu.memory_space<hbm>> -> memref<40x128xi32, #tpu.memory_space<hbm>>
      %dma_start3A_49 = arith.constant 0 : i32
      %dma_start3A_50 = tpu.memref_slice %arg4[%add3A_31, %dma_start3A_49] : memref<1280x128xi32, #tpu.memory_space<hbm>> -> memref<40x128xi32, #tpu.memory_space<hbm>>
      tpu.enqueue_dma source(%dma_start3A_50 : memref<40x128xi32, #tpu.memory_space<hbm>>) target(%arg8 : memref<40x128xi32, #tpu.memory_space<vmem>>) target_semaphore(%run_scoped3A : memref<!tpu.dma_semaphore, #tpu.memory_space<semaphore_mem>>)
      %dma_wait3A = arith.constant 0 : i32
      %dma_wait3A_51 = tpu.memref_slice %arg4[%add3A_31, %dma_wait3A] : memref<1280x128xi32, #tpu.memory_space<hbm>> -> memref<40x128xi32, #tpu.memory_space<hbm>>
      %dma_wait3A_52 = arith.constant 0 : i32
      %dma_wait3A_53 = tpu.memref_slice %arg4[%add3A_31, %dma_wait3A_52] : memref<1280x128xi32, #tpu.memory_space<hbm>> -> memref<40x128xi32, #tpu.memory_space<hbm>>
      tpu.wait_dma2 semaphore(%run_scoped3A : memref<!tpu.dma_semaphore, #tpu.memory_space<semaphore_mem>>) src(%dma_wait3A_53 : memref<40x128xi32, #tpu.memory_space<hbm>>) dst(%arg8 : memref<40x128xi32, #tpu.memory_space<vmem>>)
      tpu.yield
    }) : () -> ()
    %dma_start3A_32 = arith.constant 0 : i32
    %dma_start3A_33 = arith.constant 0 : i32
    %dma_start3A_34 = tpu.memref_slice %arg7[%dma_start3A_32, %dma_start3A_33] : memref<40x128xi32, #tpu.memory_space<vmem>> -> memref<1x128xi32, #tpu.memory_space<vmem>>
    %dma_start3A_35 = tpu.memref_squeeze %dma_start3A_34 : memref<1x128xi32, #tpu.memory_space<vmem>> -> memref<128xi32, #tpu.memory_space<vmem>>
    %dma_start3A_36 = arith.constant 0 : i32
    %dma_start3A_37 = arith.constant 0 : i32
    %dma_start3A_38 = tpu.memref_slice %arg2[%dma_start3A_36, %dma_start3A_37] : memref<20480x128xf32, #tpu.memory_space<hbm>> -> memref<20480x128xf32, #tpu.memory_space<hbm>>
    tpu.enqueue_indirect_dma source(%dma_start3A_38 : memref<20480x128xf32, #tpu.memory_space<hbm>>) target(%arg9 : memref<128x128xf32, #tpu.memory_space<vmem>>) offsets(%dma_start3A_35 : memref<128xi32, #tpu.memory_space<vmem>>) semaphore(%arg12 : memref<!tpu.dma_semaphore, #tpu.memory_space<semaphore_mem>>)
    %scan3A_39 = arith.constant 0 : i32
    %scan3A_40 = arith.constant 0 : i32
    %scan3A_41 = arith.constant 20 : i32
    %scan3A_42 = arith.addi %scan3A_40, %scan3A_41 : i32
    %scan3A_43 = arith.constant 1 : i32
    %scan3A_44 = scf.for %scan3A_47 = %scan3A_40 to %scan3A_42 step %scan3A_43 iter_args(%scan3A_48 = %scan3A_39) -> (i32)  : i32 {
      %mul3A_49 = arith.constant 2 : i32
      %mul3A_50 = arith.muli %mul3A_49, %scan3A_47 : i32
      %add3A_51 = arith.constant 1 : i32
      %add3A_52 = arith.addi %mul3A_50, %add3A_51 : i32
      %dma_start3A_53 = arith.constant 0 : i32
      %dma_start3A_54 = tpu.memref_slice %arg7[%add3A_52, %dma_start3A_53] : memref<40x128xi32, #tpu.memory_space<vmem>> -> memref<1x128xi32, #tpu.memory_space<vmem>>
      %dma_start3A_55 = tpu.memref_squeeze %dma_start3A_54 : memref<1x128xi32, #tpu.memory_space<vmem>> -> memref<128xi32, #tpu.memory_space<vmem>>
      %dma_start3A_56 = arith.constant 0 : i32
      %dma_start3A_57 = arith.constant 0 : i32
      %dma_start3A_58 = tpu.memref_slice %arg2[%dma_start3A_56, %dma_start3A_57] : memref<20480x128xf32, #tpu.memory_space<hbm>> -> memref<20480x128xf32, #tpu.memory_space<hbm>>
      tpu.enqueue_indirect_dma source(%dma_start3A_58 : memref<20480x128xf32, #tpu.memory_space<hbm>>) target(%arg10 : memref<128x128xf32, #tpu.memory_space<vmem>>) offsets(%dma_start3A_55 : memref<128xi32, #tpu.memory_space<vmem>>) semaphore(%arg13 : memref<!tpu.dma_semaphore, #tpu.memory_space<semaphore_mem>>)
      %dma_wait3A = arith.constant 0 : i32
      %dma_wait3A_59 = tpu.memref_slice %arg7[%mul3A_50, %dma_wait3A] : memref<40x128xi32, #tpu.memory_space<vmem>> -> memref<1x128xi32, #tpu.memory_space<vmem>>
      %dma_wait3A_60 = tpu.memref_squeeze %dma_wait3A_59 : memref<1x128xi32, #tpu.memory_space<vmem>> -> memref<128xi32, #tpu.memory_space<vmem>>
      %dma_wait3A_61 = arith.constant 0 : i32
      %dma_wait3A_62 = arith.constant 0 : i32
      %dma_wait3A_63 = tpu.memref_slice %arg2[%dma_wait3A_61, %dma_wait3A_62] : memref<20480x128xf32, #tpu.memory_space<hbm>> -> memref<20480x128xf32, #tpu.memory_space<hbm>>
      tpu.wait_indirect_dma semaphore(%arg12 : memref<!tpu.dma_semaphore, #tpu.memory_space<semaphore_mem>>) src(%dma_wait3A_63 : memref<20480x128xf32, #tpu.memory_space<hbm>>) dst(%arg9 : memref<128x128xf32, #tpu.memory_space<vmem>>)
      "tpu.region"() ({
        %run_scoped3A = tpu.sem_alloc : memref<!tpu.dma_semaphore, #tpu.memory_space<semaphore_mem>>
        %dma_start3A_77 = arith.constant 0 : i32
        %dma_start3A_78 = tpu.memref_slice %arg8[%mul3A_50, %dma_start3A_77] : memref<40x128xi32, #tpu.memory_space<vmem>> -> memref<1x128xi32, #tpu.memory_space<vmem>>
        %dma_start3A_79 = tpu.memref_squeeze %dma_start3A_78 : memref<1x128xi32, #tpu.memory_space<vmem>> -> memref<128xi32, #tpu.memory_space<vmem>>
        %dma_start3A_80 = arith.constant 0 : i32
        %dma_start3A_81 = arith.constant 0 : i32
        %dma_start3A_82 = tpu.memref_slice %arg11[%dma_start3A_80, %dma_start3A_81] : memref<10112x128xf32, #tpu.memory_space<vmem_shared>> -> memref<10112x128xf32, #tpu.memory_space<vmem_shared>>
        tpu.enqueue_indirect_dma source(%arg9 : memref<128x128xf32, #tpu.memory_space<vmem>>) target(%dma_start3A_82 : memref<10112x128xf32, #tpu.memory_space<vmem_shared>>) offsets(%dma_start3A_79 : memref<128xi32, #tpu.memory_space<vmem>>) semaphore(%run_scoped3A : memref<!tpu.dma_semaphore, #tpu.memory_space<semaphore_mem>>) {add = true}
        %dma_wait3A_83 = arith.constant 0 : i32
        %dma_wait3A_84 = tpu.memref_slice %arg8[%mul3A_50, %dma_wait3A_83] : memref<40x128xi32, #tpu.memory_space<vmem>> -> memref<1x128xi32, #tpu.memory_space<vmem>>
        %dma_wait3A_85 = tpu.memref_squeeze %dma_wait3A_84 : memref<1x128xi32, #tpu.memory_space<vmem>> -> memref<128xi32, #tpu.memory_space<vmem>>
        %dma_wait3A_86 = arith.constant 0 : i32
        %dma_wait3A_87 = arith.constant 0 : i32
        %dma_wait3A_88 = tpu.memref_slice %arg11[%dma_wait3A_86, %dma_wait3A_87] : memref<10112x128xf32, #tpu.memory_space<vmem_shared>> -> memref<10112x128xf32, #tpu.memory_space<vmem_shared>>
        tpu.wait_indirect_dma semaphore(%run_scoped3A : memref<!tpu.dma_semaphore, #tpu.memory_space<semaphore_mem>>) src(%arg9 : memref<128x128xf32, #tpu.memory_space<vmem>>) dst(%dma_wait3A_88 : memref<10112x128xf32, #tpu.memory_space<vmem_shared>>)
        tpu.yield
      }) : () -> ()
      %lt3A = arith.constant 19 : i32
      %lt3A_64 = arith.cmpi slt, %scan3A_47, %lt3A : i32
      %convert_element_type3A = arith.extui %lt3A_64 : i1 to i32
      %cond3A = arith.constant 0 : i32
      %cond3A_65 = arith.cmpi ne, %convert_element_type3A, %cond3A : i32
      scf.if %cond3A_65 {
        %add3A_77 = arith.constant 2 : i32
        %add3A_78 = arith.addi %mul3A_50, %add3A_77 : i32
        %dma_start3A_79 = arith.constant 0 : i32
        %dma_start3A_80 = tpu.memref_slice %arg7[%add3A_78, %dma_start3A_79] : memref<40x128xi32, #tpu.memory_space<vmem>> -> memref<1x128xi32, #tpu.memory_space<vmem>>
        %dma_start3A_81 = tpu.memref_squeeze %dma_start3A_80 : memref<1x128xi32, #tpu.memory_space<vmem>> -> memref<128xi32, #tpu.memory_space<vmem>>
        %dma_start3A_82 = arith.constant 0 : i32
        %dma_start3A_83 = arith.constant 0 : i32
        %dma_start3A_84 = tpu.memref_slice %arg2[%dma_start3A_82, %dma_start3A_83] : memref<20480x128xf32, #tpu.memory_space<hbm>> -> memref<20480x128xf32, #tpu.memory_space<hbm>>
        tpu.enqueue_indirect_dma source(%dma_start3A_84 : memref<20480x128xf32, #tpu.memory_space<hbm>>) target(%arg9 : memref<128x128xf32, #tpu.memory_space<vmem>>) offsets(%dma_start3A_81 : memref<128xi32, #tpu.memory_space<vmem>>) semaphore(%arg12 : memref<!tpu.dma_semaphore, #tpu.memory_space<semaphore_mem>>)
      } else {
      }
      %add3A_66 = arith.constant 1 : i32
      %add3A_67 = arith.addi %mul3A_50, %add3A_66 : i32
      %dma_wait3A_68 = arith.constant 0 : i32
      %dma_wait3A_69 = tpu.memref_slice %arg7[%add3A_67, %dma_wait3A_68] : memref<40x128xi32, #tpu.memory_space<vmem>> -> memref<1x128xi32, #tpu.memory_space<vmem>>
      %dma_wait3A_70 = tpu.memref_squeeze %dma_wait3A_69 : memref<1x128xi32, #tpu.memory_space<vmem>> -> memref<128xi32, #tpu.memory_space<vmem>>
      %dma_wait3A_71 = arith.constant 0 : i32
      %dma_wait3A_72 = arith.constant 0 : i32
      %dma_wait3A_73 = tpu.memref_slice %arg2[%dma_wait3A_71, %dma_wait3A_72] : memref<20480x128xf32, #tpu.memory_space<hbm>> -> memref<20480x128xf32, #tpu.memory_space<hbm>>
      tpu.wait_indirect_dma semaphore(%arg13 : memref<!tpu.dma_semaphore, #tpu.memory_space<semaphore_mem>>) src(%dma_wait3A_73 : memref<20480x128xf32, #tpu.memory_space<hbm>>) dst(%arg10 : memref<128x128xf32, #tpu.memory_space<vmem>>)
      %add3A_74 = arith.constant 1 : i32
      %add3A_75 = arith.addi %mul3A_50, %add3A_74 : i32
      "tpu.region"() ({
        %run_scoped3A = tpu.sem_alloc : memref<!tpu.dma_semaphore, #tpu.memory_space<semaphore_mem>>
        %dma_start3A_77 = arith.constant 0 : i32
        %dma_start3A_78 = tpu.memref_slice %arg8[%add3A_75, %dma_start3A_77] : memref<40x128xi32, #tpu.memory_space<vmem>> -> memref<1x128xi32, #tpu.memory_space<vmem>>
        %dma_start3A_79 = tpu.memref_squeeze %dma_start3A_78 : memref<1x128xi32, #tpu.memory_space<vmem>> -> memref<128xi32, #tpu.memory_space<vmem>>
        %dma_start3A_80 = arith.constant 0 : i32
        %dma_start3A_81 = arith.constant 0 : i32
        %dma_start3A_82 = tpu.memref_slice %arg11[%dma_start3A_80, %dma_start3A_81] : memref<10112x128xf32, #tpu.memory_space<vmem_shared>> -> memref<10112x128xf32, #tpu.memory_space<vmem_shared>>
        tpu.enqueue_indirect_dma source(%arg10 : memref<128x128xf32, #tpu.memory_space<vmem>>) target(%dma_start3A_82 : memref<10112x128xf32, #tpu.memory_space<vmem_shared>>) offsets(%dma_start3A_79 : memref<128xi32, #tpu.memory_space<vmem>>) semaphore(%run_scoped3A : memref<!tpu.dma_semaphore, #tpu.memory_space<semaphore_mem>>) {add = true}
        %dma_wait3A_83 = arith.constant 0 : i32
        %dma_wait3A_84 = tpu.memref_slice %arg8[%add3A_75, %dma_wait3A_83] : memref<40x128xi32, #tpu.memory_space<vmem>> -> memref<1x128xi32, #tpu.memory_space<vmem>>
        %dma_wait3A_85 = tpu.memref_squeeze %dma_wait3A_84 : memref<1x128xi32, #tpu.memory_space<vmem>> -> memref<128xi32, #tpu.memory_space<vmem>>
        %dma_wait3A_86 = arith.constant 0 : i32
        %dma_wait3A_87 = arith.constant 0 : i32
        %dma_wait3A_88 = tpu.memref_slice %arg11[%dma_wait3A_86, %dma_wait3A_87] : memref<10112x128xf32, #tpu.memory_space<vmem_shared>> -> memref<10112x128xf32, #tpu.memory_space<vmem_shared>>
        tpu.wait_indirect_dma semaphore(%run_scoped3A : memref<!tpu.dma_semaphore, #tpu.memory_space<semaphore_mem>>) src(%arg10 : memref<128x128xf32, #tpu.memory_space<vmem>>) dst(%dma_wait3A_88 : memref<10112x128xf32, #tpu.memory_space<vmem_shared>>)
        tpu.yield
      }) : () -> ()
      %scan3A_76 = arith.constant 0 : i32
      scf.yield %scan3A_76 : i32
    }
    %scan3A_45 = arith.constant 20 : i32
    %barrier3A_46 = arith.constant 0 : index
    tpu.barrier barrier_id(%barrier3A_46)
    "tpu.region"() ({
      %run_scoped3A = tpu.sem_alloc : memref<!tpu.dma_semaphore, #tpu.memory_space<semaphore_mem>>
      %dma_start3A_47 = arith.constant 0 : i32
      %dma_start3A_48 = tpu.memref_slice %arg6[%add3A_3, %mul3A_0, %dma_start3A_47] : memref<2x10240x128xf32, #tpu.memory_space<hbm>> -> memref<1x632x128xf32, #tpu.memory_space<hbm>>
      %dma_start3A_49 = tpu.memref_squeeze %dma_start3A_48 : memref<1x632x128xf32, #tpu.memory_space<hbm>> -> memref<632x128xf32, #tpu.memory_space<hbm>>
      %dma_start3A_50 = arith.constant 0 : i32
      %dma_start3A_51 = tpu.memref_slice %arg11[%mul3A_0, %dma_start3A_50] : memref<10112x128xf32, #tpu.memory_space<vmem_shared>> -> memref<632x128xf32, #tpu.memory_space<vmem_shared>>
      tpu.enqueue_dma source(%dma_start3A_51 : memref<632x128xf32, #tpu.memory_space<vmem_shared>>) target(%dma_start3A_49 : memref<632x128xf32, #tpu.memory_space<hbm>>) target_semaphore(%run_scoped3A : memref<!tpu.dma_semaphore, #tpu.memory_space<semaphore_mem>>)
      %dma_wait3A = arith.constant 0 : i32
      %dma_wait3A_52 = tpu.memref_slice %arg6[%add3A_3, %mul3A_0, %dma_wait3A] : memref<2x10240x128xf32, #tpu.memory_space<hbm>> -> memref<1x632x128xf32, #tpu.memory_space<hbm>>
      %dma_wait3A_53 = tpu.memref_squeeze %dma_wait3A_52 : memref<1x632x128xf32, #tpu.memory_space<hbm>> -> memref<632x128xf32, #tpu.memory_space<hbm>>
      %dma_wait3A_54 = arith.constant 0 : i32
      %dma_wait3A_55 = tpu.memref_slice %arg11[%mul3A_0, %dma_wait3A_54] : memref<10112x128xf32, #tpu.memory_space<vmem_shared>> -> memref<632x128xf32, #tpu.memory_space<vmem_shared>>
      tpu.wait_dma2 semaphore(%run_scoped3A : memref<!tpu.dma_semaphore, #tpu.memory_space<semaphore_mem>>) src(%dma_wait3A_55 : memref<632x128xf32, #tpu.memory_space<vmem_shared>>) dst(%dma_wait3A_53 : memref<632x128xf32, #tpu.memory_space<hbm>>)
      tpu.yield
    }) : () -> ()
    return
  }
}

#map = affine_map<(d0, d1) -> (0, 0)>
#map1 = affine_map<(d0, d1) -> (0, 0, 0)>
module attributes {stable_mosaic.version = 14 : i64} {
  func.func @spmm(%arg0: i32, %arg1: i32, %arg2: memref<81920x128xf32, #tpu.memory_space<hbm>>, %arg3: memref<8x1280x128xi32, #tpu.memory_space<hbm>>, %arg4: memref<1280x128xi32, #tpu.memory_space<hbm>>, %arg5: memref<632x128xf32, #tpu.memory_space<hbm>>, %arg6: memref<8x10240x128xf32, #tpu.memory_space<hbm>>, %arg7: memref<40x128xi32, #tpu.memory_space<vmem>>, %arg8: memref<40x128xi32, #tpu.memory_space<vmem>>, %arg9: memref<128x128xf32, #tpu.memory_space<vmem>>, %arg10: memref<128x128xf32, #tpu.memory_space<vmem>>, %arg11: memref<10112x128xf32, #tpu.memory_space<vmem_shared>>, %arg12: memref<!tpu.dma_semaphore, #tpu.memory_space<semaphore_mem>>, %arg13: memref<!tpu.dma_semaphore, #tpu.memory_space<semaphore_mem>>) attributes {dimension_semantics = [#tpu.dimension_semantics<core_parallel>, #tpu.dimension_semantics<subcore_parallel>], iteration_bounds = array<i64: 2, 16>, scalar_prefetch = 0 : i64, scratch_operands = 7 : i64, tpu.core_type = #tpu.core_type<sc_vector_subcore>, window_params = [{transform_indices = #map}, {transform_indices = #map1}, {transform_indices = #map}, {transform_indices = #map}, {transform_indices = #map1}]} {
    %mul3A = arith.constant 632 : i32
    %mul3A_0 = arith.muli %arg1, %mul3A : i32
    %mul3A_1 = arith.constant 4 : i32
    %mul3A_2 = arith.muli %arg0, %mul3A_1 : i32
    %add3A = arith.constant 0 : i32
    %add3A_3 = arith.addi %mul3A_2, %add3A : i32
    "tpu.region"() ({
      %run_scoped3A = tpu.sem_alloc : memref<!tpu.dma_semaphore, #tpu.memory_space<semaphore_mem>>
      %dma_start3A_197 = arith.constant 0 : i32
      %dma_start3A_198 = tpu.memref_slice %arg11[%mul3A_0, %dma_start3A_197] : memref<10112x128xf32, #tpu.memory_space<vmem_shared>> -> memref<632x128xf32, #tpu.memory_space<vmem_shared>>
      tpu.enqueue_dma source(%arg5 : memref<632x128xf32, #tpu.memory_space<hbm>>) target(%dma_start3A_198 : memref<632x128xf32, #tpu.memory_space<vmem_shared>>) target_semaphore(%run_scoped3A : memref<!tpu.dma_semaphore, #tpu.memory_space<semaphore_mem>>)
      %dma_wait3A = arith.constant 0 : i32
      %dma_wait3A_199 = tpu.memref_slice %arg11[%mul3A_0, %dma_wait3A] : memref<10112x128xf32, #tpu.memory_space<vmem_shared>> -> memref<632x128xf32, #tpu.memory_space<vmem_shared>>
      tpu.wait_dma2 semaphore(%run_scoped3A : memref<!tpu.dma_semaphore, #tpu.memory_space<semaphore_mem>>) src(%arg5 : memref<632x128xf32, #tpu.memory_space<hbm>>) dst(%dma_wait3A_199 : memref<632x128xf32, #tpu.memory_space<vmem_shared>>)
      tpu.yield
    }) : () -> ()
    %barrier3A = arith.constant 0 : index
    tpu.barrier barrier_id(%barrier3A)
    %mul3A_4 = arith.constant 80 : i32
    %mul3A_5 = arith.muli %arg1, %mul3A_4 : i32
    %add3A_6 = arith.constant 0 : i32
    %add3A_7 = arith.addi %mul3A_5, %add3A_6 : i32
    "tpu.region"() ({
      %run_scoped3A = tpu.sem_alloc : memref<!tpu.dma_semaphore, #tpu.memory_space<semaphore_mem>>
      %dma_start3A_197 = arith.constant 0 : i32
      %dma_start3A_198 = tpu.memref_slice %arg3[%add3A_3, %add3A_7, %dma_start3A_197] : memref<8x1280x128xi32, #tpu.memory_space<hbm>> -> memref<1x40x128xi32, #tpu.memory_space<hbm>>
      %dma_start3A_199 = tpu.memref_squeeze %dma_start3A_198 : memref<1x40x128xi32, #tpu.memory_space<hbm>> -> memref<40x128xi32, #tpu.memory_space<hbm>>
      %dma_start3A_200 = arith.constant 0 : i32
      %dma_start3A_201 = tpu.memref_slice %arg3[%add3A_3, %add3A_7, %dma_start3A_200] : memref<8x1280x128xi32, #tpu.memory_space<hbm>> -> memref<1x40x128xi32, #tpu.memory_space<hbm>>
      %dma_start3A_202 = tpu.memref_squeeze %dma_start3A_201 : memref<1x40x128xi32, #tpu.memory_space<hbm>> -> memref<40x128xi32, #tpu.memory_space<hbm>>
      tpu.enqueue_dma source(%dma_start3A_202 : memref<40x128xi32, #tpu.memory_space<hbm>>) target(%arg7 : memref<40x128xi32, #tpu.memory_space<vmem>>) target_semaphore(%run_scoped3A : memref<!tpu.dma_semaphore, #tpu.memory_space<semaphore_mem>>)
      %dma_wait3A = arith.constant 0 : i32
      %dma_wait3A_203 = tpu.memref_slice %arg3[%add3A_3, %add3A_7, %dma_wait3A] : memref<8x1280x128xi32, #tpu.memory_space<hbm>> -> memref<1x40x128xi32, #tpu.memory_space<hbm>>
      %dma_wait3A_204 = tpu.memref_squeeze %dma_wait3A_203 : memref<1x40x128xi32, #tpu.memory_space<hbm>> -> memref<40x128xi32, #tpu.memory_space<hbm>>
      %dma_wait3A_205 = arith.constant 0 : i32
      %dma_wait3A_206 = tpu.memref_slice %arg3[%add3A_3, %add3A_7, %dma_wait3A_205] : memref<8x1280x128xi32, #tpu.memory_space<hbm>> -> memref<1x40x128xi32, #tpu.memory_space<hbm>>
      %dma_wait3A_207 = tpu.memref_squeeze %dma_wait3A_206 : memref<1x40x128xi32, #tpu.memory_space<hbm>> -> memref<40x128xi32, #tpu.memory_space<hbm>>
      tpu.wait_dma2 semaphore(%run_scoped3A : memref<!tpu.dma_semaphore, #tpu.memory_space<semaphore_mem>>) src(%dma_wait3A_207 : memref<40x128xi32, #tpu.memory_space<hbm>>) dst(%arg7 : memref<40x128xi32, #tpu.memory_space<vmem>>)
      tpu.yield
    }) : () -> ()
    %mul3A_8 = arith.constant 80 : i32
    %mul3A_9 = arith.muli %arg1, %mul3A_8 : i32
    %add3A_10 = arith.constant 0 : i32
    %add3A_11 = arith.addi %mul3A_9, %add3A_10 : i32
    "tpu.region"() ({
      %run_scoped3A = tpu.sem_alloc : memref<!tpu.dma_semaphore, #tpu.memory_space<semaphore_mem>>
      %dma_start3A_197 = arith.constant 0 : i32
      %dma_start3A_198 = tpu.memref_slice %arg4[%add3A_11, %dma_start3A_197] : memref<1280x128xi32, #tpu.memory_space<hbm>> -> memref<40x128xi32, #tpu.memory_space<hbm>>
      %dma_start3A_199 = arith.constant 0 : i32
      %dma_start3A_200 = tpu.memref_slice %arg4[%add3A_11, %dma_start3A_199] : memref<1280x128xi32, #tpu.memory_space<hbm>> -> memref<40x128xi32, #tpu.memory_space<hbm>>
      tpu.enqueue_dma source(%dma_start3A_200 : memref<40x128xi32, #tpu.memory_space<hbm>>) target(%arg8 : memref<40x128xi32, #tpu.memory_space<vmem>>) target_semaphore(%run_scoped3A : memref<!tpu.dma_semaphore, #tpu.memory_space<semaphore_mem>>)
      %dma_wait3A = arith.constant 0 : i32
      %dma_wait3A_201 = tpu.memref_slice %arg4[%add3A_11, %dma_wait3A] : memref<1280x128xi32, #tpu.memory_space<hbm>> -> memref<40x128xi32, #tpu.memory_space<hbm>>
      %dma_wait3A_202 = arith.constant 0 : i32
      %dma_wait3A_203 = tpu.memref_slice %arg4[%add3A_11, %dma_wait3A_202] : memref<1280x128xi32, #tpu.memory_space<hbm>> -> memref<40x128xi32, #tpu.memory_space<hbm>>
      tpu.wait_dma2 semaphore(%run_scoped3A : memref<!tpu.dma_semaphore, #tpu.memory_space<semaphore_mem>>) src(%dma_wait3A_203 : memref<40x128xi32, #tpu.memory_space<hbm>>) dst(%arg8 : memref<40x128xi32, #tpu.memory_space<vmem>>)
      tpu.yield
    }) : () -> ()
    %dma_start3A = arith.constant 0 : i32
    %dma_start3A_12 = arith.constant 0 : i32
    %dma_start3A_13 = tpu.memref_slice %arg7[%dma_start3A, %dma_start3A_12] : memref<40x128xi32, #tpu.memory_space<vmem>> -> memref<1x128xi32, #tpu.memory_space<vmem>>
    %dma_start3A_14 = tpu.memref_squeeze %dma_start3A_13 : memref<1x128xi32, #tpu.memory_space<vmem>> -> memref<128xi32, #tpu.memory_space<vmem>>
    %dma_start3A_15 = arith.constant 0 : i32
    %dma_start3A_16 = arith.constant 0 : i32
    %dma_start3A_17 = tpu.memref_slice %arg2[%dma_start3A_15, %dma_start3A_16] : memref<81920x128xf32, #tpu.memory_space<hbm>> -> memref<81920x128xf32, #tpu.memory_space<hbm>>
    tpu.enqueue_indirect_dma source(%dma_start3A_17 : memref<81920x128xf32, #tpu.memory_space<hbm>>) target(%arg9 : memref<128x128xf32, #tpu.memory_space<vmem>>) offsets(%dma_start3A_14 : memref<128xi32, #tpu.memory_space<vmem>>) semaphore(%arg12 : memref<!tpu.dma_semaphore, #tpu.memory_space<semaphore_mem>>)
    %scan3A = arith.constant 0 : i32
    %scan3A_18 = arith.constant 0 : i32
    %scan3A_19 = arith.constant 20 : i32
    %scan3A_20 = arith.addi %scan3A_18, %scan3A_19 : i32
    %scan3A_21 = arith.constant 1 : i32
    %scan3A_22 = scf.for %scan3A_197 = %scan3A_18 to %scan3A_20 step %scan3A_21 iter_args(%scan3A_198 = %scan3A) -> (i32)  : i32 {
      %mul3A_199 = arith.constant 2 : i32
      %mul3A_200 = arith.muli %mul3A_199, %scan3A_197 : i32
      %add3A_201 = arith.constant 1 : i32
      %add3A_202 = arith.addi %mul3A_200, %add3A_201 : i32
      %dma_start3A_203 = arith.constant 0 : i32
      %dma_start3A_204 = tpu.memref_slice %arg7[%add3A_202, %dma_start3A_203] : memref<40x128xi32, #tpu.memory_space<vmem>> -> memref<1x128xi32, #tpu.memory_space<vmem>>
      %dma_start3A_205 = tpu.memref_squeeze %dma_start3A_204 : memref<1x128xi32, #tpu.memory_space<vmem>> -> memref<128xi32, #tpu.memory_space<vmem>>
      %dma_start3A_206 = arith.constant 0 : i32
      %dma_start3A_207 = arith.constant 0 : i32
      %dma_start3A_208 = tpu.memref_slice %arg2[%dma_start3A_206, %dma_start3A_207] : memref<81920x128xf32, #tpu.memory_space<hbm>> -> memref<81920x128xf32, #tpu.memory_space<hbm>>
      tpu.enqueue_indirect_dma source(%dma_start3A_208 : memref<81920x128xf32, #tpu.memory_space<hbm>>) target(%arg10 : memref<128x128xf32, #tpu.memory_space<vmem>>) offsets(%dma_start3A_205 : memref<128xi32, #tpu.memory_space<vmem>>) semaphore(%arg13 : memref<!tpu.dma_semaphore, #tpu.memory_space<semaphore_mem>>)
      %dma_wait3A = arith.constant 0 : i32
      %dma_wait3A_209 = tpu.memref_slice %arg7[%mul3A_200, %dma_wait3A] : memref<40x128xi32, #tpu.memory_space<vmem>> -> memref<1x128xi32, #tpu.memory_space<vmem>>
      %dma_wait3A_210 = tpu.memref_squeeze %dma_wait3A_209 : memref<1x128xi32, #tpu.memory_space<vmem>> -> memref<128xi32, #tpu.memory_space<vmem>>
      %dma_wait3A_211 = arith.constant 0 : i32
      %dma_wait3A_212 = arith.constant 0 : i32
      %dma_wait3A_213 = tpu.memref_slice %arg2[%dma_wait3A_211, %dma_wait3A_212] : memref<81920x128xf32, #tpu.memory_space<hbm>> -> memref<81920x128xf32, #tpu.memory_space<hbm>>
      tpu.wait_indirect_dma semaphore(%arg12 : memref<!tpu.dma_semaphore, #tpu.memory_space<semaphore_mem>>) src(%dma_wait3A_213 : memref<81920x128xf32, #tpu.memory_space<hbm>>) dst(%arg9 : memref<128x128xf32, #tpu.memory_space<vmem>>)
      "tpu.region"() ({
        %run_scoped3A = tpu.sem_alloc : memref<!tpu.dma_semaphore, #tpu.memory_space<semaphore_mem>>
        %dma_start3A_227 = arith.constant 0 : i32
        %dma_start3A_228 = tpu.memref_slice %arg8[%mul3A_200, %dma_start3A_227] : memref<40x128xi32, #tpu.memory_space<vmem>> -> memref<1x128xi32, #tpu.memory_space<vmem>>
        %dma_start3A_229 = tpu.memref_squeeze %dma_start3A_228 : memref<1x128xi32, #tpu.memory_space<vmem>> -> memref<128xi32, #tpu.memory_space<vmem>>
        %dma_start3A_230 = arith.constant 0 : i32
        %dma_start3A_231 = arith.constant 0 : i32
        %dma_start3A_232 = tpu.memref_slice %arg11[%dma_start3A_230, %dma_start3A_231] : memref<10112x128xf32, #tpu.memory_space<vmem_shared>> -> memref<10112x128xf32, #tpu.memory_space<vmem_shared>>
        tpu.enqueue_indirect_dma source(%arg9 : memref<128x128xf32, #tpu.memory_space<vmem>>) target(%dma_start3A_232 : memref<10112x128xf32, #tpu.memory_space<vmem_shared>>) offsets(%dma_start3A_229 : memref<128xi32, #tpu.memory_space<vmem>>) semaphore(%run_scoped3A : memref<!tpu.dma_semaphore, #tpu.memory_space<semaphore_mem>>) {add = true}
        %dma_wait3A_233 = arith.constant 0 : i32
        %dma_wait3A_234 = tpu.memref_slice %arg8[%mul3A_200, %dma_wait3A_233] : memref<40x128xi32, #tpu.memory_space<vmem>> -> memref<1x128xi32, #tpu.memory_space<vmem>>
        %dma_wait3A_235 = tpu.memref_squeeze %dma_wait3A_234 : memref<1x128xi32, #tpu.memory_space<vmem>> -> memref<128xi32, #tpu.memory_space<vmem>>
        %dma_wait3A_236 = arith.constant 0 : i32
        %dma_wait3A_237 = arith.constant 0 : i32
        %dma_wait3A_238 = tpu.memref_slice %arg11[%dma_wait3A_236, %dma_wait3A_237] : memref<10112x128xf32, #tpu.memory_space<vmem_shared>> -> memref<10112x128xf32, #tpu.memory_space<vmem_shared>>
        tpu.wait_indirect_dma semaphore(%run_scoped3A : memref<!tpu.dma_semaphore, #tpu.memory_space<semaphore_mem>>) src(%arg9 : memref<128x128xf32, #tpu.memory_space<vmem>>) dst(%dma_wait3A_238 : memref<10112x128xf32, #tpu.memory_space<vmem_shared>>)
        tpu.yield
      }) : () -> ()
      %lt3A = arith.constant 19 : i32
      %lt3A_214 = arith.cmpi slt, %scan3A_197, %lt3A : i32
      %convert_element_type3A = arith.extui %lt3A_214 : i1 to i32
      %cond3A = arith.constant 0 : i32
      %cond3A_215 = arith.cmpi ne, %convert_element_type3A, %cond3A : i32
      scf.if %cond3A_215 {
        %add3A_227 = arith.constant 2 : i32
        %add3A_228 = arith.addi %mul3A_200, %add3A_227 : i32
        %dma_start3A_229 = arith.constant 0 : i32
        %dma_start3A_230 = tpu.memref_slice %arg7[%add3A_228, %dma_start3A_229] : memref<40x128xi32, #tpu.memory_space<vmem>> -> memref<1x128xi32, #tpu.memory_space<vmem>>
        %dma_start3A_231 = tpu.memref_squeeze %dma_start3A_230 : memref<1x128xi32, #tpu.memory_space<vmem>> -> memref<128xi32, #tpu.memory_space<vmem>>
        %dma_start3A_232 = arith.constant 0 : i32
        %dma_start3A_233 = arith.constant 0 : i32
        %dma_start3A_234 = tpu.memref_slice %arg2[%dma_start3A_232, %dma_start3A_233] : memref<81920x128xf32, #tpu.memory_space<hbm>> -> memref<81920x128xf32, #tpu.memory_space<hbm>>
        tpu.enqueue_indirect_dma source(%dma_start3A_234 : memref<81920x128xf32, #tpu.memory_space<hbm>>) target(%arg9 : memref<128x128xf32, #tpu.memory_space<vmem>>) offsets(%dma_start3A_231 : memref<128xi32, #tpu.memory_space<vmem>>) semaphore(%arg12 : memref<!tpu.dma_semaphore, #tpu.memory_space<semaphore_mem>>)
      } else {
      }
      %add3A_216 = arith.constant 1 : i32
      %add3A_217 = arith.addi %mul3A_200, %add3A_216 : i32
      %dma_wait3A_218 = arith.constant 0 : i32
      %dma_wait3A_219 = tpu.memref_slice %arg7[%add3A_217, %dma_wait3A_218] : memref<40x128xi32, #tpu.memory_space<vmem>> -> memref<1x128xi32, #tpu.memory_space<vmem>>
      %dma_wait3A_220 = tpu.memref_squeeze %dma_wait3A_219 : memref<1x128xi32, #tpu.memory_space<vmem>> -> memref<128xi32, #tpu.memory_space<vmem>>
      %dma_wait3A_221 = arith.constant 0 : i32
      %dma_wait3A_222 = arith.constant 0 : i32
      %dma_wait3A_223 = tpu.memref_slice %arg2[%dma_wait3A_221, %dma_wait3A_222] : memref<81920x128xf32, #tpu.memory_space<hbm>> -> memref<81920x128xf32, #tpu.memory_space<hbm>>
      tpu.wait_indirect_dma semaphore(%arg13 : memref<!tpu.dma_semaphore, #tpu.memory_space<semaphore_mem>>) src(%dma_wait3A_223 : memref<81920x128xf32, #tpu.memory_space<hbm>>) dst(%arg10 : memref<128x128xf32, #tpu.memory_space<vmem>>)
      %add3A_224 = arith.constant 1 : i32
      %add3A_225 = arith.addi %mul3A_200, %add3A_224 : i32
      "tpu.region"() ({
        %run_scoped3A = tpu.sem_alloc : memref<!tpu.dma_semaphore, #tpu.memory_space<semaphore_mem>>
        %dma_start3A_227 = arith.constant 0 : i32
        %dma_start3A_228 = tpu.memref_slice %arg8[%add3A_225, %dma_start3A_227] : memref<40x128xi32, #tpu.memory_space<vmem>> -> memref<1x128xi32, #tpu.memory_space<vmem>>
        %dma_start3A_229 = tpu.memref_squeeze %dma_start3A_228 : memref<1x128xi32, #tpu.memory_space<vmem>> -> memref<128xi32, #tpu.memory_space<vmem>>
        %dma_start3A_230 = arith.constant 0 : i32
        %dma_start3A_231 = arith.constant 0 : i32
        %dma_start3A_232 = tpu.memref_slice %arg11[%dma_start3A_230, %dma_start3A_231] : memref<10112x128xf32, #tpu.memory_space<vmem_shared>> -> memref<10112x128xf32, #tpu.memory_space<vmem_shared>>
        tpu.enqueue_indirect_dma source(%arg10 : memref<128x128xf32, #tpu.memory_space<vmem>>) target(%dma_start3A_232 : memref<10112x128xf32, #tpu.memory_space<vmem_shared>>) offsets(%dma_start3A_229 : memref<128xi32, #tpu.memory_space<vmem>>) semaphore(%run_scoped3A : memref<!tpu.dma_semaphore, #tpu.memory_space<semaphore_mem>>) {add = true}
        %dma_wait3A_233 = arith.constant 0 : i32
        %dma_wait3A_234 = tpu.memref_slice %arg8[%add3A_225, %dma_wait3A_233] : memref<40x128xi32, #tpu.memory_space<vmem>> -> memref<1x128xi32, #tpu.memory_space<vmem>>
        %dma_wait3A_235 = tpu.memref_squeeze %dma_wait3A_234 : memref<1x128xi32, #tpu.memory_space<vmem>> -> memref<128xi32, #tpu.memory_space<vmem>>
        %dma_wait3A_236 = arith.constant 0 : i32
        %dma_wait3A_237 = arith.constant 0 : i32
        %dma_wait3A_238 = tpu.memref_slice %arg11[%dma_wait3A_236, %dma_wait3A_237] : memref<10112x128xf32, #tpu.memory_space<vmem_shared>> -> memref<10112x128xf32, #tpu.memory_space<vmem_shared>>
        tpu.wait_indirect_dma semaphore(%run_scoped3A : memref<!tpu.dma_semaphore, #tpu.memory_space<semaphore_mem>>) src(%arg10 : memref<128x128xf32, #tpu.memory_space<vmem>>) dst(%dma_wait3A_238 : memref<10112x128xf32, #tpu.memory_space<vmem_shared>>)
        tpu.yield
      }) : () -> ()
      %scan3A_226 = arith.constant 0 : i32
      scf.yield %scan3A_226 : i32
    }
    %scan3A_23 = arith.constant 20 : i32
    %mul3A_24 = arith.constant 80 : i32
    %mul3A_25 = arith.muli %arg1, %mul3A_24 : i32
    %add3A_26 = arith.constant 40 : i32
    %add3A_27 = arith.addi %mul3A_25, %add3A_26 : i32
    "tpu.region"() ({
      %run_scoped3A = tpu.sem_alloc : memref<!tpu.dma_semaphore, #tpu.memory_space<semaphore_mem>>
      %dma_start3A_197 = arith.constant 0 : i32
      %dma_start3A_198 = tpu.memref_slice %arg3[%add3A_3, %add3A_27, %dma_start3A_197] : memref<8x1280x128xi32, #tpu.memory_space<hbm>> -> memref<1x40x128xi32, #tpu.memory_space<hbm>>
      %dma_start3A_199 = tpu.memref_squeeze %dma_start3A_198 : memref<1x40x128xi32, #tpu.memory_space<hbm>> -> memref<40x128xi32, #tpu.memory_space<hbm>>
      %dma_start3A_200 = arith.constant 0 : i32
      %dma_start3A_201 = tpu.memref_slice %arg3[%add3A_3, %add3A_27, %dma_start3A_200] : memref<8x1280x128xi32, #tpu.memory_space<hbm>> -> memref<1x40x128xi32, #tpu.memory_space<hbm>>
      %dma_start3A_202 = tpu.memref_squeeze %dma_start3A_201 : memref<1x40x128xi32, #tpu.memory_space<hbm>> -> memref<40x128xi32, #tpu.memory_space<hbm>>
      tpu.enqueue_dma source(%dma_start3A_202 : memref<40x128xi32, #tpu.memory_space<hbm>>) target(%arg7 : memref<40x128xi32, #tpu.memory_space<vmem>>) target_semaphore(%run_scoped3A : memref<!tpu.dma_semaphore, #tpu.memory_space<semaphore_mem>>)
      %dma_wait3A = arith.constant 0 : i32
      %dma_wait3A_203 = tpu.memref_slice %arg3[%add3A_3, %add3A_27, %dma_wait3A] : memref<8x1280x128xi32, #tpu.memory_space<hbm>> -> memref<1x40x128xi32, #tpu.memory_space<hbm>>
      %dma_wait3A_204 = tpu.memref_squeeze %dma_wait3A_203 : memref<1x40x128xi32, #tpu.memory_space<hbm>> -> memref<40x128xi32, #tpu.memory_space<hbm>>
      %dma_wait3A_205 = arith.constant 0 : i32
      %dma_wait3A_206 = tpu.memref_slice %arg3[%add3A_3, %add3A_27, %dma_wait3A_205] : memref<8x1280x128xi32, #tpu.memory_space<hbm>> -> memref<1x40x128xi32, #tpu.memory_space<hbm>>
      %dma_wait3A_207 = tpu.memref_squeeze %dma_wait3A_206 : memref<1x40x128xi32, #tpu.memory_space<hbm>> -> memref<40x128xi32, #tpu.memory_space<hbm>>
      tpu.wait_dma2 semaphore(%run_scoped3A : memref<!tpu.dma_semaphore, #tpu.memory_space<semaphore_mem>>) src(%dma_wait3A_207 : memref<40x128xi32, #tpu.memory_space<hbm>>) dst(%arg7 : memref<40x128xi32, #tpu.memory_space<vmem>>)
      tpu.yield
    }) : () -> ()
    %mul3A_28 = arith.constant 80 : i32
    %mul3A_29 = arith.muli %arg1, %mul3A_28 : i32
    %add3A_30 = arith.constant 40 : i32
    %add3A_31 = arith.addi %mul3A_29, %add3A_30 : i32
    "tpu.region"() ({
      %run_scoped3A = tpu.sem_alloc : memref<!tpu.dma_semaphore, #tpu.memory_space<semaphore_mem>>
      %dma_start3A_197 = arith.constant 0 : i32
      %dma_start3A_198 = tpu.memref_slice %arg4[%add3A_31, %dma_start3A_197] : memref<1280x128xi32, #tpu.memory_space<hbm>> -> memref<40x128xi32, #tpu.memory_space<hbm>>
      %dma_start3A_199 = arith.constant 0 : i32
      %dma_start3A_200 = tpu.memref_slice %arg4[%add3A_31, %dma_start3A_199] : memref<1280x128xi32, #tpu.memory_space<hbm>> -> memref<40x128xi32, #tpu.memory_space<hbm>>
      tpu.enqueue_dma source(%dma_start3A_200 : memref<40x128xi32, #tpu.memory_space<hbm>>) target(%arg8 : memref<40x128xi32, #tpu.memory_space<vmem>>) target_semaphore(%run_scoped3A : memref<!tpu.dma_semaphore, #tpu.memory_space<semaphore_mem>>)
      %dma_wait3A = arith.constant 0 : i32
      %dma_wait3A_201 = tpu.memref_slice %arg4[%add3A_31, %dma_wait3A] : memref<1280x128xi32, #tpu.memory_space<hbm>> -> memref<40x128xi32, #tpu.memory_space<hbm>>
      %dma_wait3A_202 = arith.constant 0 : i32
      %dma_wait3A_203 = tpu.memref_slice %arg4[%add3A_31, %dma_wait3A_202] : memref<1280x128xi32, #tpu.memory_space<hbm>> -> memref<40x128xi32, #tpu.memory_space<hbm>>
      tpu.wait_dma2 semaphore(%run_scoped3A : memref<!tpu.dma_semaphore, #tpu.memory_space<semaphore_mem>>) src(%dma_wait3A_203 : memref<40x128xi32, #tpu.memory_space<hbm>>) dst(%arg8 : memref<40x128xi32, #tpu.memory_space<vmem>>)
      tpu.yield
    }) : () -> ()
    %dma_start3A_32 = arith.constant 0 : i32
    %dma_start3A_33 = arith.constant 0 : i32
    %dma_start3A_34 = tpu.memref_slice %arg7[%dma_start3A_32, %dma_start3A_33] : memref<40x128xi32, #tpu.memory_space<vmem>> -> memref<1x128xi32, #tpu.memory_space<vmem>>
    %dma_start3A_35 = tpu.memref_squeeze %dma_start3A_34 : memref<1x128xi32, #tpu.memory_space<vmem>> -> memref<128xi32, #tpu.memory_space<vmem>>
    %dma_start3A_36 = arith.constant 0 : i32
    %dma_start3A_37 = arith.constant 0 : i32
    %dma_start3A_38 = tpu.memref_slice %arg2[%dma_start3A_36, %dma_start3A_37] : memref<81920x128xf32, #tpu.memory_space<hbm>> -> memref<81920x128xf32, #tpu.memory_space<hbm>>
    tpu.enqueue_indirect_dma source(%dma_start3A_38 : memref<81920x128xf32, #tpu.memory_space<hbm>>) target(%arg9 : memref<128x128xf32, #tpu.memory_space<vmem>>) offsets(%dma_start3A_35 : memref<128xi32, #tpu.memory_space<vmem>>) semaphore(%arg12 : memref<!tpu.dma_semaphore, #tpu.memory_space<semaphore_mem>>)
    %scan3A_39 = arith.constant 0 : i32
    %scan3A_40 = arith.constant 0 : i32
    %scan3A_41 = arith.constant 20 : i32
    %scan3A_42 = arith.addi %scan3A_40, %scan3A_41 : i32
    %scan3A_43 = arith.constant 1 : i32
    %scan3A_44 = scf.for %scan3A_197 = %scan3A_40 to %scan3A_42 step %scan3A_43 iter_args(%scan3A_198 = %scan3A_39) -> (i32)  : i32 {
      %mul3A_199 = arith.constant 2 : i32
      %mul3A_200 = arith.muli %mul3A_199, %scan3A_197 : i32
      %add3A_201 = arith.constant 1 : i32
      %add3A_202 = arith.addi %mul3A_200, %add3A_201 : i32
      %dma_start3A_203 = arith.constant 0 : i32
      %dma_start3A_204 = tpu.memref_slice %arg7[%add3A_202, %dma_start3A_203] : memref<40x128xi32, #tpu.memory_space<vmem>> -> memref<1x128xi32, #tpu.memory_space<vmem>>
      %dma_start3A_205 = tpu.memref_squeeze %dma_start3A_204 : memref<1x128xi32, #tpu.memory_space<vmem>> -> memref<128xi32, #tpu.memory_space<vmem>>
      %dma_start3A_206 = arith.constant 0 : i32
      %dma_start3A_207 = arith.constant 0 : i32
      %dma_start3A_208 = tpu.memref_slice %arg2[%dma_start3A_206, %dma_start3A_207] : memref<81920x128xf32, #tpu.memory_space<hbm>> -> memref<81920x128xf32, #tpu.memory_space<hbm>>
      tpu.enqueue_indirect_dma source(%dma_start3A_208 : memref<81920x128xf32, #tpu.memory_space<hbm>>) target(%arg10 : memref<128x128xf32, #tpu.memory_space<vmem>>) offsets(%dma_start3A_205 : memref<128xi32, #tpu.memory_space<vmem>>) semaphore(%arg13 : memref<!tpu.dma_semaphore, #tpu.memory_space<semaphore_mem>>)
      %dma_wait3A = arith.constant 0 : i32
      %dma_wait3A_209 = tpu.memref_slice %arg7[%mul3A_200, %dma_wait3A] : memref<40x128xi32, #tpu.memory_space<vmem>> -> memref<1x128xi32, #tpu.memory_space<vmem>>
      %dma_wait3A_210 = tpu.memref_squeeze %dma_wait3A_209 : memref<1x128xi32, #tpu.memory_space<vmem>> -> memref<128xi32, #tpu.memory_space<vmem>>
      %dma_wait3A_211 = arith.constant 0 : i32
      %dma_wait3A_212 = arith.constant 0 : i32
      %dma_wait3A_213 = tpu.memref_slice %arg2[%dma_wait3A_211, %dma_wait3A_212] : memref<81920x128xf32, #tpu.memory_space<hbm>> -> memref<81920x128xf32, #tpu.memory_space<hbm>>
      tpu.wait_indirect_dma semaphore(%arg12 : memref<!tpu.dma_semaphore, #tpu.memory_space<semaphore_mem>>) src(%dma_wait3A_213 : memref<81920x128xf32, #tpu.memory_space<hbm>>) dst(%arg9 : memref<128x128xf32, #tpu.memory_space<vmem>>)
      "tpu.region"() ({
        %run_scoped3A = tpu.sem_alloc : memref<!tpu.dma_semaphore, #tpu.memory_space<semaphore_mem>>
        %dma_start3A_227 = arith.constant 0 : i32
        %dma_start3A_228 = tpu.memref_slice %arg8[%mul3A_200, %dma_start3A_227] : memref<40x128xi32, #tpu.memory_space<vmem>> -> memref<1x128xi32, #tpu.memory_space<vmem>>
        %dma_start3A_229 = tpu.memref_squeeze %dma_start3A_228 : memref<1x128xi32, #tpu.memory_space<vmem>> -> memref<128xi32, #tpu.memory_space<vmem>>
        %dma_start3A_230 = arith.constant 0 : i32
        %dma_start3A_231 = arith.constant 0 : i32
        %dma_start3A_232 = tpu.memref_slice %arg11[%dma_start3A_230, %dma_start3A_231] : memref<10112x128xf32, #tpu.memory_space<vmem_shared>> -> memref<10112x128xf32, #tpu.memory_space<vmem_shared>>
        tpu.enqueue_indirect_dma source(%arg9 : memref<128x128xf32, #tpu.memory_space<vmem>>) target(%dma_start3A_232 : memref<10112x128xf32, #tpu.memory_space<vmem_shared>>) offsets(%dma_start3A_229 : memref<128xi32, #tpu.memory_space<vmem>>) semaphore(%run_scoped3A : memref<!tpu.dma_semaphore, #tpu.memory_space<semaphore_mem>>) {add = true}
        %dma_wait3A_233 = arith.constant 0 : i32
        %dma_wait3A_234 = tpu.memref_slice %arg8[%mul3A_200, %dma_wait3A_233] : memref<40x128xi32, #tpu.memory_space<vmem>> -> memref<1x128xi32, #tpu.memory_space<vmem>>
        %dma_wait3A_235 = tpu.memref_squeeze %dma_wait3A_234 : memref<1x128xi32, #tpu.memory_space<vmem>> -> memref<128xi32, #tpu.memory_space<vmem>>
        %dma_wait3A_236 = arith.constant 0 : i32
        %dma_wait3A_237 = arith.constant 0 : i32
        %dma_wait3A_238 = tpu.memref_slice %arg11[%dma_wait3A_236, %dma_wait3A_237] : memref<10112x128xf32, #tpu.memory_space<vmem_shared>> -> memref<10112x128xf32, #tpu.memory_space<vmem_shared>>
        tpu.wait_indirect_dma semaphore(%run_scoped3A : memref<!tpu.dma_semaphore, #tpu.memory_space<semaphore_mem>>) src(%arg9 : memref<128x128xf32, #tpu.memory_space<vmem>>) dst(%dma_wait3A_238 : memref<10112x128xf32, #tpu.memory_space<vmem_shared>>)
        tpu.yield
      }) : () -> ()
      %lt3A = arith.constant 19 : i32
      %lt3A_214 = arith.cmpi slt, %scan3A_197, %lt3A : i32
      %convert_element_type3A = arith.extui %lt3A_214 : i1 to i32
      %cond3A = arith.constant 0 : i32
      %cond3A_215 = arith.cmpi ne, %convert_element_type3A, %cond3A : i32
      scf.if %cond3A_215 {
        %add3A_227 = arith.constant 2 : i32
        %add3A_228 = arith.addi %mul3A_200, %add3A_227 : i32
        %dma_start3A_229 = arith.constant 0 : i32
        %dma_start3A_230 = tpu.memref_slice %arg7[%add3A_228, %dma_start3A_229] : memref<40x128xi32, #tpu.memory_space<vmem>> -> memref<1x128xi32, #tpu.memory_space<vmem>>
        %dma_start3A_231 = tpu.memref_squeeze %dma_start3A_230 : memref<1x128xi32, #tpu.memory_space<vmem>> -> memref<128xi32, #tpu.memory_space<vmem>>
        %dma_start3A_232 = arith.constant 0 : i32
        %dma_start3A_233 = arith.constant 0 : i32
        %dma_start3A_234 = tpu.memref_slice %arg2[%dma_start3A_232, %dma_start3A_233] : memref<81920x128xf32, #tpu.memory_space<hbm>> -> memref<81920x128xf32, #tpu.memory_space<hbm>>
        tpu.enqueue_indirect_dma source(%dma_start3A_234 : memref<81920x128xf32, #tpu.memory_space<hbm>>) target(%arg9 : memref<128x128xf32, #tpu.memory_space<vmem>>) offsets(%dma_start3A_231 : memref<128xi32, #tpu.memory_space<vmem>>) semaphore(%arg12 : memref<!tpu.dma_semaphore, #tpu.memory_space<semaphore_mem>>)
      } else {
      }
      %add3A_216 = arith.constant 1 : i32
      %add3A_217 = arith.addi %mul3A_200, %add3A_216 : i32
      %dma_wait3A_218 = arith.constant 0 : i32
      %dma_wait3A_219 = tpu.memref_slice %arg7[%add3A_217, %dma_wait3A_218] : memref<40x128xi32, #tpu.memory_space<vmem>> -> memref<1x128xi32, #tpu.memory_space<vmem>>
      %dma_wait3A_220 = tpu.memref_squeeze %dma_wait3A_219 : memref<1x128xi32, #tpu.memory_space<vmem>> -> memref<128xi32, #tpu.memory_space<vmem>>
      %dma_wait3A_221 = arith.constant 0 : i32
      %dma_wait3A_222 = arith.constant 0 : i32
      %dma_wait3A_223 = tpu.memref_slice %arg2[%dma_wait3A_221, %dma_wait3A_222] : memref<81920x128xf32, #tpu.memory_space<hbm>> -> memref<81920x128xf32, #tpu.memory_space<hbm>>
      tpu.wait_indirect_dma semaphore(%arg13 : memref<!tpu.dma_semaphore, #tpu.memory_space<semaphore_mem>>) src(%dma_wait3A_223 : memref<81920x128xf32, #tpu.memory_space<hbm>>) dst(%arg10 : memref<128x128xf32, #tpu.memory_space<vmem>>)
      %add3A_224 = arith.constant 1 : i32
      %add3A_225 = arith.addi %mul3A_200, %add3A_224 : i32
      "tpu.region"() ({
        %run_scoped3A = tpu.sem_alloc : memref<!tpu.dma_semaphore, #tpu.memory_space<semaphore_mem>>
        %dma_start3A_227 = arith.constant 0 : i32
        %dma_start3A_228 = tpu.memref_slice %arg8[%add3A_225, %dma_start3A_227] : memref<40x128xi32, #tpu.memory_space<vmem>> -> memref<1x128xi32, #tpu.memory_space<vmem>>
        %dma_start3A_229 = tpu.memref_squeeze %dma_start3A_228 : memref<1x128xi32, #tpu.memory_space<vmem>> -> memref<128xi32, #tpu.memory_space<vmem>>
        %dma_start3A_230 = arith.constant 0 : i32
        %dma_start3A_231 = arith.constant 0 : i32
        %dma_start3A_232 = tpu.memref_slice %arg11[%dma_start3A_230, %dma_start3A_231] : memref<10112x128xf32, #tpu.memory_space<vmem_shared>> -> memref<10112x128xf32, #tpu.memory_space<vmem_shared>>
        tpu.enqueue_indirect_dma source(%arg10 : memref<128x128xf32, #tpu.memory_space<vmem>>) target(%dma_start3A_232 : memref<10112x128xf32, #tpu.memory_space<vmem_shared>>) offsets(%dma_start3A_229 : memref<128xi32, #tpu.memory_space<vmem>>) semaphore(%run_scoped3A : memref<!tpu.dma_semaphore, #tpu.memory_space<semaphore_mem>>) {add = true}
        %dma_wait3A_233 = arith.constant 0 : i32
        %dma_wait3A_234 = tpu.memref_slice %arg8[%add3A_225, %dma_wait3A_233] : memref<40x128xi32, #tpu.memory_space<vmem>> -> memref<1x128xi32, #tpu.memory_space<vmem>>
        %dma_wait3A_235 = tpu.memref_squeeze %dma_wait3A_234 : memref<1x128xi32, #tpu.memory_space<vmem>> -> memref<128xi32, #tpu.memory_space<vmem>>
        %dma_wait3A_236 = arith.constant 0 : i32
        %dma_wait3A_237 = arith.constant 0 : i32
        %dma_wait3A_238 = tpu.memref_slice %arg11[%dma_wait3A_236, %dma_wait3A_237] : memref<10112x128xf32, #tpu.memory_space<vmem_shared>> -> memref<10112x128xf32, #tpu.memory_space<vmem_shared>>
        tpu.wait_indirect_dma semaphore(%run_scoped3A : memref<!tpu.dma_semaphore, #tpu.memory_space<semaphore_mem>>) src(%arg10 : memref<128x128xf32, #tpu.memory_space<vmem>>) dst(%dma_wait3A_238 : memref<10112x128xf32, #tpu.memory_space<vmem_shared>>)
        tpu.yield
      }) : () -> ()
      %scan3A_226 = arith.constant 0 : i32
      scf.yield %scan3A_226 : i32
    }
    %scan3A_45 = arith.constant 20 : i32
    %barrier3A_46 = arith.constant 0 : index
    tpu.barrier barrier_id(%barrier3A_46)
    "tpu.region"() ({
      %run_scoped3A = tpu.sem_alloc : memref<!tpu.dma_semaphore, #tpu.memory_space<semaphore_mem>>
      %dma_start3A_197 = arith.constant 0 : i32
      %dma_start3A_198 = tpu.memref_slice %arg6[%add3A_3, %mul3A_0, %dma_start3A_197] : memref<8x10240x128xf32, #tpu.memory_space<hbm>> -> memref<1x632x128xf32, #tpu.memory_space<hbm>>
      %dma_start3A_199 = tpu.memref_squeeze %dma_start3A_198 : memref<1x632x128xf32, #tpu.memory_space<hbm>> -> memref<632x128xf32, #tpu.memory_space<hbm>>
      %dma_start3A_200 = arith.constant 0 : i32
      %dma_start3A_201 = tpu.memref_slice %arg11[%mul3A_0, %dma_start3A_200] : memref<10112x128xf32, #tpu.memory_space<vmem_shared>> -> memref<632x128xf32, #tpu.memory_space<vmem_shared>>
      tpu.enqueue_dma source(%dma_start3A_201 : memref<632x128xf32, #tpu.memory_space<vmem_shared>>) target(%dma_start3A_199 : memref<632x128xf32, #tpu.memory_space<hbm>>) target_semaphore(%run_scoped3A : memref<!tpu.dma_semaphore, #tpu.memory_space<semaphore_mem>>)
      %dma_wait3A = arith.constant 0 : i32
      %dma_wait3A_202 = tpu.memref_slice %arg6[%add3A_3, %mul3A_0, %dma_wait3A] : memref<8x10240x128xf32, #tpu.memory_space<hbm>> -> memref<1x632x128xf32, #tpu.memory_space<hbm>>
      %dma_wait3A_203 = tpu.memref_squeeze %dma_wait3A_202 : memref<1x632x128xf32, #tpu.memory_space<hbm>> -> memref<632x128xf32, #tpu.memory_space<hbm>>
      %dma_wait3A_204 = arith.constant 0 : i32
      %dma_wait3A_205 = tpu.memref_slice %arg11[%mul3A_0, %dma_wait3A_204] : memref<10112x128xf32, #tpu.memory_space<vmem_shared>> -> memref<632x128xf32, #tpu.memory_space<vmem_shared>>
      tpu.wait_dma2 semaphore(%run_scoped3A : memref<!tpu.dma_semaphore, #tpu.memory_space<semaphore_mem>>) src(%dma_wait3A_205 : memref<632x128xf32, #tpu.memory_space<vmem_shared>>) dst(%dma_wait3A_203 : memref<632x128xf32, #tpu.memory_space<hbm>>)
      tpu.yield
    }) : () -> ()
    %mul3A_47 = arith.constant 4 : i32
    %mul3A_48 = arith.muli %arg0, %mul3A_47 : i32
    %add3A_49 = arith.constant 1 : i32
    %add3A_50 = arith.addi %mul3A_48, %add3A_49 : i32
    "tpu.region"() ({
      %run_scoped3A = tpu.sem_alloc : memref<!tpu.dma_semaphore, #tpu.memory_space<semaphore_mem>>
      %dma_start3A_197 = arith.constant 0 : i32
      %dma_start3A_198 = tpu.memref_slice %arg11[%mul3A_0, %dma_start3A_197] : memref<10112x128xf32, #tpu.memory_space<vmem_shared>> -> memref<632x128xf32, #tpu.memory_space<vmem_shared>>
      tpu.enqueue_dma source(%arg5 : memref<632x128xf32, #tpu.memory_space<hbm>>) target(%dma_start3A_198 : memref<632x128xf32, #tpu.memory_space<vmem_shared>>) target_semaphore(%run_scoped3A : memref<!tpu.dma_semaphore, #tpu.memory_space<semaphore_mem>>)
      %dma_wait3A = arith.constant 0 : i32
      %dma_wait3A_199 = tpu.memref_slice %arg11[%mul3A_0, %dma_wait3A] : memref<10112x128xf32, #tpu.memory_space<vmem_shared>> -> memref<632x128xf32, #tpu.memory_space<vmem_shared>>
      tpu.wait_dma2 semaphore(%run_scoped3A : memref<!tpu.dma_semaphore, #tpu.memory_space<semaphore_mem>>) src(%arg5 : memref<632x128xf32, #tpu.memory_space<hbm>>) dst(%dma_wait3A_199 : memref<632x128xf32, #tpu.memory_space<vmem_shared>>)
      tpu.yield
    }) : () -> ()
    %barrier3A_51 = arith.constant 0 : index
    tpu.barrier barrier_id(%barrier3A_51)
    %mul3A_52 = arith.constant 80 : i32
    %mul3A_53 = arith.muli %arg1, %mul3A_52 : i32
    %add3A_54 = arith.constant 0 : i32
    %add3A_55 = arith.addi %mul3A_53, %add3A_54 : i32
    "tpu.region"() ({
      %run_scoped3A = tpu.sem_alloc : memref<!tpu.dma_semaphore, #tpu.memory_space<semaphore_mem>>
      %dma_start3A_197 = arith.constant 0 : i32
      %dma_start3A_198 = tpu.memref_slice %arg3[%add3A_50, %add3A_55, %dma_start3A_197] : memref<8x1280x128xi32, #tpu.memory_space<hbm>> -> memref<1x40x128xi32, #tpu.memory_space<hbm>>
      %dma_start3A_199 = tpu.memref_squeeze %dma_start3A_198 : memref<1x40x128xi32, #tpu.memory_space<hbm>> -> memref<40x128xi32, #tpu.memory_space<hbm>>
      %dma_start3A_200 = arith.constant 0 : i32
      %dma_start3A_201 = tpu.memref_slice %arg3[%add3A_50, %add3A_55, %dma_start3A_200] : memref<8x1280x128xi32, #tpu.memory_space<hbm>> -> memref<1x40x128xi32, #tpu.memory_space<hbm>>
      %dma_start3A_202 = tpu.memref_squeeze %dma_start3A_201 : memref<1x40x128xi32, #tpu.memory_space<hbm>> -> memref<40x128xi32, #tpu.memory_space<hbm>>
      tpu.enqueue_dma source(%dma_start3A_202 : memref<40x128xi32, #tpu.memory_space<hbm>>) target(%arg7 : memref<40x128xi32, #tpu.memory_space<vmem>>) target_semaphore(%run_scoped3A : memref<!tpu.dma_semaphore, #tpu.memory_space<semaphore_mem>>)
      %dma_wait3A = arith.constant 0 : i32
      %dma_wait3A_203 = tpu.memref_slice %arg3[%add3A_50, %add3A_55, %dma_wait3A] : memref<8x1280x128xi32, #tpu.memory_space<hbm>> -> memref<1x40x128xi32, #tpu.memory_space<hbm>>
      %dma_wait3A_204 = tpu.memref_squeeze %dma_wait3A_203 : memref<1x40x128xi32, #tpu.memory_space<hbm>> -> memref<40x128xi32, #tpu.memory_space<hbm>>
      %dma_wait3A_205 = arith.constant 0 : i32
      %dma_wait3A_206 = tpu.memref_slice %arg3[%add3A_50, %add3A_55, %dma_wait3A_205] : memref<8x1280x128xi32, #tpu.memory_space<hbm>> -> memref<1x40x128xi32, #tpu.memory_space<hbm>>
      %dma_wait3A_207 = tpu.memref_squeeze %dma_wait3A_206 : memref<1x40x128xi32, #tpu.memory_space<hbm>> -> memref<40x128xi32, #tpu.memory_space<hbm>>
      tpu.wait_dma2 semaphore(%run_scoped3A : memref<!tpu.dma_semaphore, #tpu.memory_space<semaphore_mem>>) src(%dma_wait3A_207 : memref<40x128xi32, #tpu.memory_space<hbm>>) dst(%arg7 : memref<40x128xi32, #tpu.memory_space<vmem>>)
      tpu.yield
    }) : () -> ()
    %mul3A_56 = arith.constant 80 : i32
    %mul3A_57 = arith.muli %arg1, %mul3A_56 : i32
    %add3A_58 = arith.constant 0 : i32
    %add3A_59 = arith.addi %mul3A_57, %add3A_58 : i32
    "tpu.region"() ({
      %run_scoped3A = tpu.sem_alloc : memref<!tpu.dma_semaphore, #tpu.memory_space<semaphore_mem>>
      %dma_start3A_197 = arith.constant 0 : i32
      %dma_start3A_198 = tpu.memref_slice %arg4[%add3A_59, %dma_start3A_197] : memref<1280x128xi32, #tpu.memory_space<hbm>> -> memref<40x128xi32, #tpu.memory_space<hbm>>
      %dma_start3A_199 = arith.constant 0 : i32
      %dma_start3A_200 = tpu.memref_slice %arg4[%add3A_59, %dma_start3A_199] : memref<1280x128xi32, #tpu.memory_space<hbm>> -> memref<40x128xi32, #tpu.memory_space<hbm>>
      tpu.enqueue_dma source(%dma_start3A_200 : memref<40x128xi32, #tpu.memory_space<hbm>>) target(%arg8 : memref<40x128xi32, #tpu.memory_space<vmem>>) target_semaphore(%run_scoped3A : memref<!tpu.dma_semaphore, #tpu.memory_space<semaphore_mem>>)
      %dma_wait3A = arith.constant 0 : i32
      %dma_wait3A_201 = tpu.memref_slice %arg4[%add3A_59, %dma_wait3A] : memref<1280x128xi32, #tpu.memory_space<hbm>> -> memref<40x128xi32, #tpu.memory_space<hbm>>
      %dma_wait3A_202 = arith.constant 0 : i32
      %dma_wait3A_203 = tpu.memref_slice %arg4[%add3A_59, %dma_wait3A_202] : memref<1280x128xi32, #tpu.memory_space<hbm>> -> memref<40x128xi32, #tpu.memory_space<hbm>>
      tpu.wait_dma2 semaphore(%run_scoped3A : memref<!tpu.dma_semaphore, #tpu.memory_space<semaphore_mem>>) src(%dma_wait3A_203 : memref<40x128xi32, #tpu.memory_space<hbm>>) dst(%arg8 : memref<40x128xi32, #tpu.memory_space<vmem>>)
      tpu.yield
    }) : () -> ()
    %dma_start3A_60 = arith.constant 0 : i32
    %dma_start3A_61 = arith.constant 0 : i32
    %dma_start3A_62 = tpu.memref_slice %arg7[%dma_start3A_60, %dma_start3A_61] : memref<40x128xi32, #tpu.memory_space<vmem>> -> memref<1x128xi32, #tpu.memory_space<vmem>>
    %dma_start3A_63 = tpu.memref_squeeze %dma_start3A_62 : memref<1x128xi32, #tpu.memory_space<vmem>> -> memref<128xi32, #tpu.memory_space<vmem>>
    %dma_start3A_64 = arith.constant 0 : i32
    %dma_start3A_65 = arith.constant 0 : i32
    %dma_start3A_66 = tpu.memref_slice %arg2[%dma_start3A_64, %dma_start3A_65] : memref<81920x128xf32, #tpu.memory_space<hbm>> -> memref<81920x128xf32, #tpu.memory_space<hbm>>
    tpu.enqueue_indirect_dma source(%dma_start3A_66 : memref<81920x128xf32, #tpu.memory_space<hbm>>) target(%arg9 : memref<128x128xf32, #tpu.memory_space<vmem>>) offsets(%dma_start3A_63 : memref<128xi32, #tpu.memory_space<vmem>>) semaphore(%arg12 : memref<!tpu.dma_semaphore, #tpu.memory_space<semaphore_mem>>)
    %scan3A_67 = arith.constant 0 : i32
    %scan3A_68 = arith.constant 0 : i32
    %scan3A_69 = arith.constant 20 : i32
    %scan3A_70 = arith.addi %scan3A_68, %scan3A_69 : i32
    %scan3A_71 = arith.constant 1 : i32
    %scan3A_72 = scf.for %scan3A_197 = %scan3A_68 to %scan3A_70 step %scan3A_71 iter_args(%scan3A_198 = %scan3A_67) -> (i32)  : i32 {
      %mul3A_199 = arith.constant 2 : i32
      %mul3A_200 = arith.muli %mul3A_199, %scan3A_197 : i32
      %add3A_201 = arith.constant 1 : i32
      %add3A_202 = arith.addi %mul3A_200, %add3A_201 : i32
      %dma_start3A_203 = arith.constant 0 : i32
      %dma_start3A_204 = tpu.memref_slice %arg7[%add3A_202, %dma_start3A_203] : memref<40x128xi32, #tpu.memory_space<vmem>> -> memref<1x128xi32, #tpu.memory_space<vmem>>
      %dma_start3A_205 = tpu.memref_squeeze %dma_start3A_204 : memref<1x128xi32, #tpu.memory_space<vmem>> -> memref<128xi32, #tpu.memory_space<vmem>>
      %dma_start3A_206 = arith.constant 0 : i32
      %dma_start3A_207 = arith.constant 0 : i32
      %dma_start3A_208 = tpu.memref_slice %arg2[%dma_start3A_206, %dma_start3A_207] : memref<81920x128xf32, #tpu.memory_space<hbm>> -> memref<81920x128xf32, #tpu.memory_space<hbm>>
      tpu.enqueue_indirect_dma source(%dma_start3A_208 : memref<81920x128xf32, #tpu.memory_space<hbm>>) target(%arg10 : memref<128x128xf32, #tpu.memory_space<vmem>>) offsets(%dma_start3A_205 : memref<128xi32, #tpu.memory_space<vmem>>) semaphore(%arg13 : memref<!tpu.dma_semaphore, #tpu.memory_space<semaphore_mem>>)
      %dma_wait3A = arith.constant 0 : i32
      %dma_wait3A_209 = tpu.memref_slice %arg7[%mul3A_200, %dma_wait3A] : memref<40x128xi32, #tpu.memory_space<vmem>> -> memref<1x128xi32, #tpu.memory_space<vmem>>
      %dma_wait3A_210 = tpu.memref_squeeze %dma_wait3A_209 : memref<1x128xi32, #tpu.memory_space<vmem>> -> memref<128xi32, #tpu.memory_space<vmem>>
      %dma_wait3A_211 = arith.constant 0 : i32
      %dma_wait3A_212 = arith.constant 0 : i32
      %dma_wait3A_213 = tpu.memref_slice %arg2[%dma_wait3A_211, %dma_wait3A_212] : memref<81920x128xf32, #tpu.memory_space<hbm>> -> memref<81920x128xf32, #tpu.memory_space<hbm>>
      tpu.wait_indirect_dma semaphore(%arg12 : memref<!tpu.dma_semaphore, #tpu.memory_space<semaphore_mem>>) src(%dma_wait3A_213 : memref<81920x128xf32, #tpu.memory_space<hbm>>) dst(%arg9 : memref<128x128xf32, #tpu.memory_space<vmem>>)
      "tpu.region"() ({
        %run_scoped3A = tpu.sem_alloc : memref<!tpu.dma_semaphore, #tpu.memory_space<semaphore_mem>>
        %dma_start3A_227 = arith.constant 0 : i32
        %dma_start3A_228 = tpu.memref_slice %arg8[%mul3A_200, %dma_start3A_227] : memref<40x128xi32, #tpu.memory_space<vmem>> -> memref<1x128xi32, #tpu.memory_space<vmem>>
        %dma_start3A_229 = tpu.memref_squeeze %dma_start3A_228 : memref<1x128xi32, #tpu.memory_space<vmem>> -> memref<128xi32, #tpu.memory_space<vmem>>
        %dma_start3A_230 = arith.constant 0 : i32
        %dma_start3A_231 = arith.constant 0 : i32
        %dma_start3A_232 = tpu.memref_slice %arg11[%dma_start3A_230, %dma_start3A_231] : memref<10112x128xf32, #tpu.memory_space<vmem_shared>> -> memref<10112x128xf32, #tpu.memory_space<vmem_shared>>
        tpu.enqueue_indirect_dma source(%arg9 : memref<128x128xf32, #tpu.memory_space<vmem>>) target(%dma_start3A_232 : memref<10112x128xf32, #tpu.memory_space<vmem_shared>>) offsets(%dma_start3A_229 : memref<128xi32, #tpu.memory_space<vmem>>) semaphore(%run_scoped3A : memref<!tpu.dma_semaphore, #tpu.memory_space<semaphore_mem>>) {add = true}
        %dma_wait3A_233 = arith.constant 0 : i32
        %dma_wait3A_234 = tpu.memref_slice %arg8[%mul3A_200, %dma_wait3A_233] : memref<40x128xi32, #tpu.memory_space<vmem>> -> memref<1x128xi32, #tpu.memory_space<vmem>>
        %dma_wait3A_235 = tpu.memref_squeeze %dma_wait3A_234 : memref<1x128xi32, #tpu.memory_space<vmem>> -> memref<128xi32, #tpu.memory_space<vmem>>
        %dma_wait3A_236 = arith.constant 0 : i32
        %dma_wait3A_237 = arith.constant 0 : i32
        %dma_wait3A_238 = tpu.memref_slice %arg11[%dma_wait3A_236, %dma_wait3A_237] : memref<10112x128xf32, #tpu.memory_space<vmem_shared>> -> memref<10112x128xf32, #tpu.memory_space<vmem_shared>>
        tpu.wait_indirect_dma semaphore(%run_scoped3A : memref<!tpu.dma_semaphore, #tpu.memory_space<semaphore_mem>>) src(%arg9 : memref<128x128xf32, #tpu.memory_space<vmem>>) dst(%dma_wait3A_238 : memref<10112x128xf32, #tpu.memory_space<vmem_shared>>)
        tpu.yield
      }) : () -> ()
      %lt3A = arith.constant 19 : i32
      %lt3A_214 = arith.cmpi slt, %scan3A_197, %lt3A : i32
      %convert_element_type3A = arith.extui %lt3A_214 : i1 to i32
      %cond3A = arith.constant 0 : i32
      %cond3A_215 = arith.cmpi ne, %convert_element_type3A, %cond3A : i32
      scf.if %cond3A_215 {
        %add3A_227 = arith.constant 2 : i32
        %add3A_228 = arith.addi %mul3A_200, %add3A_227 : i32
        %dma_start3A_229 = arith.constant 0 : i32
        %dma_start3A_230 = tpu.memref_slice %arg7[%add3A_228, %dma_start3A_229] : memref<40x128xi32, #tpu.memory_space<vmem>> -> memref<1x128xi32, #tpu.memory_space<vmem>>
        %dma_start3A_231 = tpu.memref_squeeze %dma_start3A_230 : memref<1x128xi32, #tpu.memory_space<vmem>> -> memref<128xi32, #tpu.memory_space<vmem>>
        %dma_start3A_232 = arith.constant 0 : i32
        %dma_start3A_233 = arith.constant 0 : i32
        %dma_start3A_234 = tpu.memref_slice %arg2[%dma_start3A_232, %dma_start3A_233] : memref<81920x128xf32, #tpu.memory_space<hbm>> -> memref<81920x128xf32, #tpu.memory_space<hbm>>
        tpu.enqueue_indirect_dma source(%dma_start3A_234 : memref<81920x128xf32, #tpu.memory_space<hbm>>) target(%arg9 : memref<128x128xf32, #tpu.memory_space<vmem>>) offsets(%dma_start3A_231 : memref<128xi32, #tpu.memory_space<vmem>>) semaphore(%arg12 : memref<!tpu.dma_semaphore, #tpu.memory_space<semaphore_mem>>)
      } else {
      }
      %add3A_216 = arith.constant 1 : i32
      %add3A_217 = arith.addi %mul3A_200, %add3A_216 : i32
      %dma_wait3A_218 = arith.constant 0 : i32
      %dma_wait3A_219 = tpu.memref_slice %arg7[%add3A_217, %dma_wait3A_218] : memref<40x128xi32, #tpu.memory_space<vmem>> -> memref<1x128xi32, #tpu.memory_space<vmem>>
      %dma_wait3A_220 = tpu.memref_squeeze %dma_wait3A_219 : memref<1x128xi32, #tpu.memory_space<vmem>> -> memref<128xi32, #tpu.memory_space<vmem>>
      %dma_wait3A_221 = arith.constant 0 : i32
      %dma_wait3A_222 = arith.constant 0 : i32
      %dma_wait3A_223 = tpu.memref_slice %arg2[%dma_wait3A_221, %dma_wait3A_222] : memref<81920x128xf32, #tpu.memory_space<hbm>> -> memref<81920x128xf32, #tpu.memory_space<hbm>>
      tpu.wait_indirect_dma semaphore(%arg13 : memref<!tpu.dma_semaphore, #tpu.memory_space<semaphore_mem>>) src(%dma_wait3A_223 : memref<81920x128xf32, #tpu.memory_space<hbm>>) dst(%arg10 : memref<128x128xf32, #tpu.memory_space<vmem>>)
      %add3A_224 = arith.constant 1 : i32
      %add3A_225 = arith.addi %mul3A_200, %add3A_224 : i32
      "tpu.region"() ({
        %run_scoped3A = tpu.sem_alloc : memref<!tpu.dma_semaphore, #tpu.memory_space<semaphore_mem>>
        %dma_start3A_227 = arith.constant 0 : i32
        %dma_start3A_228 = tpu.memref_slice %arg8[%add3A_225, %dma_start3A_227] : memref<40x128xi32, #tpu.memory_space<vmem>> -> memref<1x128xi32, #tpu.memory_space<vmem>>
        %dma_start3A_229 = tpu.memref_squeeze %dma_start3A_228 : memref<1x128xi32, #tpu.memory_space<vmem>> -> memref<128xi32, #tpu.memory_space<vmem>>
        %dma_start3A_230 = arith.constant 0 : i32
        %dma_start3A_231 = arith.constant 0 : i32
        %dma_start3A_232 = tpu.memref_slice %arg11[%dma_start3A_230, %dma_start3A_231] : memref<10112x128xf32, #tpu.memory_space<vmem_shared>> -> memref<10112x128xf32, #tpu.memory_space<vmem_shared>>
        tpu.enqueue_indirect_dma source(%arg10 : memref<128x128xf32, #tpu.memory_space<vmem>>) target(%dma_start3A_232 : memref<10112x128xf32, #tpu.memory_space<vmem_shared>>) offsets(%dma_start3A_229 : memref<128xi32, #tpu.memory_space<vmem>>) semaphore(%run_scoped3A : memref<!tpu.dma_semaphore, #tpu.memory_space<semaphore_mem>>) {add = true}
        %dma_wait3A_233 = arith.constant 0 : i32
        %dma_wait3A_234 = tpu.memref_slice %arg8[%add3A_225, %dma_wait3A_233] : memref<40x128xi32, #tpu.memory_space<vmem>> -> memref<1x128xi32, #tpu.memory_space<vmem>>
        %dma_wait3A_235 = tpu.memref_squeeze %dma_wait3A_234 : memref<1x128xi32, #tpu.memory_space<vmem>> -> memref<128xi32, #tpu.memory_space<vmem>>
        %dma_wait3A_236 = arith.constant 0 : i32
        %dma_wait3A_237 = arith.constant 0 : i32
        %dma_wait3A_238 = tpu.memref_slice %arg11[%dma_wait3A_236, %dma_wait3A_237] : memref<10112x128xf32, #tpu.memory_space<vmem_shared>> -> memref<10112x128xf32, #tpu.memory_space<vmem_shared>>
        tpu.wait_indirect_dma semaphore(%run_scoped3A : memref<!tpu.dma_semaphore, #tpu.memory_space<semaphore_mem>>) src(%arg10 : memref<128x128xf32, #tpu.memory_space<vmem>>) dst(%dma_wait3A_238 : memref<10112x128xf32, #tpu.memory_space<vmem_shared>>)
        tpu.yield
      }) : () -> ()
      %scan3A_226 = arith.constant 0 : i32
      scf.yield %scan3A_226 : i32
    }
    %scan3A_73 = arith.constant 20 : i32
    %mul3A_74 = arith.constant 80 : i32
    %mul3A_75 = arith.muli %arg1, %mul3A_74 : i32
    %add3A_76 = arith.constant 40 : i32
    %add3A_77 = arith.addi %mul3A_75, %add3A_76 : i32
    "tpu.region"() ({
      %run_scoped3A = tpu.sem_alloc : memref<!tpu.dma_semaphore, #tpu.memory_space<semaphore_mem>>
      %dma_start3A_197 = arith.constant 0 : i32
      %dma_start3A_198 = tpu.memref_slice %arg3[%add3A_50, %add3A_77, %dma_start3A_197] : memref<8x1280x128xi32, #tpu.memory_space<hbm>> -> memref<1x40x128xi32, #tpu.memory_space<hbm>>
      %dma_start3A_199 = tpu.memref_squeeze %dma_start3A_198 : memref<1x40x128xi32, #tpu.memory_space<hbm>> -> memref<40x128xi32, #tpu.memory_space<hbm>>
      %dma_start3A_200 = arith.constant 0 : i32
      %dma_start3A_201 = tpu.memref_slice %arg3[%add3A_50, %add3A_77, %dma_start3A_200] : memref<8x1280x128xi32, #tpu.memory_space<hbm>> -> memref<1x40x128xi32, #tpu.memory_space<hbm>>
      %dma_start3A_202 = tpu.memref_squeeze %dma_start3A_201 : memref<1x40x128xi32, #tpu.memory_space<hbm>> -> memref<40x128xi32, #tpu.memory_space<hbm>>
      tpu.enqueue_dma source(%dma_start3A_202 : memref<40x128xi32, #tpu.memory_space<hbm>>) target(%arg7 : memref<40x128xi32, #tpu.memory_space<vmem>>) target_semaphore(%run_scoped3A : memref<!tpu.dma_semaphore, #tpu.memory_space<semaphore_mem>>)
      %dma_wait3A = arith.constant 0 : i32
      %dma_wait3A_203 = tpu.memref_slice %arg3[%add3A_50, %add3A_77, %dma_wait3A] : memref<8x1280x128xi32, #tpu.memory_space<hbm>> -> memref<1x40x128xi32, #tpu.memory_space<hbm>>
      %dma_wait3A_204 = tpu.memref_squeeze %dma_wait3A_203 : memref<1x40x128xi32, #tpu.memory_space<hbm>> -> memref<40x128xi32, #tpu.memory_space<hbm>>
      %dma_wait3A_205 = arith.constant 0 : i32
      %dma_wait3A_206 = tpu.memref_slice %arg3[%add3A_50, %add3A_77, %dma_wait3A_205] : memref<8x1280x128xi32, #tpu.memory_space<hbm>> -> memref<1x40x128xi32, #tpu.memory_space<hbm>>
      %dma_wait3A_207 = tpu.memref_squeeze %dma_wait3A_206 : memref<1x40x128xi32, #tpu.memory_space<hbm>> -> memref<40x128xi32, #tpu.memory_space<hbm>>
      tpu.wait_dma2 semaphore(%run_scoped3A : memref<!tpu.dma_semaphore, #tpu.memory_space<semaphore_mem>>) src(%dma_wait3A_207 : memref<40x128xi32, #tpu.memory_space<hbm>>) dst(%arg7 : memref<40x128xi32, #tpu.memory_space<vmem>>)
      tpu.yield
    }) : () -> ()
    %mul3A_78 = arith.constant 80 : i32
    %mul3A_79 = arith.muli %arg1, %mul3A_78 : i32
    %add3A_80 = arith.constant 40 : i32
    %add3A_81 = arith.addi %mul3A_79, %add3A_80 : i32
    "tpu.region"() ({
      %run_scoped3A = tpu.sem_alloc : memref<!tpu.dma_semaphore, #tpu.memory_space<semaphore_mem>>
      %dma_start3A_197 = arith.constant 0 : i32
      %dma_start3A_198 = tpu.memref_slice %arg4[%add3A_81, %dma_start3A_197] : memref<1280x128xi32, #tpu.memory_space<hbm>> -> memref<40x128xi32, #tpu.memory_space<hbm>>
      %dma_start3A_199 = arith.constant 0 : i32
      %dma_start3A_200 = tpu.memref_slice %arg4[%add3A_81, %dma_start3A_199] : memref<1280x128xi32, #tpu.memory_space<hbm>> -> memref<40x128xi32, #tpu.memory_space<hbm>>
      tpu.enqueue_dma source(%dma_start3A_200 : memref<40x128xi32, #tpu.memory_space<hbm>>) target(%arg8 : memref<40x128xi32, #tpu.memory_space<vmem>>) target_semaphore(%run_scoped3A : memref<!tpu.dma_semaphore, #tpu.memory_space<semaphore_mem>>)
      %dma_wait3A = arith.constant 0 : i32
      %dma_wait3A_201 = tpu.memref_slice %arg4[%add3A_81, %dma_wait3A] : memref<1280x128xi32, #tpu.memory_space<hbm>> -> memref<40x128xi32, #tpu.memory_space<hbm>>
      %dma_wait3A_202 = arith.constant 0 : i32
      %dma_wait3A_203 = tpu.memref_slice %arg4[%add3A_81, %dma_wait3A_202] : memref<1280x128xi32, #tpu.memory_space<hbm>> -> memref<40x128xi32, #tpu.memory_space<hbm>>
      tpu.wait_dma2 semaphore(%run_scoped3A : memref<!tpu.dma_semaphore, #tpu.memory_space<semaphore_mem>>) src(%dma_wait3A_203 : memref<40x128xi32, #tpu.memory_space<hbm>>) dst(%arg8 : memref<40x128xi32, #tpu.memory_space<vmem>>)
      tpu.yield
    }) : () -> ()
    %dma_start3A_82 = arith.constant 0 : i32
    %dma_start3A_83 = arith.constant 0 : i32
    %dma_start3A_84 = tpu.memref_slice %arg7[%dma_start3A_82, %dma_start3A_83] : memref<40x128xi32, #tpu.memory_space<vmem>> -> memref<1x128xi32, #tpu.memory_space<vmem>>
    %dma_start3A_85 = tpu.memref_squeeze %dma_start3A_84 : memref<1x128xi32, #tpu.memory_space<vmem>> -> memref<128xi32, #tpu.memory_space<vmem>>
    %dma_start3A_86 = arith.constant 0 : i32
    %dma_start3A_87 = arith.constant 0 : i32
    %dma_start3A_88 = tpu.memref_slice %arg2[%dma_start3A_86, %dma_start3A_87] : memref<81920x128xf32, #tpu.memory_space<hbm>> -> memref<81920x128xf32, #tpu.memory_space<hbm>>
    tpu.enqueue_indirect_dma source(%dma_start3A_88 : memref<81920x128xf32, #tpu.memory_space<hbm>>) target(%arg9 : memref<128x128xf32, #tpu.memory_space<vmem>>) offsets(%dma_start3A_85 : memref<128xi32, #tpu.memory_space<vmem>>) semaphore(%arg12 : memref<!tpu.dma_semaphore, #tpu.memory_space<semaphore_mem>>)
    %scan3A_89 = arith.constant 0 : i32
    %scan3A_90 = arith.constant 0 : i32
    %scan3A_91 = arith.constant 20 : i32
    %scan3A_92 = arith.addi %scan3A_90, %scan3A_91 : i32
    %scan3A_93 = arith.constant 1 : i32
    %scan3A_94 = scf.for %scan3A_197 = %scan3A_90 to %scan3A_92 step %scan3A_93 iter_args(%scan3A_198 = %scan3A_89) -> (i32)  : i32 {
      %mul3A_199 = arith.constant 2 : i32
      %mul3A_200 = arith.muli %mul3A_199, %scan3A_197 : i32
      %add3A_201 = arith.constant 1 : i32
      %add3A_202 = arith.addi %mul3A_200, %add3A_201 : i32
      %dma_start3A_203 = arith.constant 0 : i32
      %dma_start3A_204 = tpu.memref_slice %arg7[%add3A_202, %dma_start3A_203] : memref<40x128xi32, #tpu.memory_space<vmem>> -> memref<1x128xi32, #tpu.memory_space<vmem>>
      %dma_start3A_205 = tpu.memref_squeeze %dma_start3A_204 : memref<1x128xi32, #tpu.memory_space<vmem>> -> memref<128xi32, #tpu.memory_space<vmem>>
      %dma_start3A_206 = arith.constant 0 : i32
      %dma_start3A_207 = arith.constant 0 : i32
      %dma_start3A_208 = tpu.memref_slice %arg2[%dma_start3A_206, %dma_start3A_207] : memref<81920x128xf32, #tpu.memory_space<hbm>> -> memref<81920x128xf32, #tpu.memory_space<hbm>>
      tpu.enqueue_indirect_dma source(%dma_start3A_208 : memref<81920x128xf32, #tpu.memory_space<hbm>>) target(%arg10 : memref<128x128xf32, #tpu.memory_space<vmem>>) offsets(%dma_start3A_205 : memref<128xi32, #tpu.memory_space<vmem>>) semaphore(%arg13 : memref<!tpu.dma_semaphore, #tpu.memory_space<semaphore_mem>>)
      %dma_wait3A = arith.constant 0 : i32
      %dma_wait3A_209 = tpu.memref_slice %arg7[%mul3A_200, %dma_wait3A] : memref<40x128xi32, #tpu.memory_space<vmem>> -> memref<1x128xi32, #tpu.memory_space<vmem>>
      %dma_wait3A_210 = tpu.memref_squeeze %dma_wait3A_209 : memref<1x128xi32, #tpu.memory_space<vmem>> -> memref<128xi32, #tpu.memory_space<vmem>>
      %dma_wait3A_211 = arith.constant 0 : i32
      %dma_wait3A_212 = arith.constant 0 : i32
      %dma_wait3A_213 = tpu.memref_slice %arg2[%dma_wait3A_211, %dma_wait3A_212] : memref<81920x128xf32, #tpu.memory_space<hbm>> -> memref<81920x128xf32, #tpu.memory_space<hbm>>
      tpu.wait_indirect_dma semaphore(%arg12 : memref<!tpu.dma_semaphore, #tpu.memory_space<semaphore_mem>>) src(%dma_wait3A_213 : memref<81920x128xf32, #tpu.memory_space<hbm>>) dst(%arg9 : memref<128x128xf32, #tpu.memory_space<vmem>>)
      "tpu.region"() ({
        %run_scoped3A = tpu.sem_alloc : memref<!tpu.dma_semaphore, #tpu.memory_space<semaphore_mem>>
        %dma_start3A_227 = arith.constant 0 : i32
        %dma_start3A_228 = tpu.memref_slice %arg8[%mul3A_200, %dma_start3A_227] : memref<40x128xi32, #tpu.memory_space<vmem>> -> memref<1x128xi32, #tpu.memory_space<vmem>>
        %dma_start3A_229 = tpu.memref_squeeze %dma_start3A_228 : memref<1x128xi32, #tpu.memory_space<vmem>> -> memref<128xi32, #tpu.memory_space<vmem>>
        %dma_start3A_230 = arith.constant 0 : i32
        %dma_start3A_231 = arith.constant 0 : i32
        %dma_start3A_232 = tpu.memref_slice %arg11[%dma_start3A_230, %dma_start3A_231] : memref<10112x128xf32, #tpu.memory_space<vmem_shared>> -> memref<10112x128xf32, #tpu.memory_space<vmem_shared>>
        tpu.enqueue_indirect_dma source(%arg9 : memref<128x128xf32, #tpu.memory_space<vmem>>) target(%dma_start3A_232 : memref<10112x128xf32, #tpu.memory_space<vmem_shared>>) offsets(%dma_start3A_229 : memref<128xi32, #tpu.memory_space<vmem>>) semaphore(%run_scoped3A : memref<!tpu.dma_semaphore, #tpu.memory_space<semaphore_mem>>) {add = true}
        %dma_wait3A_233 = arith.constant 0 : i32
        %dma_wait3A_234 = tpu.memref_slice %arg8[%mul3A_200, %dma_wait3A_233] : memref<40x128xi32, #tpu.memory_space<vmem>> -> memref<1x128xi32, #tpu.memory_space<vmem>>
        %dma_wait3A_235 = tpu.memref_squeeze %dma_wait3A_234 : memref<1x128xi32, #tpu.memory_space<vmem>> -> memref<128xi32, #tpu.memory_space<vmem>>
        %dma_wait3A_236 = arith.constant 0 : i32
        %dma_wait3A_237 = arith.constant 0 : i32
        %dma_wait3A_238 = tpu.memref_slice %arg11[%dma_wait3A_236, %dma_wait3A_237] : memref<10112x128xf32, #tpu.memory_space<vmem_shared>> -> memref<10112x128xf32, #tpu.memory_space<vmem_shared>>
        tpu.wait_indirect_dma semaphore(%run_scoped3A : memref<!tpu.dma_semaphore, #tpu.memory_space<semaphore_mem>>) src(%arg9 : memref<128x128xf32, #tpu.memory_space<vmem>>) dst(%dma_wait3A_238 : memref<10112x128xf32, #tpu.memory_space<vmem_shared>>)
        tpu.yield
      }) : () -> ()
      %lt3A = arith.constant 19 : i32
      %lt3A_214 = arith.cmpi slt, %scan3A_197, %lt3A : i32
      %convert_element_type3A = arith.extui %lt3A_214 : i1 to i32
      %cond3A = arith.constant 0 : i32
      %cond3A_215 = arith.cmpi ne, %convert_element_type3A, %cond3A : i32
      scf.if %cond3A_215 {
        %add3A_227 = arith.constant 2 : i32
        %add3A_228 = arith.addi %mul3A_200, %add3A_227 : i32
        %dma_start3A_229 = arith.constant 0 : i32
        %dma_start3A_230 = tpu.memref_slice %arg7[%add3A_228, %dma_start3A_229] : memref<40x128xi32, #tpu.memory_space<vmem>> -> memref<1x128xi32, #tpu.memory_space<vmem>>
        %dma_start3A_231 = tpu.memref_squeeze %dma_start3A_230 : memref<1x128xi32, #tpu.memory_space<vmem>> -> memref<128xi32, #tpu.memory_space<vmem>>
        %dma_start3A_232 = arith.constant 0 : i32
        %dma_start3A_233 = arith.constant 0 : i32
        %dma_start3A_234 = tpu.memref_slice %arg2[%dma_start3A_232, %dma_start3A_233] : memref<81920x128xf32, #tpu.memory_space<hbm>> -> memref<81920x128xf32, #tpu.memory_space<hbm>>
        tpu.enqueue_indirect_dma source(%dma_start3A_234 : memref<81920x128xf32, #tpu.memory_space<hbm>>) target(%arg9 : memref<128x128xf32, #tpu.memory_space<vmem>>) offsets(%dma_start3A_231 : memref<128xi32, #tpu.memory_space<vmem>>) semaphore(%arg12 : memref<!tpu.dma_semaphore, #tpu.memory_space<semaphore_mem>>)
      } else {
      }
      %add3A_216 = arith.constant 1 : i32
      %add3A_217 = arith.addi %mul3A_200, %add3A_216 : i32
      %dma_wait3A_218 = arith.constant 0 : i32
      %dma_wait3A_219 = tpu.memref_slice %arg7[%add3A_217, %dma_wait3A_218] : memref<40x128xi32, #tpu.memory_space<vmem>> -> memref<1x128xi32, #tpu.memory_space<vmem>>
      %dma_wait3A_220 = tpu.memref_squeeze %dma_wait3A_219 : memref<1x128xi32, #tpu.memory_space<vmem>> -> memref<128xi32, #tpu.memory_space<vmem>>
      %dma_wait3A_221 = arith.constant 0 : i32
      %dma_wait3A_222 = arith.constant 0 : i32
      %dma_wait3A_223 = tpu.memref_slice %arg2[%dma_wait3A_221, %dma_wait3A_222] : memref<81920x128xf32, #tpu.memory_space<hbm>> -> memref<81920x128xf32, #tpu.memory_space<hbm>>
      tpu.wait_indirect_dma semaphore(%arg13 : memref<!tpu.dma_semaphore, #tpu.memory_space<semaphore_mem>>) src(%dma_wait3A_223 : memref<81920x128xf32, #tpu.memory_space<hbm>>) dst(%arg10 : memref<128x128xf32, #tpu.memory_space<vmem>>)
      %add3A_224 = arith.constant 1 : i32
      %add3A_225 = arith.addi %mul3A_200, %add3A_224 : i32
      "tpu.region"() ({
        %run_scoped3A = tpu.sem_alloc : memref<!tpu.dma_semaphore, #tpu.memory_space<semaphore_mem>>
        %dma_start3A_227 = arith.constant 0 : i32
        %dma_start3A_228 = tpu.memref_slice %arg8[%add3A_225, %dma_start3A_227] : memref<40x128xi32, #tpu.memory_space<vmem>> -> memref<1x128xi32, #tpu.memory_space<vmem>>
        %dma_start3A_229 = tpu.memref_squeeze %dma_start3A_228 : memref<1x128xi32, #tpu.memory_space<vmem>> -> memref<128xi32, #tpu.memory_space<vmem>>
        %dma_start3A_230 = arith.constant 0 : i32
        %dma_start3A_231 = arith.constant 0 : i32
        %dma_start3A_232 = tpu.memref_slice %arg11[%dma_start3A_230, %dma_start3A_231] : memref<10112x128xf32, #tpu.memory_space<vmem_shared>> -> memref<10112x128xf32, #tpu.memory_space<vmem_shared>>
        tpu.enqueue_indirect_dma source(%arg10 : memref<128x128xf32, #tpu.memory_space<vmem>>) target(%dma_start3A_232 : memref<10112x128xf32, #tpu.memory_space<vmem_shared>>) offsets(%dma_start3A_229 : memref<128xi32, #tpu.memory_space<vmem>>) semaphore(%run_scoped3A : memref<!tpu.dma_semaphore, #tpu.memory_space<semaphore_mem>>) {add = true}
        %dma_wait3A_233 = arith.constant 0 : i32
        %dma_wait3A_234 = tpu.memref_slice %arg8[%add3A_225, %dma_wait3A_233] : memref<40x128xi32, #tpu.memory_space<vmem>> -> memref<1x128xi32, #tpu.memory_space<vmem>>
        %dma_wait3A_235 = tpu.memref_squeeze %dma_wait3A_234 : memref<1x128xi32, #tpu.memory_space<vmem>> -> memref<128xi32, #tpu.memory_space<vmem>>
        %dma_wait3A_236 = arith.constant 0 : i32
        %dma_wait3A_237 = arith.constant 0 : i32
        %dma_wait3A_238 = tpu.memref_slice %arg11[%dma_wait3A_236, %dma_wait3A_237] : memref<10112x128xf32, #tpu.memory_space<vmem_shared>> -> memref<10112x128xf32, #tpu.memory_space<vmem_shared>>
        tpu.wait_indirect_dma semaphore(%run_scoped3A : memref<!tpu.dma_semaphore, #tpu.memory_space<semaphore_mem>>) src(%arg10 : memref<128x128xf32, #tpu.memory_space<vmem>>) dst(%dma_wait3A_238 : memref<10112x128xf32, #tpu.memory_space<vmem_shared>>)
        tpu.yield
      }) : () -> ()
      %scan3A_226 = arith.constant 0 : i32
      scf.yield %scan3A_226 : i32
    }
    %scan3A_95 = arith.constant 20 : i32
    %barrier3A_96 = arith.constant 0 : index
    tpu.barrier barrier_id(%barrier3A_96)
    "tpu.region"() ({
      %run_scoped3A = tpu.sem_alloc : memref<!tpu.dma_semaphore, #tpu.memory_space<semaphore_mem>>
      %dma_start3A_197 = arith.constant 0 : i32
      %dma_start3A_198 = tpu.memref_slice %arg6[%add3A_50, %mul3A_0, %dma_start3A_197] : memref<8x10240x128xf32, #tpu.memory_space<hbm>> -> memref<1x632x128xf32, #tpu.memory_space<hbm>>
      %dma_start3A_199 = tpu.memref_squeeze %dma_start3A_198 : memref<1x632x128xf32, #tpu.memory_space<hbm>> -> memref<632x128xf32, #tpu.memory_space<hbm>>
      %dma_start3A_200 = arith.constant 0 : i32
      %dma_start3A_201 = tpu.memref_slice %arg11[%mul3A_0, %dma_start3A_200] : memref<10112x128xf32, #tpu.memory_space<vmem_shared>> -> memref<632x128xf32, #tpu.memory_space<vmem_shared>>
      tpu.enqueue_dma source(%dma_start3A_201 : memref<632x128xf32, #tpu.memory_space<vmem_shared>>) target(%dma_start3A_199 : memref<632x128xf32, #tpu.memory_space<hbm>>) target_semaphore(%run_scoped3A : memref<!tpu.dma_semaphore, #tpu.memory_space<semaphore_mem>>)
      %dma_wait3A = arith.constant 0 : i32
      %dma_wait3A_202 = tpu.memref_slice %arg6[%add3A_50, %mul3A_0, %dma_wait3A] : memref<8x10240x128xf32, #tpu.memory_space<hbm>> -> memref<1x632x128xf32, #tpu.memory_space<hbm>>
      %dma_wait3A_203 = tpu.memref_squeeze %dma_wait3A_202 : memref<1x632x128xf32, #tpu.memory_space<hbm>> -> memref<632x128xf32, #tpu.memory_space<hbm>>
      %dma_wait3A_204 = arith.constant 0 : i32
      %dma_wait3A_205 = tpu.memref_slice %arg11[%mul3A_0, %dma_wait3A_204] : memref<10112x128xf32, #tpu.memory_space<vmem_shared>> -> memref<632x128xf32, #tpu.memory_space<vmem_shared>>
      tpu.wait_dma2 semaphore(%run_scoped3A : memref<!tpu.dma_semaphore, #tpu.memory_space<semaphore_mem>>) src(%dma_wait3A_205 : memref<632x128xf32, #tpu.memory_space<vmem_shared>>) dst(%dma_wait3A_203 : memref<632x128xf32, #tpu.memory_space<hbm>>)
      tpu.yield
    }) : () -> ()
    %mul3A_97 = arith.constant 4 : i32
    %mul3A_98 = arith.muli %arg0, %mul3A_97 : i32
    %add3A_99 = arith.constant 2 : i32
    %add3A_100 = arith.addi %mul3A_98, %add3A_99 : i32
    "tpu.region"() ({
      %run_scoped3A = tpu.sem_alloc : memref<!tpu.dma_semaphore, #tpu.memory_space<semaphore_mem>>
      %dma_start3A_197 = arith.constant 0 : i32
      %dma_start3A_198 = tpu.memref_slice %arg11[%mul3A_0, %dma_start3A_197] : memref<10112x128xf32, #tpu.memory_space<vmem_shared>> -> memref<632x128xf32, #tpu.memory_space<vmem_shared>>
      tpu.enqueue_dma source(%arg5 : memref<632x128xf32, #tpu.memory_space<hbm>>) target(%dma_start3A_198 : memref<632x128xf32, #tpu.memory_space<vmem_shared>>) target_semaphore(%run_scoped3A : memref<!tpu.dma_semaphore, #tpu.memory_space<semaphore_mem>>)
      %dma_wait3A = arith.constant 0 : i32
      %dma_wait3A_199 = tpu.memref_slice %arg11[%mul3A_0, %dma_wait3A] : memref<10112x128xf32, #tpu.memory_space<vmem_shared>> -> memref<632x128xf32, #tpu.memory_space<vmem_shared>>
      tpu.wait_dma2 semaphore(%run_scoped3A : memref<!tpu.dma_semaphore, #tpu.memory_space<semaphore_mem>>) src(%arg5 : memref<632x128xf32, #tpu.memory_space<hbm>>) dst(%dma_wait3A_199 : memref<632x128xf32, #tpu.memory_space<vmem_shared>>)
      tpu.yield
    }) : () -> ()
    %barrier3A_101 = arith.constant 0 : index
    tpu.barrier barrier_id(%barrier3A_101)
    %mul3A_102 = arith.constant 80 : i32
    %mul3A_103 = arith.muli %arg1, %mul3A_102 : i32
    %add3A_104 = arith.constant 0 : i32
    %add3A_105 = arith.addi %mul3A_103, %add3A_104 : i32
    "tpu.region"() ({
      %run_scoped3A = tpu.sem_alloc : memref<!tpu.dma_semaphore, #tpu.memory_space<semaphore_mem>>
      %dma_start3A_197 = arith.constant 0 : i32
      %dma_start3A_198 = tpu.memref_slice %arg3[%add3A_100, %add3A_105, %dma_start3A_197] : memref<8x1280x128xi32, #tpu.memory_space<hbm>> -> memref<1x40x128xi32, #tpu.memory_space<hbm>>
      %dma_start3A_199 = tpu.memref_squeeze %dma_start3A_198 : memref<1x40x128xi32, #tpu.memory_space<hbm>> -> memref<40x128xi32, #tpu.memory_space<hbm>>
      %dma_start3A_200 = arith.constant 0 : i32
      %dma_start3A_201 = tpu.memref_slice %arg3[%add3A_100, %add3A_105, %dma_start3A_200] : memref<8x1280x128xi32, #tpu.memory_space<hbm>> -> memref<1x40x128xi32, #tpu.memory_space<hbm>>
      %dma_start3A_202 = tpu.memref_squeeze %dma_start3A_201 : memref<1x40x128xi32, #tpu.memory_space<hbm>> -> memref<40x128xi32, #tpu.memory_space<hbm>>
      tpu.enqueue_dma source(%dma_start3A_202 : memref<40x128xi32, #tpu.memory_space<hbm>>) target(%arg7 : memref<40x128xi32, #tpu.memory_space<vmem>>) target_semaphore(%run_scoped3A : memref<!tpu.dma_semaphore, #tpu.memory_space<semaphore_mem>>)
      %dma_wait3A = arith.constant 0 : i32
      %dma_wait3A_203 = tpu.memref_slice %arg3[%add3A_100, %add3A_105, %dma_wait3A] : memref<8x1280x128xi32, #tpu.memory_space<hbm>> -> memref<1x40x128xi32, #tpu.memory_space<hbm>>
      %dma_wait3A_204 = tpu.memref_squeeze %dma_wait3A_203 : memref<1x40x128xi32, #tpu.memory_space<hbm>> -> memref<40x128xi32, #tpu.memory_space<hbm>>
      %dma_wait3A_205 = arith.constant 0 : i32
      %dma_wait3A_206 = tpu.memref_slice %arg3[%add3A_100, %add3A_105, %dma_wait3A_205] : memref<8x1280x128xi32, #tpu.memory_space<hbm>> -> memref<1x40x128xi32, #tpu.memory_space<hbm>>
      %dma_wait3A_207 = tpu.memref_squeeze %dma_wait3A_206 : memref<1x40x128xi32, #tpu.memory_space<hbm>> -> memref<40x128xi32, #tpu.memory_space<hbm>>
      tpu.wait_dma2 semaphore(%run_scoped3A : memref<!tpu.dma_semaphore, #tpu.memory_space<semaphore_mem>>) src(%dma_wait3A_207 : memref<40x128xi32, #tpu.memory_space<hbm>>) dst(%arg7 : memref<40x128xi32, #tpu.memory_space<vmem>>)
      tpu.yield
    }) : () -> ()
    %mul3A_106 = arith.constant 80 : i32
    %mul3A_107 = arith.muli %arg1, %mul3A_106 : i32
    %add3A_108 = arith.constant 0 : i32
    %add3A_109 = arith.addi %mul3A_107, %add3A_108 : i32
    "tpu.region"() ({
      %run_scoped3A = tpu.sem_alloc : memref<!tpu.dma_semaphore, #tpu.memory_space<semaphore_mem>>
      %dma_start3A_197 = arith.constant 0 : i32
      %dma_start3A_198 = tpu.memref_slice %arg4[%add3A_109, %dma_start3A_197] : memref<1280x128xi32, #tpu.memory_space<hbm>> -> memref<40x128xi32, #tpu.memory_space<hbm>>
      %dma_start3A_199 = arith.constant 0 : i32
      %dma_start3A_200 = tpu.memref_slice %arg4[%add3A_109, %dma_start3A_199] : memref<1280x128xi32, #tpu.memory_space<hbm>> -> memref<40x128xi32, #tpu.memory_space<hbm>>
      tpu.enqueue_dma source(%dma_start3A_200 : memref<40x128xi32, #tpu.memory_space<hbm>>) target(%arg8 : memref<40x128xi32, #tpu.memory_space<vmem>>) target_semaphore(%run_scoped3A : memref<!tpu.dma_semaphore, #tpu.memory_space<semaphore_mem>>)
      %dma_wait3A = arith.constant 0 : i32
      %dma_wait3A_201 = tpu.memref_slice %arg4[%add3A_109, %dma_wait3A] : memref<1280x128xi32, #tpu.memory_space<hbm>> -> memref<40x128xi32, #tpu.memory_space<hbm>>
      %dma_wait3A_202 = arith.constant 0 : i32
      %dma_wait3A_203 = tpu.memref_slice %arg4[%add3A_109, %dma_wait3A_202] : memref<1280x128xi32, #tpu.memory_space<hbm>> -> memref<40x128xi32, #tpu.memory_space<hbm>>
      tpu.wait_dma2 semaphore(%run_scoped3A : memref<!tpu.dma_semaphore, #tpu.memory_space<semaphore_mem>>) src(%dma_wait3A_203 : memref<40x128xi32, #tpu.memory_space<hbm>>) dst(%arg8 : memref<40x128xi32, #tpu.memory_space<vmem>>)
      tpu.yield
    }) : () -> ()
    %dma_start3A_110 = arith.constant 0 : i32
    %dma_start3A_111 = arith.constant 0 : i32
    %dma_start3A_112 = tpu.memref_slice %arg7[%dma_start3A_110, %dma_start3A_111] : memref<40x128xi32, #tpu.memory_space<vmem>> -> memref<1x128xi32, #tpu.memory_space<vmem>>
    %dma_start3A_113 = tpu.memref_squeeze %dma_start3A_112 : memref<1x128xi32, #tpu.memory_space<vmem>> -> memref<128xi32, #tpu.memory_space<vmem>>
    %dma_start3A_114 = arith.constant 0 : i32
    %dma_start3A_115 = arith.constant 0 : i32
    %dma_start3A_116 = tpu.memref_slice %arg2[%dma_start3A_114, %dma_start3A_115] : memref<81920x128xf32, #tpu.memory_space<hbm>> -> memref<81920x128xf32, #tpu.memory_space<hbm>>
    tpu.enqueue_indirect_dma source(%dma_start3A_116 : memref<81920x128xf32, #tpu.memory_space<hbm>>) target(%arg9 : memref<128x128xf32, #tpu.memory_space<vmem>>) offsets(%dma_start3A_113 : memref<128xi32, #tpu.memory_space<vmem>>) semaphore(%arg12 : memref<!tpu.dma_semaphore, #tpu.memory_space<semaphore_mem>>)
    %scan3A_117 = arith.constant 0 : i32
    %scan3A_118 = arith.constant 0 : i32
    %scan3A_119 = arith.constant 20 : i32
    %scan3A_120 = arith.addi %scan3A_118, %scan3A_119 : i32
    %scan3A_121 = arith.constant 1 : i32
    %scan3A_122 = scf.for %scan3A_197 = %scan3A_118 to %scan3A_120 step %scan3A_121 iter_args(%scan3A_198 = %scan3A_117) -> (i32)  : i32 {
      %mul3A_199 = arith.constant 2 : i32
      %mul3A_200 = arith.muli %mul3A_199, %scan3A_197 : i32
      %add3A_201 = arith.constant 1 : i32
      %add3A_202 = arith.addi %mul3A_200, %add3A_201 : i32
      %dma_start3A_203 = arith.constant 0 : i32
      %dma_start3A_204 = tpu.memref_slice %arg7[%add3A_202, %dma_start3A_203] : memref<40x128xi32, #tpu.memory_space<vmem>> -> memref<1x128xi32, #tpu.memory_space<vmem>>
      %dma_start3A_205 = tpu.memref_squeeze %dma_start3A_204 : memref<1x128xi32, #tpu.memory_space<vmem>> -> memref<128xi32, #tpu.memory_space<vmem>>
      %dma_start3A_206 = arith.constant 0 : i32
      %dma_start3A_207 = arith.constant 0 : i32
      %dma_start3A_208 = tpu.memref_slice %arg2[%dma_start3A_206, %dma_start3A_207] : memref<81920x128xf32, #tpu.memory_space<hbm>> -> memref<81920x128xf32, #tpu.memory_space<hbm>>
      tpu.enqueue_indirect_dma source(%dma_start3A_208 : memref<81920x128xf32, #tpu.memory_space<hbm>>) target(%arg10 : memref<128x128xf32, #tpu.memory_space<vmem>>) offsets(%dma_start3A_205 : memref<128xi32, #tpu.memory_space<vmem>>) semaphore(%arg13 : memref<!tpu.dma_semaphore, #tpu.memory_space<semaphore_mem>>)
      %dma_wait3A = arith.constant 0 : i32
      %dma_wait3A_209 = tpu.memref_slice %arg7[%mul3A_200, %dma_wait3A] : memref<40x128xi32, #tpu.memory_space<vmem>> -> memref<1x128xi32, #tpu.memory_space<vmem>>
      %dma_wait3A_210 = tpu.memref_squeeze %dma_wait3A_209 : memref<1x128xi32, #tpu.memory_space<vmem>> -> memref<128xi32, #tpu.memory_space<vmem>>
      %dma_wait3A_211 = arith.constant 0 : i32
      %dma_wait3A_212 = arith.constant 0 : i32
      %dma_wait3A_213 = tpu.memref_slice %arg2[%dma_wait3A_211, %dma_wait3A_212] : memref<81920x128xf32, #tpu.memory_space<hbm>> -> memref<81920x128xf32, #tpu.memory_space<hbm>>
      tpu.wait_indirect_dma semaphore(%arg12 : memref<!tpu.dma_semaphore, #tpu.memory_space<semaphore_mem>>) src(%dma_wait3A_213 : memref<81920x128xf32, #tpu.memory_space<hbm>>) dst(%arg9 : memref<128x128xf32, #tpu.memory_space<vmem>>)
      "tpu.region"() ({
        %run_scoped3A = tpu.sem_alloc : memref<!tpu.dma_semaphore, #tpu.memory_space<semaphore_mem>>
        %dma_start3A_227 = arith.constant 0 : i32
        %dma_start3A_228 = tpu.memref_slice %arg8[%mul3A_200, %dma_start3A_227] : memref<40x128xi32, #tpu.memory_space<vmem>> -> memref<1x128xi32, #tpu.memory_space<vmem>>
        %dma_start3A_229 = tpu.memref_squeeze %dma_start3A_228 : memref<1x128xi32, #tpu.memory_space<vmem>> -> memref<128xi32, #tpu.memory_space<vmem>>
        %dma_start3A_230 = arith.constant 0 : i32
        %dma_start3A_231 = arith.constant 0 : i32
        %dma_start3A_232 = tpu.memref_slice %arg11[%dma_start3A_230, %dma_start3A_231] : memref<10112x128xf32, #tpu.memory_space<vmem_shared>> -> memref<10112x128xf32, #tpu.memory_space<vmem_shared>>
        tpu.enqueue_indirect_dma source(%arg9 : memref<128x128xf32, #tpu.memory_space<vmem>>) target(%dma_start3A_232 : memref<10112x128xf32, #tpu.memory_space<vmem_shared>>) offsets(%dma_start3A_229 : memref<128xi32, #tpu.memory_space<vmem>>) semaphore(%run_scoped3A : memref<!tpu.dma_semaphore, #tpu.memory_space<semaphore_mem>>) {add = true}
        %dma_wait3A_233 = arith.constant 0 : i32
        %dma_wait3A_234 = tpu.memref_slice %arg8[%mul3A_200, %dma_wait3A_233] : memref<40x128xi32, #tpu.memory_space<vmem>> -> memref<1x128xi32, #tpu.memory_space<vmem>>
        %dma_wait3A_235 = tpu.memref_squeeze %dma_wait3A_234 : memref<1x128xi32, #tpu.memory_space<vmem>> -> memref<128xi32, #tpu.memory_space<vmem>>
        %dma_wait3A_236 = arith.constant 0 : i32
        %dma_wait3A_237 = arith.constant 0 : i32
        %dma_wait3A_238 = tpu.memref_slice %arg11[%dma_wait3A_236, %dma_wait3A_237] : memref<10112x128xf32, #tpu.memory_space<vmem_shared>> -> memref<10112x128xf32, #tpu.memory_space<vmem_shared>>
        tpu.wait_indirect_dma semaphore(%run_scoped3A : memref<!tpu.dma_semaphore, #tpu.memory_space<semaphore_mem>>) src(%arg9 : memref<128x128xf32, #tpu.memory_space<vmem>>) dst(%dma_wait3A_238 : memref<10112x128xf32, #tpu.memory_space<vmem_shared>>)
        tpu.yield
      }) : () -> ()
      %lt3A = arith.constant 19 : i32
      %lt3A_214 = arith.cmpi slt, %scan3A_197, %lt3A : i32
      %convert_element_type3A = arith.extui %lt3A_214 : i1 to i32
      %cond3A = arith.constant 0 : i32
      %cond3A_215 = arith.cmpi ne, %convert_element_type3A, %cond3A : i32
      scf.if %cond3A_215 {
        %add3A_227 = arith.constant 2 : i32
        %add3A_228 = arith.addi %mul3A_200, %add3A_227 : i32
        %dma_start3A_229 = arith.constant 0 : i32
        %dma_start3A_230 = tpu.memref_slice %arg7[%add3A_228, %dma_start3A_229] : memref<40x128xi32, #tpu.memory_space<vmem>> -> memref<1x128xi32, #tpu.memory_space<vmem>>
        %dma_start3A_231 = tpu.memref_squeeze %dma_start3A_230 : memref<1x128xi32, #tpu.memory_space<vmem>> -> memref<128xi32, #tpu.memory_space<vmem>>
        %dma_start3A_232 = arith.constant 0 : i32
        %dma_start3A_233 = arith.constant 0 : i32
        %dma_start3A_234 = tpu.memref_slice %arg2[%dma_start3A_232, %dma_start3A_233] : memref<81920x128xf32, #tpu.memory_space<hbm>> -> memref<81920x128xf32, #tpu.memory_space<hbm>>
        tpu.enqueue_indirect_dma source(%dma_start3A_234 : memref<81920x128xf32, #tpu.memory_space<hbm>>) target(%arg9 : memref<128x128xf32, #tpu.memory_space<vmem>>) offsets(%dma_start3A_231 : memref<128xi32, #tpu.memory_space<vmem>>) semaphore(%arg12 : memref<!tpu.dma_semaphore, #tpu.memory_space<semaphore_mem>>)
      } else {
      }
      %add3A_216 = arith.constant 1 : i32
      %add3A_217 = arith.addi %mul3A_200, %add3A_216 : i32
      %dma_wait3A_218 = arith.constant 0 : i32
      %dma_wait3A_219 = tpu.memref_slice %arg7[%add3A_217, %dma_wait3A_218] : memref<40x128xi32, #tpu.memory_space<vmem>> -> memref<1x128xi32, #tpu.memory_space<vmem>>
      %dma_wait3A_220 = tpu.memref_squeeze %dma_wait3A_219 : memref<1x128xi32, #tpu.memory_space<vmem>> -> memref<128xi32, #tpu.memory_space<vmem>>
      %dma_wait3A_221 = arith.constant 0 : i32
      %dma_wait3A_222 = arith.constant 0 : i32
      %dma_wait3A_223 = tpu.memref_slice %arg2[%dma_wait3A_221, %dma_wait3A_222] : memref<81920x128xf32, #tpu.memory_space<hbm>> -> memref<81920x128xf32, #tpu.memory_space<hbm>>
      tpu.wait_indirect_dma semaphore(%arg13 : memref<!tpu.dma_semaphore, #tpu.memory_space<semaphore_mem>>) src(%dma_wait3A_223 : memref<81920x128xf32, #tpu.memory_space<hbm>>) dst(%arg10 : memref<128x128xf32, #tpu.memory_space<vmem>>)
      %add3A_224 = arith.constant 1 : i32
      %add3A_225 = arith.addi %mul3A_200, %add3A_224 : i32
      "tpu.region"() ({
        %run_scoped3A = tpu.sem_alloc : memref<!tpu.dma_semaphore, #tpu.memory_space<semaphore_mem>>
        %dma_start3A_227 = arith.constant 0 : i32
        %dma_start3A_228 = tpu.memref_slice %arg8[%add3A_225, %dma_start3A_227] : memref<40x128xi32, #tpu.memory_space<vmem>> -> memref<1x128xi32, #tpu.memory_space<vmem>>
        %dma_start3A_229 = tpu.memref_squeeze %dma_start3A_228 : memref<1x128xi32, #tpu.memory_space<vmem>> -> memref<128xi32, #tpu.memory_space<vmem>>
        %dma_start3A_230 = arith.constant 0 : i32
        %dma_start3A_231 = arith.constant 0 : i32
        %dma_start3A_232 = tpu.memref_slice %arg11[%dma_start3A_230, %dma_start3A_231] : memref<10112x128xf32, #tpu.memory_space<vmem_shared>> -> memref<10112x128xf32, #tpu.memory_space<vmem_shared>>
        tpu.enqueue_indirect_dma source(%arg10 : memref<128x128xf32, #tpu.memory_space<vmem>>) target(%dma_start3A_232 : memref<10112x128xf32, #tpu.memory_space<vmem_shared>>) offsets(%dma_start3A_229 : memref<128xi32, #tpu.memory_space<vmem>>) semaphore(%run_scoped3A : memref<!tpu.dma_semaphore, #tpu.memory_space<semaphore_mem>>) {add = true}
        %dma_wait3A_233 = arith.constant 0 : i32
        %dma_wait3A_234 = tpu.memref_slice %arg8[%add3A_225, %dma_wait3A_233] : memref<40x128xi32, #tpu.memory_space<vmem>> -> memref<1x128xi32, #tpu.memory_space<vmem>>
        %dma_wait3A_235 = tpu.memref_squeeze %dma_wait3A_234 : memref<1x128xi32, #tpu.memory_space<vmem>> -> memref<128xi32, #tpu.memory_space<vmem>>
        %dma_wait3A_236 = arith.constant 0 : i32
        %dma_wait3A_237 = arith.constant 0 : i32
        %dma_wait3A_238 = tpu.memref_slice %arg11[%dma_wait3A_236, %dma_wait3A_237] : memref<10112x128xf32, #tpu.memory_space<vmem_shared>> -> memref<10112x128xf32, #tpu.memory_space<vmem_shared>>
        tpu.wait_indirect_dma semaphore(%run_scoped3A : memref<!tpu.dma_semaphore, #tpu.memory_space<semaphore_mem>>) src(%arg10 : memref<128x128xf32, #tpu.memory_space<vmem>>) dst(%dma_wait3A_238 : memref<10112x128xf32, #tpu.memory_space<vmem_shared>>)
        tpu.yield
      }) : () -> ()
      %scan3A_226 = arith.constant 0 : i32
      scf.yield %scan3A_226 : i32
    }
    %scan3A_123 = arith.constant 20 : i32
    %mul3A_124 = arith.constant 80 : i32
    %mul3A_125 = arith.muli %arg1, %mul3A_124 : i32
    %add3A_126 = arith.constant 40 : i32
    %add3A_127 = arith.addi %mul3A_125, %add3A_126 : i32
    "tpu.region"() ({
      %run_scoped3A = tpu.sem_alloc : memref<!tpu.dma_semaphore, #tpu.memory_space<semaphore_mem>>
      %dma_start3A_197 = arith.constant 0 : i32
      %dma_start3A_198 = tpu.memref_slice %arg3[%add3A_100, %add3A_127, %dma_start3A_197] : memref<8x1280x128xi32, #tpu.memory_space<hbm>> -> memref<1x40x128xi32, #tpu.memory_space<hbm>>
      %dma_start3A_199 = tpu.memref_squeeze %dma_start3A_198 : memref<1x40x128xi32, #tpu.memory_space<hbm>> -> memref<40x128xi32, #tpu.memory_space<hbm>>
      %dma_start3A_200 = arith.constant 0 : i32
      %dma_start3A_201 = tpu.memref_slice %arg3[%add3A_100, %add3A_127, %dma_start3A_200] : memref<8x1280x128xi32, #tpu.memory_space<hbm>> -> memref<1x40x128xi32, #tpu.memory_space<hbm>>
      %dma_start3A_202 = tpu.memref_squeeze %dma_start3A_201 : memref<1x40x128xi32, #tpu.memory_space<hbm>> -> memref<40x128xi32, #tpu.memory_space<hbm>>
      tpu.enqueue_dma source(%dma_start3A_202 : memref<40x128xi32, #tpu.memory_space<hbm>>) target(%arg7 : memref<40x128xi32, #tpu.memory_space<vmem>>) target_semaphore(%run_scoped3A : memref<!tpu.dma_semaphore, #tpu.memory_space<semaphore_mem>>)
      %dma_wait3A = arith.constant 0 : i32
      %dma_wait3A_203 = tpu.memref_slice %arg3[%add3A_100, %add3A_127, %dma_wait3A] : memref<8x1280x128xi32, #tpu.memory_space<hbm>> -> memref<1x40x128xi32, #tpu.memory_space<hbm>>
      %dma_wait3A_204 = tpu.memref_squeeze %dma_wait3A_203 : memref<1x40x128xi32, #tpu.memory_space<hbm>> -> memref<40x128xi32, #tpu.memory_space<hbm>>
      %dma_wait3A_205 = arith.constant 0 : i32
      %dma_wait3A_206 = tpu.memref_slice %arg3[%add3A_100, %add3A_127, %dma_wait3A_205] : memref<8x1280x128xi32, #tpu.memory_space<hbm>> -> memref<1x40x128xi32, #tpu.memory_space<hbm>>
      %dma_wait3A_207 = tpu.memref_squeeze %dma_wait3A_206 : memref<1x40x128xi32, #tpu.memory_space<hbm>> -> memref<40x128xi32, #tpu.memory_space<hbm>>
      tpu.wait_dma2 semaphore(%run_scoped3A : memref<!tpu.dma_semaphore, #tpu.memory_space<semaphore_mem>>) src(%dma_wait3A_207 : memref<40x128xi32, #tpu.memory_space<hbm>>) dst(%arg7 : memref<40x128xi32, #tpu.memory_space<vmem>>)
      tpu.yield
    }) : () -> ()
    %mul3A_128 = arith.constant 80 : i32
    %mul3A_129 = arith.muli %arg1, %mul3A_128 : i32
    %add3A_130 = arith.constant 40 : i32
    %add3A_131 = arith.addi %mul3A_129, %add3A_130 : i32
    "tpu.region"() ({
      %run_scoped3A = tpu.sem_alloc : memref<!tpu.dma_semaphore, #tpu.memory_space<semaphore_mem>>
      %dma_start3A_197 = arith.constant 0 : i32
      %dma_start3A_198 = tpu.memref_slice %arg4[%add3A_131, %dma_start3A_197] : memref<1280x128xi32, #tpu.memory_space<hbm>> -> memref<40x128xi32, #tpu.memory_space<hbm>>
      %dma_start3A_199 = arith.constant 0 : i32
      %dma_start3A_200 = tpu.memref_slice %arg4[%add3A_131, %dma_start3A_199] : memref<1280x128xi32, #tpu.memory_space<hbm>> -> memref<40x128xi32, #tpu.memory_space<hbm>>
      tpu.enqueue_dma source(%dma_start3A_200 : memref<40x128xi32, #tpu.memory_space<hbm>>) target(%arg8 : memref<40x128xi32, #tpu.memory_space<vmem>>) target_semaphore(%run_scoped3A : memref<!tpu.dma_semaphore, #tpu.memory_space<semaphore_mem>>)
      %dma_wait3A = arith.constant 0 : i32
      %dma_wait3A_201 = tpu.memref_slice %arg4[%add3A_131, %dma_wait3A] : memref<1280x128xi32, #tpu.memory_space<hbm>> -> memref<40x128xi32, #tpu.memory_space<hbm>>
      %dma_wait3A_202 = arith.constant 0 : i32
      %dma_wait3A_203 = tpu.memref_slice %arg4[%add3A_131, %dma_wait3A_202] : memref<1280x128xi32, #tpu.memory_space<hbm>> -> memref<40x128xi32, #tpu.memory_space<hbm>>
      tpu.wait_dma2 semaphore(%run_scoped3A : memref<!tpu.dma_semaphore, #tpu.memory_space<semaphore_mem>>) src(%dma_wait3A_203 : memref<40x128xi32, #tpu.memory_space<hbm>>) dst(%arg8 : memref<40x128xi32, #tpu.memory_space<vmem>>)
      tpu.yield
    }) : () -> ()
    %dma_start3A_132 = arith.constant 0 : i32
    %dma_start3A_133 = arith.constant 0 : i32
    %dma_start3A_134 = tpu.memref_slice %arg7[%dma_start3A_132, %dma_start3A_133] : memref<40x128xi32, #tpu.memory_space<vmem>> -> memref<1x128xi32, #tpu.memory_space<vmem>>
    %dma_start3A_135 = tpu.memref_squeeze %dma_start3A_134 : memref<1x128xi32, #tpu.memory_space<vmem>> -> memref<128xi32, #tpu.memory_space<vmem>>
    %dma_start3A_136 = arith.constant 0 : i32
    %dma_start3A_137 = arith.constant 0 : i32
    %dma_start3A_138 = tpu.memref_slice %arg2[%dma_start3A_136, %dma_start3A_137] : memref<81920x128xf32, #tpu.memory_space<hbm>> -> memref<81920x128xf32, #tpu.memory_space<hbm>>
    tpu.enqueue_indirect_dma source(%dma_start3A_138 : memref<81920x128xf32, #tpu.memory_space<hbm>>) target(%arg9 : memref<128x128xf32, #tpu.memory_space<vmem>>) offsets(%dma_start3A_135 : memref<128xi32, #tpu.memory_space<vmem>>) semaphore(%arg12 : memref<!tpu.dma_semaphore, #tpu.memory_space<semaphore_mem>>)
    %scan3A_139 = arith.constant 0 : i32
    %scan3A_140 = arith.constant 0 : i32
    %scan3A_141 = arith.constant 20 : i32
    %scan3A_142 = arith.addi %scan3A_140, %scan3A_141 : i32
    %scan3A_143 = arith.constant 1 : i32
    %scan3A_144 = scf.for %scan3A_197 = %scan3A_140 to %scan3A_142 step %scan3A_143 iter_args(%scan3A_198 = %scan3A_139) -> (i32)  : i32 {
      %mul3A_199 = arith.constant 2 : i32
      %mul3A_200 = arith.muli %mul3A_199, %scan3A_197 : i32
      %add3A_201 = arith.constant 1 : i32
      %add3A_202 = arith.addi %mul3A_200, %add3A_201 : i32
      %dma_start3A_203 = arith.constant 0 : i32
      %dma_start3A_204 = tpu.memref_slice %arg7[%add3A_202, %dma_start3A_203] : memref<40x128xi32, #tpu.memory_space<vmem>> -> memref<1x128xi32, #tpu.memory_space<vmem>>
      %dma_start3A_205 = tpu.memref_squeeze %dma_start3A_204 : memref<1x128xi32, #tpu.memory_space<vmem>> -> memref<128xi32, #tpu.memory_space<vmem>>
      %dma_start3A_206 = arith.constant 0 : i32
      %dma_start3A_207 = arith.constant 0 : i32
      %dma_start3A_208 = tpu.memref_slice %arg2[%dma_start3A_206, %dma_start3A_207] : memref<81920x128xf32, #tpu.memory_space<hbm>> -> memref<81920x128xf32, #tpu.memory_space<hbm>>
      tpu.enqueue_indirect_dma source(%dma_start3A_208 : memref<81920x128xf32, #tpu.memory_space<hbm>>) target(%arg10 : memref<128x128xf32, #tpu.memory_space<vmem>>) offsets(%dma_start3A_205 : memref<128xi32, #tpu.memory_space<vmem>>) semaphore(%arg13 : memref<!tpu.dma_semaphore, #tpu.memory_space<semaphore_mem>>)
      %dma_wait3A = arith.constant 0 : i32
      %dma_wait3A_209 = tpu.memref_slice %arg7[%mul3A_200, %dma_wait3A] : memref<40x128xi32, #tpu.memory_space<vmem>> -> memref<1x128xi32, #tpu.memory_space<vmem>>
      %dma_wait3A_210 = tpu.memref_squeeze %dma_wait3A_209 : memref<1x128xi32, #tpu.memory_space<vmem>> -> memref<128xi32, #tpu.memory_space<vmem>>
      %dma_wait3A_211 = arith.constant 0 : i32
      %dma_wait3A_212 = arith.constant 0 : i32
      %dma_wait3A_213 = tpu.memref_slice %arg2[%dma_wait3A_211, %dma_wait3A_212] : memref<81920x128xf32, #tpu.memory_space<hbm>> -> memref<81920x128xf32, #tpu.memory_space<hbm>>
      tpu.wait_indirect_dma semaphore(%arg12 : memref<!tpu.dma_semaphore, #tpu.memory_space<semaphore_mem>>) src(%dma_wait3A_213 : memref<81920x128xf32, #tpu.memory_space<hbm>>) dst(%arg9 : memref<128x128xf32, #tpu.memory_space<vmem>>)
      "tpu.region"() ({
        %run_scoped3A = tpu.sem_alloc : memref<!tpu.dma_semaphore, #tpu.memory_space<semaphore_mem>>
        %dma_start3A_227 = arith.constant 0 : i32
        %dma_start3A_228 = tpu.memref_slice %arg8[%mul3A_200, %dma_start3A_227] : memref<40x128xi32, #tpu.memory_space<vmem>> -> memref<1x128xi32, #tpu.memory_space<vmem>>
        %dma_start3A_229 = tpu.memref_squeeze %dma_start3A_228 : memref<1x128xi32, #tpu.memory_space<vmem>> -> memref<128xi32, #tpu.memory_space<vmem>>
        %dma_start3A_230 = arith.constant 0 : i32
        %dma_start3A_231 = arith.constant 0 : i32
        %dma_start3A_232 = tpu.memref_slice %arg11[%dma_start3A_230, %dma_start3A_231] : memref<10112x128xf32, #tpu.memory_space<vmem_shared>> -> memref<10112x128xf32, #tpu.memory_space<vmem_shared>>
        tpu.enqueue_indirect_dma source(%arg9 : memref<128x128xf32, #tpu.memory_space<vmem>>) target(%dma_start3A_232 : memref<10112x128xf32, #tpu.memory_space<vmem_shared>>) offsets(%dma_start3A_229 : memref<128xi32, #tpu.memory_space<vmem>>) semaphore(%run_scoped3A : memref<!tpu.dma_semaphore, #tpu.memory_space<semaphore_mem>>) {add = true}
        %dma_wait3A_233 = arith.constant 0 : i32
        %dma_wait3A_234 = tpu.memref_slice %arg8[%mul3A_200, %dma_wait3A_233] : memref<40x128xi32, #tpu.memory_space<vmem>> -> memref<1x128xi32, #tpu.memory_space<vmem>>
        %dma_wait3A_235 = tpu.memref_squeeze %dma_wait3A_234 : memref<1x128xi32, #tpu.memory_space<vmem>> -> memref<128xi32, #tpu.memory_space<vmem>>
        %dma_wait3A_236 = arith.constant 0 : i32
        %dma_wait3A_237 = arith.constant 0 : i32
        %dma_wait3A_238 = tpu.memref_slice %arg11[%dma_wait3A_236, %dma_wait3A_237] : memref<10112x128xf32, #tpu.memory_space<vmem_shared>> -> memref<10112x128xf32, #tpu.memory_space<vmem_shared>>
        tpu.wait_indirect_dma semaphore(%run_scoped3A : memref<!tpu.dma_semaphore, #tpu.memory_space<semaphore_mem>>) src(%arg9 : memref<128x128xf32, #tpu.memory_space<vmem>>) dst(%dma_wait3A_238 : memref<10112x128xf32, #tpu.memory_space<vmem_shared>>)
        tpu.yield
      }) : () -> ()
      %lt3A = arith.constant 19 : i32
      %lt3A_214 = arith.cmpi slt, %scan3A_197, %lt3A : i32
      %convert_element_type3A = arith.extui %lt3A_214 : i1 to i32
      %cond3A = arith.constant 0 : i32
      %cond3A_215 = arith.cmpi ne, %convert_element_type3A, %cond3A : i32
      scf.if %cond3A_215 {
        %add3A_227 = arith.constant 2 : i32
        %add3A_228 = arith.addi %mul3A_200, %add3A_227 : i32
        %dma_start3A_229 = arith.constant 0 : i32
        %dma_start3A_230 = tpu.memref_slice %arg7[%add3A_228, %dma_start3A_229] : memref<40x128xi32, #tpu.memory_space<vmem>> -> memref<1x128xi32, #tpu.memory_space<vmem>>
        %dma_start3A_231 = tpu.memref_squeeze %dma_start3A_230 : memref<1x128xi32, #tpu.memory_space<vmem>> -> memref<128xi32, #tpu.memory_space<vmem>>
        %dma_start3A_232 = arith.constant 0 : i32
        %dma_start3A_233 = arith.constant 0 : i32
        %dma_start3A_234 = tpu.memref_slice %arg2[%dma_start3A_232, %dma_start3A_233] : memref<81920x128xf32, #tpu.memory_space<hbm>> -> memref<81920x128xf32, #tpu.memory_space<hbm>>
        tpu.enqueue_indirect_dma source(%dma_start3A_234 : memref<81920x128xf32, #tpu.memory_space<hbm>>) target(%arg9 : memref<128x128xf32, #tpu.memory_space<vmem>>) offsets(%dma_start3A_231 : memref<128xi32, #tpu.memory_space<vmem>>) semaphore(%arg12 : memref<!tpu.dma_semaphore, #tpu.memory_space<semaphore_mem>>)
      } else {
      }
      %add3A_216 = arith.constant 1 : i32
      %add3A_217 = arith.addi %mul3A_200, %add3A_216 : i32
      %dma_wait3A_218 = arith.constant 0 : i32
      %dma_wait3A_219 = tpu.memref_slice %arg7[%add3A_217, %dma_wait3A_218] : memref<40x128xi32, #tpu.memory_space<vmem>> -> memref<1x128xi32, #tpu.memory_space<vmem>>
      %dma_wait3A_220 = tpu.memref_squeeze %dma_wait3A_219 : memref<1x128xi32, #tpu.memory_space<vmem>> -> memref<128xi32, #tpu.memory_space<vmem>>
      %dma_wait3A_221 = arith.constant 0 : i32
      %dma_wait3A_222 = arith.constant 0 : i32
      %dma_wait3A_223 = tpu.memref_slice %arg2[%dma_wait3A_221, %dma_wait3A_222] : memref<81920x128xf32, #tpu.memory_space<hbm>> -> memref<81920x128xf32, #tpu.memory_space<hbm>>
      tpu.wait_indirect_dma semaphore(%arg13 : memref<!tpu.dma_semaphore, #tpu.memory_space<semaphore_mem>>) src(%dma_wait3A_223 : memref<81920x128xf32, #tpu.memory_space<hbm>>) dst(%arg10 : memref<128x128xf32, #tpu.memory_space<vmem>>)
      %add3A_224 = arith.constant 1 : i32
      %add3A_225 = arith.addi %mul3A_200, %add3A_224 : i32
      "tpu.region"() ({
        %run_scoped3A = tpu.sem_alloc : memref<!tpu.dma_semaphore, #tpu.memory_space<semaphore_mem>>
        %dma_start3A_227 = arith.constant 0 : i32
        %dma_start3A_228 = tpu.memref_slice %arg8[%add3A_225, %dma_start3A_227] : memref<40x128xi32, #tpu.memory_space<vmem>> -> memref<1x128xi32, #tpu.memory_space<vmem>>
        %dma_start3A_229 = tpu.memref_squeeze %dma_start3A_228 : memref<1x128xi32, #tpu.memory_space<vmem>> -> memref<128xi32, #tpu.memory_space<vmem>>
        %dma_start3A_230 = arith.constant 0 : i32
        %dma_start3A_231 = arith.constant 0 : i32
        %dma_start3A_232 = tpu.memref_slice %arg11[%dma_start3A_230, %dma_start3A_231] : memref<10112x128xf32, #tpu.memory_space<vmem_shared>> -> memref<10112x128xf32, #tpu.memory_space<vmem_shared>>
        tpu.enqueue_indirect_dma source(%arg10 : memref<128x128xf32, #tpu.memory_space<vmem>>) target(%dma_start3A_232 : memref<10112x128xf32, #tpu.memory_space<vmem_shared>>) offsets(%dma_start3A_229 : memref<128xi32, #tpu.memory_space<vmem>>) semaphore(%run_scoped3A : memref<!tpu.dma_semaphore, #tpu.memory_space<semaphore_mem>>) {add = true}
        %dma_wait3A_233 = arith.constant 0 : i32
        %dma_wait3A_234 = tpu.memref_slice %arg8[%add3A_225, %dma_wait3A_233] : memref<40x128xi32, #tpu.memory_space<vmem>> -> memref<1x128xi32, #tpu.memory_space<vmem>>
        %dma_wait3A_235 = tpu.memref_squeeze %dma_wait3A_234 : memref<1x128xi32, #tpu.memory_space<vmem>> -> memref<128xi32, #tpu.memory_space<vmem>>
        %dma_wait3A_236 = arith.constant 0 : i32
        %dma_wait3A_237 = arith.constant 0 : i32
        %dma_wait3A_238 = tpu.memref_slice %arg11[%dma_wait3A_236, %dma_wait3A_237] : memref<10112x128xf32, #tpu.memory_space<vmem_shared>> -> memref<10112x128xf32, #tpu.memory_space<vmem_shared>>
        tpu.wait_indirect_dma semaphore(%run_scoped3A : memref<!tpu.dma_semaphore, #tpu.memory_space<semaphore_mem>>) src(%arg10 : memref<128x128xf32, #tpu.memory_space<vmem>>) dst(%dma_wait3A_238 : memref<10112x128xf32, #tpu.memory_space<vmem_shared>>)
        tpu.yield
      }) : () -> ()
      %scan3A_226 = arith.constant 0 : i32
      scf.yield %scan3A_226 : i32
    }
    %scan3A_145 = arith.constant 20 : i32
    %barrier3A_146 = arith.constant 0 : index
    tpu.barrier barrier_id(%barrier3A_146)
    "tpu.region"() ({
      %run_scoped3A = tpu.sem_alloc : memref<!tpu.dma_semaphore, #tpu.memory_space<semaphore_mem>>
      %dma_start3A_197 = arith.constant 0 : i32
      %dma_start3A_198 = tpu.memref_slice %arg6[%add3A_100, %mul3A_0, %dma_start3A_197] : memref<8x10240x128xf32, #tpu.memory_space<hbm>> -> memref<1x632x128xf32, #tpu.memory_space<hbm>>
      %dma_start3A_199 = tpu.memref_squeeze %dma_start3A_198 : memref<1x632x128xf32, #tpu.memory_space<hbm>> -> memref<632x128xf32, #tpu.memory_space<hbm>>
      %dma_start3A_200 = arith.constant 0 : i32
      %dma_start3A_201 = tpu.memref_slice %arg11[%mul3A_0, %dma_start3A_200] : memref<10112x128xf32, #tpu.memory_space<vmem_shared>> -> memref<632x128xf32, #tpu.memory_space<vmem_shared>>
      tpu.enqueue_dma source(%dma_start3A_201 : memref<632x128xf32, #tpu.memory_space<vmem_shared>>) target(%dma_start3A_199 : memref<632x128xf32, #tpu.memory_space<hbm>>) target_semaphore(%run_scoped3A : memref<!tpu.dma_semaphore, #tpu.memory_space<semaphore_mem>>)
      %dma_wait3A = arith.constant 0 : i32
      %dma_wait3A_202 = tpu.memref_slice %arg6[%add3A_100, %mul3A_0, %dma_wait3A] : memref<8x10240x128xf32, #tpu.memory_space<hbm>> -> memref<1x632x128xf32, #tpu.memory_space<hbm>>
      %dma_wait3A_203 = tpu.memref_squeeze %dma_wait3A_202 : memref<1x632x128xf32, #tpu.memory_space<hbm>> -> memref<632x128xf32, #tpu.memory_space<hbm>>
      %dma_wait3A_204 = arith.constant 0 : i32
      %dma_wait3A_205 = tpu.memref_slice %arg11[%mul3A_0, %dma_wait3A_204] : memref<10112x128xf32, #tpu.memory_space<vmem_shared>> -> memref<632x128xf32, #tpu.memory_space<vmem_shared>>
      tpu.wait_dma2 semaphore(%run_scoped3A : memref<!tpu.dma_semaphore, #tpu.memory_space<semaphore_mem>>) src(%dma_wait3A_205 : memref<632x128xf32, #tpu.memory_space<vmem_shared>>) dst(%dma_wait3A_203 : memref<632x128xf32, #tpu.memory_space<hbm>>)
      tpu.yield
    }) : () -> ()
    %mul3A_147 = arith.constant 4 : i32
    %mul3A_148 = arith.muli %arg0, %mul3A_147 : i32
    %add3A_149 = arith.constant 3 : i32
    %add3A_150 = arith.addi %mul3A_148, %add3A_149 : i32
    "tpu.region"() ({
      %run_scoped3A = tpu.sem_alloc : memref<!tpu.dma_semaphore, #tpu.memory_space<semaphore_mem>>
      %dma_start3A_197 = arith.constant 0 : i32
      %dma_start3A_198 = tpu.memref_slice %arg11[%mul3A_0, %dma_start3A_197] : memref<10112x128xf32, #tpu.memory_space<vmem_shared>> -> memref<632x128xf32, #tpu.memory_space<vmem_shared>>
      tpu.enqueue_dma source(%arg5 : memref<632x128xf32, #tpu.memory_space<hbm>>) target(%dma_start3A_198 : memref<632x128xf32, #tpu.memory_space<vmem_shared>>) target_semaphore(%run_scoped3A : memref<!tpu.dma_semaphore, #tpu.memory_space<semaphore_mem>>)
      %dma_wait3A = arith.constant 0 : i32
      %dma_wait3A_199 = tpu.memref_slice %arg11[%mul3A_0, %dma_wait3A] : memref<10112x128xf32, #tpu.memory_space<vmem_shared>> -> memref<632x128xf32, #tpu.memory_space<vmem_shared>>
      tpu.wait_dma2 semaphore(%run_scoped3A : memref<!tpu.dma_semaphore, #tpu.memory_space<semaphore_mem>>) src(%arg5 : memref<632x128xf32, #tpu.memory_space<hbm>>) dst(%dma_wait3A_199 : memref<632x128xf32, #tpu.memory_space<vmem_shared>>)
      tpu.yield
    }) : () -> ()
    %barrier3A_151 = arith.constant 0 : index
    tpu.barrier barrier_id(%barrier3A_151)
    %mul3A_152 = arith.constant 80 : i32
    %mul3A_153 = arith.muli %arg1, %mul3A_152 : i32
    %add3A_154 = arith.constant 0 : i32
    %add3A_155 = arith.addi %mul3A_153, %add3A_154 : i32
    "tpu.region"() ({
      %run_scoped3A = tpu.sem_alloc : memref<!tpu.dma_semaphore, #tpu.memory_space<semaphore_mem>>
      %dma_start3A_197 = arith.constant 0 : i32
      %dma_start3A_198 = tpu.memref_slice %arg3[%add3A_150, %add3A_155, %dma_start3A_197] : memref<8x1280x128xi32, #tpu.memory_space<hbm>> -> memref<1x40x128xi32, #tpu.memory_space<hbm>>
      %dma_start3A_199 = tpu.memref_squeeze %dma_start3A_198 : memref<1x40x128xi32, #tpu.memory_space<hbm>> -> memref<40x128xi32, #tpu.memory_space<hbm>>
      %dma_start3A_200 = arith.constant 0 : i32
      %dma_start3A_201 = tpu.memref_slice %arg3[%add3A_150, %add3A_155, %dma_start3A_200] : memref<8x1280x128xi32, #tpu.memory_space<hbm>> -> memref<1x40x128xi32, #tpu.memory_space<hbm>>
      %dma_start3A_202 = tpu.memref_squeeze %dma_start3A_201 : memref<1x40x128xi32, #tpu.memory_space<hbm>> -> memref<40x128xi32, #tpu.memory_space<hbm>>
      tpu.enqueue_dma source(%dma_start3A_202 : memref<40x128xi32, #tpu.memory_space<hbm>>) target(%arg7 : memref<40x128xi32, #tpu.memory_space<vmem>>) target_semaphore(%run_scoped3A : memref<!tpu.dma_semaphore, #tpu.memory_space<semaphore_mem>>)
      %dma_wait3A = arith.constant 0 : i32
      %dma_wait3A_203 = tpu.memref_slice %arg3[%add3A_150, %add3A_155, %dma_wait3A] : memref<8x1280x128xi32, #tpu.memory_space<hbm>> -> memref<1x40x128xi32, #tpu.memory_space<hbm>>
      %dma_wait3A_204 = tpu.memref_squeeze %dma_wait3A_203 : memref<1x40x128xi32, #tpu.memory_space<hbm>> -> memref<40x128xi32, #tpu.memory_space<hbm>>
      %dma_wait3A_205 = arith.constant 0 : i32
      %dma_wait3A_206 = tpu.memref_slice %arg3[%add3A_150, %add3A_155, %dma_wait3A_205] : memref<8x1280x128xi32, #tpu.memory_space<hbm>> -> memref<1x40x128xi32, #tpu.memory_space<hbm>>
      %dma_wait3A_207 = tpu.memref_squeeze %dma_wait3A_206 : memref<1x40x128xi32, #tpu.memory_space<hbm>> -> memref<40x128xi32, #tpu.memory_space<hbm>>
      tpu.wait_dma2 semaphore(%run_scoped3A : memref<!tpu.dma_semaphore, #tpu.memory_space<semaphore_mem>>) src(%dma_wait3A_207 : memref<40x128xi32, #tpu.memory_space<hbm>>) dst(%arg7 : memref<40x128xi32, #tpu.memory_space<vmem>>)
      tpu.yield
    }) : () -> ()
    %mul3A_156 = arith.constant 80 : i32
    %mul3A_157 = arith.muli %arg1, %mul3A_156 : i32
    %add3A_158 = arith.constant 0 : i32
    %add3A_159 = arith.addi %mul3A_157, %add3A_158 : i32
    "tpu.region"() ({
      %run_scoped3A = tpu.sem_alloc : memref<!tpu.dma_semaphore, #tpu.memory_space<semaphore_mem>>
      %dma_start3A_197 = arith.constant 0 : i32
      %dma_start3A_198 = tpu.memref_slice %arg4[%add3A_159, %dma_start3A_197] : memref<1280x128xi32, #tpu.memory_space<hbm>> -> memref<40x128xi32, #tpu.memory_space<hbm>>
      %dma_start3A_199 = arith.constant 0 : i32
      %dma_start3A_200 = tpu.memref_slice %arg4[%add3A_159, %dma_start3A_199] : memref<1280x128xi32, #tpu.memory_space<hbm>> -> memref<40x128xi32, #tpu.memory_space<hbm>>
      tpu.enqueue_dma source(%dma_start3A_200 : memref<40x128xi32, #tpu.memory_space<hbm>>) target(%arg8 : memref<40x128xi32, #tpu.memory_space<vmem>>) target_semaphore(%run_scoped3A : memref<!tpu.dma_semaphore, #tpu.memory_space<semaphore_mem>>)
      %dma_wait3A = arith.constant 0 : i32
      %dma_wait3A_201 = tpu.memref_slice %arg4[%add3A_159, %dma_wait3A] : memref<1280x128xi32, #tpu.memory_space<hbm>> -> memref<40x128xi32, #tpu.memory_space<hbm>>
      %dma_wait3A_202 = arith.constant 0 : i32
      %dma_wait3A_203 = tpu.memref_slice %arg4[%add3A_159, %dma_wait3A_202] : memref<1280x128xi32, #tpu.memory_space<hbm>> -> memref<40x128xi32, #tpu.memory_space<hbm>>
      tpu.wait_dma2 semaphore(%run_scoped3A : memref<!tpu.dma_semaphore, #tpu.memory_space<semaphore_mem>>) src(%dma_wait3A_203 : memref<40x128xi32, #tpu.memory_space<hbm>>) dst(%arg8 : memref<40x128xi32, #tpu.memory_space<vmem>>)
      tpu.yield
    }) : () -> ()
    %dma_start3A_160 = arith.constant 0 : i32
    %dma_start3A_161 = arith.constant 0 : i32
    %dma_start3A_162 = tpu.memref_slice %arg7[%dma_start3A_160, %dma_start3A_161] : memref<40x128xi32, #tpu.memory_space<vmem>> -> memref<1x128xi32, #tpu.memory_space<vmem>>
    %dma_start3A_163 = tpu.memref_squeeze %dma_start3A_162 : memref<1x128xi32, #tpu.memory_space<vmem>> -> memref<128xi32, #tpu.memory_space<vmem>>
    %dma_start3A_164 = arith.constant 0 : i32
    %dma_start3A_165 = arith.constant 0 : i32
    %dma_start3A_166 = tpu.memref_slice %arg2[%dma_start3A_164, %dma_start3A_165] : memref<81920x128xf32, #tpu.memory_space<hbm>> -> memref<81920x128xf32, #tpu.memory_space<hbm>>
    tpu.enqueue_indirect_dma source(%dma_start3A_166 : memref<81920x128xf32, #tpu.memory_space<hbm>>) target(%arg9 : memref<128x128xf32, #tpu.memory_space<vmem>>) offsets(%dma_start3A_163 : memref<128xi32, #tpu.memory_space<vmem>>) semaphore(%arg12 : memref<!tpu.dma_semaphore, #tpu.memory_space<semaphore_mem>>)
    %scan3A_167 = arith.constant 0 : i32
    %scan3A_168 = arith.constant 0 : i32
    %scan3A_169 = arith.constant 20 : i32
    %scan3A_170 = arith.addi %scan3A_168, %scan3A_169 : i32
    %scan3A_171 = arith.constant 1 : i32
    %scan3A_172 = scf.for %scan3A_197 = %scan3A_168 to %scan3A_170 step %scan3A_171 iter_args(%scan3A_198 = %scan3A_167) -> (i32)  : i32 {
      %mul3A_199 = arith.constant 2 : i32
      %mul3A_200 = arith.muli %mul3A_199, %scan3A_197 : i32
      %add3A_201 = arith.constant 1 : i32
      %add3A_202 = arith.addi %mul3A_200, %add3A_201 : i32
      %dma_start3A_203 = arith.constant 0 : i32
      %dma_start3A_204 = tpu.memref_slice %arg7[%add3A_202, %dma_start3A_203] : memref<40x128xi32, #tpu.memory_space<vmem>> -> memref<1x128xi32, #tpu.memory_space<vmem>>
      %dma_start3A_205 = tpu.memref_squeeze %dma_start3A_204 : memref<1x128xi32, #tpu.memory_space<vmem>> -> memref<128xi32, #tpu.memory_space<vmem>>
      %dma_start3A_206 = arith.constant 0 : i32
      %dma_start3A_207 = arith.constant 0 : i32
      %dma_start3A_208 = tpu.memref_slice %arg2[%dma_start3A_206, %dma_start3A_207] : memref<81920x128xf32, #tpu.memory_space<hbm>> -> memref<81920x128xf32, #tpu.memory_space<hbm>>
      tpu.enqueue_indirect_dma source(%dma_start3A_208 : memref<81920x128xf32, #tpu.memory_space<hbm>>) target(%arg10 : memref<128x128xf32, #tpu.memory_space<vmem>>) offsets(%dma_start3A_205 : memref<128xi32, #tpu.memory_space<vmem>>) semaphore(%arg13 : memref<!tpu.dma_semaphore, #tpu.memory_space<semaphore_mem>>)
      %dma_wait3A = arith.constant 0 : i32
      %dma_wait3A_209 = tpu.memref_slice %arg7[%mul3A_200, %dma_wait3A] : memref<40x128xi32, #tpu.memory_space<vmem>> -> memref<1x128xi32, #tpu.memory_space<vmem>>
      %dma_wait3A_210 = tpu.memref_squeeze %dma_wait3A_209 : memref<1x128xi32, #tpu.memory_space<vmem>> -> memref<128xi32, #tpu.memory_space<vmem>>
      %dma_wait3A_211 = arith.constant 0 : i32
      %dma_wait3A_212 = arith.constant 0 : i32
      %dma_wait3A_213 = tpu.memref_slice %arg2[%dma_wait3A_211, %dma_wait3A_212] : memref<81920x128xf32, #tpu.memory_space<hbm>> -> memref<81920x128xf32, #tpu.memory_space<hbm>>
      tpu.wait_indirect_dma semaphore(%arg12 : memref<!tpu.dma_semaphore, #tpu.memory_space<semaphore_mem>>) src(%dma_wait3A_213 : memref<81920x128xf32, #tpu.memory_space<hbm>>) dst(%arg9 : memref<128x128xf32, #tpu.memory_space<vmem>>)
      "tpu.region"() ({
        %run_scoped3A = tpu.sem_alloc : memref<!tpu.dma_semaphore, #tpu.memory_space<semaphore_mem>>
        %dma_start3A_227 = arith.constant 0 : i32
        %dma_start3A_228 = tpu.memref_slice %arg8[%mul3A_200, %dma_start3A_227] : memref<40x128xi32, #tpu.memory_space<vmem>> -> memref<1x128xi32, #tpu.memory_space<vmem>>
        %dma_start3A_229 = tpu.memref_squeeze %dma_start3A_228 : memref<1x128xi32, #tpu.memory_space<vmem>> -> memref<128xi32, #tpu.memory_space<vmem>>
        %dma_start3A_230 = arith.constant 0 : i32
        %dma_start3A_231 = arith.constant 0 : i32
        %dma_start3A_232 = tpu.memref_slice %arg11[%dma_start3A_230, %dma_start3A_231] : memref<10112x128xf32, #tpu.memory_space<vmem_shared>> -> memref<10112x128xf32, #tpu.memory_space<vmem_shared>>
        tpu.enqueue_indirect_dma source(%arg9 : memref<128x128xf32, #tpu.memory_space<vmem>>) target(%dma_start3A_232 : memref<10112x128xf32, #tpu.memory_space<vmem_shared>>) offsets(%dma_start3A_229 : memref<128xi32, #tpu.memory_space<vmem>>) semaphore(%run_scoped3A : memref<!tpu.dma_semaphore, #tpu.memory_space<semaphore_mem>>) {add = true}
        %dma_wait3A_233 = arith.constant 0 : i32
        %dma_wait3A_234 = tpu.memref_slice %arg8[%mul3A_200, %dma_wait3A_233] : memref<40x128xi32, #tpu.memory_space<vmem>> -> memref<1x128xi32, #tpu.memory_space<vmem>>
        %dma_wait3A_235 = tpu.memref_squeeze %dma_wait3A_234 : memref<1x128xi32, #tpu.memory_space<vmem>> -> memref<128xi32, #tpu.memory_space<vmem>>
        %dma_wait3A_236 = arith.constant 0 : i32
        %dma_wait3A_237 = arith.constant 0 : i32
        %dma_wait3A_238 = tpu.memref_slice %arg11[%dma_wait3A_236, %dma_wait3A_237] : memref<10112x128xf32, #tpu.memory_space<vmem_shared>> -> memref<10112x128xf32, #tpu.memory_space<vmem_shared>>
        tpu.wait_indirect_dma semaphore(%run_scoped3A : memref<!tpu.dma_semaphore, #tpu.memory_space<semaphore_mem>>) src(%arg9 : memref<128x128xf32, #tpu.memory_space<vmem>>) dst(%dma_wait3A_238 : memref<10112x128xf32, #tpu.memory_space<vmem_shared>>)
        tpu.yield
      }) : () -> ()
      %lt3A = arith.constant 19 : i32
      %lt3A_214 = arith.cmpi slt, %scan3A_197, %lt3A : i32
      %convert_element_type3A = arith.extui %lt3A_214 : i1 to i32
      %cond3A = arith.constant 0 : i32
      %cond3A_215 = arith.cmpi ne, %convert_element_type3A, %cond3A : i32
      scf.if %cond3A_215 {
        %add3A_227 = arith.constant 2 : i32
        %add3A_228 = arith.addi %mul3A_200, %add3A_227 : i32
        %dma_start3A_229 = arith.constant 0 : i32
        %dma_start3A_230 = tpu.memref_slice %arg7[%add3A_228, %dma_start3A_229] : memref<40x128xi32, #tpu.memory_space<vmem>> -> memref<1x128xi32, #tpu.memory_space<vmem>>
        %dma_start3A_231 = tpu.memref_squeeze %dma_start3A_230 : memref<1x128xi32, #tpu.memory_space<vmem>> -> memref<128xi32, #tpu.memory_space<vmem>>
        %dma_start3A_232 = arith.constant 0 : i32
        %dma_start3A_233 = arith.constant 0 : i32
        %dma_start3A_234 = tpu.memref_slice %arg2[%dma_start3A_232, %dma_start3A_233] : memref<81920x128xf32, #tpu.memory_space<hbm>> -> memref<81920x128xf32, #tpu.memory_space<hbm>>
        tpu.enqueue_indirect_dma source(%dma_start3A_234 : memref<81920x128xf32, #tpu.memory_space<hbm>>) target(%arg9 : memref<128x128xf32, #tpu.memory_space<vmem>>) offsets(%dma_start3A_231 : memref<128xi32, #tpu.memory_space<vmem>>) semaphore(%arg12 : memref<!tpu.dma_semaphore, #tpu.memory_space<semaphore_mem>>)
      } else {
      }
      %add3A_216 = arith.constant 1 : i32
      %add3A_217 = arith.addi %mul3A_200, %add3A_216 : i32
      %dma_wait3A_218 = arith.constant 0 : i32
      %dma_wait3A_219 = tpu.memref_slice %arg7[%add3A_217, %dma_wait3A_218] : memref<40x128xi32, #tpu.memory_space<vmem>> -> memref<1x128xi32, #tpu.memory_space<vmem>>
      %dma_wait3A_220 = tpu.memref_squeeze %dma_wait3A_219 : memref<1x128xi32, #tpu.memory_space<vmem>> -> memref<128xi32, #tpu.memory_space<vmem>>
      %dma_wait3A_221 = arith.constant 0 : i32
      %dma_wait3A_222 = arith.constant 0 : i32
      %dma_wait3A_223 = tpu.memref_slice %arg2[%dma_wait3A_221, %dma_wait3A_222] : memref<81920x128xf32, #tpu.memory_space<hbm>> -> memref<81920x128xf32, #tpu.memory_space<hbm>>
      tpu.wait_indirect_dma semaphore(%arg13 : memref<!tpu.dma_semaphore, #tpu.memory_space<semaphore_mem>>) src(%dma_wait3A_223 : memref<81920x128xf32, #tpu.memory_space<hbm>>) dst(%arg10 : memref<128x128xf32, #tpu.memory_space<vmem>>)
      %add3A_224 = arith.constant 1 : i32
      %add3A_225 = arith.addi %mul3A_200, %add3A_224 : i32
      "tpu.region"() ({
        %run_scoped3A = tpu.sem_alloc : memref<!tpu.dma_semaphore, #tpu.memory_space<semaphore_mem>>
        %dma_start3A_227 = arith.constant 0 : i32
        %dma_start3A_228 = tpu.memref_slice %arg8[%add3A_225, %dma_start3A_227] : memref<40x128xi32, #tpu.memory_space<vmem>> -> memref<1x128xi32, #tpu.memory_space<vmem>>
        %dma_start3A_229 = tpu.memref_squeeze %dma_start3A_228 : memref<1x128xi32, #tpu.memory_space<vmem>> -> memref<128xi32, #tpu.memory_space<vmem>>
        %dma_start3A_230 = arith.constant 0 : i32
        %dma_start3A_231 = arith.constant 0 : i32
        %dma_start3A_232 = tpu.memref_slice %arg11[%dma_start3A_230, %dma_start3A_231] : memref<10112x128xf32, #tpu.memory_space<vmem_shared>> -> memref<10112x128xf32, #tpu.memory_space<vmem_shared>>
        tpu.enqueue_indirect_dma source(%arg10 : memref<128x128xf32, #tpu.memory_space<vmem>>) target(%dma_start3A_232 : memref<10112x128xf32, #tpu.memory_space<vmem_shared>>) offsets(%dma_start3A_229 : memref<128xi32, #tpu.memory_space<vmem>>) semaphore(%run_scoped3A : memref<!tpu.dma_semaphore, #tpu.memory_space<semaphore_mem>>) {add = true}
        %dma_wait3A_233 = arith.constant 0 : i32
        %dma_wait3A_234 = tpu.memref_slice %arg8[%add3A_225, %dma_wait3A_233] : memref<40x128xi32, #tpu.memory_space<vmem>> -> memref<1x128xi32, #tpu.memory_space<vmem>>
        %dma_wait3A_235 = tpu.memref_squeeze %dma_wait3A_234 : memref<1x128xi32, #tpu.memory_space<vmem>> -> memref<128xi32, #tpu.memory_space<vmem>>
        %dma_wait3A_236 = arith.constant 0 : i32
        %dma_wait3A_237 = arith.constant 0 : i32
        %dma_wait3A_238 = tpu.memref_slice %arg11[%dma_wait3A_236, %dma_wait3A_237] : memref<10112x128xf32, #tpu.memory_space<vmem_shared>> -> memref<10112x128xf32, #tpu.memory_space<vmem_shared>>
        tpu.wait_indirect_dma semaphore(%run_scoped3A : memref<!tpu.dma_semaphore, #tpu.memory_space<semaphore_mem>>) src(%arg10 : memref<128x128xf32, #tpu.memory_space<vmem>>) dst(%dma_wait3A_238 : memref<10112x128xf32, #tpu.memory_space<vmem_shared>>)
        tpu.yield
      }) : () -> ()
      %scan3A_226 = arith.constant 0 : i32
      scf.yield %scan3A_226 : i32
    }
    %scan3A_173 = arith.constant 20 : i32
    %mul3A_174 = arith.constant 80 : i32
    %mul3A_175 = arith.muli %arg1, %mul3A_174 : i32
    %add3A_176 = arith.constant 40 : i32
    %add3A_177 = arith.addi %mul3A_175, %add3A_176 : i32
    "tpu.region"() ({
      %run_scoped3A = tpu.sem_alloc : memref<!tpu.dma_semaphore, #tpu.memory_space<semaphore_mem>>
      %dma_start3A_197 = arith.constant 0 : i32
      %dma_start3A_198 = tpu.memref_slice %arg3[%add3A_150, %add3A_177, %dma_start3A_197] : memref<8x1280x128xi32, #tpu.memory_space<hbm>> -> memref<1x40x128xi32, #tpu.memory_space<hbm>>
      %dma_start3A_199 = tpu.memref_squeeze %dma_start3A_198 : memref<1x40x128xi32, #tpu.memory_space<hbm>> -> memref<40x128xi32, #tpu.memory_space<hbm>>
      %dma_start3A_200 = arith.constant 0 : i32
      %dma_start3A_201 = tpu.memref_slice %arg3[%add3A_150, %add3A_177, %dma_start3A_200] : memref<8x1280x128xi32, #tpu.memory_space<hbm>> -> memref<1x40x128xi32, #tpu.memory_space<hbm>>
      %dma_start3A_202 = tpu.memref_squeeze %dma_start3A_201 : memref<1x40x128xi32, #tpu.memory_space<hbm>> -> memref<40x128xi32, #tpu.memory_space<hbm>>
      tpu.enqueue_dma source(%dma_start3A_202 : memref<40x128xi32, #tpu.memory_space<hbm>>) target(%arg7 : memref<40x128xi32, #tpu.memory_space<vmem>>) target_semaphore(%run_scoped3A : memref<!tpu.dma_semaphore, #tpu.memory_space<semaphore_mem>>)
      %dma_wait3A = arith.constant 0 : i32
      %dma_wait3A_203 = tpu.memref_slice %arg3[%add3A_150, %add3A_177, %dma_wait3A] : memref<8x1280x128xi32, #tpu.memory_space<hbm>> -> memref<1x40x128xi32, #tpu.memory_space<hbm>>
      %dma_wait3A_204 = tpu.memref_squeeze %dma_wait3A_203 : memref<1x40x128xi32, #tpu.memory_space<hbm>> -> memref<40x128xi32, #tpu.memory_space<hbm>>
      %dma_wait3A_205 = arith.constant 0 : i32
      %dma_wait3A_206 = tpu.memref_slice %arg3[%add3A_150, %add3A_177, %dma_wait3A_205] : memref<8x1280x128xi32, #tpu.memory_space<hbm>> -> memref<1x40x128xi32, #tpu.memory_space<hbm>>
      %dma_wait3A_207 = tpu.memref_squeeze %dma_wait3A_206 : memref<1x40x128xi32, #tpu.memory_space<hbm>> -> memref<40x128xi32, #tpu.memory_space<hbm>>
      tpu.wait_dma2 semaphore(%run_scoped3A : memref<!tpu.dma_semaphore, #tpu.memory_space<semaphore_mem>>) src(%dma_wait3A_207 : memref<40x128xi32, #tpu.memory_space<hbm>>) dst(%arg7 : memref<40x128xi32, #tpu.memory_space<vmem>>)
      tpu.yield
    }) : () -> ()
    %mul3A_178 = arith.constant 80 : i32
    %mul3A_179 = arith.muli %arg1, %mul3A_178 : i32
    %add3A_180 = arith.constant 40 : i32
    %add3A_181 = arith.addi %mul3A_179, %add3A_180 : i32
    "tpu.region"() ({
      %run_scoped3A = tpu.sem_alloc : memref<!tpu.dma_semaphore, #tpu.memory_space<semaphore_mem>>
      %dma_start3A_197 = arith.constant 0 : i32
      %dma_start3A_198 = tpu.memref_slice %arg4[%add3A_181, %dma_start3A_197] : memref<1280x128xi32, #tpu.memory_space<hbm>> -> memref<40x128xi32, #tpu.memory_space<hbm>>
      %dma_start3A_199 = arith.constant 0 : i32
      %dma_start3A_200 = tpu.memref_slice %arg4[%add3A_181, %dma_start3A_199] : memref<1280x128xi32, #tpu.memory_space<hbm>> -> memref<40x128xi32, #tpu.memory_space<hbm>>
      tpu.enqueue_dma source(%dma_start3A_200 : memref<40x128xi32, #tpu.memory_space<hbm>>) target(%arg8 : memref<40x128xi32, #tpu.memory_space<vmem>>) target_semaphore(%run_scoped3A : memref<!tpu.dma_semaphore, #tpu.memory_space<semaphore_mem>>)
      %dma_wait3A = arith.constant 0 : i32
      %dma_wait3A_201 = tpu.memref_slice %arg4[%add3A_181, %dma_wait3A] : memref<1280x128xi32, #tpu.memory_space<hbm>> -> memref<40x128xi32, #tpu.memory_space<hbm>>
      %dma_wait3A_202 = arith.constant 0 : i32
      %dma_wait3A_203 = tpu.memref_slice %arg4[%add3A_181, %dma_wait3A_202] : memref<1280x128xi32, #tpu.memory_space<hbm>> -> memref<40x128xi32, #tpu.memory_space<hbm>>
      tpu.wait_dma2 semaphore(%run_scoped3A : memref<!tpu.dma_semaphore, #tpu.memory_space<semaphore_mem>>) src(%dma_wait3A_203 : memref<40x128xi32, #tpu.memory_space<hbm>>) dst(%arg8 : memref<40x128xi32, #tpu.memory_space<vmem>>)
      tpu.yield
    }) : () -> ()
    %dma_start3A_182 = arith.constant 0 : i32
    %dma_start3A_183 = arith.constant 0 : i32
    %dma_start3A_184 = tpu.memref_slice %arg7[%dma_start3A_182, %dma_start3A_183] : memref<40x128xi32, #tpu.memory_space<vmem>> -> memref<1x128xi32, #tpu.memory_space<vmem>>
    %dma_start3A_185 = tpu.memref_squeeze %dma_start3A_184 : memref<1x128xi32, #tpu.memory_space<vmem>> -> memref<128xi32, #tpu.memory_space<vmem>>
    %dma_start3A_186 = arith.constant 0 : i32
    %dma_start3A_187 = arith.constant 0 : i32
    %dma_start3A_188 = tpu.memref_slice %arg2[%dma_start3A_186, %dma_start3A_187] : memref<81920x128xf32, #tpu.memory_space<hbm>> -> memref<81920x128xf32, #tpu.memory_space<hbm>>
    tpu.enqueue_indirect_dma source(%dma_start3A_188 : memref<81920x128xf32, #tpu.memory_space<hbm>>) target(%arg9 : memref<128x128xf32, #tpu.memory_space<vmem>>) offsets(%dma_start3A_185 : memref<128xi32, #tpu.memory_space<vmem>>) semaphore(%arg12 : memref<!tpu.dma_semaphore, #tpu.memory_space<semaphore_mem>>)
    %scan3A_189 = arith.constant 0 : i32
    %scan3A_190 = arith.constant 0 : i32
    %scan3A_191 = arith.constant 20 : i32
    %scan3A_192 = arith.addi %scan3A_190, %scan3A_191 : i32
    %scan3A_193 = arith.constant 1 : i32
    %scan3A_194 = scf.for %scan3A_197 = %scan3A_190 to %scan3A_192 step %scan3A_193 iter_args(%scan3A_198 = %scan3A_189) -> (i32)  : i32 {
      %mul3A_199 = arith.constant 2 : i32
      %mul3A_200 = arith.muli %mul3A_199, %scan3A_197 : i32
      %add3A_201 = arith.constant 1 : i32
      %add3A_202 = arith.addi %mul3A_200, %add3A_201 : i32
      %dma_start3A_203 = arith.constant 0 : i32
      %dma_start3A_204 = tpu.memref_slice %arg7[%add3A_202, %dma_start3A_203] : memref<40x128xi32, #tpu.memory_space<vmem>> -> memref<1x128xi32, #tpu.memory_space<vmem>>
      %dma_start3A_205 = tpu.memref_squeeze %dma_start3A_204 : memref<1x128xi32, #tpu.memory_space<vmem>> -> memref<128xi32, #tpu.memory_space<vmem>>
      %dma_start3A_206 = arith.constant 0 : i32
      %dma_start3A_207 = arith.constant 0 : i32
      %dma_start3A_208 = tpu.memref_slice %arg2[%dma_start3A_206, %dma_start3A_207] : memref<81920x128xf32, #tpu.memory_space<hbm>> -> memref<81920x128xf32, #tpu.memory_space<hbm>>
      tpu.enqueue_indirect_dma source(%dma_start3A_208 : memref<81920x128xf32, #tpu.memory_space<hbm>>) target(%arg10 : memref<128x128xf32, #tpu.memory_space<vmem>>) offsets(%dma_start3A_205 : memref<128xi32, #tpu.memory_space<vmem>>) semaphore(%arg13 : memref<!tpu.dma_semaphore, #tpu.memory_space<semaphore_mem>>)
      %dma_wait3A = arith.constant 0 : i32
      %dma_wait3A_209 = tpu.memref_slice %arg7[%mul3A_200, %dma_wait3A] : memref<40x128xi32, #tpu.memory_space<vmem>> -> memref<1x128xi32, #tpu.memory_space<vmem>>
      %dma_wait3A_210 = tpu.memref_squeeze %dma_wait3A_209 : memref<1x128xi32, #tpu.memory_space<vmem>> -> memref<128xi32, #tpu.memory_space<vmem>>
      %dma_wait3A_211 = arith.constant 0 : i32
      %dma_wait3A_212 = arith.constant 0 : i32
      %dma_wait3A_213 = tpu.memref_slice %arg2[%dma_wait3A_211, %dma_wait3A_212] : memref<81920x128xf32, #tpu.memory_space<hbm>> -> memref<81920x128xf32, #tpu.memory_space<hbm>>
      tpu.wait_indirect_dma semaphore(%arg12 : memref<!tpu.dma_semaphore, #tpu.memory_space<semaphore_mem>>) src(%dma_wait3A_213 : memref<81920x128xf32, #tpu.memory_space<hbm>>) dst(%arg9 : memref<128x128xf32, #tpu.memory_space<vmem>>)
      "tpu.region"() ({
        %run_scoped3A = tpu.sem_alloc : memref<!tpu.dma_semaphore, #tpu.memory_space<semaphore_mem>>
        %dma_start3A_227 = arith.constant 0 : i32
        %dma_start3A_228 = tpu.memref_slice %arg8[%mul3A_200, %dma_start3A_227] : memref<40x128xi32, #tpu.memory_space<vmem>> -> memref<1x128xi32, #tpu.memory_space<vmem>>
        %dma_start3A_229 = tpu.memref_squeeze %dma_start3A_228 : memref<1x128xi32, #tpu.memory_space<vmem>> -> memref<128xi32, #tpu.memory_space<vmem>>
        %dma_start3A_230 = arith.constant 0 : i32
        %dma_start3A_231 = arith.constant 0 : i32
        %dma_start3A_232 = tpu.memref_slice %arg11[%dma_start3A_230, %dma_start3A_231] : memref<10112x128xf32, #tpu.memory_space<vmem_shared>> -> memref<10112x128xf32, #tpu.memory_space<vmem_shared>>
        tpu.enqueue_indirect_dma source(%arg9 : memref<128x128xf32, #tpu.memory_space<vmem>>) target(%dma_start3A_232 : memref<10112x128xf32, #tpu.memory_space<vmem_shared>>) offsets(%dma_start3A_229 : memref<128xi32, #tpu.memory_space<vmem>>) semaphore(%run_scoped3A : memref<!tpu.dma_semaphore, #tpu.memory_space<semaphore_mem>>) {add = true}
        %dma_wait3A_233 = arith.constant 0 : i32
        %dma_wait3A_234 = tpu.memref_slice %arg8[%mul3A_200, %dma_wait3A_233] : memref<40x128xi32, #tpu.memory_space<vmem>> -> memref<1x128xi32, #tpu.memory_space<vmem>>
        %dma_wait3A_235 = tpu.memref_squeeze %dma_wait3A_234 : memref<1x128xi32, #tpu.memory_space<vmem>> -> memref<128xi32, #tpu.memory_space<vmem>>
        %dma_wait3A_236 = arith.constant 0 : i32
        %dma_wait3A_237 = arith.constant 0 : i32
        %dma_wait3A_238 = tpu.memref_slice %arg11[%dma_wait3A_236, %dma_wait3A_237] : memref<10112x128xf32, #tpu.memory_space<vmem_shared>> -> memref<10112x128xf32, #tpu.memory_space<vmem_shared>>
        tpu.wait_indirect_dma semaphore(%run_scoped3A : memref<!tpu.dma_semaphore, #tpu.memory_space<semaphore_mem>>) src(%arg9 : memref<128x128xf32, #tpu.memory_space<vmem>>) dst(%dma_wait3A_238 : memref<10112x128xf32, #tpu.memory_space<vmem_shared>>)
        tpu.yield
      }) : () -> ()
      %lt3A = arith.constant 19 : i32
      %lt3A_214 = arith.cmpi slt, %scan3A_197, %lt3A : i32
      %convert_element_type3A = arith.extui %lt3A_214 : i1 to i32
      %cond3A = arith.constant 0 : i32
      %cond3A_215 = arith.cmpi ne, %convert_element_type3A, %cond3A : i32
      scf.if %cond3A_215 {
        %add3A_227 = arith.constant 2 : i32
        %add3A_228 = arith.addi %mul3A_200, %add3A_227 : i32
        %dma_start3A_229 = arith.constant 0 : i32
        %dma_start3A_230 = tpu.memref_slice %arg7[%add3A_228, %dma_start3A_229] : memref<40x128xi32, #tpu.memory_space<vmem>> -> memref<1x128xi32, #tpu.memory_space<vmem>>
        %dma_start3A_231 = tpu.memref_squeeze %dma_start3A_230 : memref<1x128xi32, #tpu.memory_space<vmem>> -> memref<128xi32, #tpu.memory_space<vmem>>
        %dma_start3A_232 = arith.constant 0 : i32
        %dma_start3A_233 = arith.constant 0 : i32
        %dma_start3A_234 = tpu.memref_slice %arg2[%dma_start3A_232, %dma_start3A_233] : memref<81920x128xf32, #tpu.memory_space<hbm>> -> memref<81920x128xf32, #tpu.memory_space<hbm>>
        tpu.enqueue_indirect_dma source(%dma_start3A_234 : memref<81920x128xf32, #tpu.memory_space<hbm>>) target(%arg9 : memref<128x128xf32, #tpu.memory_space<vmem>>) offsets(%dma_start3A_231 : memref<128xi32, #tpu.memory_space<vmem>>) semaphore(%arg12 : memref<!tpu.dma_semaphore, #tpu.memory_space<semaphore_mem>>)
      } else {
      }
      %add3A_216 = arith.constant 1 : i32
      %add3A_217 = arith.addi %mul3A_200, %add3A_216 : i32
      %dma_wait3A_218 = arith.constant 0 : i32
      %dma_wait3A_219 = tpu.memref_slice %arg7[%add3A_217, %dma_wait3A_218] : memref<40x128xi32, #tpu.memory_space<vmem>> -> memref<1x128xi32, #tpu.memory_space<vmem>>
      %dma_wait3A_220 = tpu.memref_squeeze %dma_wait3A_219 : memref<1x128xi32, #tpu.memory_space<vmem>> -> memref<128xi32, #tpu.memory_space<vmem>>
      %dma_wait3A_221 = arith.constant 0 : i32
      %dma_wait3A_222 = arith.constant 0 : i32
      %dma_wait3A_223 = tpu.memref_slice %arg2[%dma_wait3A_221, %dma_wait3A_222] : memref<81920x128xf32, #tpu.memory_space<hbm>> -> memref<81920x128xf32, #tpu.memory_space<hbm>>
      tpu.wait_indirect_dma semaphore(%arg13 : memref<!tpu.dma_semaphore, #tpu.memory_space<semaphore_mem>>) src(%dma_wait3A_223 : memref<81920x128xf32, #tpu.memory_space<hbm>>) dst(%arg10 : memref<128x128xf32, #tpu.memory_space<vmem>>)
      %add3A_224 = arith.constant 1 : i32
      %add3A_225 = arith.addi %mul3A_200, %add3A_224 : i32
      "tpu.region"() ({
        %run_scoped3A = tpu.sem_alloc : memref<!tpu.dma_semaphore, #tpu.memory_space<semaphore_mem>>
        %dma_start3A_227 = arith.constant 0 : i32
        %dma_start3A_228 = tpu.memref_slice %arg8[%add3A_225, %dma_start3A_227] : memref<40x128xi32, #tpu.memory_space<vmem>> -> memref<1x128xi32, #tpu.memory_space<vmem>>
        %dma_start3A_229 = tpu.memref_squeeze %dma_start3A_228 : memref<1x128xi32, #tpu.memory_space<vmem>> -> memref<128xi32, #tpu.memory_space<vmem>>
        %dma_start3A_230 = arith.constant 0 : i32
        %dma_start3A_231 = arith.constant 0 : i32
        %dma_start3A_232 = tpu.memref_slice %arg11[%dma_start3A_230, %dma_start3A_231] : memref<10112x128xf32, #tpu.memory_space<vmem_shared>> -> memref<10112x128xf32, #tpu.memory_space<vmem_shared>>
        tpu.enqueue_indirect_dma source(%arg10 : memref<128x128xf32, #tpu.memory_space<vmem>>) target(%dma_start3A_232 : memref<10112x128xf32, #tpu.memory_space<vmem_shared>>) offsets(%dma_start3A_229 : memref<128xi32, #tpu.memory_space<vmem>>) semaphore(%run_scoped3A : memref<!tpu.dma_semaphore, #tpu.memory_space<semaphore_mem>>) {add = true}
        %dma_wait3A_233 = arith.constant 0 : i32
        %dma_wait3A_234 = tpu.memref_slice %arg8[%add3A_225, %dma_wait3A_233] : memref<40x128xi32, #tpu.memory_space<vmem>> -> memref<1x128xi32, #tpu.memory_space<vmem>>
        %dma_wait3A_235 = tpu.memref_squeeze %dma_wait3A_234 : memref<1x128xi32, #tpu.memory_space<vmem>> -> memref<128xi32, #tpu.memory_space<vmem>>
        %dma_wait3A_236 = arith.constant 0 : i32
        %dma_wait3A_237 = arith.constant 0 : i32
        %dma_wait3A_238 = tpu.memref_slice %arg11[%dma_wait3A_236, %dma_wait3A_237] : memref<10112x128xf32, #tpu.memory_space<vmem_shared>> -> memref<10112x128xf32, #tpu.memory_space<vmem_shared>>
        tpu.wait_indirect_dma semaphore(%run_scoped3A : memref<!tpu.dma_semaphore, #tpu.memory_space<semaphore_mem>>) src(%arg10 : memref<128x128xf32, #tpu.memory_space<vmem>>) dst(%dma_wait3A_238 : memref<10112x128xf32, #tpu.memory_space<vmem_shared>>)
        tpu.yield
      }) : () -> ()
      %scan3A_226 = arith.constant 0 : i32
      scf.yield %scan3A_226 : i32
    }
    %scan3A_195 = arith.constant 20 : i32
    %barrier3A_196 = arith.constant 0 : index
    tpu.barrier barrier_id(%barrier3A_196)
    "tpu.region"() ({
      %run_scoped3A = tpu.sem_alloc : memref<!tpu.dma_semaphore, #tpu.memory_space<semaphore_mem>>
      %dma_start3A_197 = arith.constant 0 : i32
      %dma_start3A_198 = tpu.memref_slice %arg6[%add3A_150, %mul3A_0, %dma_start3A_197] : memref<8x10240x128xf32, #tpu.memory_space<hbm>> -> memref<1x632x128xf32, #tpu.memory_space<hbm>>
      %dma_start3A_199 = tpu.memref_squeeze %dma_start3A_198 : memref<1x632x128xf32, #tpu.memory_space<hbm>> -> memref<632x128xf32, #tpu.memory_space<hbm>>
      %dma_start3A_200 = arith.constant 0 : i32
      %dma_start3A_201 = tpu.memref_slice %arg11[%mul3A_0, %dma_start3A_200] : memref<10112x128xf32, #tpu.memory_space<vmem_shared>> -> memref<632x128xf32, #tpu.memory_space<vmem_shared>>
      tpu.enqueue_dma source(%dma_start3A_201 : memref<632x128xf32, #tpu.memory_space<vmem_shared>>) target(%dma_start3A_199 : memref<632x128xf32, #tpu.memory_space<hbm>>) target_semaphore(%run_scoped3A : memref<!tpu.dma_semaphore, #tpu.memory_space<semaphore_mem>>)
      %dma_wait3A = arith.constant 0 : i32
      %dma_wait3A_202 = tpu.memref_slice %arg6[%add3A_150, %mul3A_0, %dma_wait3A] : memref<8x10240x128xf32, #tpu.memory_space<hbm>> -> memref<1x632x128xf32, #tpu.memory_space<hbm>>
      %dma_wait3A_203 = tpu.memref_squeeze %dma_wait3A_202 : memref<1x632x128xf32, #tpu.memory_space<hbm>> -> memref<632x128xf32, #tpu.memory_space<hbm>>
      %dma_wait3A_204 = arith.constant 0 : i32
      %dma_wait3A_205 = tpu.memref_slice %arg11[%mul3A_0, %dma_wait3A_204] : memref<10112x128xf32, #tpu.memory_space<vmem_shared>> -> memref<632x128xf32, #tpu.memory_space<vmem_shared>>
      tpu.wait_dma2 semaphore(%run_scoped3A : memref<!tpu.dma_semaphore, #tpu.memory_space<semaphore_mem>>) src(%dma_wait3A_205 : memref<632x128xf32, #tpu.memory_space<vmem_shared>>) dst(%dma_wait3A_203 : memref<632x128xf32, #tpu.memory_space<hbm>>)
      tpu.yield
    }) : () -> ()
    return
  }
}

module attributes {stable_mosaic.version = 14 : i64} {
  func.func @_k0a_body(%arg0: i32, %arg1: i32, %arg2: memref<1x512x256xf32, #tpu.memory_space<vmem>>, %arg3: memref<1x256x512xbf16, #tpu.memory_space<vmem>>, %arg4: memref<1x1x512xf32, #tpu.memory_space<vmem>>, %arg5: memref<512x512xf32, #tpu.memory_space<vmem>>) attributes {dimension_semantics = [#tpu.dimension_semantics<arbitrary>, #tpu.dimension_semantics<arbitrary>], iteration_bounds = array<i64: 2, 20>, scalar_prefetch = 0 : i64, scratch_operands = 0 : i64, tpu.core_type = #tpu.core_type<tc>, window_params = [{transform_indices = @transform_0, window_bounds = array<i64: 1, 512, 256>}, {transform_indices = @transform_1, window_bounds = array<i64: 1, 256, 512>}, {transform_indices = @transform_2, window_bounds = array<i64: 1, 1, 512>}, {transform_indices = @transform_3, window_bounds = array<i64: 512, 512>}]} {
    %get3A = arith.constant 0 : index
    %get3A_0 = arith.constant 0 : index
    %get3A_1 = arith.constant 0 : index
    %get3A_2 = vector.load %arg2[%get3A, %get3A_0, %get3A_1] : memref<1x512x256xf32, #tpu.memory_space<vmem>>, vector<1x512x256xf32>
    %get3A_3 = vector.shape_cast %get3A_2 : vector<1x512x256xf32> to vector<512x256xf32>
    %convert_element_type3A = arith.truncf %get3A_3 : vector<512x256xf32> to vector<512x256xbf16>
    %get3A_4 = arith.constant 0 : index
    %get3A_5 = arith.constant 0 : index
    %get3A_6 = arith.constant 0 : index
    %get3A_7 = vector.load %arg3[%get3A_4, %get3A_5, %get3A_6] : memref<1x256x512xbf16, #tpu.memory_space<vmem>>, vector<1x256x512xbf16>
    %get3A_8 = vector.shape_cast %get3A_7 : vector<1x256x512xbf16> to vector<256x512xbf16>
    %dot_general3A = arith.constant dense<0.000000e+00> : vector<512x512xf32>
    %dot_general3A_9 = tpu.matmul %convert_element_type3A, %get3A_8, %dot_general3A {dimension_numbers = #tpu.dot_dimension_numbers<[1], [0], [0], [1], [0, 0, 1, 1], [], []>, transpose_lhs_hint = false} : vector<512x256xbf16>, vector<256x512xbf16>, vector<512x512xf32> -> vector<512x512xf32>
    %get3A_10 = arith.constant 0 : index
    %get3A_11 = arith.constant 0 : index
    %get3A_12 = arith.constant 0 : index
    %get3A_13 = vector.load %arg4[%get3A_10, %get3A_11, %get3A_12] : memref<1x1x512xf32, #tpu.memory_space<vmem>>, vector<1x1x512xf32>
    %get3A_14 = vector.shape_cast %get3A_13 : vector<1x1x512xf32> to vector<1x512xf32>
    %add3A = vector.broadcast %get3A_14 : vector<1x512xf32> to vector<512x512xf32>
    %add3A_15 = arith.addf %dot_general3A_9, %add3A : vector<512x512xf32>
    %swap3A = arith.constant 0 : index
    %swap3A_16 = arith.constant 0 : index
    %swap3A_17 = vector.load %arg5[%swap3A, %swap3A_16] : memref<512x512xf32, #tpu.memory_space<vmem>>, vector<512x512xf32>
    tpu.vector_store %arg5[%swap3A, %swap3A_16], %add3A_15 {strides = array<i32>} : memref<512x512xf32, #tpu.memory_space<vmem>>, vector<512x512xf32>,
    return
  }
  func.func @transform_0(%arg0: i32, %arg1: i32) -> (i32, i32, i32) {
    %c0_i32 = arith.constant 0 : i32
    %c0_i32_0 = arith.constant 0 : i32
    return %arg0, %arg1, %c0_i32 : i32, i32, i32
  }
  func.func @transform_1(%arg0: i32, %arg1: i32) -> (i32, i32, i32) {
    %c0_i32 = arith.constant 0 : i32
    %c0_i32_0 = arith.constant 0 : i32
    %c0_i32_1 = arith.constant 0 : i32
    return %arg0, %c0_i32, %c0_i32_0 : i32, i32, i32
  }
  func.func @transform_2(%arg0: i32, %arg1: i32) -> (i32, i32, i32) {
    %c0_i32 = arith.constant 0 : i32
    %c0_i32_0 = arith.constant 0 : i32
    %c0_i32_1 = arith.constant 0 : i32
    return %arg0, %c0_i32, %c0_i32_0 : i32, i32, i32
  }
  func.func @transform_3(%arg0: i32, %arg1: i32) -> (i32, i32) {
    %c0_i32 = arith.constant 0 : i32
    return %arg1, %arg0 : i32, i32
  }
}

module attributes {stable_mosaic.version = 14 : i64} {
  func.func @_k0b_body(%arg0: i32, %arg1: i32, %arg2: memref<2x512x128xf32, #tpu.memory_space<vmem>>, %arg3: memref<512x512xf32, #tpu.memory_space<vmem>>, %arg4: memref<2x512x128xf32, #tpu.memory_space<vmem>>, %arg5: memref<1x256x512xbf16, #tpu.memory_space<vmem>>, %arg6: memref<512x512xf32, #tpu.memory_space<vmem>>) attributes {dimension_semantics = [#tpu.dimension_semantics<arbitrary>, #tpu.dimension_semantics<arbitrary>], iteration_bounds = array<i64: 2, 20>, scalar_prefetch = 0 : i64, scratch_operands = 0 : i64, tpu.core_type = #tpu.core_type<tc>, window_params = [{transform_indices = @transform_0, window_bounds = array<i64: 2, 512, 128>}, {transform_indices = @transform_1, window_bounds = array<i64: 512, 512>}, {transform_indices = @transform_2, window_bounds = array<i64: 2, 512, 128>}, {transform_indices = @transform_3, window_bounds = array<i64: 1, 256, 512>}, {transform_indices = @transform_4, window_bounds = array<i64: 512, 512>}]} {
    %get3A = arith.constant 0 : index
    %get3A_0 = arith.constant 0 : index
    %get3A_1 = arith.constant 0 : index
    %get3A_2 = vector.load %arg4[%get3A, %get3A_0, %get3A_1] : memref<2x512x128xf32, #tpu.memory_space<vmem>>, vector<1x512x1xf32>
    %get3A_3 = vector.shape_cast %get3A_2 : vector<1x512x1xf32> to vector<512x1xf32>
    %get3A_4 = arith.constant 1 : index
    %get3A_5 = arith.constant 0 : index
    %get3A_6 = arith.constant 0 : index
    %get3A_7 = vector.load %arg4[%get3A_4, %get3A_5, %get3A_6] : memref<2x512x128xf32, #tpu.memory_space<vmem>>, vector<1x512x1xf32>
    %get3A_8 = vector.shape_cast %get3A_7 : vector<1x512x1xf32> to vector<512x1xf32>
    %add3A = arith.addf %get3A_3, %get3A_8 : vector<512x1xf32>
    %max3A = arith.constant 1.000000e+00 : f32
    %max3A_9 = vector.broadcast %max3A : f32 to vector<512x1xf32>
    %max3A_10 = arith.maximumf %add3A, %max3A_9 : vector<512x1xf32>
    %div3A = arith.constant 1.000000e+00 : f32
    %div3A_11 = vector.broadcast %div3A : f32 to vector<512x1xf32>
    %div3A_12 = arith.divf %div3A_11, %max3A_10 : vector<512x1xf32>
    %get3A_13 = arith.constant 0 : index
    %get3A_14 = arith.constant 0 : index
    %get3A_15 = arith.constant 0 : index
    %get3A_16 = vector.load %arg5[%get3A_13, %get3A_14, %get3A_15] : memref<1x256x512xbf16, #tpu.memory_space<vmem>>, vector<1x256x512xbf16>
    %get3A_17 = vector.shape_cast %get3A_16 : vector<1x256x512xbf16> to vector<256x512xbf16>
    %get3A_18 = arith.constant 0 : index
    %get3A_19 = arith.constant 0 : index
    %get3A_20 = arith.constant 0 : index
    %get3A_21 = vector.load %arg2[%get3A_18, %get3A_19, %get3A_20] : memref<2x512x128xf32, #tpu.memory_space<vmem>>, vector<1x512x128xf32>
    %get3A_22 = vector.shape_cast %get3A_21 : vector<1x512x128xf32> to vector<512x128xf32>
    %mul3A = vector.broadcast %div3A_12 : vector<512x1xf32> to vector<512x128xf32>
    %mul3A_23 = arith.mulf %get3A_22, %mul3A : vector<512x128xf32>
    %convert_element_type3A = arith.truncf %mul3A_23 : vector<512x128xf32> to vector<512x128xbf16>
    %slice3A = vector.extract_strided_slice %get3A_17 {offsets = [0, 0], sizes = [128, 512], strides = [1, 1]} : vector<256x512xbf16> to vector<128x512xbf16>
    %dot_general3A = arith.constant dense<0.000000e+00> : vector<512x512xf32>
    %dot_general3A_24 = tpu.matmul %convert_element_type3A, %slice3A, %dot_general3A {dimension_numbers = #tpu.dot_dimension_numbers<[1], [0], [0], [1], [0, 0, 1, 1], [], []>, transpose_lhs_hint = false} : vector<512x128xbf16>, vector<128x512xbf16>, vector<512x512xf32> -> vector<512x512xf32>
    %get3A_25 = arith.constant 1 : index
    %get3A_26 = arith.constant 0 : index
    %get3A_27 = arith.constant 0 : index
    %get3A_28 = vector.load %arg2[%get3A_25, %get3A_26, %get3A_27] : memref<2x512x128xf32, #tpu.memory_space<vmem>>, vector<1x512x128xf32>
    %get3A_29 = vector.shape_cast %get3A_28 : vector<1x512x128xf32> to vector<512x128xf32>
    %mul3A_30 = vector.broadcast %div3A_12 : vector<512x1xf32> to vector<512x128xf32>
    %mul3A_31 = arith.mulf %get3A_29, %mul3A_30 : vector<512x128xf32>
    %convert_element_type3A_32 = arith.truncf %mul3A_31 : vector<512x128xf32> to vector<512x128xbf16>
    %slice3A_33 = vector.extract_strided_slice %get3A_17 {offsets = [128, 0], sizes = [128, 512], strides = [1, 1]} : vector<256x512xbf16> to vector<128x512xbf16>
    %dot_general3A_34 = arith.constant dense<0.000000e+00> : vector<512x512xf32>
    %dot_general3A_35 = tpu.matmul %convert_element_type3A_32, %slice3A_33, %dot_general3A_34 {dimension_numbers = #tpu.dot_dimension_numbers<[1], [0], [0], [1], [0, 0, 1, 1], [], []>, transpose_lhs_hint = false} : vector<512x128xbf16>, vector<128x512xbf16>, vector<512x512xf32> -> vector<512x512xf32>
    %add3A_36 = arith.addf %dot_general3A_24, %dot_general3A_35 : vector<512x512xf32>
    %get3A_37 = arith.constant 0 : index
    %get3A_38 = arith.constant 0 : index
    %get3A_39 = vector.load %arg3[%get3A_37, %get3A_38] : memref<512x512xf32, #tpu.memory_space<vmem>>, vector<512x512xf32>
    %add3A_40 = arith.addf %add3A_36, %get3A_39 : vector<512x512xf32>
    %max3A_41 = arith.constant 0.000000e+00 : f32
    %max3A_42 = vector.broadcast %max3A_41 : f32 to vector<512x512xf32>
    %max3A_43 = arith.maximumf %add3A_40, %max3A_42 : vector<512x512xf32>
    %swap3A = arith.constant 0 : index
    %swap3A_44 = arith.constant 0 : index
    %swap3A_45 = vector.load %arg6[%swap3A, %swap3A_44] : memref<512x512xf32, #tpu.memory_space<vmem>>, vector<512x512xf32>
    tpu.vector_store %arg6[%swap3A, %swap3A_44], %max3A_43 {strides = array<i32>} : memref<512x512xf32, #tpu.memory_space<vmem>>, vector<512x512xf32>,
    return
  }
  func.func @transform_0(%arg0: i32, %arg1: i32) -> (i32, i32, i32) {
    %c0_i32 = arith.constant 0 : i32
    %c0_i32_0 = arith.constant 0 : i32
    return %arg0, %arg1, %c0_i32 : i32, i32, i32
  }
  func.func @transform_1(%arg0: i32, %arg1: i32) -> (i32, i32) {
    %c0_i32 = arith.constant 0 : i32
    return %arg1, %arg0 : i32, i32
  }
  func.func @transform_2(%arg0: i32, %arg1: i32) -> (i32, i32, i32) {
    %c0_i32 = arith.constant 0 : i32
    %c0_i32_0 = arith.constant 0 : i32
    %c0_i32_1 = arith.constant 0 : i32
    return %c0_i32, %arg1, %c0_i32_0 : i32, i32, i32
  }
  func.func @transform_3(%arg0: i32, %arg1: i32) -> (i32, i32, i32) {
    %c0_i32 = arith.constant 0 : i32
    %c0_i32_0 = arith.constant 0 : i32
    %c0_i32_1 = arith.constant 0 : i32
    return %arg0, %c0_i32, %c0_i32_0 : i32, i32, i32
  }
  func.func @transform_4(%arg0: i32, %arg1: i32) -> (i32, i32) {
    %c0_i32 = arith.constant 0 : i32
    return %arg1, %arg0 : i32, i32
  }
}

module attributes {stable_mosaic.version = 14 : i64} {
  func.func @_k1a_body(%arg0: i32, %arg1: memref<512x1024xf32, #tpu.memory_space<vmem>>, %arg2: memref<1024x1024xbf16, #tpu.memory_space<vmem>>, %arg3: memref<1x1024xf32, #tpu.memory_space<vmem>>, %arg4: memref<512x1024xf32, #tpu.memory_space<vmem>>) attributes {dimension_semantics = [#tpu.dimension_semantics<arbitrary>], iteration_bounds = array<i64: 20>, scalar_prefetch = 0 : i64, scratch_operands = 0 : i64, tpu.core_type = #tpu.core_type<tc>, window_params = [{transform_indices = @transform_0, window_bounds = array<i64: 512, 1024>}, {pipeline_mode = #tpu.pipeline_mode<synchronous>, transform_indices = @transform_1, window_bounds = array<i64: 1024, 1024>}, {pipeline_mode = #tpu.pipeline_mode<synchronous>, transform_indices = @transform_2, window_bounds = array<i64: 1, 1024>}, {transform_indices = @transform_3, window_bounds = array<i64: 512, 1024>}]} {
    %get3A = arith.constant 0 : index
    %get3A_0 = arith.constant 0 : index
    %get3A_1 = vector.load %arg1[%get3A, %get3A_0] : memref<512x1024xf32, #tpu.memory_space<vmem>>, vector<512x1024xf32>
    %convert_element_type3A = arith.truncf %get3A_1 : vector<512x1024xf32> to vector<512x1024xbf16>
    %get3A_2 = arith.constant 0 : index
    %get3A_3 = arith.constant 0 : index
    %get3A_4 = vector.load %arg2[%get3A_2, %get3A_3] : memref<1024x1024xbf16, #tpu.memory_space<vmem>>, vector<1024x1024xbf16>
    %dot_general3A = arith.constant dense<0.000000e+00> : vector<512x1024xf32>
    %dot_general3A_5 = tpu.matmul %convert_element_type3A, %get3A_4, %dot_general3A {dimension_numbers = #tpu.dot_dimension_numbers<[1], [0], [0], [1], [0, 0, 1, 1], [], []>, transpose_lhs_hint = false} : vector<512x1024xbf16>, vector<1024x1024xbf16>, vector<512x1024xf32> -> vector<512x1024xf32>
    %get3A_6 = arith.constant 0 : index
    %get3A_7 = arith.constant 0 : index
    %get3A_8 = vector.load %arg3[%get3A_6, %get3A_7] : memref<1x1024xf32, #tpu.memory_space<vmem>>, vector<1x1024xf32>
    %get3A_9 = vector.shape_cast %get3A_8 : vector<1x1024xf32> to vector<1024xf32>
    %broadcast_in_dim3A = vector.shape_cast %get3A_9 : vector<1024xf32> to vector<1x1024xf32>
    %add3A = vector.broadcast %broadcast_in_dim3A : vector<1x1024xf32> to vector<512x1024xf32>
    %add3A_10 = arith.addf %dot_general3A_5, %add3A : vector<512x1024xf32>
    %swap3A = arith.constant 0 : index
    %swap3A_11 = arith.constant 0 : index
    %swap3A_12 = vector.load %arg4[%swap3A, %swap3A_11] : memref<512x1024xf32, #tpu.memory_space<vmem>>, vector<512x1024xf32>
    tpu.vector_store %arg4[%swap3A, %swap3A_11], %add3A_10 {strides = array<i32>} : memref<512x1024xf32, #tpu.memory_space<vmem>>, vector<512x1024xf32>,
    return
  }
  func.func @transform_0(%arg0: i32) -> (i32, i32) {
    %c0_i32 = arith.constant 0 : i32
    %c0_i32_0 = arith.constant 0 : i32
    return %arg0, %c0_i32 : i32, i32
  }
  func.func @transform_1(%arg0: i32) -> (i32, i32) {
    %c0_i32 = arith.constant 0 : i32
    %c0_i32_0 = arith.constant 0 : i32
    %c0_i32_1 = arith.constant 0 : i32
    return %c0_i32, %c0_i32_0 : i32, i32
  }
  func.func @transform_2(%arg0: i32) -> (i32, i32) {
    %c0_i32 = arith.constant 0 : i32
    %c0_i32_0 = arith.constant 0 : i32
    %c0_i32_1 = arith.constant 0 : i32
    return %c0_i32, %c0_i32_0 : i32, i32
  }
  func.func @transform_3(%arg0: i32) -> (i32, i32) {
    %c0_i32 = arith.constant 0 : i32
    %c0_i32_0 = arith.constant 0 : i32
    return %arg0, %c0_i32 : i32, i32
  }
}

module attributes {stable_mosaic.version = 14 : i64} {
  func.func @_k1b_body(%arg0: i32, %arg1: memref<8x512x128xf32, #tpu.memory_space<vmem>>, %arg2: memref<512x1024xf32, #tpu.memory_space<vmem>>, %arg3: memref<2x512x128xf32, #tpu.memory_space<vmem>>, %arg4: memref<1024x1024xbf16, #tpu.memory_space<vmem>>, %arg5: memref<1024x256xbf16, #tpu.memory_space<vmem>>, %arg6: memref<1024x256xbf16, #tpu.memory_space<vmem>>, %arg7: memref<1x256xf32, #tpu.memory_space<vmem>>, %arg8: memref<512x256xf32, #tpu.memory_space<vmem>>, %arg9: memref<512x256xf32, #tpu.memory_space<vmem>>) attributes {dimension_semantics = [#tpu.dimension_semantics<arbitrary>], iteration_bounds = array<i64: 20>, scalar_prefetch = 0 : i64, scratch_operands = 0 : i64, tpu.core_type = #tpu.core_type<tc>, window_params = [{transform_indices = @transform_0, window_bounds = array<i64: 8, 512, 128>}, {transform_indices = @transform_1, window_bounds = array<i64: 512, 1024>}, {transform_indices = @transform_2, window_bounds = array<i64: 2, 512, 128>}, {pipeline_mode = #tpu.pipeline_mode<synchronous>, transform_indices = @transform_3, window_bounds = array<i64: 1024, 1024>}, {pipeline_mode = #tpu.pipeline_mode<synchronous>, transform_indices = @transform_4, window_bounds = array<i64: 1024, 256>}, {pipeline_mode = #tpu.pipeline_mode<synchronous>, transform_indices = @transform_5, window_bounds = array<i64: 1024, 256>}, {pipeline_mode = #tpu.pipeline_mode<synchronous>, transform_indices = @transform_6, window_bounds = array<i64: 1, 256>}, {transform_indices = @transform_7, window_bounds = array<i64: 512, 256>}, {transform_indices = @transform_8, window_bounds = array<i64: 512, 256>}]} {
    %get3A = arith.constant 0 : index
    %get3A_0 = arith.constant 0 : index
    %get3A_1 = arith.constant 0 : index
    %get3A_2 = vector.load %arg3[%get3A, %get3A_0, %get3A_1] : memref<2x512x128xf32, #tpu.memory_space<vmem>>, vector<1x512x1xf32>
    %get3A_3 = vector.shape_cast %get3A_2 : vector<1x512x1xf32> to vector<512x1xf32>
    %get3A_4 = arith.constant 1 : index
    %get3A_5 = arith.constant 0 : index
    %get3A_6 = arith.constant 0 : index
    %get3A_7 = vector.load %arg3[%get3A_4, %get3A_5, %get3A_6] : memref<2x512x128xf32, #tpu.memory_space<vmem>>, vector<1x512x1xf32>
    %get3A_8 = vector.shape_cast %get3A_7 : vector<1x512x1xf32> to vector<512x1xf32>
    %add3A = arith.addf %get3A_3, %get3A_8 : vector<512x1xf32>
    %max3A = arith.constant 1.000000e+00 : f32
    %max3A_9 = vector.broadcast %max3A : f32 to vector<512x1xf32>
    %max3A_10 = arith.maximumf %add3A, %max3A_9 : vector<512x1xf32>
    %div3A = arith.constant 1.000000e+00 : f32
    %div3A_11 = vector.broadcast %div3A : f32 to vector<512x1xf32>
    %div3A_12 = arith.divf %div3A_11, %max3A_10 : vector<512x1xf32>
    %get3A_13 = arith.constant 0 : index
    %get3A_14 = arith.constant 0 : index
    %get3A_15 = vector.load %arg2[%get3A_13, %get3A_14] : memref<512x1024xf32, #tpu.memory_space<vmem>>, vector<512x1024xf32>
    %get3A_16 = arith.constant 0 : index
    %get3A_17 = arith.constant 0 : index
    %get3A_18 = arith.constant 0 : index
    %get3A_19 = vector.load %arg1[%get3A_16, %get3A_17, %get3A_18] : memref<8x512x128xf32, #tpu.memory_space<vmem>>, vector<1x512x128xf32>
    %get3A_20 = vector.shape_cast %get3A_19 : vector<1x512x128xf32> to vector<512x128xf32>
    %mul3A = vector.broadcast %div3A_12 : vector<512x1xf32> to vector<512x128xf32>
    %mul3A_21 = arith.mulf %get3A_20, %mul3A : vector<512x128xf32>
    %convert_element_type3A = arith.truncf %mul3A_21 : vector<512x128xf32> to vector<512x128xbf16>
    %get3A_22 = arith.constant 0 : index
    %get3A_23 = arith.constant 0 : index
    %get3A_24 = vector.load %arg4[%get3A_22, %get3A_23] : memref<1024x1024xbf16, #tpu.memory_space<vmem>>, vector<128x1024xbf16>
    %dot_general3A = arith.constant dense<0.000000e+00> : vector<512x1024xf32>
    %dot_general3A_25 = tpu.matmul %convert_element_type3A, %get3A_24, %dot_general3A {dimension_numbers = #tpu.dot_dimension_numbers<[1], [0], [0], [1], [0, 0, 1, 1], [], []>, transpose_lhs_hint = false} : vector<512x128xbf16>, vector<128x1024xbf16>, vector<512x1024xf32> -> vector<512x1024xf32>
    %add3A_26 = arith.addf %get3A_15, %dot_general3A_25 : vector<512x1024xf32>
    %get3A_27 = arith.constant 1 : index
    %get3A_28 = arith.constant 0 : index
    %get3A_29 = arith.constant 0 : index
    %get3A_30 = vector.load %arg1[%get3A_27, %get3A_28, %get3A_29] : memref<8x512x128xf32, #tpu.memory_space<vmem>>, vector<1x512x128xf32>
    %get3A_31 = vector.shape_cast %get3A_30 : vector<1x512x128xf32> to vector<512x128xf32>
    %mul3A_32 = vector.broadcast %div3A_12 : vector<512x1xf32> to vector<512x128xf32>
    %mul3A_33 = arith.mulf %get3A_31, %mul3A_32 : vector<512x128xf32>
    %convert_element_type3A_34 = arith.truncf %mul3A_33 : vector<512x128xf32> to vector<512x128xbf16>
    %get3A_35 = arith.constant 128 : index
    %get3A_36 = arith.constant 0 : index
    %get3A_37 = vector.load %arg4[%get3A_35, %get3A_36] : memref<1024x1024xbf16, #tpu.memory_space<vmem>>, vector<128x1024xbf16>
    %dot_general3A_38 = arith.constant dense<0.000000e+00> : vector<512x1024xf32>
    %dot_general3A_39 = tpu.matmul %convert_element_type3A_34, %get3A_37, %dot_general3A_38 {dimension_numbers = #tpu.dot_dimension_numbers<[1], [0], [0], [1], [0, 0, 1, 1], [], []>, transpose_lhs_hint = false} : vector<512x128xbf16>, vector<128x1024xbf16>, vector<512x1024xf32> -> vector<512x1024xf32>
    %add3A_40 = arith.addf %add3A_26, %dot_general3A_39 : vector<512x1024xf32>
    %get3A_41 = arith.constant 2 : index
    %get3A_42 = arith.constant 0 : index
    %get3A_43 = arith.constant 0 : index
    %get3A_44 = vector.load %arg1[%get3A_41, %get3A_42, %get3A_43] : memref<8x512x128xf32, #tpu.memory_space<vmem>>, vector<1x512x128xf32>
    %get3A_45 = vector.shape_cast %get3A_44 : vector<1x512x128xf32> to vector<512x128xf32>
    %mul3A_46 = vector.broadcast %div3A_12 : vector<512x1xf32> to vector<512x128xf32>
    %mul3A_47 = arith.mulf %get3A_45, %mul3A_46 : vector<512x128xf32>
    %convert_element_type3A_48 = arith.truncf %mul3A_47 : vector<512x128xf32> to vector<512x128xbf16>
    %get3A_49 = arith.constant 256 : index
    %get3A_50 = arith.constant 0 : index
    %get3A_51 = vector.load %arg4[%get3A_49, %get3A_50] : memref<1024x1024xbf16, #tpu.memory_space<vmem>>, vector<128x1024xbf16>
    %dot_general3A_52 = arith.constant dense<0.000000e+00> : vector<512x1024xf32>
    %dot_general3A_53 = tpu.matmul %convert_element_type3A_48, %get3A_51, %dot_general3A_52 {dimension_numbers = #tpu.dot_dimension_numbers<[1], [0], [0], [1], [0, 0, 1, 1], [], []>, transpose_lhs_hint = false} : vector<512x128xbf16>, vector<128x1024xbf16>, vector<512x1024xf32> -> vector<512x1024xf32>
    %add3A_54 = arith.addf %add3A_40, %dot_general3A_53 : vector<512x1024xf32>
    %get3A_55 = arith.constant 3 : index
    %get3A_56 = arith.constant 0 : index
    %get3A_57 = arith.constant 0 : index
    %get3A_58 = vector.load %arg1[%get3A_55, %get3A_56, %get3A_57] : memref<8x512x128xf32, #tpu.memory_space<vmem>>, vector<1x512x128xf32>
    %get3A_59 = vector.shape_cast %get3A_58 : vector<1x512x128xf32> to vector<512x128xf32>
    %mul3A_60 = vector.broadcast %div3A_12 : vector<512x1xf32> to vector<512x128xf32>
    %mul3A_61 = arith.mulf %get3A_59, %mul3A_60 : vector<512x128xf32>
    %convert_element_type3A_62 = arith.truncf %mul3A_61 : vector<512x128xf32> to vector<512x128xbf16>
    %get3A_63 = arith.constant 384 : index
    %get3A_64 = arith.constant 0 : index
    %get3A_65 = vector.load %arg4[%get3A_63, %get3A_64] : memref<1024x1024xbf16, #tpu.memory_space<vmem>>, vector<128x1024xbf16>
    %dot_general3A_66 = arith.constant dense<0.000000e+00> : vector<512x1024xf32>
    %dot_general3A_67 = tpu.matmul %convert_element_type3A_62, %get3A_65, %dot_general3A_66 {dimension_numbers = #tpu.dot_dimension_numbers<[1], [0], [0], [1], [0, 0, 1, 1], [], []>, transpose_lhs_hint = false} : vector<512x128xbf16>, vector<128x1024xbf16>, vector<512x1024xf32> -> vector<512x1024xf32>
    %add3A_68 = arith.addf %add3A_54, %dot_general3A_67 : vector<512x1024xf32>
    %get3A_69 = arith.constant 4 : index
    %get3A_70 = arith.constant 0 : index
    %get3A_71 = arith.constant 0 : index
    %get3A_72 = vector.load %arg1[%get3A_69, %get3A_70, %get3A_71] : memref<8x512x128xf32, #tpu.memory_space<vmem>>, vector<1x512x128xf32>
    %get3A_73 = vector.shape_cast %get3A_72 : vector<1x512x128xf32> to vector<512x128xf32>
    %mul3A_74 = vector.broadcast %div3A_12 : vector<512x1xf32> to vector<512x128xf32>
    %mul3A_75 = arith.mulf %get3A_73, %mul3A_74 : vector<512x128xf32>
    %convert_element_type3A_76 = arith.truncf %mul3A_75 : vector<512x128xf32> to vector<512x128xbf16>
    %get3A_77 = arith.constant 512 : index
    %get3A_78 = arith.constant 0 : index
    %get3A_79 = vector.load %arg4[%get3A_77, %get3A_78] : memref<1024x1024xbf16, #tpu.memory_space<vmem>>, vector<128x1024xbf16>
    %dot_general3A_80 = arith.constant dense<0.000000e+00> : vector<512x1024xf32>
    %dot_general3A_81 = tpu.matmul %convert_element_type3A_76, %get3A_79, %dot_general3A_80 {dimension_numbers = #tpu.dot_dimension_numbers<[1], [0], [0], [1], [0, 0, 1, 1], [], []>, transpose_lhs_hint = false} : vector<512x128xbf16>, vector<128x1024xbf16>, vector<512x1024xf32> -> vector<512x1024xf32>
    %add3A_82 = arith.addf %add3A_68, %dot_general3A_81 : vector<512x1024xf32>
    %get3A_83 = arith.constant 5 : index
    %get3A_84 = arith.constant 0 : index
    %get3A_85 = arith.constant 0 : index
    %get3A_86 = vector.load %arg1[%get3A_83, %get3A_84, %get3A_85] : memref<8x512x128xf32, #tpu.memory_space<vmem>>, vector<1x512x128xf32>
    %get3A_87 = vector.shape_cast %get3A_86 : vector<1x512x128xf32> to vector<512x128xf32>
    %mul3A_88 = vector.broadcast %div3A_12 : vector<512x1xf32> to vector<512x128xf32>
    %mul3A_89 = arith.mulf %get3A_87, %mul3A_88 : vector<512x128xf32>
    %convert_element_type3A_90 = arith.truncf %mul3A_89 : vector<512x128xf32> to vector<512x128xbf16>
    %get3A_91 = arith.constant 640 : index
    %get3A_92 = arith.constant 0 : index
    %get3A_93 = vector.load %arg4[%get3A_91, %get3A_92] : memref<1024x1024xbf16, #tpu.memory_space<vmem>>, vector<128x1024xbf16>
    %dot_general3A_94 = arith.constant dense<0.000000e+00> : vector<512x1024xf32>
    %dot_general3A_95 = tpu.matmul %convert_element_type3A_90, %get3A_93, %dot_general3A_94 {dimension_numbers = #tpu.dot_dimension_numbers<[1], [0], [0], [1], [0, 0, 1, 1], [], []>, transpose_lhs_hint = false} : vector<512x128xbf16>, vector<128x1024xbf16>, vector<512x1024xf32> -> vector<512x1024xf32>
    %add3A_96 = arith.addf %add3A_82, %dot_general3A_95 : vector<512x1024xf32>
    %get3A_97 = arith.constant 6 : index
    %get3A_98 = arith.constant 0 : index
    %get3A_99 = arith.constant 0 : index
    %get3A_100 = vector.load %arg1[%get3A_97, %get3A_98, %get3A_99] : memref<8x512x128xf32, #tpu.memory_space<vmem>>, vector<1x512x128xf32>
    %get3A_101 = vector.shape_cast %get3A_100 : vector<1x512x128xf32> to vector<512x128xf32>
    %mul3A_102 = vector.broadcast %div3A_12 : vector<512x1xf32> to vector<512x128xf32>
    %mul3A_103 = arith.mulf %get3A_101, %mul3A_102 : vector<512x128xf32>
    %convert_element_type3A_104 = arith.truncf %mul3A_103 : vector<512x128xf32> to vector<512x128xbf16>
    %get3A_105 = arith.constant 768 : index
    %get3A_106 = arith.constant 0 : index
    %get3A_107 = vector.load %arg4[%get3A_105, %get3A_106] : memref<1024x1024xbf16, #tpu.memory_space<vmem>>, vector<128x1024xbf16>
    %dot_general3A_108 = arith.constant dense<0.000000e+00> : vector<512x1024xf32>
    %dot_general3A_109 = tpu.matmul %convert_element_type3A_104, %get3A_107, %dot_general3A_108 {dimension_numbers = #tpu.dot_dimension_numbers<[1], [0], [0], [1], [0, 0, 1, 1], [], []>, transpose_lhs_hint = false} : vector<512x128xbf16>, vector<128x1024xbf16>, vector<512x1024xf32> -> vector<512x1024xf32>
    %add3A_110 = arith.addf %add3A_96, %dot_general3A_109 : vector<512x1024xf32>
    %get3A_111 = arith.constant 7 : index
    %get3A_112 = arith.constant 0 : index
    %get3A_113 = arith.constant 0 : index
    %get3A_114 = vector.load %arg1[%get3A_111, %get3A_112, %get3A_113] : memref<8x512x128xf32, #tpu.memory_space<vmem>>, vector<1x512x128xf32>
    %get3A_115 = vector.shape_cast %get3A_114 : vector<1x512x128xf32> to vector<512x128xf32>
    %mul3A_116 = vector.broadcast %div3A_12 : vector<512x1xf32> to vector<512x128xf32>
    %mul3A_117 = arith.mulf %get3A_115, %mul3A_116 : vector<512x128xf32>
    %convert_element_type3A_118 = arith.truncf %mul3A_117 : vector<512x128xf32> to vector<512x128xbf16>
    %get3A_119 = arith.constant 896 : index
    %get3A_120 = arith.constant 0 : index
    %get3A_121 = vector.load %arg4[%get3A_119, %get3A_120] : memref<1024x1024xbf16, #tpu.memory_space<vmem>>, vector<128x1024xbf16>
    %dot_general3A_122 = arith.constant dense<0.000000e+00> : vector<512x1024xf32>
    %dot_general3A_123 = tpu.matmul %convert_element_type3A_118, %get3A_121, %dot_general3A_122 {dimension_numbers = #tpu.dot_dimension_numbers<[1], [0], [0], [1], [0, 0, 1, 1], [], []>, transpose_lhs_hint = false} : vector<512x128xbf16>, vector<128x1024xbf16>, vector<512x1024xf32> -> vector<512x1024xf32>
    %add3A_124 = arith.addf %add3A_110, %dot_general3A_123 : vector<512x1024xf32>
    %max3A_125 = arith.constant 0.000000e+00 : f32
    %max3A_126 = vector.broadcast %max3A_125 : f32 to vector<512x1024xf32>
    %max3A_127 = arith.maximumf %add3A_124, %max3A_126 : vector<512x1024xf32>
    %convert_element_type3A_128 = arith.truncf %max3A_127 : vector<512x1024xf32> to vector<512x1024xbf16>
    %get3A_129 = arith.constant 0 : index
    %get3A_130 = arith.constant 0 : index
    %get3A_131 = vector.load %arg5[%get3A_129, %get3A_130] : memref<1024x256xbf16, #tpu.memory_space<vmem>>, vector<1024x256xbf16>
    %dot_general3A_132 = arith.constant dense<0.000000e+00> : vector<512x256xf32>
    %dot_general3A_133 = tpu.matmul %convert_element_type3A_128, %get3A_131, %dot_general3A_132 {dimension_numbers = #tpu.dot_dimension_numbers<[1], [0], [0], [1], [0, 0, 1, 1], [], []>, transpose_lhs_hint = false} : vector<512x1024xbf16>, vector<1024x256xbf16>, vector<512x256xf32> -> vector<512x256xf32>
    %swap3A = arith.constant 0 : index
    %swap3A_134 = arith.constant 0 : index
    %swap3A_135 = vector.load %arg8[%swap3A, %swap3A_134] : memref<512x256xf32, #tpu.memory_space<vmem>>, vector<512x256xf32>
    tpu.vector_store %arg8[%swap3A, %swap3A_134], %dot_general3A_133 {strides = array<i32>} : memref<512x256xf32, #tpu.memory_space<vmem>>, vector<512x256xf32>,
    %get3A_136 = arith.constant 0 : index
    %get3A_137 = arith.constant 0 : index
    %get3A_138 = vector.load %arg6[%get3A_136, %get3A_137] : memref<1024x256xbf16, #tpu.memory_space<vmem>>, vector<1024x256xbf16>
    %dot_general3A_139 = arith.constant dense<0.000000e+00> : vector<512x256xf32>
    %dot_general3A_140 = tpu.matmul %convert_element_type3A_128, %get3A_138, %dot_general3A_139 {dimension_numbers = #tpu.dot_dimension_numbers<[1], [0], [0], [1], [0, 0, 1, 1], [], []>, transpose_lhs_hint = false} : vector<512x1024xbf16>, vector<1024x256xbf16>, vector<512x256xf32> -> vector<512x256xf32>
    %get3A_141 = arith.constant 0 : index
    %get3A_142 = arith.constant 0 : index
    %get3A_143 = vector.load %arg7[%get3A_141, %get3A_142] : memref<1x256xf32, #tpu.memory_space<vmem>>, vector<1x256xf32>
    %get3A_144 = vector.shape_cast %get3A_143 : vector<1x256xf32> to vector<256xf32>
    %broadcast_in_dim3A = vector.shape_cast %get3A_144 : vector<256xf32> to vector<1x256xf32>
    %add3A_145 = vector.broadcast %broadcast_in_dim3A : vector<1x256xf32> to vector<512x256xf32>
    %add3A_146 = arith.addf %dot_general3A_140, %add3A_145 : vector<512x256xf32>
    %swap3A_147 = arith.constant 0 : index
    %swap3A_148 = arith.constant 0 : index
    %swap3A_149 = vector.load %arg9[%swap3A_147, %swap3A_148] : memref<512x256xf32, #tpu.memory_space<vmem>>, vector<512x256xf32>
    tpu.vector_store %arg9[%swap3A_147, %swap3A_148], %add3A_146 {strides = array<i32>} : memref<512x256xf32, #tpu.memory_space<vmem>>, vector<512x256xf32>,
    return
  }
  func.func @transform_0(%arg0: i32) -> (i32, i32, i32) {
    %c0_i32 = arith.constant 0 : i32
    %c0_i32_0 = arith.constant 0 : i32
    %c0_i32_1 = arith.constant 0 : i32
    return %c0_i32, %arg0, %c0_i32_0 : i32, i32, i32
  }
  func.func @transform_1(%arg0: i32) -> (i32, i32) {
    %c0_i32 = arith.constant 0 : i32
    %c0_i32_0 = arith.constant 0 : i32
    return %arg0, %c0_i32 : i32, i32
  }
  func.func @transform_2(%arg0: i32) -> (i32, i32, i32) {
    %c0_i32 = arith.constant 0 : i32
    %c0_i32_0 = arith.constant 0 : i32
    %c0_i32_1 = arith.constant 0 : i32
    return %c0_i32, %arg0, %c0_i32_0 : i32, i32, i32
  }
  func.func @transform_3(%arg0: i32) -> (i32, i32) {
    %c0_i32 = arith.constant 0 : i32
    %c0_i32_0 = arith.constant 0 : i32
    %c0_i32_1 = arith.constant 0 : i32
    return %c0_i32, %c0_i32_0 : i32, i32
  }
  func.func @transform_4(%arg0: i32) -> (i32, i32) {
    %c0_i32 = arith.constant 0 : i32
    %c0_i32_0 = arith.constant 0 : i32
    %c0_i32_1 = arith.constant 0 : i32
    return %c0_i32, %c0_i32_0 : i32, i32
  }
  func.func @transform_5(%arg0: i32) -> (i32, i32) {
    %c0_i32 = arith.constant 0 : i32
    %c0_i32_0 = arith.constant 0 : i32
    %c0_i32_1 = arith.constant 0 : i32
    return %c0_i32, %c0_i32_0 : i32, i32
  }
  func.func @transform_6(%arg0: i32) -> (i32, i32) {
    %c0_i32 = arith.constant 0 : i32
    %c0_i32_0 = arith.constant 0 : i32
    %c0_i32_1 = arith.constant 0 : i32
    return %c0_i32, %c0_i32_0 : i32, i32
  }
  func.func @transform_7(%arg0: i32) -> (i32, i32) {
    %c0_i32 = arith.constant 0 : i32
    %c0_i32_0 = arith.constant 0 : i32
    return %arg0, %c0_i32 : i32, i32
  }
  func.func @transform_8(%arg0: i32) -> (i32, i32) {
    %c0_i32 = arith.constant 0 : i32
    %c0_i32_0 = arith.constant 0 : i32
    return %arg0, %c0_i32 : i32, i32
  }
}

module attributes {stable_mosaic.version = 14 : i64} {
  func.func @_k2_body(%arg0: i32, %arg1: memref<2x512x128xf32, #tpu.memory_space<vmem>>, %arg2: memref<512x256xf32, #tpu.memory_space<vmem>>, %arg3: memref<2x512x128xf32, #tpu.memory_space<vmem>>, %arg4: memref<512x256xf32, #tpu.memory_space<vmem>>) attributes {dimension_semantics = [#tpu.dimension_semantics<arbitrary>], iteration_bounds = array<i64: 20>, scalar_prefetch = 0 : i64, scratch_operands = 0 : i64, tpu.core_type = #tpu.core_type<tc>, window_params = [{transform_indices = @transform_0, window_bounds = array<i64: 2, 512, 128>}, {transform_indices = @transform_1, window_bounds = array<i64: 512, 256>}, {transform_indices = @transform_2, window_bounds = array<i64: 2, 512, 128>}, {transform_indices = @transform_3, window_bounds = array<i64: 512, 256>}]} {
    %get3A = arith.constant 0 : index
    %get3A_0 = arith.constant 0 : index
    %get3A_1 = arith.constant 0 : index
    %get3A_2 = vector.load %arg3[%get3A, %get3A_0, %get3A_1] : memref<2x512x128xf32, #tpu.memory_space<vmem>>, vector<1x512x1xf32>
    %get3A_3 = vector.shape_cast %get3A_2 : vector<1x512x1xf32> to vector<512x1xf32>
    %get3A_4 = arith.constant 1 : index
    %get3A_5 = arith.constant 0 : index
    %get3A_6 = arith.constant 0 : index
    %get3A_7 = vector.load %arg3[%get3A_4, %get3A_5, %get3A_6] : memref<2x512x128xf32, #tpu.memory_space<vmem>>, vector<1x512x1xf32>
    %get3A_8 = vector.shape_cast %get3A_7 : vector<1x512x1xf32> to vector<512x1xf32>
    %add3A = arith.addf %get3A_3, %get3A_8 : vector<512x1xf32>
    %max3A = arith.constant 1.000000e+00 : f32
    %max3A_9 = vector.broadcast %max3A : f32 to vector<512x1xf32>
    %max3A_10 = arith.maximumf %add3A, %max3A_9 : vector<512x1xf32>
    %div3A = arith.constant 1.000000e+00 : f32
    %div3A_11 = vector.broadcast %div3A : f32 to vector<512x1xf32>
    %div3A_12 = arith.divf %div3A_11, %max3A_10 : vector<512x1xf32>
    %get3A_13 = arith.constant 0 : index
    %get3A_14 = arith.constant 0 : index
    %get3A_15 = arith.constant 0 : index
    %get3A_16 = vector.load %arg1[%get3A_13, %get3A_14, %get3A_15] : memref<2x512x128xf32, #tpu.memory_space<vmem>>, vector<1x512x128xf32>
    %get3A_17 = vector.shape_cast %get3A_16 : vector<1x512x128xf32> to vector<512x128xf32>
    %mul3A = vector.broadcast %div3A_12 : vector<512x1xf32> to vector<512x128xf32>
    %mul3A_18 = arith.mulf %get3A_17, %mul3A : vector<512x128xf32>
    %get3A_19 = arith.constant 1 : index
    %get3A_20 = arith.constant 0 : index
    %get3A_21 = arith.constant 0 : index
    %get3A_22 = vector.load %arg1[%get3A_19, %get3A_20, %get3A_21] : memref<2x512x128xf32, #tpu.memory_space<vmem>>, vector<1x512x128xf32>
    %get3A_23 = vector.shape_cast %get3A_22 : vector<1x512x128xf32> to vector<512x128xf32>
    %mul3A_24 = vector.broadcast %div3A_12 : vector<512x1xf32> to vector<512x128xf32>
    %mul3A_25 = arith.mulf %get3A_23, %mul3A_24 : vector<512x128xf32>
    %concatenate3A = tpu.concatenate %mul3A_18, %mul3A_25 in 1 : vector<512x128xf32>, vector<512x128xf32> -> vector<512x256xf32>
    %get3A_26 = arith.constant 0 : index
    %get3A_27 = arith.constant 0 : index
    %get3A_28 = vector.load %arg2[%get3A_26, %get3A_27] : memref<512x256xf32, #tpu.memory_space<vmem>>, vector<512x256xf32>
    %add3A_29 = arith.addf %concatenate3A, %get3A_28 : vector<512x256xf32>
    %swap3A = arith.constant 0 : index
    %swap3A_30 = arith.constant 0 : index
    %swap3A_31 = vector.load %arg4[%swap3A, %swap3A_30] : memref<512x256xf32, #tpu.memory_space<vmem>>, vector<512x256xf32>
    tpu.vector_store %arg4[%swap3A, %swap3A_30], %add3A_29 {strides = array<i32>} : memref<512x256xf32, #tpu.memory_space<vmem>>, vector<512x256xf32>,
    return
  }
  func.func @transform_0(%arg0: i32) -> (i32, i32, i32) {
    %c0_i32 = arith.constant 0 : i32
    %c0_i32_0 = arith.constant 0 : i32
    %c0_i32_1 = arith.constant 0 : i32
    return %c0_i32, %arg0, %c0_i32_0 : i32, i32, i32
  }
  func.func @transform_1(%arg0: i32) -> (i32, i32) {
    %c0_i32 = arith.constant 0 : i32
    %c0_i32_0 = arith.constant 0 : i32
    return %arg0, %c0_i32 : i32, i32
  }
  func.func @transform_2(%arg0: i32) -> (i32, i32, i32) {
    %c0_i32 = arith.constant 0 : i32
    %c0_i32_0 = arith.constant 0 : i32
    %c0_i32_1 = arith.constant 0 : i32
    return %c0_i32, %arg0, %c0_i32_0 : i32, i32, i32
  }
  func.func @transform_3(%arg0: i32) -> (i32, i32) {
    %c0_i32 = arith.constant 0 : i32
    %c0_i32_0 = arith.constant 0 : i32
    return %arg0, %c0_i32 : i32, i32
  }
}

</mosaic_0001>

<sc_bundles>
// kernel: kernel.10.cloned.1.call-start
scs
__scs_entry_jumppad:
0x0: {  	(pc) =	sbr.rel $0x88, $3  }
0x1: {  	(tag) =	ssettag $0x0;
	lr =	simm.s32 $0x1  }
0x2: {  	[smem:$0x3F8C] =	sst lr;
	_ =	strace $0xD0000000  }
0x3: {  	_ = 	snop  }
0x4: {  	_ = 	snop  }
0x5: {  	_ = 	snop  }
0x6: {  	_ = 	snop  }
0x7: {  	_ = 	snop  }
__scs_overlays_trampoline_lowered:
0x8: {  	[smem:$0x3F9B] =	sst s0  }
0x9: {  	[smem:$0x3F9C] =	sst s1  }
0xa: {  	[smem:$0x3F9D] =	sst s2  }
0xb: {  	[smem:$0x3F9E] =	sst s3  }
0xc: {  	[smem:$0x3F9F] =	sst s4  }
0xd: {  	[smem:$0x3FA0] =	sst s5  }
0xe: {  	[smem:$0x3FA1] =	sst s6  }
0xf: {  	[smem:$0x3FA2] =	sst s7  }
0x10: {  	[smem:$0x3FA3] =	sst s8  }
0x11: {  	[smem:$0x3FA4] =	sst s9;
	s0 =	simm.s32 @!p0 $0x0  }
0x12: {  	s1 =	sld [smem:$0x3F8A];
	s0 =	simm.s32 @p0 $0x1  }
0x13: {  	[smem:$0x3FA5] =	sst s0;
	s0 =	simm.s32 @!p1 $0x0  }
0x14: {  	s2 =	sld [smem:$0x3F89];
	s0 =	simm.s32 @p1 $0x1  }
0x15: {  	[smem:$0x3FA6] =	sst s0;
	s0 =	simm.s32 @!p2 $0x0  }
0x16: {  	s3 =	sld [smem:$0x3FDB];
	s0 =	simm.s32 @p2 $0x1  }
0x17: {  	s4 =	simm.s32 $0x1BF5;
	[smem:$0x3FA8] =	sst s0  }
0x18: {  	s0 =	sld [smem:$0x3F8B];
	_ =	swait.ge [sflag:s4], $0x0  }
0x19: {  	s7 =	sld [smem:$0x3F8C]  }
0x1a: {  	s8 =	sadd.s32 $0xFFFFE003, lr  }
0x1b: {  	s9 =	sadd.s32 $0xFFFFFEF7, lr;
	s5 =	simm.s32 $0xFFFFFFFF;
	p2 =	slt.u32 s8, $0xFFFFF086  }
0x1c: {  	p1 =	slt.u32 s9, $0xF7A;
	s5 =	simm.s32 @!p2 $0x0  }
0x1d: {  	s5 =	simm.s32 @p1 $0x1;
	p0 =	seq.s32 s7, s2  }
0x1e: {  	s7 =	smul.u32 @!p0 $0xF7A, s2;
	p2 =	seq.s32 @!p0 s5, $0x0  }
0x1f: {  	s9 =	smul.u32 $0xF7A, s1;
	s8 =	simm.s32 @!p0 $0x1BF5;
	p2 =	por !p2, p0  }
0x20: {  	[sflag:s8] =	ssyncset.s32 @!p0 $0xFFFFF086;
	s6 =	sadd.s32 @!p0 s3, s7;
	s7 =	simm.s32 @!p0 $0x108  }
0x21: {  	s3 =	sadd.s32 s3, s9;
	s6 =	sadd.s32 @!p0 $0x88, s6;
	s7 =	simm.s32 @p2 $0x1082  }
0x22: {  	[simem:s7], [sflag:s8] =	dma.local @!p0 [hbm:s6], $0xF7A  }
0x23: {  	s9 =	sor.u32 $0xD0000000, s2;
	s6 =	simm.s32 $0x108;
	_ =	swait.ge @!p0 [sflag:s8], $0x0  }
0x24: {  	s3 =	sadd.s32 $0x88, s3;
	s6 =	simm.s32 @!p1 $0x1082;
	[sflag:s4] =	ssyncset.s32 $0xFFFFF086  }
0x25: {  	[simem:s6], [sflag:s4] =	dma.local [hbm:s3], $0xF7A  }
0x26: {  	[smem:$0x3F8C] =	sst s1;
	(tag) =	ssettag s2;
	_ =	strace s9  }
0x27: {  	s1 =	sld [smem:$0x3F9C]  }
0x28: {  	s2 =	sld [smem:$0x3F9D]  }
0x29: {  	s4 =	sld [smem:$0x3F9F]  }
0x2a: {  	p0 =	seq.s32 s5, $0x0;
	s5 =	sld [smem:$0x3FA0]  }
0x2b: {  	s6 =	sld [smem:$0x3FA1]  }
0x2c: {  	s7 =	sld [smem:$0x3FA2]  }
0x2d: {  	s3 =	simm.s32 $0x108;
	s8 =	sld [smem:$0x3FA3]  }
0x2e: {  	s3 =	simm.s32 @!p0 $0x1082;
	s9 =	sld [smem:$0x3FA4]  }
0x2f: {  	lr =	sadd.s32 s0, s3;
	s0 =	sld [smem:$0x3F9B]  }
0x30: {  	s3 =	sld [smem:$0x3F9E]  }
0x31: {  	[smem:$0x3FA7] =	sst s10  }
0x32: {  	s10 =	sld [smem:$0x3FA5];
	_ =	sdelay $0x3  }
0x33: {  	p0 =	seq.s32 s10, $0x1;
	s10 =	sld [smem:$0x3FA7];
	_ =	sdelay $0x3  }
0x34: {  	[smem:$0x3FA7] =	sst s10  }
0x35: {  	s10 =	sld [smem:$0x3FA6];
	_ =	sdelay $0x3  }
0x36: {  	p1 =	seq.s32 s10, $0x1;
	s10 =	sld [smem:$0x3FA7];
	_ =	sdelay $0x3  }
0x37: {  	[smem:$0x3FA7] =	sst s10  }
0x38: {  	s10 =	sld [smem:$0x3FA8]  }
0x39: {  	_ = 	snop;
	(pc) =	sbr.ind lr, $3  }
0x3a: {  	_ = 	snop  }
0x3b: {  	_ = 	snop  }
0x3c: {  	p2 =	seq.s32 s10, $0x1;
	s10 =	sld [smem:$0x3FA7]  }
0x3d: {  	_ =	shalt  }
0x3e: {  	_ =	shalt  }
0x3f: {  	_ =	shalt  }
0x40: {  	_ =	shalt  }
0x41: {  	_ =	shalt  }
0x42: {  	_ =	shalt  }
0x43: {  	_ =	shalt  }
0x44: {  	_ =	shalt  }
0x45: {  	_ =	shalt  }
0x46: {  	_ =	shalt  }
0x47: {  	_ =	shalt  }
0x48: {  	_ =	shalt  }
0x49: {  	_ =	shalt  }
0x4a: {  	_ =	shalt  }
0x4b: {  	_ =	shalt  }
0x4c: {  	_ =	shalt  }
0x4d: {  	_ =	shalt  }
0x4e: {  	_ =	shalt  }
0x4f: {  	_ =	shalt  }
0x50: {  	_ =	shalt  }
0x51: {  	_ =	shalt  }
0x52: {  	_ =	shalt  }
0x53: {  	_ =	shalt  }
0x54: {  	_ =	shalt  }
0x55: {  	_ =	shalt  }
0x56: {  	_ =	shalt  }
0x57: {  	_ =	shalt  }
0x58: {  	_ =	shalt  }
0x59: {  	_ =	shalt  }
0x5a: {  	_ =	shalt  }
0x5b: {  	_ =	shalt  }
0x5c: {  	_ =	shalt  }
0x5d: {  	_ =	shalt  }
0x5e: {  	_ =	shalt  }
0x5f: {  	_ =	shalt  }
0x60: {  	_ =	shalt  }
0x61: {  	_ =	shalt  }
0x62: {  	_ =	shalt  }
0x63: {  	_ =	shalt  }
0x64: {  	_ =	shalt  }
0x65: {  	_ =	shalt  }
0x66: {  	_ =	shalt  }
0x67: {  	_ =	shalt  }
0x68: {  	_ =	shalt  }
0x69: {  	_ =	shalt  }
0x6a: {  	_ =	shalt  }
0x6b: {  	_ =	shalt  }
0x6c: {  	_ =	shalt  }
0x6d: {  	_ =	shalt  }
0x6e: {  	_ =	shalt  }
0x6f: {  	_ =	shalt  }
0x70: {  	_ =	shalt  }
0x71: {  	_ =	shalt  }
0x72: {  	_ =	shalt  }
0x73: {  	_ =	shalt  }
0x74: {  	_ =	shalt  }
0x75: {  	_ =	shalt  }
0x76: {  	_ =	shalt  }
0x77: {  	_ =	shalt  }
0x78: {  	_ =	shalt  }
0x79: {  	_ =	shalt  }
0x7a: {  	_ =	shalt  }
0x7b: {  	_ =	shalt  }
0x7c: {  	_ =	shalt  }
0x7d: {  	_ =	shalt  }
0x7e: {  	_ =	shalt  }
0x7f: {  	_ =	shalt  }
0x80: {  	_ =	shalt  }
0x81: {  	_ =	shalt  }
0x82: {  	_ =	shalt  }
0x83: {  	_ =	shalt  }
0x84: {  	_ =	shalt  }
0x85: {  	_ =	shalt  }
0x86: {  	_ =	shalt  }
0x87: {  	_ =	shalt  }
.Lfunc_end0:
.L_simem_size_0:
called_computation_lowered:
.L_overlay_start_0:
0x88: {  	s2 =	sld [smem:$0x3FD9]  }
0x89: {  	s3 =	sld [smem:$0x3FFE];
	_ =	sdelay $0x1  }
0x8a: {  	s1 =	srdreg.scid  }
0x8b: {  	s0 =	sand.u32 $0x1, s1  }
0x8c: {  	s16 =	sshll.u32 s0, $0xA;
	s2 =	sadd.s32 s3, s2  }
0x8d: {  	s2 =	sadd.s32 s2, s16  }
0x8e: {  	[smem:$0x3FB3] =	sst s2  }
0x8f: {  	_ = 	snop  }
0x90: {  	(tm) =	ssettm $0x1  }
0x91: {  	s17 =	sld [smem:$0x3FFB];
	_ =	sdelay $0x3  }
0x92: {  	_ =	strace s17  }
0x93: {  	s2 =	sld [smem:$0x3FFC];
	_ =	sdelay $0x3  }
0x94: {  	_ =	strace s2  }
0x95: {  	s2 =	sld [smem:$0x3FFD];
	_ =	sdelay $0x3  }
0x96: {  	_ =	strace s2  }
0x97: {  	_ =	strace $0x8FFFFFFF  }
0x98: {  	s18 =	sld [smem:$0x3FDB];
	_ =	sdelay $0x1  }
0x99: {  	s19 =	simm.s32 $_scs_section_size  }
0x9a: {  	s4 =	simm.s32 $_size__tile_overlayer_lowered;
	s5 =	simm.s32 $_tile_overlayer_lowered  }
0x9b: {  	s22 =	simm.s32 $0x1BFF;
	s21 =	sshll.u32 s5, $0x1;
	s2 =	sadd.s32 s19, s18  }
0x9c: {  	s6 =	simm.s32 $0x0;
	s20 =	sshll.u32 s4, $0x1;
	s4 =	sadd.s32 s21, s2  }
0x9d: {  	[timem:s6], [sflag:s22] =	dma.local [hbm:s4], s20  }
0x9e: {  	_ =	swait.ge [sflag:s22], s20  }
0x9f: {  	s3 =	ssub.s32 $0x0, s20;
	[sflag:s22] =	ssyncset.done $0x0  }
0xa0: {  	[sflag:s22] =	ssyncadd.s32 s3;
	_ =	sdelay $0x1  }
0xa1: {  	s23 =	simm.s32 $0x1B8B  }
0xa2: {  	_ =	swait.ge [sflag:s23], $0x1  }
0xa3: {  	[sflag:s23] =	ssyncset.done $0x0  }
0xa4: {  	s25 =	simm.s32 $0x1B8E;
	s24 =	sld [smem:$0x3FFE];
	[sflag:s23] =	ssyncadd.s32 $0xFFFFFFFF  }
0xa5: {  	s26 =	simm.s32 $execute0_lowered;
	[smem:$0x3FD2] =	sst s25  }
0xa6: {  	s4 =	sshll.u32 s26, $0x1;
	_ =	strace $0x80000046;
	[dreg:$0x1] =	wrdreg $0xFFFFFFFF  }
0xa7: {  	s28 =	simm.s32 $_size_execute0_lowered;
	s2 =	sadd.s32 s2, s4;
	[dreg:$0x0] =	wrdreg $0x0  }
0xa8: {  	s4 =	sshll.u32 s28, $0x1;
	[dreg:$0x2] =	wrdreg s2  }
0xa9: {  	[dreg:$0x3] =	wrdreg s4  }
0xaa: {  	[dreg:$0x4] =	wrdreg $0xC0  }
0xab: {  	_ =	task [dreg:s6], $0x5FFFF  }
0xac: {  	[dreg:$0x1] =	wrdreg $0xFFFFFFFF  }
0xad: {  	[dreg:$0x0] =	wrdreg $0x60  }
0xae: {  	[dreg:$0x2] =	wrdreg s24  }
0xaf: {  	[dreg:$0x3] =	wrdreg $0xA8000  }
0xb0: {  	[dreg:$0x4] =	wrdreg $0x9  }
0xb1: {  	_ =	task.clear_ibuf [dreg:s6], $0x5FFFF;
	_ =	strace $0x90000046  }
0xb2: {  	s29 =	simm.s32 $0x9;
	_ =	strace $0x80000048  }
0xb3: {  	_ =	swait.ge [sflag:s29], $0x1  }
0xb4: {  	[sflag:s29] =	ssyncadd.s32 $0xFFFFFFFF  }
0xb5: {  	_ =	strace $0x90000048  }
0xb6: {  	_ =	sfence  }
0xb7: {  	s30 =	sld [smem:$0x0];
	_ =	sdelay $0x2  }
0xb8: {  	s31 =	sshll.u32 s1, $0xD;
	s1 =	sshrl.u32 s1, $0x2  }
0xb9: {  	s3 =	sand.u32 $0x4000, s31;
	s1 =	sadd.s32 s1, s30  }
0xba: {  	s0 =	sor.u32 s3, s0;
	s1 =	sshll.u32 s1, $0x11  }
0xbb: {  	s0 =	sor.u32 s1, s0  }
0xbc: {  	s0 =	sadd.s32 $0x8F2B, s0  }
0xbd: {  	[sflag:s0] =	ssyncadd.remote.s32 $0x1  }
0xbe: {  	_ =	sfence.sel $0xFFFF  }
0xbf: {  	[dreg:$0x0] =	wrdreg $0xFFFFFFFF;
	(pc) =	sbr.abs _section_cstart, $3  }
0xc0: {  	[dreg:$0x1] =	wrdreg $0xFFFFFFFF  }
0xc1: {  	_ =	task.clear_ibuf [dreg:s6], $0x2FFFF;
	_ =	strace $0x9FFFFFFF  }
0xc2: {  	(tm) =	ssettm $0x7FFFFFFF  }
0xc3: {  	_ =	shalt  }
tec
execute0_lowered:
.L_overlay_start_1:
0x0: {  	(tag) =	ssettag $0x1  }
0x1: {  	s0 =	rddreg [dreg:$0x0]  }
0x2: {  	s1 =	rddreg [dreg:$0x1];
	s3 =	simm.s32 $0x0  }
0x3: {  	s2 =	srdreg.scid;
	s11 =	stileid.u32;
	s28 =	simm.s32 $0x2700  }
0x4: {  	s29 =	simm.s32 $0x2780;
	s30 =	simm.s32 $0x0;
	[smem:$0x7FF] =	sst s3  }
0x5: {  	s2 =	sand.u32 $0x1, s2;
	s14 =	smul.u32 $0x13C00, s11;
	s4 =	sadd.s32 $0x5400, s0  }
0x6: {  	s15 =	sadd.s32 $0xAF400, s0;
	s16 =	sadd.s32 $0xA5400, s0;
	s7 =	smul.u32 $0x4F000, s11  }
0x7: {  	s5 =	sadd.s32 $0xC3400, s0;
	s13 =	smul.u32 $0x2800, s11;
	s17 =	sadd.s32 $0xC5C00, s0  }
0x8: {  	s19 =	sshll.u32 s11, $0x6;
	s6 =	smul.u32 $0x140000, s2;
	s8 =	ssub.s32 $0x2, s2  }
0x9: {  	_ =	strace $0x80000047;
	s9 =	smul.u32 $0x50000, s2;
	s10 =	sshrl.u32 s8, $0x1  }
0xa: {  	s12 =	sshrl.u32 s7, $0x2;
	s7 =	sor.u32 $0x1C03, s19;
	s19 =	smul.u32 $0x500, s11  }
0xb: {  	s22 =	sshrl.u32 s13, $0x3;
	s6 =	sadd.s32 s14, s6;
	s20 =	sadd.s32 s13, s9  }
0xc: {  	s18 =	ssub.s32 s8, s10;
	s6 =	sshrl.u32 s6, $0x3;
	s8 =	sshrl.u32 s20, $0x3  }
0xd: {  	s20 =	sadd.s32 $0x1400, s13;
	s18 =	smax.u32 s18, $0x1;
	s0 =	sadd.s32 s6, s0  }
0xe: {  	s6 =	sadd.s32 s12, s1;
	s21 =	sadd.s32 s15, s8;
	s23 =	sadd.s32 s9, s20  }
0xf: {  	s12 =	smul.u32 $0x280000, s2;
	s9 =	sadd.s32 s16, s22;
	[dreg:$0x3] =	wrdreg s6  }
0x10: {  	s25 =	sshrl.u32 s20, $0x3;
	[dreg:$0x4] =	wrdreg s21;
	s24 =	sshrl.u32 s23, $0x3  }
0x11: {  	s21 =	sshllo.u32 s2, $0x1;
	s11 =	sadd.s32 s16, s25;
	s2 =	smul.u32 $0x280, s2  }
0x12: {  	s23 =	simm.s32 $0x6800;
	s25 =	simm.s32 $0x2;
	s22 =	smul.u32 $0x28000, s21  }
0x13: {  	s12 =	sadd.s32 s14, s12;
	s26 =	sadd.s32 s15, s24;
	s21 =	smul.u32 $0x140000, s21  }
0x14: {  	s24 =	simm.s32 $0x1;
	[dreg:$0x5] =	wrdreg s26;
	s12 =	sshrl.u32 s12, $0x3  }
0x15: {  	s2 =	sadd.s32 s2, s19;
	s19 =	simm.s32 $0x3;
	s26 =	simm.s32 $0x1380  }
0x16: {  	s12 =	sadd.s32 s17, s12;
	s13 =	sadd.s32 s13, s22;
	s20 =	sadd.s32 s20, s22  }
0x17: {  	s21 =	sadd.s32 s14, s21;
	s16 =	sadd.s32 s16, s2;
	s22 =	simm.s32 $0x2800  }
0x18: {  	s13 =	sshrl.u32 s13, $0x3;
	s20 =	sshrl.u32 s20, $0x3;
	s31 =	sshrl.u32 s21, $0x3  }
0x19: {  	s21 =	simm.s32 $0x80;
	s13 =	sadd.s32 s15, s13;
	s14 =	sadd.s32 s15, s20  }
0x1a: {  	v0 =	vimm.f32 $1.000000000e+00;
	s15 =	sadd.s32 s17, s31;
	s17 =	sadd.s32 $0x165C00, s0;
	s20 =	simm.s32 $0x1400  }
.LBB2_1:
0x1b: {  	s0 =	rddreg [dreg:$0x3]  }
0x1c: {  	s31 =	sshrl.u32 s0, $0x3  }
0x1d: {  	[spmem:s31], [sflag:s7] =	dma.local [hbm:s5], $0x2780  }
0x1e: {  	_ =	swait.ge [sflag:s19], $0x2780  }
0x1f: {  	[sflag:s19] =	ssyncset.done $0x0  }
0x20: {  	[sflag:s19] =	ssyncadd.s32 $0xFFFFD880  }
0x21: {  	[bflag:$0x0] =	sbarrier.arrive $0xFFFF  }
0x22: {  	s10 =	rddreg [dreg:$0x4]  }
0x23: {  	[tilespmem:s3], [sflag:$0x3] =	stream.linear.gather [hbm4b:s10+s3], $0x1400, $0x38;
	[tilespmem:$0x1E400] =	vst v63  }
0x24: {  	_ =	swait.ge [sflag:s19], $0x1400  }
0x25: {  	[sflag:s19] =	ssyncset.done $0x0  }
0x26: {  	[sflag:s19] =	ssyncadd.s32 $0xFFFFEC00  }
0x27: {  	[tilespmem:s20], [sflag:$0x3] =	stream.linear.gather [hbm4b:s9+s3], $0x1400, $0x38;
	[tilespmem:$0x1E400] =	vst v63  }
0x28: {  	_ =	swait.ge [sflag:s19], $0x1400  }
0x29: {  	[sflag:s19] =	ssyncset.done $0x0  }
0x2a: {  	[sflag:s19] =	ssyncadd.s32 $0xFFFFEC00  }
0x2b: {  	[tilespmem:s22], [sflag:$0x1] =	stream.indirect.gather [hbm4b:s4+s21], $0x80, s3, s21, $0xb8;
	[tilespmem:$0x1E400] =	vst v63  }
0x2c: {  	s2 =	simm.s32 $0x80  }
0x2d: {  	[tilespmem:s23], [sflag:$0x2] =	stream.indirect.gather [hbm4b:s4+s21], $0x80, s2, s21, $0xb8;
	[tilespmem:$0x1E400] =	vst v63  }
0x2e: {  	_ =	swait.ge [sflag:s24], $0x4000  }
0x2f: {  	[sflag:s24] =	ssyncset.done $0x0  }
0x30: {  	s6 =	simm.s32 $0x1400;
	[sflag:s24] =	ssyncadd.s32 $0xFFFFC000  }
0x31: {  	[spmem:s1] =	stream.indirect.scatter.add.f32 [tilespmem:s22], [sflag:$0x3], $0x80, s6, s21, $0xb8;
	[tilespmem:$0x1E400] =	vst v63  }
0x32: {  	_ =	swait.ge [sflag:s19], $0x4000  }
0x33: {  	[sflag:s19] =	ssyncset.done $0x0  }
0x34: {  	s8 =	simm.s32 $0x100;
	[sflag:s19] =	ssyncadd.s32 $0xFFFFC000  }
0x35: {  	[tilespmem:s22], [sflag:$0x1] =	stream.indirect.gather [hbm4b:s4+s21], $0x80, s8, s21, $0xb8;
	[tilespmem:$0x1E400] =	vst v63  }
0x36: {  	_ =	swait.ge [sflag:s25], $0x4000  }
0x37: {  	[sflag:s25] =	ssyncset.done $0x0  }
0x38: {  	s10 =	simm.s32 $0x1480;
	[sflag:s25] =	ssyncadd.s32 $0xFFFFC000  }
0x39: {  	[spmem:s1] =	stream.indirect.scatter.add.f32 [tilespmem:s23], [sflag:$0x3], $0x80, s10, s21, $0xb8;
	[tilespmem:$0x1E400] =	vst v63  }
0x3a: {  	_ =	swait.ge [sflag:s19], $0x4000  }
0x3b: {  	s0 =	simm.s32 $0x100;
	s2 =	simm.s32 $0x800;
	[sflag:s19] =	ssyncset.done $0x0  }
.LBB2_2:
0x3c: {  	s6 =	sadd.s32 $0x80, s0  }
0x3d: {  	[sflag:s19] =	ssyncadd.s32 $0xFFFFC000;
	s8 =	smov.u32 s2;
	s10 =	sadd.s32 $0x400, s2  }
0x3e: {  	[tilespmem:s23], [sflag:$0x2] =	stream.indirect.gather [hbm4b:s4+s21], $0x80, s6, s21, $0xb8;
	[tilespmem:$0x1E400] =	vst v63  }
0x3f: {  	p0 =	sne.s32 s2, $0x4800;
	_ =	swait.ge [sflag:s24], $0x4000  }
0x40: {  	[sflag:s24] =	ssyncset.done $0x0  }
0x41: {  	s2 =	sadd.s32 $0x1400, s0;
	[sflag:s24] =	ssyncadd.s32 $0xFFFFC000  }
0x42: {  	[spmem:s1] =	stream.indirect.scatter.add.f32 [tilespmem:s22], [sflag:$0x3], $0x80, s2, s21, $0xb8;
	[tilespmem:$0x1E400] =	vst v63  }
0x43: {  	_ =	swait.ge [sflag:s19], $0x4000  }
0x44: {  	[sflag:s19] =	ssyncset.done $0x0  }
0x45: {  	s2 =	sadd.s32 $0x100, s0;
	[sflag:s19] =	ssyncadd.s32 $0xFFFFC000  }
0x46: {  	[tilespmem:s22], [sflag:$0x1] =	stream.indirect.gather [hbm4b:s4+s21], $0x80, s2, s21, $0xb8;
	[tilespmem:$0x1E400] =	vst v63  }
0x47: {  	_ =	swait.ge [sflag:s25], $0x4000  }
.Ltmp0:
0x48: {  	[sflag:s25] =	ssyncset.done $0x0;
	(pc) =	sbr.rel @p0 .LBB2_2-.Ltmp0, $4  }
0x49: {  	s0 =	sadd.s32 $0x1480, s0;
	[sflag:s25] =	ssyncadd.s32 $0xFFFFC000  }
0x4a: {  	[spmem:s1] =	stream.indirect.scatter.add.f32 [tilespmem:s23], [sflag:$0x3], $0x80, s0, s21, $0xb8;
	[tilespmem:$0x1E400] =	vst v63  }
0x4b: {  	_ =	swait.ge [sflag:s19], $0x4000  }
0x4c: {  	s2 =	smov.u32 s10;
	s0 =	sshra.s32 s8, $0x2;
	[sflag:s19] =	ssyncset.done $0x0  }
0x4d: {  	s2 =	sadd.s32 $0x80, s0;
	[sflag:s19] =	ssyncadd.s32 $0xFFFFC000  }
0x4e: {  	[tilespmem:s23], [sflag:$0x2] =	stream.indirect.gather [hbm4b:s4+s21], $0x80, s2, s21, $0xb8;
	[tilespmem:$0x1E400] =	vst v63  }
0x4f: {  	_ =	swait.ge [sflag:s24], $0x4000  }
0x50: {  	[sflag:s24] =	ssyncset.done $0x0  }
0x51: {  	s8 =	sadd.s32 $0x1400, s0;
	[sflag:s24] =	ssyncadd.s32 $0xFFFFC000  }
0x52: {  	[spmem:s1] =	stream.indirect.scatter.add.f32 [tilespmem:s22], [sflag:$0x3], $0x80, s8, s21, $0xb8;
	[tilespmem:$0x1E400] =	vst v63  }
0x53: {  	_ =	swait.ge [sflag:s19], $0x4000  }
0x54: {  	[sflag:s19] =	ssyncset.done $0x0  }
0x55: {  	s10 =	sadd.s32 $0x100, s0;
	[sflag:s19] =	ssyncadd.s32 $0xFFFFC000  }
0x56: {  	[tilespmem:s22], [sflag:$0x1] =	stream.indirect.gather [hbm4b:s4+s21], $0x80, s10, s21, $0xb8;
	[tilespmem:$0x1E400] =	vst v63  }
0x57: {  	_ =	swait.ge [sflag:s25], $0x4000  }
0x58: {  	[sflag:s25] =	ssyncset.done $0x0  }
0x59: {  	s6 =	sadd.s32 $0x1480, s0;
	[sflag:s25] =	ssyncadd.s32 $0xFFFFC000  }
0x5a: {  	[spmem:s1] =	stream.indirect.scatter.add.f32 [tilespmem:s23], [sflag:$0x3], $0x80, s6, s21, $0xb8;
	[tilespmem:$0x1E400] =	vst v63  }
0x5b: {  	_ =	swait.ge [sflag:s19], $0x4000  }
0x5c: {  	[sflag:s19] =	ssyncset.done $0x0  }
0x5d: {  	[sflag:s19] =	ssyncadd.s32 $0xFFFFC000  }
0x5e: {  	[tilespmem:s23], [sflag:$0x2] =	stream.indirect.gather [hbm4b:s4+s21], $0x80, s26, s21, $0xb8;
	[tilespmem:$0x1E400] =	vst v63  }
0x5f: {  	_ =	swait.ge [sflag:s24], $0x4000  }
0x60: {  	[sflag:s24] =	ssyncset.done $0x0  }
0x61: {  	[sflag:s24] =	ssyncadd.s32 $0xFFFFC000  }
0x62: {  	[spmem:s1] =	stream.indirect.scatter.add.f32 [tilespmem:s22], [sflag:$0x3], $0x80, s28, s21, $0xb8;
	[tilespmem:$0x1E400] =	vst v63  }
0x63: {  	_ =	swait.ge [sflag:s19], $0x4000  }
0x64: {  	[sflag:s19] =	ssyncset.done $0x0  }
0x65: {  	[sflag:s19] =	ssyncadd.s32 $0xFFFFC000  }
0x66: {  	_ =	swait.ge [sflag:s25], $0x4000  }
0x67: {  	[sflag:s25] =	ssyncset.done $0x0  }
0x68: {  	[sflag:s25] =	ssyncadd.s32 $0xFFFFC000  }
0x69: {  	[spmem:s1] =	stream.indirect.scatter.add.f32 [tilespmem:s23], [sflag:$0x3], $0x80, s29, s21, $0xb8;
	[tilespmem:$0x1E400] =	vst v63  }
0x6a: {  	_ =	swait.ge [sflag:s19], $0x4000  }
0x6b: {  	[sflag:s19] =	ssyncset.done $0x0  }
0x6c: {  	s8 =	simm.s32 $0x0;
	s10 =	rddreg [dreg:$0x5];
	[sflag:s19] =	ssyncadd.s32 $0xFFFFC000  }
0x6d: {  	[tilespmem:s8], [sflag:$0x3] =	stream.linear.gather [hbm4b:s10+s8], $0x1400, $0x38;
	[tilespmem:$0x1E400] =	vst v63  }
0x6e: {  	_ =	swait.ge [sflag:s19], $0x1400  }
0x6f: {  	[sflag:s19] =	ssyncset.done $0x0  }
0x70: {  	[sflag:s19] =	ssyncadd.s32 $0xFFFFEC00  }
0x71: {  	[tilespmem:s20], [sflag:$0x3] =	stream.linear.gather [hbm4b:s11+s8], $0x1400, $0x38;
	[tilespmem:$0x1E400] =	vst v63  }
0x72: {  	_ =	swait.ge [sflag:s19], $0x1400  }
0x73: {  	[sflag:s19] =	ssyncset.done $0x0  }
0x74: {  	[sflag:s19] =	ssyncadd.s32 $0xFFFFEC00  }
0x75: {  	[tilespmem:s22], [sflag:$0x1] =	stream.indirect.gather [hbm4b:s4+s21], $0x80, s8, s21, $0xb8;
	[tilespmem:$0x1E400] =	vst v63  }
0x76: {  	s2 =	simm.s32 $0x80  }
0x77: {  	[tilespmem:s23], [sflag:$0x2] =	stream.indirect.gather [hbm4b:s4+s21], $0x80, s2, s21, $0xb8;
	[tilespmem:$0x1E400] =	vst v63  }
0x78: {  	_ =	swait.ge [sflag:s24], $0x4000  }
0x79: {  	[sflag:s24] =	ssyncset.done $0x0  }
0x7a: {  	s6 =	simm.s32 $0x1400;
	[sflag:s24] =	ssyncadd.s32 $0xFFFFC000  }
0x7b: {  	[spmem:s1] =	stream.indirect.scatter.add.f32 [tilespmem:s22], [sflag:$0x3], $0x80, s6, s21, $0xb8;
	[tilespmem:$0x1E400] =	vst v63  }
0x7c: {  	_ =	swait.ge [sflag:s19], $0x4000  }
0x7d: {  	[sflag:s19] =	ssyncset.done $0x0  }
0x7e: {  	s8 =	simm.s32 $0x100;
	[sflag:s19] =	ssyncadd.s32 $0xFFFFC000  }
0x7f: {  	[tilespmem:s22], [sflag:$0x1] =	stream.indirect.gather [hbm4b:s4+s21], $0x80, s8, s21, $0xb8;
	[tilespmem:$0x1E400] =	vst v63  }
0x80: {  	_ =	swait.ge [sflag:s25], $0x4000  }
0x81: {  	[sflag:s25] =	ssyncset.done $0x0  }
0x82: {  	s10 =	simm.s32 $0x1480;
	[sflag:s25] =	ssyncadd.s32 $0xFFFFC000  }
0x83: {  	[spmem:s1] =	stream.indirect.scatter.add.f32 [tilespmem:s23], [sflag:$0x3], $0x80, s10, s21, $0xb8;
	[tilespmem:$0x1E400] =	vst v63  }
0x84: {  	_ =	swait.ge [sflag:s19], $0x4000  }
0x85: {  	s0 =	simm.s32 $0x100;
	s2 =	simm.s32 $0x800;
	[sflag:s19] =	ssyncset.done $0x0  }
.LBB2_4:
0x86: {  	s6 =	sadd.s32 $0x80, s0  }
0x87: {  	[sflag:s19] =	ssyncadd.s32 $0xFFFFC000;
	s8 =	smov.u32 s2;
	s10 =	sadd.s32 $0x400, s2  }
0x88: {  	[tilespmem:s23], [sflag:$0x2] =	stream.indirect.gather [hbm4b:s4+s21], $0x80, s6, s21, $0xb8;
	[tilespmem:$0x1E400] =	vst v63  }
0x89: {  	p0 =	sne.s32 s2, $0x4800;
	_ =	swait.ge [sflag:s24], $0x4000  }
0x8a: {  	[sflag:s24] =	ssyncset.done $0x0  }
0x8b: {  	s2 =	sadd.s32 $0x1400, s0;
	[sflag:s24] =	ssyncadd.s32 $0xFFFFC000  }
0x8c: {  	[spmem:s1] =	stream.indirect.scatter.add.f32 [tilespmem:s22], [sflag:$0x3], $0x80, s2, s21, $0xb8;
	[tilespmem:$0x1E400] =	vst v63  }
0x8d: {  	_ =	swait.ge [sflag:s19], $0x4000  }
0x8e: {  	[sflag:s19] =	ssyncset.done $0x0  }
0x8f: {  	s2 =	sadd.s32 $0x100, s0;
	[sflag:s19] =	ssyncadd.s32 $0xFFFFC000  }
0x90: {  	[tilespmem:s22], [sflag:$0x1] =	stream.indirect.gather [hbm4b:s4+s21], $0x80, s2, s21, $0xb8;
	[tilespmem:$0x1E400] =	vst v63  }
0x91: {  	_ =	swait.ge [sflag:s25], $0x4000  }
.Ltmp1:
0x92: {  	[sflag:s25] =	ssyncset.done $0x0;
	(pc) =	sbr.rel @p0 .LBB2_4-.Ltmp1, $4  }
0x93: {  	s0 =	sadd.s32 $0x1480, s0;
	[sflag:s25] =	ssyncadd.s32 $0xFFFFC000  }
0x94: {  	[spmem:s1] =	stream.indirect.scatter.add.f32 [tilespmem:s23], [sflag:$0x3], $0x80, s0, s21, $0xb8;
	[tilespmem:$0x1E400] =	vst v63  }
0x95: {  	_ =	swait.ge [sflag:s19], $0x4000  }
0x96: {  	s2 =	smov.u32 s10;
	s0 =	sshra.s32 s8, $0x2;
	[sflag:s19] =	ssyncset.done $0x0  }
0x97: {  	s2 =	sadd.s32 $0x80, s0;
	[sflag:s19] =	ssyncadd.s32 $0xFFFFC000  }
0x98: {  	[tilespmem:s23], [sflag:$0x2] =	stream.indirect.gather [hbm4b:s4+s21], $0x80, s2, s21, $0xb8;
	[tilespmem:$0x1E400] =	vst v63  }
0x99: {  	_ =	swait.ge [sflag:s24], $0x4000  }
0x9a: {  	[sflag:s24] =	ssyncset.done $0x0  }
0x9b: {  	s10 =	sadd.s32 $0x1400, s0;
	[sflag:s24] =	ssyncadd.s32 $0xFFFFC000  }
0x9c: {  	[spmem:s1] =	stream.indirect.scatter.add.f32 [tilespmem:s22], [sflag:$0x3], $0x80, s10, s21, $0xb8;
	[tilespmem:$0x1E400] =	vst v63  }
0x9d: {  	_ =	swait.ge [sflag:s19], $0x4000  }
0x9e: {  	[sflag:s19] =	ssyncset.done $0x0  }
0x9f: {  	s6 =	sadd.s32 $0x100, s0;
	[sflag:s19] =	ssyncadd.s32 $0xFFFFC000  }
0xa0: {  	[tilespmem:s22], [sflag:$0x1] =	stream.indirect.gather [hbm4b:s4+s21], $0x80, s6, s21, $0xb8;
	[tilespmem:$0x1E400] =	vst v63  }
0xa1: {  	_ =	swait.ge [sflag:s25], $0x4000  }
0xa2: {  	[sflag:s25] =	ssyncset.done $0x0  }
0xa3: {  	s8 =	sadd.s32 $0x1480, s0;
	[sflag:s25] =	ssyncadd.s32 $0xFFFFC000  }
0xa4: {  	[spmem:s1] =	stream.indirect.scatter.add.f32 [tilespmem:s23], [sflag:$0x3], $0x80, s8, s21, $0xb8;
	[tilespmem:$0x1E400] =	vst v63  }
0xa5: {  	_ =	swait.ge [sflag:s19], $0x4000  }
0xa6: {  	[sflag:s19] =	ssyncset.done $0x0  }
0xa7: {  	[sflag:s19] =	ssyncadd.s32 $0xFFFFC000  }
0xa8: {  	[tilespmem:s23], [sflag:$0x2] =	stream.indirect.gather [hbm4b:s4+s21], $0x80, s26, s21, $0xb8;
	[tilespmem:$0x1E400] =	vst v63  }
0xa9: {  	_ =	swait.ge [sflag:s24], $0x4000  }
0xaa: {  	[sflag:s24] =	ssyncset.done $0x0  }
0xab: {  	[sflag:s24] =	ssyncadd.s32 $0xFFFFC000  }
0xac: {  	[spmem:s1] =	stream.indirect.scatter.add.f32 [tilespmem:s22], [sflag:$0x3], $0x80, s28, s21, $0xb8;
	[tilespmem:$0x1E400] =	vst v63  }
0xad: {  	_ =	swait.ge [sflag:s19], $0x4000  }
0xae: {  	[sflag:s19] =	ssyncset.done $0x0  }
0xaf: {  	[sflag:s19] =	ssyncadd.s32 $0xFFFFC000  }
0xb0: {  	_ =	swait.ge [sflag:s25], $0x4000  }
0xb1: {  	[sflag:s25] =	ssyncset.done $0x0  }
0xb2: {  	[sflag:s25] =	ssyncadd.s32 $0xFFFFC000  }
0xb3: {  	[spmem:s1] =	stream.indirect.scatter.add.f32 [tilespmem:s23], [sflag:$0x3], $0x80, s29, s21, $0xb8;
	[tilespmem:$0x1E400] =	vst v63  }
0xb4: {  	_ =	swait.ge [sflag:s19], $0x4000  }
0xb5: {  	[sflag:s19] =	ssyncset.done $0x0  }
0xb6: {  	[sflag:s19] =	ssyncadd.s32 $0xFFFFC000  }
0xb7: {  	[bflag:$0x0] =	sbarrier.arrive $0xFFFF  }
0xb8: {  	[hbm:s12], [sflag:s7] =	dma.local [spmem:s31], $0x2780  }
0xb9: {  	_ =	swait.ge [sflag:s19], $0x2780  }
0xba: {  	[sflag:s19] =	ssyncset.done $0x0  }
0xbb: {  	[sflag:s19] =	ssyncadd.s32 $0xFFFFD880  }
0xbc: {  	[spmem:s31], [sflag:s7] =	dma.local [hbm:s5], $0x2780  }
0xbd: {  	_ =	swait.ge [sflag:s19], $0x2780  }
0xbe: {  	[sflag:s19] =	ssyncset.done $0x0  }
0xbf: {  	[sflag:s19] =	ssyncadd.s32 $0xFFFFD880  }
0xc0: {  	s10 =	simm.s32 $0x0;
	[bflag:$0x0] =	sbarrier.arrive $0xFFFF  }
0xc1: {  	[tilespmem:s10], [sflag:$0x3] =	stream.linear.gather [hbm4b:s13+s10], $0x1400, $0x38;
	[tilespmem:$0x1E400] =	vst v63  }
0xc2: {  	_ =	swait.ge [sflag:s19], $0x1400  }
0xc3: {  	[sflag:s19] =	ssyncset.done $0x0  }
0xc4: {  	[sflag:s19] =	ssyncadd.s32 $0xFFFFEC00  }
0xc5: {  	[tilespmem:s20], [sflag:$0x3] =	stream.linear.gather [hbm4b:s9+s10], $0x1400, $0x38;
	[tilespmem:$0x1E400] =	vst v63  }
0xc6: {  	_ =	swait.ge [sflag:s19], $0x1400  }
0xc7: {  	[sflag:s19] =	ssyncset.done $0x0  }
0xc8: {  	[sflag:s19] =	ssyncadd.s32 $0xFFFFEC00  }
0xc9: {  	[tilespmem:s22], [sflag:$0x1] =	stream.indirect.gather [hbm4b:s4+s21], $0x80, s10, s21, $0xb8;
	[tilespmem:$0x1E400] =	vst v63  }
0xca: {  	s2 =	simm.s32 $0x80  }
0xcb: {  	[tilespmem:s23], [sflag:$0x2] =	stream.indirect.gather [hbm4b:s4+s21], $0x80, s2, s21, $0xb8;
	[tilespmem:$0x1E400] =	vst v63  }
0xcc: {  	_ =	swait.ge [sflag:s24], $0x4000  }
0xcd: {  	[sflag:s24] =	ssyncset.done $0x0  }
0xce: {  	s6 =	simm.s32 $0x1400;
	[sflag:s24] =	ssyncadd.s32 $0xFFFFC000  }
0xcf: {  	[spmem:s1] =	stream.indirect.scatter.add.f32 [tilespmem:s22], [sflag:$0x3], $0x80, s6, s21, $0xb8;
	[tilespmem:$0x1E400] =	vst v63  }
0xd0: {  	_ =	swait.ge [sflag:s19], $0x4000  }
0xd1: {  	[sflag:s19] =	ssyncset.done $0x0  }
0xd2: {  	s8 =	simm.s32 $0x100;
	[sflag:s19] =	ssyncadd.s32 $0xFFFFC000  }
0xd3: {  	[tilespmem:s22], [sflag:$0x1] =	stream.indirect.gather [hbm4b:s4+s21], $0x80, s8, s21, $0xb8;
	[tilespmem:$0x1E400] =	vst v63  }
0xd4: {  	_ =	swait.ge [sflag:s25], $0x4000  }
0xd5: {  	[sflag:s25] =	ssyncset.done $0x0  }
0xd6: {  	s10 =	simm.s32 $0x1480;
	[sflag:s25] =	ssyncadd.s32 $0xFFFFC000  }
0xd7: {  	[spmem:s1] =	stream.indirect.scatter.add.f32 [tilespmem:s23], [sflag:$0x3], $0x80, s10, s21, $0xb8;
	[tilespmem:$0x1E400] =	vst v63  }
0xd8: {  	_ =	swait.ge [sflag:s19], $0x4000  }
0xd9: {  	s0 =	simm.s32 $0x100;
	s2 =	simm.s32 $0x800;
	[sflag:s19] =	ssyncset.done $0x0  }
.LBB2_6:
0xda: {  	s6 =	sadd.s32 $0x80, s0  }
0xdb: {  	[sflag:s19] =	ssyncadd.s32 $0xFFFFC000;
	s8 =	smov.u32 s2;
	s10 =	sadd.s32 $0x400, s2  }
0xdc: {  	[tilespmem:s23], [sflag:$0x2] =	stream.indirect.gather [hbm4b:s4+s21], $0x80, s6, s21, $0xb8;
	[tilespmem:$0x1E400] =	vst v63  }
0xdd: {  	p0 =	sne.s32 s2, $0x4800;
	_ =	swait.ge [sflag:s24], $0x4000  }
0xde: {  	[sflag:s24] =	ssyncset.done $0x0  }
0xdf: {  	s2 =	sadd.s32 $0x1400, s0;
	[sflag:s24] =	ssyncadd.s32 $0xFFFFC000  }
0xe0: {  	[spmem:s1] =	stream.indirect.scatter.add.f32 [tilespmem:s22], [sflag:$0x3], $0x80, s2, s21, $0xb8;
	[tilespmem:$0x1E400] =	vst v63  }
0xe1: {  	_ =	swait.ge [sflag:s19], $0x4000  }
0xe2: {  	[sflag:s19] =	ssyncset.done $0x0  }
0xe3: {  	s2 =	sadd.s32 $0x100, s0;
	[sflag:s19] =	ssyncadd.s32 $0xFFFFC000  }
0xe4: {  	[tilespmem:s22], [sflag:$0x1] =	stream.indirect.gather [hbm4b:s4+s21], $0x80, s2, s21, $0xb8;
	[tilespmem:$0x1E400] =	vst v63  }
0xe5: {  	_ =	swait.ge [sflag:s25], $0x4000  }
.Ltmp2:
0xe6: {  	[sflag:s25] =	ssyncset.done $0x0;
	(pc) =	sbr.rel @p0 .LBB2_6-.Ltmp2, $4  }
0xe7: {  	s0 =	sadd.s32 $0x1480, s0;
	[sflag:s25] =	ssyncadd.s32 $0xFFFFC000  }
0xe8: {  	[spmem:s1] =	stream.indirect.scatter.add.f32 [tilespmem:s23], [sflag:$0x3], $0x80, s0, s21, $0xb8;
	[tilespmem:$0x1E400] =	vst v63  }
0xe9: {  	_ =	swait.ge [sflag:s19], $0x4000  }
0xea: {  	s2 =	smov.u32 s10;
	s0 =	sshra.s32 s8, $0x2;
	[sflag:s19] =	ssyncset.done $0x0  }
0xeb: {  	s2 =	sadd.s32 $0x80, s0;
	[sflag:s19] =	ssyncadd.s32 $0xFFFFC000  }
0xec: {  	[tilespmem:s23], [sflag:$0x2] =	stream.indirect.gather [hbm4b:s4+s21], $0x80, s2, s21, $0xb8;
	[tilespmem:$0x1E400] =	vst v63  }
0xed: {  	_ =	swait.ge [sflag:s24], $0x4000  }
0xee: {  	[sflag:s24] =	ssyncset.done $0x0  }
0xef: {  	s10 =	sadd.s32 $0x1400, s0;
	[sflag:s24] =	ssyncadd.s32 $0xFFFFC000  }
0xf0: {  	[spmem:s1] =	stream.indirect.scatter.add.f32 [tilespmem:s22], [sflag:$0x3], $0x80, s10, s21, $0xb8;
	[tilespmem:$0x1E400] =	vst v63  }
0xf1: {  	_ =	swait.ge [sflag:s19], $0x4000  }
0xf2: {  	[sflag:s19] =	ssyncset.done $0x0  }
0xf3: {  	s6 =	sadd.s32 $0x100, s0;
	[sflag:s19] =	ssyncadd.s32 $0xFFFFC000  }
0xf4: {  	[tilespmem:s22], [sflag:$0x1] =	stream.indirect.gather [hbm4b:s4+s21], $0x80, s6, s21, $0xb8;
	[tilespmem:$0x1E400] =	vst v63  }
0xf5: {  	_ =	swait.ge [sflag:s25], $0x4000  }
0xf6: {  	[sflag:s25] =	ssyncset.done $0x0  }
0xf7: {  	s8 =	sadd.s32 $0x1480, s0;
	[sflag:s25] =	ssyncadd.s32 $0xFFFFC000  }
0xf8: {  	[spmem:s1] =	stream.indirect.scatter.add.f32 [tilespmem:s23], [sflag:$0x3], $0x80, s8, s21, $0xb8;
	[tilespmem:$0x1E400] =	vst v63  }
0xf9: {  	_ =	swait.ge [sflag:s19], $0x4000  }
0xfa: {  	[sflag:s19] =	ssyncset.done $0x0  }
0xfb: {  	[sflag:s19] =	ssyncadd.s32 $0xFFFFC000  }
0xfc: {  	[tilespmem:s23], [sflag:$0x2] =	stream.indirect.gather [hbm4b:s4+s21], $0x80, s26, s21, $0xb8;
	[tilespmem:$0x1E400] =	vst v63  }
0xfd: {  	_ =	swait.ge [sflag:s24], $0x4000  }
0xfe: {  	[sflag:s24] =	ssyncset.done $0x0  }
0xff: {  	[sflag:s24] =	ssyncadd.s32 $0xFFFFC000  }
0x100: {  	[spmem:s1] =	stream.indirect.scatter.add.f32 [tilespmem:s22], [sflag:$0x3], $0x80, s28, s21, $0xb8;
	[tilespmem:$0x1E400] =	vst v63  }
0x101: {  	_ =	swait.ge [sflag:s19], $0x4000  }
0x102: {  	[sflag:s19] =	ssyncset.done $0x0  }
0x103: {  	[sflag:s19] =	ssyncadd.s32 $0xFFFFC000  }
0x104: {  	_ =	swait.ge [sflag:s25], $0x4000  }
0x105: {  	[sflag:s25] =	ssyncset.done $0x0  }
0x106: {  	[sflag:s25] =	ssyncadd.s32 $0xFFFFC000  }
0x107: {  	[spmem:s1] =	stream.indirect.scatter.add.f32 [tilespmem:s23], [sflag:$0x3], $0x80, s29, s21, $0xb8;
	[tilespmem:$0x1E400] =	vst v63  }
0x108: {  	_ =	swait.ge [sflag:s19], $0x4000  }
0x109: {  	[sflag:s19] =	ssyncset.done $0x0  }
0x10a: {  	s10 =	simm.s32 $0x0;
	[sflag:s19] =	ssyncadd.s32 $0xFFFFC000  }
0x10b: {  	[tilespmem:s10], [sflag:$0x3] =	stream.linear.gather [hbm4b:s14+s10], $0x1400, $0x38;
	[tilespmem:$0x1E400] =	vst v63  }
0x10c: {  	_ =	swait.ge [sflag:s19], $0x1400  }
0x10d: {  	[sflag:s19] =	ssyncset.done $0x0  }
0x10e: {  	[sflag:s19] =	ssyncadd.s32 $0xFFFFEC00  }
0x10f: {  	[tilespmem:s20], [sflag:$0x3] =	stream.linear.gather [hbm4b:s11+s10], $0x1400, $0x38;
	[tilespmem:$0x1E400] =	vst v63  }
0x110: {  	_ =	swait.ge [sflag:s19], $0x1400  }
0x111: {  	[sflag:s19] =	ssyncset.done $0x0  }
0x112: {  	[sflag:s19] =	ssyncadd.s32 $0xFFFFEC00  }
0x113: {  	[tilespmem:s22], [sflag:$0x1] =	stream.indirect.gather [hbm4b:s4+s21], $0x80, s10, s21, $0xb8;
	[tilespmem:$0x1E400] =	vst v63  }
0x114: {  	s2 =	simm.s32 $0x80  }
0x115: {  	[tilespmem:s23], [sflag:$0x2] =	stream.indirect.gather [hbm4b:s4+s21], $0x80, s2, s21, $0xb8;
	[tilespmem:$0x1E400] =	vst v63  }
0x116: {  	_ =	swait.ge [sflag:s24], $0x4000  }
0x117: {  	[sflag:s24] =	ssyncset.done $0x0  }
0x118: {  	s6 =	simm.s32 $0x1400;
	[sflag:s24] =	ssyncadd.s32 $0xFFFFC000  }
0x119: {  	[spmem:s1] =	stream.indirect.scatter.add.f32 [tilespmem:s22], [sflag:$0x3], $0x80, s6, s21, $0xb8;
	[tilespmem:$0x1E400] =	vst v63  }
0x11a: {  	_ =	swait.ge [sflag:s19], $0x4000  }
0x11b: {  	[sflag:s19] =	ssyncset.done $0x0  }
0x11c: {  	s8 =	simm.s32 $0x100;
	[sflag:s19] =	ssyncadd.s32 $0xFFFFC000  }
0x11d: {  	[tilespmem:s22], [sflag:$0x1] =	stream.indirect.gather [hbm4b:s4+s21], $0x80, s8, s21, $0xb8;
	[tilespmem:$0x1E400] =	vst v63  }
0x11e: {  	_ =	swait.ge [sflag:s25], $0x4000  }
0x11f: {  	[sflag:s25] =	ssyncset.done $0x0  }
0x120: {  	s10 =	simm.s32 $0x1480;
	[sflag:s25] =	ssyncadd.s32 $0xFFFFC000  }
0x121: {  	[spmem:s1] =	stream.indirect.scatter.add.f32 [tilespmem:s23], [sflag:$0x3], $0x80, s10, s21, $0xb8;
	[tilespmem:$0x1E400] =	vst v63  }
0x122: {  	_ =	swait.ge [sflag:s19], $0x4000  }
0x123: {  	s0 =	simm.s32 $0x100;
	s2 =	simm.s32 $0x800;
	[sflag:s19] =	ssyncset.done $0x0  }
.LBB2_8:
0x124: {  	s6 =	sadd.s32 $0x80, s0  }
0x125: {  	[sflag:s19] =	ssyncadd.s32 $0xFFFFC000;
	s8 =	smov.u32 s2;
	s10 =	sadd.s32 $0x400, s2  }
0x126: {  	[tilespmem:s23], [sflag:$0x2] =	stream.indirect.gather [hbm4b:s4+s21], $0x80, s6, s21, $0xb8;
	[tilespmem:$0x1E400] =	vst v63  }
0x127: {  	p0 =	sne.s32 s2, $0x4800;
	_ =	swait.ge [sflag:s24], $0x4000  }
0x128: {  	[sflag:s24] =	ssyncset.done $0x0  }
0x129: {  	s2 =	sadd.s32 $0x1400, s0;
	[sflag:s24] =	ssyncadd.s32 $0xFFFFC000  }
0x12a: {  	[spmem:s1] =	stream.indirect.scatter.add.f32 [tilespmem:s22], [sflag:$0x3], $0x80, s2, s21, $0xb8;
	[tilespmem:$0x1E400] =	vst v63  }
0x12b: {  	_ =	swait.ge [sflag:s19], $0x4000  }
0x12c: {  	[sflag:s19] =	ssyncset.done $0x0  }
0x12d: {  	s2 =	sadd.s32 $0x100, s0;
	[sflag:s19] =	ssyncadd.s32 $0xFFFFC000  }
0x12e: {  	[tilespmem:s22], [sflag:$0x1] =	stream.indirect.gather [hbm4b:s4+s21], $0x80, s2, s21, $0xb8;
	[tilespmem:$0x1E400] =	vst v63  }
0x12f: {  	_ =	swait.ge [sflag:s25], $0x4000  }
.Ltmp3:
0x130: {  	[sflag:s25] =	ssyncset.done $0x0;
	(pc) =	sbr.rel @p0 .LBB2_8-.Ltmp3, $4  }
0x131: {  	s0 =	sadd.s32 $0x1480, s0;
	[sflag:s25] =	ssyncadd.s32 $0xFFFFC000  }
0x132: {  	[spmem:s1] =	stream.indirect.scatter.add.f32 [tilespmem:s23], [sflag:$0x3], $0x80, s0, s21, $0xb8;
	[tilespmem:$0x1E400] =	vst v63  }
0x133: {  	_ =	swait.ge [sflag:s19], $0x4000  }
0x134: {  	s2 =	smov.u32 s10;
	s0 =	sshra.s32 s8, $0x2;
	[sflag:s19] =	ssyncset.done $0x0  }
0x135: {  	s2 =	sadd.s32 $0x80, s0;
	[sflag:s19] =	ssyncadd.s32 $0xFFFFC000  }
0x136: {  	[tilespmem:s23], [sflag:$0x2] =	stream.indirect.gather [hbm4b:s4+s21], $0x80, s2, s21, $0xb8;
	[tilespmem:$0x1E400] =	vst v63  }
0x137: {  	_ =	swait.ge [sflag:s24], $0x4000  }
0x138: {  	[sflag:s24] =	ssyncset.done $0x0  }
0x139: {  	s6 =	sadd.s32 $0x1400, s0;
	[sflag:s24] =	ssyncadd.s32 $0xFFFFC000  }
0x13a: {  	[spmem:s1] =	stream.indirect.scatter.add.f32 [tilespmem:s22], [sflag:$0x3], $0x80, s6, s21, $0xb8;
	[tilespmem:$0x1E400] =	vst v63  }
0x13b: {  	_ =	swait.ge [sflag:s19], $0x4000  }
0x13c: {  	[sflag:s19] =	ssyncset.done $0x0  }
0x13d: {  	s8 =	sadd.s32 $0x100, s0;
	[sflag:s19] =	ssyncadd.s32 $0xFFFFC000  }
0x13e: {  	[tilespmem:s22], [sflag:$0x1] =	stream.indirect.gather [hbm4b:s4+s21], $0x80, s8, s21, $0xb8;
	[tilespmem:$0x1E400] =	vst v63  }
0x13f: {  	_ =	swait.ge [sflag:s25], $0x4000  }
0x140: {  	[sflag:s25] =	ssyncset.done $0x0  }
0x141: {  	s10 =	sadd.s32 $0x1480, s0;
	[sflag:s25] =	ssyncadd.s32 $0xFFFFC000  }
0x142: {  	[spmem:s1] =	stream.indirect.scatter.add.f32 [tilespmem:s23], [sflag:$0x3], $0x80, s10, s21, $0xb8;
	[tilespmem:$0x1E400] =	vst v63  }
0x143: {  	_ =	swait.ge [sflag:s19], $0x4000  }
0x144: {  	[sflag:s19] =	ssyncset.done $0x0  }
0x145: {  	[sflag:s19] =	ssyncadd.s32 $0xFFFFC000  }
0x146: {  	[tilespmem:s23], [sflag:$0x2] =	stream.indirect.gather [hbm4b:s4+s21], $0x80, s26, s21, $0xb8;
	[tilespmem:$0x1E400] =	vst v63  }
0x147: {  	_ =	swait.ge [sflag:s24], $0x4000  }
0x148: {  	[sflag:s24] =	ssyncset.done $0x0  }
0x149: {  	[sflag:s24] =	ssyncadd.s32 $0xFFFFC000  }
0x14a: {  	[spmem:s1] =	stream.indirect.scatter.add.f32 [tilespmem:s22], [sflag:$0x3], $0x80, s28, s21, $0xb8;
	[tilespmem:$0x1E400] =	vst v63  }
0x14b: {  	_ =	swait.ge [sflag:s19], $0x4000  }
0x14c: {  	[sflag:s19] =	ssyncset.done $0x0  }
0x14d: {  	[sflag:s19] =	ssyncadd.s32 $0xFFFFC000  }
0x14e: {  	_ =	swait.ge [sflag:s25], $0x4000  }
0x14f: {  	[sflag:s25] =	ssyncset.done $0x0  }
0x150: {  	[sflag:s25] =	ssyncadd.s32 $0xFFFFC000  }
0x151: {  	[spmem:s1] =	stream.indirect.scatter.add.f32 [tilespmem:s23], [sflag:$0x3], $0x80, s29, s21, $0xb8;
	[tilespmem:$0x1E400] =	vst v63  }
0x152: {  	_ =	swait.ge [sflag:s19], $0x4000  }
0x153: {  	[sflag:s19] =	ssyncset.done $0x0  }
0x154: {  	[sflag:s19] =	ssyncadd.s32 $0xFFFFC000  }
0x155: {  	[bflag:$0x0] =	sbarrier.arrive $0xFFFF  }
0x156: {  	[hbm:s15], [sflag:s7] =	dma.local [spmem:s31], $0x2780  }
0x157: {  	_ =	swait.ge [sflag:s19], $0x2780  }
0x158: {  	[sflag:s19] =	ssyncset.done $0x0  }
0x159: {  	s0 =	simm.s32 $0x0;
	s2 =	simm.s32 $0x200;
	[sflag:s19] =	ssyncadd.s32 $0xFFFFD880  }
.LBB2_10:
0x15a: {  	p0 =	sne.s32 s2, $0xFE00;
	[tilespmem:s0+$0x2870] =	vst v0  }
0x15b: {  	[tilespmem:s0+$0x2800] =	vst v0  }
0x15c: {  	[tilespmem:s0+$0x2810] =	vst v0  }
.Ltmp4:
0x15d: {  	[tilespmem:s0+$0x2820] =	vst v0;
	(pc) =	sbr.rel @p0 .LBB2_10-.Ltmp4, $4  }
0x15e: {  	[tilespmem:s0+$0x2830] =	vst v0  }
0x15f: {  	[tilespmem:s0+$0x2840] =	vst v0  }
0x160: {  	[tilespmem:s0+$0x2850] =	vst v0  }
0x161: {  	[tilespmem:s0+$0x2860] =	vst v0;
	s0 =	sshra.s32 s2, $0x2;
	s2 =	sadd.s32 $0x200, s2  }
0x162: {  	[tilespmem:s0+$0x2870] =	vst v0  }
0x163: {  	[tilespmem:s0+$0x2800] =	vst v0  }
0x164: {  	[tilespmem:s0+$0x2810] =	vst v0  }
0x165: {  	[tilespmem:s0+$0x2820] =	vst v0  }
0x166: {  	[tilespmem:s0+$0x2830] =	vst v0  }
0x167: {  	[tilespmem:s0+$0x2840] =	vst v0  }
0x168: {  	[tilespmem:s0+$0x2850] =	vst v0  }
0x169: {  	[tilespmem:s0+$0x2860] =	vst v0  }
0x16a: {  	[spmem:s31], [sflag:s7] =	dma.local [hbm:s5], $0x2780  }
0x16b: {  	_ =	swait.ge [sflag:s19], $0x2780  }
0x16c: {  	[sflag:s19] =	ssyncset.done $0x0  }
0x16d: {  	[sflag:s19] =	ssyncadd.s32 $0xFFFFD880  }
0x16e: {  	s8 =	simm.s32 $0x0;
	[bflag:$0x0] =	sbarrier.arrive $0xFFFF  }
0x16f: {  	[tilespmem:s20], [sflag:$0x3] =	stream.linear.gather [hbm4b:s16+s8], $0x1400, $0x38;
	[tilespmem:$0x1E400] =	vst v63  }
0x170: {  	_ =	swait.ge [sflag:s19], $0x1400  }
0x171: {  	[sflag:s19] =	ssyncset.done $0x0  }
0x172: {  	s10 =	simm.s32 $0x1400;
	[sflag:s19] =	ssyncadd.s32 $0xFFFFEC00  }
0x173: {  	[spmem:s1] =	stream.indirect.scatter.add.f32 [tilespmem:s22], [sflag:$0x3], $0x80, s10, s21, $0xb8;
	[tilespmem:$0x1E400] =	vst v63  }
0x174: {  	s0 =	simm.s32 $0x200;
	_ =	swait.ge [sflag:s19], $0x4000  }
.LBB2_12:
0x175: {  	s2 =	sshra.s32 s0, $0x2;
	[sflag:s19] =	ssyncset.done $0x0;
	p0 =	sne.s32 s0, $0x4E00  }
.Ltmp5:
0x176: {  	s2 =	sadd.s32 $0x1400, s2;
	[sflag:s19] =	ssyncadd.s32 $0xFFFFC000;
	(pc) =	sbr.rel @p0 .LBB2_12-.Ltmp5, $3  }
0x177: {  	[spmem:s1] =	stream.indirect.scatter.add.f32 [tilespmem:s22], [sflag:$0x3], $0x80, s2, s21, $0xb8;
	[tilespmem:$0x1E400] =	vst v63  }
0x178: {  	s0 =	sadd.s32 $0x200, s0;
	_ =	sdelay $0x1  }
0x179: {  	_ =	swait.ge [sflag:s19], $0x4000  }
0x17a: {  	[sflag:s19] =	ssyncset.done $0x0;
	s30 =	sadd.s32 $0x1, s30  }
0x17b: {  	[sflag:s19] =	ssyncadd.s32 $0xFFFFC000;
	p0 =	sne.s32 s30, s18  }
.Ltmp6:
0x17c: {  	[bflag:$0x0] =	sbarrier.arrive $0xFFFF;
	(pc) =	sbr.rel @p0 .LBB2_1-.Ltmp6, $4  }
0x17d: {  	[hbm:s17], [sflag:s7] =	dma.local [spmem:s31], $0x2780  }
0x17e: {  	_ =	swait.ge [sflag:s19], $0x2780  }
0x17f: {  	[sflag:s19] =	ssyncset.done $0x0  }
0x180: {  	[sflag:s19] =	ssyncadd.s32 $0xFFFFD880  }
0x181: {  	_ =	sfence.sel $0x180000  }
0x182: {  	[bflag:$0x0] =	sbarrier.arrive $0xFFFF  }
0x183: {  	_ =	strace $0x90000047  }
0x184: {  	s0 =	stileid.u32;
	[bflag:$0x2] =	sbarrier.arrive $0xFFFF  }
0x185: {  	p0 =	sne.s32 s0, $0x0;
	s0 =	rddreg [dreg:$0x2]  }
0x186: {  	s0 =	sadd.s32 @!p0 $0x100000, s0  }
0x187: {  	[sflag:s0] =	ssyncadd.tile.s32 @!p0 $0x1;
	_ =	shalt  }
.Lfunc_end2:
_tile_overlayer_lowered:
.L_overlay_start_2:
0x188: {  	(tag) =	ssettag $0x2  }
0x189: {  	s0 =	rddreg [dreg:$0x0];
	s2 =	stileid.u32  }
0x18a: {  	s1 =	rddreg [dreg:$0x1];
	p0 =	sne.s32 s2, $0x0  }
0x18b: {  	s3 =	rddreg [dreg:$0x2];
	[bflag:$0x3] =	sbarrier.arrive $0xFFFF;
	s2 =	simm.s32 @!p0 $0x1C03  }
0x18c: {  	[timem:s3], [sflag:s2] =	dma.local @!p0 [hbm:s0], s1  }
0x18d: {  	s0 =	simm.s32 @!p0 $0x3  }
0x18e: {  	_ =	swait.ge @!p0 [sflag:s0], s1  }
0x18f: {  	s1 =	ssub.s32 @!p0 $0x0, s1;
	[sflag:s0] =	ssyncset.done @!p0 $0x0  }
0x190: {  	[sflag:s0] =	ssyncadd.s32 @!p0 s1  }
0x191: {  	[bflag:$0x3] =	sbarrier.arrive $0xFFFF  }
0x192: {  	_ =	shalt  }

// kernel: kernel.13.cloned.1.call-start
scs
__scs_entry_jumppad:
0x0: {  	(pc) =	sbr.rel $0x88, $3  }
0x1: {  	(tag) =	ssettag $0x0;
	lr =	simm.s32 $0x1  }
0x2: {  	[smem:$0x3F8C] =	sst lr;
	_ =	strace $0xD0000000  }
0x3: {  	_ = 	snop  }
0x4: {  	_ = 	snop  }
0x5: {  	_ = 	snop  }
0x6: {  	_ = 	snop  }
0x7: {  	_ = 	snop  }
__scs_overlays_trampoline_lowered:
0x8: {  	[smem:$0x3F9B] =	sst s0  }
0x9: {  	[smem:$0x3F9C] =	sst s1  }
0xa: {  	[smem:$0x3F9D] =	sst s2  }
0xb: {  	[smem:$0x3F9E] =	sst s3  }
0xc: {  	[smem:$0x3F9F] =	sst s4  }
0xd: {  	[smem:$0x3FA0] =	sst s5  }
0xe: {  	[smem:$0x3FA1] =	sst s6  }
0xf: {  	[smem:$0x3FA2] =	sst s7  }
0x10: {  	[smem:$0x3FA3] =	sst s8  }
0x11: {  	[smem:$0x3FA4] =	sst s9;
	s0 =	simm.s32 @!p0 $0x0  }
0x12: {  	s1 =	sld [smem:$0x3F8A];
	s0 =	simm.s32 @p0 $0x1  }
0x13: {  	[smem:$0x3FA5] =	sst s0;
	s0 =	simm.s32 @!p1 $0x0  }
0x14: {  	s2 =	sld [smem:$0x3F89];
	s0 =	simm.s32 @p1 $0x1  }
0x15: {  	[smem:$0x3FA6] =	sst s0;
	s0 =	simm.s32 @!p2 $0x0  }
0x16: {  	s3 =	sld [smem:$0x3FDB];
	s0 =	simm.s32 @p2 $0x1  }
0x17: {  	s4 =	simm.s32 $0x1BF5;
	[smem:$0x3FA8] =	sst s0  }
0x18: {  	s0 =	sld [smem:$0x3F8B];
	_ =	swait.ge [sflag:s4], $0x0  }
0x19: {  	s7 =	sld [smem:$0x3F8C]  }
0x1a: {  	s8 =	sadd.s32 $0xFFFFE003, lr  }
0x1b: {  	s9 =	sadd.s32 $0xFFFFFEF7, lr;
	s5 =	simm.s32 $0xFFFFFFFF;
	p2 =	slt.u32 s8, $0xFFFFF086  }
0x1c: {  	p1 =	slt.u32 s9, $0xF7A;
	s5 =	simm.s32 @!p2 $0x0  }
0x1d: {  	s5 =	simm.s32 @p1 $0x1;
	p0 =	seq.s32 s7, s2  }
0x1e: {  	s7 =	smul.u32 @!p0 $0xF7A, s2;
	p2 =	seq.s32 @!p0 s5, $0x0  }
0x1f: {  	s9 =	smul.u32 $0xF7A, s1;
	s8 =	simm.s32 @!p0 $0x1BF5;
	p2 =	por !p2, p0  }
0x20: {  	[sflag:s8] =	ssyncset.s32 @!p0 $0xFFFFF086;
	s6 =	sadd.s32 @!p0 s3, s7;
	s7 =	simm.s32 @!p0 $0x108  }
0x21: {  	s3 =	sadd.s32 s3, s9;
	s6 =	sadd.s32 @!p0 $0x88, s6;
	s7 =	simm.s32 @p2 $0x1082  }
0x22: {  	[simem:s7], [sflag:s8] =	dma.local @!p0 [hbm:s6], $0xF7A  }
0x23: {  	s9 =	sor.u32 $0xD0000000, s2;
	s6 =	simm.s32 $0x108;
	_ =	swait.ge @!p0 [sflag:s8], $0x0  }
0x24: {  	s3 =	sadd.s32 $0x88, s3;
	s6 =	simm.s32 @!p1 $0x1082;
	[sflag:s4] =	ssyncset.s32 $0xFFFFF086  }
0x25: {  	[simem:s6], [sflag:s4] =	dma.local [hbm:s3], $0xF7A  }
0x26: {  	[smem:$0x3F8C] =	sst s1;
	(tag) =	ssettag s2;
	_ =	strace s9  }
0x27: {  	s1 =	sld [smem:$0x3F9C]  }
0x28: {  	s2 =	sld [smem:$0x3F9D]  }
0x29: {  	s4 =	sld [smem:$0x3F9F]  }
0x2a: {  	p0 =	seq.s32 s5, $0x0;
	s5 =	sld [smem:$0x3FA0]  }
0x2b: {  	s6 =	sld [smem:$0x3FA1]  }
0x2c: {  	s7 =	sld [smem:$0x3FA2]  }
0x2d: {  	s3 =	simm.s32 $0x108;
	s8 =	sld [smem:$0x3FA3]  }
0x2e: {  	s3 =	simm.s32 @!p0 $0x1082;
	s9 =	sld [smem:$0x3FA4]  }
0x2f: {  	lr =	sadd.s32 s0, s3;
	s0 =	sld [smem:$0x3F9B]  }
0x30: {  	s3 =	sld [smem:$0x3F9E]  }
0x31: {  	[smem:$0x3FA7] =	sst s10  }
0x32: {  	s10 =	sld [smem:$0x3FA5];
	_ =	sdelay $0x3  }
0x33: {  	p0 =	seq.s32 s10, $0x1;
	s10 =	sld [smem:$0x3FA7];
	_ =	sdelay $0x3  }
0x34: {  	[smem:$0x3FA7] =	sst s10  }
0x35: {  	s10 =	sld [smem:$0x3FA6];
	_ =	sdelay $0x3  }
0x36: {  	p1 =	seq.s32 s10, $0x1;
	s10 =	sld [smem:$0x3FA7];
	_ =	sdelay $0x3  }
0x37: {  	[smem:$0x3FA7] =	sst s10  }
0x38: {  	s10 =	sld [smem:$0x3FA8]  }
0x39: {  	_ = 	snop;
	(pc) =	sbr.ind lr, $3  }
0x3a: {  	_ = 	snop  }
0x3b: {  	_ = 	snop  }
0x3c: {  	p2 =	seq.s32 s10, $0x1;
	s10 =	sld [smem:$0x3FA7]  }
0x3d: {  	_ =	shalt  }
0x3e: {  	_ =	shalt  }
0x3f: {  	_ =	shalt  }
0x40: {  	_ =	shalt  }
0x41: {  	_ =	shalt  }
0x42: {  	_ =	shalt  }
0x43: {  	_ =	shalt  }
0x44: {  	_ =	shalt  }
0x45: {  	_ =	shalt  }
0x46: {  	_ =	shalt  }
0x47: {  	_ =	shalt  }
0x48: {  	_ =	shalt  }
0x49: {  	_ =	shalt  }
0x4a: {  	_ =	shalt  }
0x4b: {  	_ =	shalt  }
0x4c: {  	_ =	shalt  }
0x4d: {  	_ =	shalt  }
0x4e: {  	_ =	shalt  }
0x4f: {  	_ =	shalt  }
0x50: {  	_ =	shalt  }
0x51: {  	_ =	shalt  }
0x52: {  	_ =	shalt  }
0x53: {  	_ =	shalt  }
0x54: {  	_ =	shalt  }
0x55: {  	_ =	shalt  }
0x56: {  	_ =	shalt  }
0x57: {  	_ =	shalt  }
0x58: {  	_ =	shalt  }
0x59: {  	_ =	shalt  }
0x5a: {  	_ =	shalt  }
0x5b: {  	_ =	shalt  }
0x5c: {  	_ =	shalt  }
0x5d: {  	_ =	shalt  }
0x5e: {  	_ =	shalt  }
0x5f: {  	_ =	shalt  }
0x60: {  	_ =	shalt  }
0x61: {  	_ =	shalt  }
0x62: {  	_ =	shalt  }
0x63: {  	_ =	shalt  }
0x64: {  	_ =	shalt  }
0x65: {  	_ =	shalt  }
0x66: {  	_ =	shalt  }
0x67: {  	_ =	shalt  }
0x68: {  	_ =	shalt  }
0x69: {  	_ =	shalt  }
0x6a: {  	_ =	shalt  }
0x6b: {  	_ =	shalt  }
0x6c: {  	_ =	shalt  }
0x6d: {  	_ =	shalt  }
0x6e: {  	_ =	shalt  }
0x6f: {  	_ =	shalt  }
0x70: {  	_ =	shalt  }
0x71: {  	_ =	shalt  }
0x72: {  	_ =	shalt  }
0x73: {  	_ =	shalt  }
0x74: {  	_ =	shalt  }
0x75: {  	_ =	shalt  }
0x76: {  	_ =	shalt  }
0x77: {  	_ =	shalt  }
0x78: {  	_ =	shalt  }
0x79: {  	_ =	shalt  }
0x7a: {  	_ =	shalt  }
0x7b: {  	_ =	shalt  }
0x7c: {  	_ =	shalt  }
0x7d: {  	_ =	shalt  }
0x7e: {  	_ =	shalt  }
0x7f: {  	_ =	shalt  }
0x80: {  	_ =	shalt  }
0x81: {  	_ =	shalt  }
0x82: {  	_ =	shalt  }
0x83: {  	_ =	shalt  }
0x84: {  	_ =	shalt  }
0x85: {  	_ =	shalt  }
0x86: {  	_ =	shalt  }
0x87: {  	_ =	shalt  }
.Lfunc_end0:
.L_simem_size_0:
called_computation.1_lowered:
.L_overlay_start_0:
0x88: {  	s2 =	sld [smem:$0x3FD9]  }
0x89: {  	s3 =	sld [smem:$0x3FFE];
	_ =	sdelay $0x1  }
0x8a: {  	s1 =	srdreg.scid  }
0x8b: {  	s0 =	sand.u32 $0x1, s1  }
0x8c: {  	s17 =	sshll.u32 s0, $0xA;
	s2 =	sadd.s32 s3, s2  }
0x8d: {  	s2 =	sadd.s32 s2, s17  }
0x8e: {  	[smem:$0x3FB3] =	sst s2  }
0x8f: {  	_ = 	snop  }
0x90: {  	s2 =	sld [smem:$0x3FD0];
	(tm) =	ssettm $0x1  }
0x91: {  	s18 =	sld [smem:$0x3FFB];
	_ =	sdelay $0x3  }
0x92: {  	_ =	strace s18  }
0x93: {  	s3 =	sld [smem:$0x3FFC];
	_ =	sdelay $0x3  }
0x94: {  	_ =	strace s3  }
0x95: {  	s3 =	sld [smem:$0x3FFD];
	_ =	sdelay $0x3  }
0x96: {  	_ =	strace s3  }
0x97: {  	_ =	strace $0x8FFFFFFF  }
0x98: {  	s19 =	sld [smem:$0x3FDB];
	_ =	sdelay $0x1  }
0x99: {  	s4 =	simm.s32 $_scs_section_size  }
0x9a: {  	s5 =	simm.s32 $_size__tile_overlayer_lowered;
	s6 =	simm.s32 $_tile_overlayer_lowered  }
0x9b: {  	s22 =	simm.s32 $0x1BFF;
	s21 =	sshll.u32 s6, $0x1;
	s3 =	sadd.s32 s4, s19  }
0x9c: {  	s7 =	simm.s32 $0x0;
	s20 =	sshll.u32 s5, $0x1;
	s5 =	sadd.s32 s21, s3  }
0x9d: {  	[timem:s7], [sflag:s22] =	dma.local [hbm:s5], s20  }
0x9e: {  	_ =	swait.ge [sflag:s22], s20  }
0x9f: {  	s4 =	ssub.s32 $0x0, s20;
	[sflag:s22] =	ssyncset.done $0x0  }
0xa0: {  	[sflag:s22] =	ssyncadd.s32 s4;
	_ =	sdelay $0x1  }
0xa1: {  	s23 =	simm.s32 $0x1B8B  }
0xa2: {  	_ =	swait.ge [sflag:s23], $0x1  }
0xa3: {  	[sflag:s23] =	ssyncset.done $0x0  }
0xa4: {  	s25 =	simm.s32 $0x1B8E;
	s24 =	sld [smem:$0x3FFE];
	[sflag:s23] =	ssyncadd.s32 $0xFFFFFFFF  }
0xa5: {  	s26 =	simm.s32 $execute0_lowered;
	[smem:$0x3FD2] =	sst s25  }
0xa6: {  	s5 =	sshll.u32 s26, $0x1;
	_ =	strace $0x80000049;
	[dreg:$0x1] =	wrdreg $0xFFFFFFFF  }
0xa7: {  	s28 =	simm.s32 $_size_execute0_lowered;
	s3 =	sadd.s32 s3, s5;
	[dreg:$0x0] =	wrdreg $0x0  }
0xa8: {  	s5 =	sshll.u32 s28, $0x1;
	[dreg:$0x2] =	wrdreg s3  }
0xa9: {  	[dreg:$0x3] =	wrdreg s5  }
0xaa: {  	[dreg:$0x4] =	wrdreg $0xC0  }
0xab: {  	_ =	task [dreg:s7], $0x5FFFF  }
0xac: {  	[dreg:$0x1] =	wrdreg $0xFFFFFFFF  }
0xad: {  	[dreg:$0x0] =	wrdreg $0x60  }
0xae: {  	[dreg:$0x2] =	wrdreg s24  }
0xaf: {  	[dreg:$0x3] =	wrdreg s2  }
0xb0: {  	[dreg:$0x4] =	wrdreg $0xA8000  }
0xb1: {  	[dreg:$0x5] =	wrdreg $0x9  }
0xb2: {  	_ =	task.clear_ibuf [dreg:s7], $0x6FFFF;
	_ =	strace $0x90000049  }
0xb3: {  	s29 =	simm.s32 $0x9;
	_ =	strace $0x8000004B  }
0xb4: {  	_ =	swait.ge [sflag:s29], $0x1  }
0xb5: {  	[sflag:s29] =	ssyncadd.s32 $0xFFFFFFFF  }
0xb6: {  	_ =	strace $0x9000004B  }
0xb7: {  	_ =	sfence  }
0xb8: {  	s30 =	sld [smem:$0x0];
	_ =	sdelay $0x2  }
0xb9: {  	s31 =	sshll.u32 s1, $0xD;
	s1 =	sshrl.u32 s1, $0x2  }
0xba: {  	s3 =	sand.u32 $0x4000, s31;
	s1 =	sadd.s32 s1, s30  }
0xbb: {  	s0 =	sor.u32 s3, s0;
	s1 =	sshll.u32 s1, $0x11  }
0xbc: {  	s0 =	sor.u32 s1, s0  }
0xbd: {  	s0 =	sadd.s32 $0x8F2B, s0  }
0xbe: {  	[sflag:s0] =	ssyncadd.remote.s32 $0x1  }
0xbf: {  	_ =	sfence.sel $0xFFFF  }
0xc0: {  	[dreg:$0x0] =	wrdreg $0xFFFFFFFF;
	(pc) =	sbr.abs _section_cstart, $3  }
0xc1: {  	[dreg:$0x1] =	wrdreg $0xFFFFFFFF  }
0xc2: {  	_ =	task.clear_ibuf [dreg:s7], $0x2FFFF;
	_ =	strace $0x9FFFFFFF  }
0xc3: {  	(tm) =	ssettm $0x7FFFFFFF  }
tec
execute0_lowered:
.L_overlay_start_1:
0x0: {  	(tag) =	ssettag $0x1  }
0x1: {  	s3 =	rddreg [dreg:$0x0]  }
0x2: {  	s0 =	rddreg [dreg:$0x1]  }
0x3: {  	s1 =	rddreg [dreg:$0x2];
	s2 =	simm.s32 $0x0;
	s5 =	srdreg.scid  }
0x4: {  	s25 =	stileid.u32;
	s28 =	simm.s32 $0x6800;
	s29 =	simm.s32 $0x1  }
0x5: {  	s30 =	simm.s32 $0x2;
	[smem:$0x7FF] =	sst s2;
	s4 =	sadd.s32 $0x1B5C00, s3  }
0x6: {  	s8 =	sand.u32 $0x1, s5;
	s7 =	sadd.s32 $0xA5400, s3;
	s9 =	smul.u32 $0x4F000, s25  }
0x7: {  	s5 =	sadd.s32 $0xC3400, s3;
	s11 =	smul.u32 $0x2800, s25;
	s3 =	sadd.s32 $0x435C00, s3  }
0x8: {  	s31 =	simm.s32 $0x1380;
	s21 =	smul.u32 $0x13C00, s25;
	_ =	strace $0x8000004A  }
0x9: {  	s6 =	ssub.s32 $0x2, s8;
	s12 =	smul.u32 $0xA0000, s8;
	s13 =	sshll.u32 s8, $0x2  }
0xa: {  	s20 =	sshllo.u32 s8, $0x2;
	s8 =	smul.u32 $0x500000, s8;
	s10 =	sshrl.u32 s6, $0x1  }
0xb: {  	s9 =	sshrl.u32 s9, $0x2;
	s24 =	sshrl.u32 s11, $0x3;
	s26 =	smul.u32 $0x28000, s20  }
0xc: {  	s15 =	sor.u32 $0x1, s13;
	s16 =	sadd.s32 $0x1400, s11;
	s20 =	smul.u32 $0x140000, s20  }
0xd: {  	s13 =	sor.u32 $0x2, s13;
	s10 =	ssub.s32 s6, s10;
	s17 =	smul.u32 $0x28000, s15  }
0xe: {  	s14 =	sadd.s32 s11, s12;
	s6 =	sadd.s32 s7, s24;
	s19 =	smul.u32 $0x28000, s13  }
0xf: {  	s18 =	sshrl.u32 s16, $0x3;
	s12 =	sadd.s32 s12, s16;
	s15 =	smul.u32 $0x140000, s15  }
0x10: {  	s9 =	sadd.s32 s9, s1;
	s8 =	sadd.s32 s21, s8;
	s13 =	smul.u32 $0x140000, s13  }
0x11: {  	s7 =	sadd.s32 s7, s18;
	s24 =	sadd.s32 s16, s26;
	s18 =	sshll.u32 s25, $0x6  }
0x12: {  	[dreg:$0x4] =	wrdreg s9;
	s14 =	sshrl.u32 s14, $0x3;
	s12 =	sshrl.u32 s12, $0x3  }
0x13: {  	s8 =	sshrl.u32 s8, $0x3;
	s22 =	sadd.s32 s11, s17;
	s17 =	sadd.s32 s16, s17  }
0x14: {  	s23 =	sadd.s32 s11, s19;
	s19 =	sadd.s32 s16, s19;
	s14 =	sadd.s32 s0, s14  }
0x15: {  	s11 =	sadd.s32 s11, s26;
	s12 =	sadd.s32 s0, s12;
	[dreg:$0x5] =	wrdreg s14  }
0x16: {  	s9 =	sor.u32 $0x1C03, s18;
	s8 =	sadd.s32 s3, s8;
	[dreg:$0x6] =	wrdreg s12  }
0x17: {  	s25 =	sadd.s32 s21, s15;
	[dreg:$0x7] =	wrdreg s8;
	s22 =	sshrl.u32 s22, $0x3  }
0x18: {  	s26 =	sshrl.u32 s17, $0x3;
	s12 =	sshrl.u32 s25, $0x3;
	s18 =	sshrl.u32 s23, $0x3  }
0x19: {  	s23 =	sshrl.u32 s19, $0x3;
	s25 =	sadd.s32 s21, s20;
	s11 =	sshrl.u32 s11, $0x3  }
0x1a: {  	s8 =	sadd.s32 s0, s22;
	s15 =	sadd.s32 s0, s26;
	s17 =	sadd.s32 s3, s12  }
0x1b: {  	s22 =	sadd.s32 s21, s13;
	s16 =	sadd.s32 s0, s18;
	[dreg:$0x8] =	wrdreg s8  }
0x1c: {  	s26 =	sshrl.u32 s24, $0x3;
	s19 =	sadd.s32 s0, s11;
	[dreg:$0x9] =	wrdreg s15  }
0x1d: {  	s24 =	simm.s32 $0x1400;
	[dreg:$0xa] =	wrdreg s17;
	s12 =	sshrl.u32 s22, $0x3  }
0x1e: {  	s17 =	sadd.s32 s0, s23;
	s8 =	sshrl.u32 s25, $0x3;
	s20 =	sadd.s32 s0, s26  }
0x1f: {  	s22 =	smax.u32 s10, $0x1;
	s23 =	simm.s32 $0x3;
	s25 =	simm.s32 $0x80  }
0x20: {  	s26 =	simm.s32 $0x2800;
	s0 =	simm.s32 $0x2700;
	s18 =	sadd.s32 s3, s12  }
0x21: {  	s21 =	sadd.s32 s3, s8;
	s3 =	simm.s32 $0x2780;
	s8 =	simm.s32 $0x0  }
.LBB2_1:
0x22: {  	s10 =	rddreg [dreg:$0x4]  }
0x23: {  	s10 =	sshrl.u32 s10, $0x3  }
0x24: {  	[spmem:s10], [sflag:s9] =	dma.local [hbm:s5], $0x2780  }
0x25: {  	_ =	swait.ge [sflag:s23], $0x2780  }
0x26: {  	[sflag:s23] =	ssyncset.done $0x0  }
0x27: {  	[sflag:s23] =	ssyncadd.s32 $0xFFFFD880  }
0x28: {  	[bflag:$0x0] =	sbarrier.arrive $0xFFFF  }
0x29: {  	s11 =	rddreg [dreg:$0x5]  }
0x2a: {  	[tilespmem:s2], [sflag:$0x3] =	stream.linear.gather [hbm4b:s11+s2], $0x1400, $0x38;
	[tilespmem:$0x1E400] =	vst v63  }
0x2b: {  	_ =	swait.ge [sflag:s23], $0x1400  }
0x2c: {  	[sflag:s23] =	ssyncset.done $0x0  }
0x2d: {  	[sflag:s23] =	ssyncadd.s32 $0xFFFFEC00  }
0x2e: {  	[tilespmem:s24], [sflag:$0x3] =	stream.linear.gather [hbm4b:s6+s2], $0x1400, $0x38;
	[tilespmem:$0x1E400] =	vst v63  }
0x2f: {  	_ =	swait.ge [sflag:s23], $0x1400  }
0x30: {  	[sflag:s23] =	ssyncset.done $0x0  }
0x31: {  	[sflag:s23] =	ssyncadd.s32 $0xFFFFEC00  }
0x32: {  	[tilespmem:s26], [sflag:$0x1] =	stream.indirect.gather [hbm4b:s4+s25], $0x80, s2, s25, $0xb8;
	[tilespmem:$0x1E400] =	vst v63  }
0x33: {  	s12 =	simm.s32 $0x80  }
0x34: {  	[tilespmem:s28], [sflag:$0x2] =	stream.indirect.gather [hbm4b:s4+s25], $0x80, s12, s25, $0xb8;
	[tilespmem:$0x1E400] =	vst v63  }
0x35: {  	_ =	swait.ge [sflag:s29], $0x4000  }
0x36: {  	[sflag:s29] =	ssyncset.done $0x0  }
0x37: {  	s13 =	simm.s32 $0x1400;
	[sflag:s29] =	ssyncadd.s32 $0xFFFFC000  }
0x38: {  	[spmem:s1] =	stream.indirect.scatter.add.f32 [tilespmem:s26], [sflag:$0x3], $0x80, s13, s25, $0xb8;
	[tilespmem:$0x1E400] =	vst v63  }
0x39: {  	_ =	swait.ge [sflag:s23], $0x4000  }
0x3a: {  	[sflag:s23] =	ssyncset.done $0x0  }
0x3b: {  	s14 =	simm.s32 $0x100;
	[sflag:s23] =	ssyncadd.s32 $0xFFFFC000  }
0x3c: {  	[tilespmem:s26], [sflag:$0x1] =	stream.indirect.gather [hbm4b:s4+s25], $0x80, s14, s25, $0xb8;
	[tilespmem:$0x1E400] =	vst v63  }
0x3d: {  	_ =	swait.ge [sflag:s30], $0x4000  }
0x3e: {  	[sflag:s30] =	ssyncset.done $0x0  }
0x3f: {  	s15 =	simm.s32 $0x1480;
	[sflag:s30] =	ssyncadd.s32 $0xFFFFC000  }
0x40: {  	[spmem:s1] =	stream.indirect.scatter.add.f32 [tilespmem:s28], [sflag:$0x3], $0x80, s15, s25, $0xb8;
	[tilespmem:$0x1E400] =	vst v63  }
0x41: {  	_ =	swait.ge [sflag:s23], $0x4000  }
0x42: {  	s11 =	simm.s32 $0x100;
	s12 =	simm.s32 $0x800;
	[sflag:s23] =	ssyncset.done $0x0  }
.LBB2_2:
0x43: {  	s13 =	sadd.s32 $0x80, s11  }
0x44: {  	[sflag:s23] =	ssyncadd.s32 $0xFFFFC000;
	s14 =	smov.u32 s12;
	s15 =	sadd.s32 $0x400, s12  }
0x45: {  	[tilespmem:s28], [sflag:$0x2] =	stream.indirect.gather [hbm4b:s4+s25], $0x80, s13, s25, $0xb8;
	[tilespmem:$0x1E400] =	vst v63  }
0x46: {  	p0 =	sne.s32 s12, $0x4800;
	_ =	swait.ge [sflag:s29], $0x4000  }
0x47: {  	[sflag:s29] =	ssyncset.done $0x0  }
0x48: {  	s12 =	sadd.s32 $0x1400, s11;
	[sflag:s29] =	ssyncadd.s32 $0xFFFFC000  }
0x49: {  	[spmem:s1] =	stream.indirect.scatter.add.f32 [tilespmem:s26], [sflag:$0x3], $0x80, s12, s25, $0xb8;
	[tilespmem:$0x1E400] =	vst v63  }
0x4a: {  	_ =	swait.ge [sflag:s23], $0x4000  }
0x4b: {  	[sflag:s23] =	ssyncset.done $0x0  }
0x4c: {  	s12 =	sadd.s32 $0x100, s11;
	[sflag:s23] =	ssyncadd.s32 $0xFFFFC000  }
0x4d: {  	[tilespmem:s26], [sflag:$0x1] =	stream.indirect.gather [hbm4b:s4+s25], $0x80, s12, s25, $0xb8;
	[tilespmem:$0x1E400] =	vst v63  }
0x4e: {  	_ =	swait.ge [sflag:s30], $0x4000  }
.Ltmp0:
0x4f: {  	[sflag:s30] =	ssyncset.done $0x0;
	(pc) =	sbr.rel @p0 .LBB2_2-.Ltmp0, $4  }
0x50: {  	s11 =	sadd.s32 $0x1480, s11;
	[sflag:s30] =	ssyncadd.s32 $0xFFFFC000  }
0x51: {  	[spmem:s1] =	stream.indirect.scatter.add.f32 [tilespmem:s28], [sflag:$0x3], $0x80, s11, s25, $0xb8;
	[tilespmem:$0x1E400] =	vst v63  }
0x52: {  	_ =	swait.ge [sflag:s23], $0x4000  }
0x53: {  	s12 =	smov.u32 s15;
	s11 =	sshra.s32 s14, $0x2;
	[sflag:s23] =	ssyncset.done $0x0  }
0x54: {  	s12 =	sadd.s32 $0x80, s11;
	[sflag:s23] =	ssyncadd.s32 $0xFFFFC000  }
0x55: {  	[tilespmem:s28], [sflag:$0x2] =	stream.indirect.gather [hbm4b:s4+s25], $0x80, s12, s25, $0xb8;
	[tilespmem:$0x1E400] =	vst v63  }
0x56: {  	_ =	swait.ge [sflag:s29], $0x4000  }
0x57: {  	[sflag:s29] =	ssyncset.done $0x0  }
0x58: {  	s14 =	sadd.s32 $0x1400, s11;
	[sflag:s29] =	ssyncadd.s32 $0xFFFFC000  }
0x59: {  	[spmem:s1] =	stream.indirect.scatter.add.f32 [tilespmem:s26], [sflag:$0x3], $0x80, s14, s25, $0xb8;
	[tilespmem:$0x1E400] =	vst v63  }
0x5a: {  	_ =	swait.ge [sflag:s23], $0x4000  }
0x5b: {  	[sflag:s23] =	ssyncset.done $0x0  }
0x5c: {  	s15 =	sadd.s32 $0x100, s11;
	[sflag:s23] =	ssyncadd.s32 $0xFFFFC000  }
0x5d: {  	[tilespmem:s26], [sflag:$0x1] =	stream.indirect.gather [hbm4b:s4+s25], $0x80, s15, s25, $0xb8;
	[tilespmem:$0x1E400] =	vst v63  }
0x5e: {  	_ =	swait.ge [sflag:s30], $0x4000  }
0x5f: {  	[sflag:s30] =	ssyncset.done $0x0  }
0x60: {  	s13 =	sadd.s32 $0x1480, s11;
	[sflag:s30] =	ssyncadd.s32 $0xFFFFC000  }
0x61: {  	[spmem:s1] =	stream.indirect.scatter.add.f32 [tilespmem:s28], [sflag:$0x3], $0x80, s13, s25, $0xb8;
	[tilespmem:$0x1E400] =	vst v63  }
0x62: {  	_ =	swait.ge [sflag:s23], $0x4000  }
0x63: {  	[sflag:s23] =	ssyncset.done $0x0  }
0x64: {  	[sflag:s23] =	ssyncadd.s32 $0xFFFFC000  }
0x65: {  	[tilespmem:s28], [sflag:$0x2] =	stream.indirect.gather [hbm4b:s4+s25], $0x80, s31, s25, $0xb8;
	[tilespmem:$0x1E400] =	vst v63  }
0x66: {  	_ =	swait.ge [sflag:s29], $0x4000  }
0x67: {  	[sflag:s29] =	ssyncset.done $0x0  }
0x68: {  	[sflag:s29] =	ssyncadd.s32 $0xFFFFC000  }
0x69: {  	[spmem:s1] =	stream.indirect.scatter.add.f32 [tilespmem:s26], [sflag:$0x3], $0x80, s0, s25, $0xb8;
	[tilespmem:$0x1E400] =	vst v63  }
0x6a: {  	_ =	swait.ge [sflag:s23], $0x4000  }
0x6b: {  	[sflag:s23] =	ssyncset.done $0x0  }
0x6c: {  	[sflag:s23] =	ssyncadd.s32 $0xFFFFC000  }
0x6d: {  	_ =	swait.ge [sflag:s30], $0x4000  }
0x6e: {  	[sflag:s30] =	ssyncset.done $0x0  }
0x6f: {  	[sflag:s30] =	ssyncadd.s32 $0xFFFFC000  }
0x70: {  	[spmem:s1] =	stream.indirect.scatter.add.f32 [tilespmem:s28], [sflag:$0x3], $0x80, s3, s25, $0xb8;
	[tilespmem:$0x1E400] =	vst v63  }
0x71: {  	_ =	swait.ge [sflag:s23], $0x4000  }
0x72: {  	[sflag:s23] =	ssyncset.done $0x0  }
0x73: {  	s14 =	simm.s32 $0x0;
	s15 =	rddreg [dreg:$0x6];
	[sflag:s23] =	ssyncadd.s32 $0xFFFFC000  }
0x74: {  	[tilespmem:s14], [sflag:$0x3] =	stream.linear.gather [hbm4b:s15+s14], $0x1400, $0x38;
	[tilespmem:$0x1E400] =	vst v63  }
0x75: {  	_ =	swait.ge [sflag:s23], $0x1400  }
0x76: {  	[sflag:s23] =	ssyncset.done $0x0  }
0x77: {  	[sflag:s23] =	ssyncadd.s32 $0xFFFFEC00  }
0x78: {  	[tilespmem:s24], [sflag:$0x3] =	stream.linear.gather [hbm4b:s7+s14], $0x1400, $0x38;
	[tilespmem:$0x1E400] =	vst v63  }
0x79: {  	_ =	swait.ge [sflag:s23], $0x1400  }
0x7a: {  	[sflag:s23] =	ssyncset.done $0x0  }
0x7b: {  	[sflag:s23] =	ssyncadd.s32 $0xFFFFEC00  }
0x7c: {  	[tilespmem:s26], [sflag:$0x1] =	stream.indirect.gather [hbm4b:s4+s25], $0x80, s14, s25, $0xb8;
	[tilespmem:$0x1E400] =	vst v63  }
0x7d: {  	s12 =	simm.s32 $0x80  }
0x7e: {  	[tilespmem:s28], [sflag:$0x2] =	stream.indirect.gather [hbm4b:s4+s25], $0x80, s12, s25, $0xb8;
	[tilespmem:$0x1E400] =	vst v63  }
0x7f: {  	_ =	swait.ge [sflag:s29], $0x4000  }
0x80: {  	[sflag:s29] =	ssyncset.done $0x0  }
0x81: {  	s13 =	simm.s32 $0x1400;
	[sflag:s29] =	ssyncadd.s32 $0xFFFFC000  }
0x82: {  	[spmem:s1] =	stream.indirect.scatter.add.f32 [tilespmem:s26], [sflag:$0x3], $0x80, s13, s25, $0xb8;
	[tilespmem:$0x1E400] =	vst v63  }
0x83: {  	_ =	swait.ge [sflag:s23], $0x4000  }
0x84: {  	[sflag:s23] =	ssyncset.done $0x0  }
0x85: {  	s14 =	simm.s32 $0x100;
	[sflag:s23] =	ssyncadd.s32 $0xFFFFC000  }
0x86: {  	[tilespmem:s26], [sflag:$0x1] =	stream.indirect.gather [hbm4b:s4+s25], $0x80, s14, s25, $0xb8;
	[tilespmem:$0x1E400] =	vst v63  }
0x87: {  	_ =	swait.ge [sflag:s30], $0x4000  }
0x88: {  	[sflag:s30] =	ssyncset.done $0x0  }
0x89: {  	s15 =	simm.s32 $0x1480;
	[sflag:s30] =	ssyncadd.s32 $0xFFFFC000  }
0x8a: {  	[spmem:s1] =	stream.indirect.scatter.add.f32 [tilespmem:s28], [sflag:$0x3], $0x80, s15, s25, $0xb8;
	[tilespmem:$0x1E400] =	vst v63  }
0x8b: {  	_ =	swait.ge [sflag:s23], $0x4000  }
0x8c: {  	s11 =	simm.s32 $0x100;
	s12 =	simm.s32 $0x800;
	[sflag:s23] =	ssyncset.done $0x0  }
.LBB2_4:
0x8d: {  	s13 =	sadd.s32 $0x80, s11  }
0x8e: {  	[sflag:s23] =	ssyncadd.s32 $0xFFFFC000;
	s14 =	smov.u32 s12;
	s15 =	sadd.s32 $0x400, s12  }
0x8f: {  	[tilespmem:s28], [sflag:$0x2] =	stream.indirect.gather [hbm4b:s4+s25], $0x80, s13, s25, $0xb8;
	[tilespmem:$0x1E400] =	vst v63  }
0x90: {  	p0 =	sne.s32 s12, $0x4800;
	_ =	swait.ge [sflag:s29], $0x4000  }
0x91: {  	[sflag:s29] =	ssyncset.done $0x0  }
0x92: {  	s12 =	sadd.s32 $0x1400, s11;
	[sflag:s29] =	ssyncadd.s32 $0xFFFFC000  }
0x93: {  	[spmem:s1] =	stream.indirect.scatter.add.f32 [tilespmem:s26], [sflag:$0x3], $0x80, s12, s25, $0xb8;
	[tilespmem:$0x1E400] =	vst v63  }
0x94: {  	_ =	swait.ge [sflag:s23], $0x4000  }
0x95: {  	[sflag:s23] =	ssyncset.done $0x0  }
0x96: {  	s12 =	sadd.s32 $0x100, s11;
	[sflag:s23] =	ssyncadd.s32 $0xFFFFC000  }
0x97: {  	[tilespmem:s26], [sflag:$0x1] =	stream.indirect.gather [hbm4b:s4+s25], $0x80, s12, s25, $0xb8;
	[tilespmem:$0x1E400] =	vst v63  }
0x98: {  	_ =	swait.ge [sflag:s30], $0x4000  }
.Ltmp1:
0x99: {  	[sflag:s30] =	ssyncset.done $0x0;
	(pc) =	sbr.rel @p0 .LBB2_4-.Ltmp1, $4  }
0x9a: {  	s11 =	sadd.s32 $0x1480, s11;
	[sflag:s30] =	ssyncadd.s32 $0xFFFFC000  }
0x9b: {  	[spmem:s1] =	stream.indirect.scatter.add.f32 [tilespmem:s28], [sflag:$0x3], $0x80, s11, s25, $0xb8;
	[tilespmem:$0x1E400] =	vst v63  }
0x9c: {  	_ =	swait.ge [sflag:s23], $0x4000  }
0x9d: {  	s12 =	smov.u32 s15;
	s11 =	sshra.s32 s14, $0x2;
	[sflag:s23] =	ssyncset.done $0x0  }
0x9e: {  	s12 =	sadd.s32 $0x80, s11;
	[sflag:s23] =	ssyncadd.s32 $0xFFFFC000  }
0x9f: {  	[tilespmem:s28], [sflag:$0x2] =	stream.indirect.gather [hbm4b:s4+s25], $0x80, s12, s25, $0xb8;
	[tilespmem:$0x1E400] =	vst v63  }
0xa0: {  	_ =	swait.ge [sflag:s29], $0x4000  }
0xa1: {  	[sflag:s29] =	ssyncset.done $0x0  }
0xa2: {  	s14 =	sadd.s32 $0x1400, s11;
	[sflag:s29] =	ssyncadd.s32 $0xFFFFC000  }
0xa3: {  	[spmem:s1] =	stream.indirect.scatter.add.f32 [tilespmem:s26], [sflag:$0x3], $0x80, s14, s25, $0xb8;
	[tilespmem:$0x1E400] =	vst v63  }
0xa4: {  	_ =	swait.ge [sflag:s23], $0x4000  }
0xa5: {  	[sflag:s23] =	ssyncset.done $0x0  }
0xa6: {  	s15 =	sadd.s32 $0x100, s11;
	[sflag:s23] =	ssyncadd.s32 $0xFFFFC000  }
0xa7: {  	[tilespmem:s26], [sflag:$0x1] =	stream.indirect.gather [hbm4b:s4+s25], $0x80, s15, s25, $0xb8;
	[tilespmem:$0x1E400] =	vst v63  }
0xa8: {  	_ =	swait.ge [sflag:s30], $0x4000  }
0xa9: {  	[sflag:s30] =	ssyncset.done $0x0  }
0xaa: {  	s12 =	sadd.s32 $0x1480, s11;
	[sflag:s30] =	ssyncadd.s32 $0xFFFFC000  }
0xab: {  	[spmem:s1] =	stream.indirect.scatter.add.f32 [tilespmem:s28], [sflag:$0x3], $0x80, s12, s25, $0xb8;
	[tilespmem:$0x1E400] =	vst v63  }
0xac: {  	_ =	swait.ge [sflag:s23], $0x4000  }
0xad: {  	[sflag:s23] =	ssyncset.done $0x0  }
0xae: {  	[sflag:s23] =	ssyncadd.s32 $0xFFFFC000  }
0xaf: {  	[tilespmem:s28], [sflag:$0x2] =	stream.indirect.gather [hbm4b:s4+s25], $0x80, s31, s25, $0xb8;
	[tilespmem:$0x1E400] =	vst v63  }
0xb0: {  	_ =	swait.ge [sflag:s29], $0x4000  }
0xb1: {  	[sflag:s29] =	ssyncset.done $0x0  }
0xb2: {  	[sflag:s29] =	ssyncadd.s32 $0xFFFFC000  }
0xb3: {  	[spmem:s1] =	stream.indirect.scatter.add.f32 [tilespmem:s26], [sflag:$0x3], $0x80, s0, s25, $0xb8;
	[tilespmem:$0x1E400] =	vst v63  }
0xb4: {  	_ =	swait.ge [sflag:s23], $0x4000  }
0xb5: {  	[sflag:s23] =	ssyncset.done $0x0  }
0xb6: {  	[sflag:s23] =	ssyncadd.s32 $0xFFFFC000  }
0xb7: {  	_ =	swait.ge [sflag:s30], $0x4000  }
0xb8: {  	[sflag:s30] =	ssyncset.done $0x0  }
0xb9: {  	[sflag:s30] =	ssyncadd.s32 $0xFFFFC000  }
0xba: {  	[spmem:s1] =	stream.indirect.scatter.add.f32 [tilespmem:s28], [sflag:$0x3], $0x80, s3, s25, $0xb8;
	[tilespmem:$0x1E400] =	vst v63  }
0xbb: {  	_ =	swait.ge [sflag:s23], $0x4000  }
0xbc: {  	[sflag:s23] =	ssyncset.done $0x0  }
0xbd: {  	[sflag:s23] =	ssyncadd.s32 $0xFFFFC000  }
0xbe: {  	[bflag:$0x0] =	sbarrier.arrive $0xFFFF  }
0xbf: {  	s13 =	rddreg [dreg:$0x7]  }
0xc0: {  	[hbm:s13], [sflag:s9] =	dma.local [spmem:s10], $0x2780  }
0xc1: {  	_ =	swait.ge [sflag:s23], $0x2780  }
0xc2: {  	[sflag:s23] =	ssyncset.done $0x0  }
0xc3: {  	[sflag:s23] =	ssyncadd.s32 $0xFFFFD880  }
0xc4: {  	[spmem:s10], [sflag:s9] =	dma.local [hbm:s5], $0x2780  }
0xc5: {  	_ =	swait.ge [sflag:s23], $0x2780  }
0xc6: {  	[sflag:s23] =	ssyncset.done $0x0  }
0xc7: {  	[sflag:s23] =	ssyncadd.s32 $0xFFFFD880  }
0xc8: {  	[bflag:$0x0] =	sbarrier.arrive $0xFFFF  }
0xc9: {  	s14 =	simm.s32 $0x0;
	s15 =	rddreg [dreg:$0x8]  }
0xca: {  	[tilespmem:s14], [sflag:$0x3] =	stream.linear.gather [hbm4b:s15+s14], $0x1400, $0x38;
	[tilespmem:$0x1E400] =	vst v63  }
0xcb: {  	_ =	swait.ge [sflag:s23], $0x1400  }
0xcc: {  	[sflag:s23] =	ssyncset.done $0x0  }
0xcd: {  	[sflag:s23] =	ssyncadd.s32 $0xFFFFEC00  }
0xce: {  	[tilespmem:s24], [sflag:$0x3] =	stream.linear.gather [hbm4b:s6+s14], $0x1400, $0x38;
	[tilespmem:$0x1E400] =	vst v63  }
0xcf: {  	_ =	swait.ge [sflag:s23], $0x1400  }
0xd0: {  	[sflag:s23] =	ssyncset.done $0x0  }
0xd1: {  	[sflag:s23] =	ssyncadd.s32 $0xFFFFEC00  }
0xd2: {  	[tilespmem:s26], [sflag:$0x1] =	stream.indirect.gather [hbm4b:s4+s25], $0x80, s14, s25, $0xb8;
	[tilespmem:$0x1E400] =	vst v63  }
0xd3: {  	s12 =	simm.s32 $0x80  }
0xd4: {  	[tilespmem:s28], [sflag:$0x2] =	stream.indirect.gather [hbm4b:s4+s25], $0x80, s12, s25, $0xb8;
	[tilespmem:$0x1E400] =	vst v63  }
0xd5: {  	_ =	swait.ge [sflag:s29], $0x4000  }
0xd6: {  	[sflag:s29] =	ssyncset.done $0x0  }
0xd7: {  	s13 =	simm.s32 $0x1400;
	[sflag:s29] =	ssyncadd.s32 $0xFFFFC000  }
0xd8: {  	[spmem:s1] =	stream.indirect.scatter.add.f32 [tilespmem:s26], [sflag:$0x3], $0x80, s13, s25, $0xb8;
	[tilespmem:$0x1E400] =	vst v63  }
0xd9: {  	_ =	swait.ge [sflag:s23], $0x4000  }
0xda: {  	[sflag:s23] =	ssyncset.done $0x0  }
0xdb: {  	s14 =	simm.s32 $0x100;
	[sflag:s23] =	ssyncadd.s32 $0xFFFFC000  }
0xdc: {  	[tilespmem:s26], [sflag:$0x1] =	stream.indirect.gather [hbm4b:s4+s25], $0x80, s14, s25, $0xb8;
	[tilespmem:$0x1E400] =	vst v63  }
0xdd: {  	_ =	swait.ge [sflag:s30], $0x4000  }
0xde: {  	[sflag:s30] =	ssyncset.done $0x0  }
0xdf: {  	s15 =	simm.s32 $0x1480;
	[sflag:s30] =	ssyncadd.s32 $0xFFFFC000  }
0xe0: {  	[spmem:s1] =	stream.indirect.scatter.add.f32 [tilespmem:s28], [sflag:$0x3], $0x80, s15, s25, $0xb8;
	[tilespmem:$0x1E400] =	vst v63  }
0xe1: {  	_ =	swait.ge [sflag:s23], $0x4000  }
0xe2: {  	s11 =	simm.s32 $0x100;
	s12 =	simm.s32 $0x800;
	[sflag:s23] =	ssyncset.done $0x0  }
.LBB2_6:
0xe3: {  	s13 =	sadd.s32 $0x80, s11  }
0xe4: {  	[sflag:s23] =	ssyncadd.s32 $0xFFFFC000;
	s14 =	smov.u32 s12;
	s15 =	sadd.s32 $0x400, s12  }
0xe5: {  	[tilespmem:s28], [sflag:$0x2] =	stream.indirect.gather [hbm4b:s4+s25], $0x80, s13, s25, $0xb8;
	[tilespmem:$0x1E400] =	vst v63  }
0xe6: {  	p0 =	sne.s32 s12, $0x4800;
	_ =	swait.ge [sflag:s29], $0x4000  }
0xe7: {  	[sflag:s29] =	ssyncset.done $0x0  }
0xe8: {  	s12 =	sadd.s32 $0x1400, s11;
	[sflag:s29] =	ssyncadd.s32 $0xFFFFC000  }
0xe9: {  	[spmem:s1] =	stream.indirect.scatter.add.f32 [tilespmem:s26], [sflag:$0x3], $0x80, s12, s25, $0xb8;
	[tilespmem:$0x1E400] =	vst v63  }
0xea: {  	_ =	swait.ge [sflag:s23], $0x4000  }
0xeb: {  	[sflag:s23] =	ssyncset.done $0x0  }
0xec: {  	s12 =	sadd.s32 $0x100, s11;
	[sflag:s23] =	ssyncadd.s32 $0xFFFFC000  }
0xed: {  	[tilespmem:s26], [sflag:$0x1] =	stream.indirect.gather [hbm4b:s4+s25], $0x80, s12, s25, $0xb8;
	[tilespmem:$0x1E400] =	vst v63  }
0xee: {  	_ =	swait.ge [sflag:s30], $0x4000  }
.Ltmp2:
0xef: {  	[sflag:s30] =	ssyncset.done $0x0;
	(pc) =	sbr.rel @p0 .LBB2_6-.Ltmp2, $4  }
0xf0: {  	s11 =	sadd.s32 $0x1480, s11;
	[sflag:s30] =	ssyncadd.s32 $0xFFFFC000  }
0xf1: {  	[spmem:s1] =	stream.indirect.scatter.add.f32 [tilespmem:s28], [sflag:$0x3], $0x80, s11, s25, $0xb8;
	[tilespmem:$0x1E400] =	vst v63  }
0xf2: {  	_ =	swait.ge [sflag:s23], $0x4000  }
0xf3: {  	s12 =	smov.u32 s15;
	s11 =	sshra.s32 s14, $0x2;
	[sflag:s23] =	ssyncset.done $0x0  }
0xf4: {  	s12 =	sadd.s32 $0x80, s11;
	[sflag:s23] =	ssyncadd.s32 $0xFFFFC000  }
0xf5: {  	[tilespmem:s28], [sflag:$0x2] =	stream.indirect.gather [hbm4b:s4+s25], $0x80, s12, s25, $0xb8;
	[tilespmem:$0x1E400] =	vst v63  }
0xf6: {  	_ =	swait.ge [sflag:s29], $0x4000  }
0xf7: {  	[sflag:s29] =	ssyncset.done $0x0  }
0xf8: {  	s14 =	sadd.s32 $0x1400, s11;
	[sflag:s29] =	ssyncadd.s32 $0xFFFFC000  }
0xf9: {  	[spmem:s1] =	stream.indirect.scatter.add.f32 [tilespmem:s26], [sflag:$0x3], $0x80, s14, s25, $0xb8;
	[tilespmem:$0x1E400] =	vst v63  }
0xfa: {  	_ =	swait.ge [sflag:s23], $0x4000  }
0xfb: {  	[sflag:s23] =	ssyncset.done $0x0  }
0xfc: {  	s15 =	sadd.s32 $0x100, s11;
	[sflag:s23] =	ssyncadd.s32 $0xFFFFC000  }
0xfd: {  	[tilespmem:s26], [sflag:$0x1] =	stream.indirect.gather [hbm4b:s4+s25], $0x80, s15, s25, $0xb8;
	[tilespmem:$0x1E400] =	vst v63  }
0xfe: {  	_ =	swait.ge [sflag:s30], $0x4000  }
0xff: {  	[sflag:s30] =	ssyncset.done $0x0  }
0x100: {  	s13 =	sadd.s32 $0x1480, s11;
	[sflag:s30] =	ssyncadd.s32 $0xFFFFC000  }
0x101: {  	[spmem:s1] =	stream.indirect.scatter.add.f32 [tilespmem:s28], [sflag:$0x3], $0x80, s13, s25, $0xb8;
	[tilespmem:$0x1E400] =	vst v63  }
0x102: {  	_ =	swait.ge [sflag:s23], $0x4000  }
0x103: {  	[sflag:s23] =	ssyncset.done $0x0  }
0x104: {  	[sflag:s23] =	ssyncadd.s32 $0xFFFFC000  }
0x105: {  	[tilespmem:s28], [sflag:$0x2] =	stream.indirect.gather [hbm4b:s4+s25], $0x80, s31, s25, $0xb8;
	[tilespmem:$0x1E400] =	vst v63  }
0x106: {  	_ =	swait.ge [sflag:s29], $0x4000  }
0x107: {  	[sflag:s29] =	ssyncset.done $0x0  }
0x108: {  	[sflag:s29] =	ssyncadd.s32 $0xFFFFC000  }
0x109: {  	[spmem:s1] =	stream.indirect.scatter.add.f32 [tilespmem:s26], [sflag:$0x3], $0x80, s0, s25, $0xb8;
	[tilespmem:$0x1E400] =	vst v63  }
0x10a: {  	_ =	swait.ge [sflag:s23], $0x4000  }
0x10b: {  	[sflag:s23] =	ssyncset.done $0x0  }
0x10c: {  	[sflag:s23] =	ssyncadd.s32 $0xFFFFC000  }
0x10d: {  	_ =	swait.ge [sflag:s30], $0x4000  }
0x10e: {  	[sflag:s30] =	ssyncset.done $0x0  }
0x10f: {  	[sflag:s30] =	ssyncadd.s32 $0xFFFFC000  }
0x110: {  	[spmem:s1] =	stream.indirect.scatter.add.f32 [tilespmem:s28], [sflag:$0x3], $0x80, s3, s25, $0xb8;
	[tilespmem:$0x1E400] =	vst v63  }
0x111: {  	_ =	swait.ge [sflag:s23], $0x4000  }
0x112: {  	[sflag:s23] =	ssyncset.done $0x0  }
0x113: {  	s14 =	simm.s32 $0x0;
	s15 =	rddreg [dreg:$0x9];
	[sflag:s23] =	ssyncadd.s32 $0xFFFFC000  }
0x114: {  	[tilespmem:s14], [sflag:$0x3] =	stream.linear.gather [hbm4b:s15+s14], $0x1400, $0x38;
	[tilespmem:$0x1E400] =	vst v63  }
0x115: {  	_ =	swait.ge [sflag:s23], $0x1400  }
0x116: {  	[sflag:s23] =	ssyncset.done $0x0  }
0x117: {  	[sflag:s23] =	ssyncadd.s32 $0xFFFFEC00  }
0x118: {  	[tilespmem:s24], [sflag:$0x3] =	stream.linear.gather [hbm4b:s7+s14], $0x1400, $0x38;
	[tilespmem:$0x1E400] =	vst v63  }
0x119: {  	_ =	swait.ge [sflag:s23], $0x1400  }
0x11a: {  	[sflag:s23] =	ssyncset.done $0x0  }
0x11b: {  	[sflag:s23] =	ssyncadd.s32 $0xFFFFEC00  }
0x11c: {  	[tilespmem:s26], [sflag:$0x1] =	stream.indirect.gather [hbm4b:s4+s25], $0x80, s14, s25, $0xb8;
	[tilespmem:$0x1E400] =	vst v63  }
0x11d: {  	s12 =	simm.s32 $0x80  }
0x11e: {  	[tilespmem:s28], [sflag:$0x2] =	stream.indirect.gather [hbm4b:s4+s25], $0x80, s12, s25, $0xb8;
	[tilespmem:$0x1E400] =	vst v63  }
0x11f: {  	_ =	swait.ge [sflag:s29], $0x4000  }
0x120: {  	[sflag:s29] =	ssyncset.done $0x0  }
0x121: {  	s13 =	simm.s32 $0x1400;
	[sflag:s29] =	ssyncadd.s32 $0xFFFFC000  }
0x122: {  	[spmem:s1] =	stream.indirect.scatter.add.f32 [tilespmem:s26], [sflag:$0x3], $0x80, s13, s25, $0xb8;
	[tilespmem:$0x1E400] =	vst v63  }
0x123: {  	_ =	swait.ge [sflag:s23], $0x4000  }
0x124: {  	[sflag:s23] =	ssyncset.done $0x0  }
0x125: {  	s14 =	simm.s32 $0x100;
	[sflag:s23] =	ssyncadd.s32 $0xFFFFC000  }
0x126: {  	[tilespmem:s26], [sflag:$0x1] =	stream.indirect.gather [hbm4b:s4+s25], $0x80, s14, s25, $0xb8;
	[tilespmem:$0x1E400] =	vst v63  }
0x127: {  	_ =	swait.ge [sflag:s30], $0x4000  }
0x128: {  	[sflag:s30] =	ssyncset.done $0x0  }
0x129: {  	s15 =	simm.s32 $0x1480;
	[sflag:s30] =	ssyncadd.s32 $0xFFFFC000  }
0x12a: {  	[spmem:s1] =	stream.indirect.scatter.add.f32 [tilespmem:s28], [sflag:$0x3], $0x80, s15, s25, $0xb8;
	[tilespmem:$0x1E400] =	vst v63  }
0x12b: {  	_ =	swait.ge [sflag:s23], $0x4000  }
0x12c: {  	s11 =	simm.s32 $0x100;
	s12 =	simm.s32 $0x800;
	[sflag:s23] =	ssyncset.done $0x0  }
.LBB2_8:
0x12d: {  	s13 =	sadd.s32 $0x80, s11  }
0x12e: {  	[sflag:s23] =	ssyncadd.s32 $0xFFFFC000;
	s14 =	smov.u32 s12;
	s15 =	sadd.s32 $0x400, s12  }
0x12f: {  	[tilespmem:s28], [sflag:$0x2] =	stream.indirect.gather [hbm4b:s4+s25], $0x80, s13, s25, $0xb8;
	[tilespmem:$0x1E400] =	vst v63  }
0x130: {  	p0 =	sne.s32 s12, $0x4800;
	_ =	swait.ge [sflag:s29], $0x4000  }
0x131: {  	[sflag:s29] =	ssyncset.done $0x0  }
0x132: {  	s12 =	sadd.s32 $0x1400, s11;
	[sflag:s29] =	ssyncadd.s32 $0xFFFFC000  }
0x133: {  	[spmem:s1] =	stream.indirect.scatter.add.f32 [tilespmem:s26], [sflag:$0x3], $0x80, s12, s25, $0xb8;
	[tilespmem:$0x1E400] =	vst v63  }
0x134: {  	_ =	swait.ge [sflag:s23], $0x4000  }
0x135: {  	[sflag:s23] =	ssyncset.done $0x0  }
0x136: {  	s12 =	sadd.s32 $0x100, s11;
	[sflag:s23] =	ssyncadd.s32 $0xFFFFC000  }
0x137: {  	[tilespmem:s26], [sflag:$0x1] =	stream.indirect.gather [hbm4b:s4+s25], $0x80, s12, s25, $0xb8;
	[tilespmem:$0x1E400] =	vst v63  }
0x138: {  	_ =	swait.ge [sflag:s30], $0x4000  }
.Ltmp3:
0x139: {  	[sflag:s30] =	ssyncset.done $0x0;
	(pc) =	sbr.rel @p0 .LBB2_8-.Ltmp3, $4  }
0x13a: {  	s11 =	sadd.s32 $0x1480, s11;
	[sflag:s30] =	ssyncadd.s32 $0xFFFFC000  }
0x13b: {  	[spmem:s1] =	stream.indirect.scatter.add.f32 [tilespmem:s28], [sflag:$0x3], $0x80, s11, s25, $0xb8;
	[tilespmem:$0x1E400] =	vst v63  }
0x13c: {  	_ =	swait.ge [sflag:s23], $0x4000  }
0x13d: {  	s12 =	smov.u32 s15;
	s11 =	sshra.s32 s14, $0x2;
	[sflag:s23] =	ssyncset.done $0x0  }
0x13e: {  	s12 =	sadd.s32 $0x80, s11;
	[sflag:s23] =	ssyncadd.s32 $0xFFFFC000  }
0x13f: {  	[tilespmem:s28], [sflag:$0x2] =	stream.indirect.gather [hbm4b:s4+s25], $0x80, s12, s25, $0xb8;
	[tilespmem:$0x1E400] =	vst v63  }
0x140: {  	_ =	swait.ge [sflag:s29], $0x4000  }
0x141: {  	[sflag:s29] =	ssyncset.done $0x0  }
0x142: {  	s14 =	sadd.s32 $0x1400, s11;
	[sflag:s29] =	ssyncadd.s32 $0xFFFFC000  }
0x143: {  	[spmem:s1] =	stream.indirect.scatter.add.f32 [tilespmem:s26], [sflag:$0x3], $0x80, s14, s25, $0xb8;
	[tilespmem:$0x1E400] =	vst v63  }
0x144: {  	_ =	swait.ge [sflag:s23], $0x4000  }
0x145: {  	[sflag:s23] =	ssyncset.done $0x0  }
0x146: {  	s15 =	sadd.s32 $0x100, s11;
	[sflag:s23] =	ssyncadd.s32 $0xFFFFC000  }
0x147: {  	[tilespmem:s26], [sflag:$0x1] =	stream.indirect.gather [hbm4b:s4+s25], $0x80, s15, s25, $0xb8;
	[tilespmem:$0x1E400] =	vst v63  }
0x148: {  	_ =	swait.ge [sflag:s30], $0x4000  }
0x149: {  	[sflag:s30] =	ssyncset.done $0x0  }
0x14a: {  	s13 =	sadd.s32 $0x1480, s11;
	[sflag:s30] =	ssyncadd.s32 $0xFFFFC000  }
0x14b: {  	[spmem:s1] =	stream.indirect.scatter.add.f32 [tilespmem:s28], [sflag:$0x3], $0x80, s13, s25, $0xb8;
	[tilespmem:$0x1E400] =	vst v63  }
0x14c: {  	_ =	swait.ge [sflag:s23], $0x4000  }
0x14d: {  	[sflag:s23] =	ssyncset.done $0x0  }
0x14e: {  	[sflag:s23] =	ssyncadd.s32 $0xFFFFC000  }
0x14f: {  	[tilespmem:s28], [sflag:$0x2] =	stream.indirect.gather [hbm4b:s4+s25], $0x80, s31, s25, $0xb8;
	[tilespmem:$0x1E400] =	vst v63  }
0x150: {  	_ =	swait.ge [sflag:s29], $0x4000  }
0x151: {  	[sflag:s29] =	ssyncset.done $0x0  }
0x152: {  	[sflag:s29] =	ssyncadd.s32 $0xFFFFC000  }
0x153: {  	[spmem:s1] =	stream.indirect.scatter.add.f32 [tilespmem:s26], [sflag:$0x3], $0x80, s0, s25, $0xb8;
	[tilespmem:$0x1E400] =	vst v63  }
0x154: {  	_ =	swait.ge [sflag:s23], $0x4000  }
0x155: {  	[sflag:s23] =	ssyncset.done $0x0  }
0x156: {  	[sflag:s23] =	ssyncadd.s32 $0xFFFFC000  }
0x157: {  	_ =	swait.ge [sflag:s30], $0x4000  }
0x158: {  	[sflag:s30] =	ssyncset.done $0x0  }
0x159: {  	[sflag:s30] =	ssyncadd.s32 $0xFFFFC000  }
0x15a: {  	[spmem:s1] =	stream.indirect.scatter.add.f32 [tilespmem:s28], [sflag:$0x3], $0x80, s3, s25, $0xb8;
	[tilespmem:$0x1E400] =	vst v63  }
0x15b: {  	_ =	swait.ge [sflag:s23], $0x4000  }
0x15c: {  	[sflag:s23] =	ssyncset.done $0x0  }
0x15d: {  	[sflag:s23] =	ssyncadd.s32 $0xFFFFC000  }
0x15e: {  	[bflag:$0x0] =	sbarrier.arrive $0xFFFF  }
0x15f: {  	s14 =	rddreg [dreg:$0xa]  }
0x160: {  	[hbm:s14], [sflag:s9] =	dma.local [spmem:s10], $0x2780  }
0x161: {  	_ =	swait.ge [sflag:s23], $0x2780  }
0x162: {  	[sflag:s23] =	ssyncset.done $0x0  }
0x163: {  	[sflag:s23] =	ssyncadd.s32 $0xFFFFD880  }
0x164: {  	[spmem:s10], [sflag:s9] =	dma.local [hbm:s5], $0x2780  }
0x165: {  	_ =	swait.ge [sflag:s23], $0x2780  }
0x166: {  	[sflag:s23] =	ssyncset.done $0x0  }
0x167: {  	[sflag:s23] =	ssyncadd.s32 $0xFFFFD880  }
0x168: {  	s15 =	simm.s32 $0x0;
	[bflag:$0x0] =	sbarrier.arrive $0xFFFF  }
0x169: {  	[tilespmem:s15], [sflag:$0x3] =	stream.linear.gather [hbm4b:s16+s15], $0x1400, $0x38;
	[tilespmem:$0x1E400] =	vst v63  }
0x16a: {  	_ =	swait.ge [sflag:s23], $0x1400  }
0x16b: {  	[sflag:s23] =	ssyncset.done $0x0  }
0x16c: {  	[sflag:s23] =	ssyncadd.s32 $0xFFFFEC00  }
0x16d: {  	[tilespmem:s24], [sflag:$0x3] =	stream.linear.gather [hbm4b:s6+s15], $0x1400, $0x38;
	[tilespmem:$0x1E400] =	vst v63  }
0x16e: {  	_ =	swait.ge [sflag:s23], $0x1400  }
0x16f: {  	[sflag:s23] =	ssyncset.done $0x0  }
0x170: {  	[sflag:s23] =	ssyncadd.s32 $0xFFFFEC00  }
0x171: {  	[tilespmem:s26], [sflag:$0x1] =	stream.indirect.gather [hbm4b:s4+s25], $0x80, s15, s25, $0xb8;
	[tilespmem:$0x1E400] =	vst v63  }
0x172: {  	s12 =	simm.s32 $0x80  }
0x173: {  	[tilespmem:s28], [sflag:$0x2] =	stream.indirect.gather [hbm4b:s4+s25], $0x80, s12, s25, $0xb8;
	[tilespmem:$0x1E400] =	vst v63  }
0x174: {  	_ =	swait.ge [sflag:s29], $0x4000  }
0x175: {  	[sflag:s29] =	ssyncset.done $0x0  }
0x176: {  	s13 =	simm.s32 $0x1400;
	[sflag:s29] =	ssyncadd.s32 $0xFFFFC000  }
0x177: {  	[spmem:s1] =	stream.indirect.scatter.add.f32 [tilespmem:s26], [sflag:$0x3], $0x80, s13, s25, $0xb8;
	[tilespmem:$0x1E400] =	vst v63  }
0x178: {  	_ =	swait.ge [sflag:s23], $0x4000  }
0x179: {  	[sflag:s23] =	ssyncset.done $0x0  }
0x17a: {  	s14 =	simm.s32 $0x100;
	[sflag:s23] =	ssyncadd.s32 $0xFFFFC000  }
0x17b: {  	[tilespmem:s26], [sflag:$0x1] =	stream.indirect.gather [hbm4b:s4+s25], $0x80, s14, s25, $0xb8;
	[tilespmem:$0x1E400] =	vst v63  }
0x17c: {  	_ =	swait.ge [sflag:s30], $0x4000  }
0x17d: {  	[sflag:s30] =	ssyncset.done $0x0  }
0x17e: {  	s15 =	simm.s32 $0x1480;
	[sflag:s30] =	ssyncadd.s32 $0xFFFFC000  }
0x17f: {  	[spmem:s1] =	stream.indirect.scatter.add.f32 [tilespmem:s28], [sflag:$0x3], $0x80, s15, s25, $0xb8;
	[tilespmem:$0x1E400] =	vst v63  }
0x180: {  	_ =	swait.ge [sflag:s23], $0x4000  }
0x181: {  	s11 =	simm.s32 $0x100;
	s12 =	simm.s32 $0x800;
	[sflag:s23] =	ssyncset.done $0x0  }
.LBB2_10:
0x182: {  	s13 =	sadd.s32 $0x80, s11  }
0x183: {  	[sflag:s23] =	ssyncadd.s32 $0xFFFFC000;
	s14 =	smov.u32 s12;
	s15 =	sadd.s32 $0x400, s12  }
0x184: {  	[tilespmem:s28], [sflag:$0x2] =	stream.indirect.gather [hbm4b:s4+s25], $0x80, s13, s25, $0xb8;
	[tilespmem:$0x1E400] =	vst v63  }
0x185: {  	p0 =	sne.s32 s12, $0x4800;
	_ =	swait.ge [sflag:s29], $0x4000  }
0x186: {  	[sflag:s29] =	ssyncset.done $0x0  }
0x187: {  	s12 =	sadd.s32 $0x1400, s11;
	[sflag:s29] =	ssyncadd.s32 $0xFFFFC000  }
0x188: {  	[spmem:s1] =	stream.indirect.scatter.add.f32 [tilespmem:s26], [sflag:$0x3], $0x80, s12, s25, $0xb8;
	[tilespmem:$0x1E400] =	vst v63  }
0x189: {  	_ =	swait.ge [sflag:s23], $0x4000  }
0x18a: {  	[sflag:s23] =	ssyncset.done $0x0  }
0x18b: {  	s12 =	sadd.s32 $0x100, s11;
	[sflag:s23] =	ssyncadd.s32 $0xFFFFC000  }
0x18c: {  	[tilespmem:s26], [sflag:$0x1] =	stream.indirect.gather [hbm4b:s4+s25], $0x80, s12, s25, $0xb8;
	[tilespmem:$0x1E400] =	vst v63  }
0x18d: {  	_ =	swait.ge [sflag:s30], $0x4000  }
.Ltmp4:
0x18e: {  	[sflag:s30] =	ssyncset.done $0x0;
	(pc) =	sbr.rel @p0 .LBB2_10-.Ltmp4, $4  }
0x18f: {  	s11 =	sadd.s32 $0x1480, s11;
	[sflag:s30] =	ssyncadd.s32 $0xFFFFC000  }
0x190: {  	[spmem:s1] =	stream.indirect.scatter.add.f32 [tilespmem:s28], [sflag:$0x3], $0x80, s11, s25, $0xb8;
	[tilespmem:$0x1E400] =	vst v63  }
0x191: {  	_ =	swait.ge [sflag:s23], $0x4000  }
0x192: {  	s12 =	smov.u32 s15;
	s11 =	sshra.s32 s14, $0x2;
	[sflag:s23] =	ssyncset.done $0x0  }
0x193: {  	s12 =	sadd.s32 $0x80, s11;
	[sflag:s23] =	ssyncadd.s32 $0xFFFFC000  }
0x194: {  	[tilespmem:s28], [sflag:$0x2] =	stream.indirect.gather [hbm4b:s4+s25], $0x80, s12, s25, $0xb8;
	[tilespmem:$0x1E400] =	vst v63  }
0x195: {  	_ =	swait.ge [sflag:s29], $0x4000  }
0x196: {  	[sflag:s29] =	ssyncset.done $0x0  }
0x197: {  	s15 =	sadd.s32 $0x1400, s11;
	[sflag:s29] =	ssyncadd.s32 $0xFFFFC000  }
0x198: {  	[spmem:s1] =	stream.indirect.scatter.add.f32 [tilespmem:s26], [sflag:$0x3], $0x80, s15, s25, $0xb8;
	[tilespmem:$0x1E400] =	vst v63  }
0x199: {  	_ =	swait.ge [sflag:s23], $0x4000  }
0x19a: {  	[sflag:s23] =	ssyncset.done $0x0  }
0x19b: {  	s13 =	sadd.s32 $0x100, s11;
	[sflag:s23] =	ssyncadd.s32 $0xFFFFC000  }
0x19c: {  	[tilespmem:s26], [sflag:$0x1] =	stream.indirect.gather [hbm4b:s4+s25], $0x80, s13, s25, $0xb8;
	[tilespmem:$0x1E400] =	vst v63  }
0x19d: {  	_ =	swait.ge [sflag:s30], $0x4000  }
0x19e: {  	[sflag:s30] =	ssyncset.done $0x0  }
0x19f: {  	s14 =	sadd.s32 $0x1480, s11;
	[sflag:s30] =	ssyncadd.s32 $0xFFFFC000  }
0x1a0: {  	[spmem:s1] =	stream.indirect.scatter.add.f32 [tilespmem:s28], [sflag:$0x3], $0x80, s14, s25, $0xb8;
	[tilespmem:$0x1E400] =	vst v63  }
0x1a1: {  	_ =	swait.ge [sflag:s23], $0x4000  }
0x1a2: {  	[sflag:s23] =	ssyncset.done $0x0  }
0x1a3: {  	[sflag:s23] =	ssyncadd.s32 $0xFFFFC000  }
0x1a4: {  	[tilespmem:s28], [sflag:$0x2] =	stream.indirect.gather [hbm4b:s4+s25], $0x80, s31, s25, $0xb8;
	[tilespmem:$0x1E400] =	vst v63  }
0x1a5: {  	_ =	swait.ge [sflag:s29], $0x4000  }
0x1a6: {  	[sflag:s29] =	ssyncset.done $0x0  }
0x1a7: {  	[sflag:s29] =	ssyncadd.s32 $0xFFFFC000  }
0x1a8: {  	[spmem:s1] =	stream.indirect.scatter.add.f32 [tilespmem:s26], [sflag:$0x3], $0x80, s0, s25, $0xb8;
	[tilespmem:$0x1E400] =	vst v63  }
0x1a9: {  	_ =	swait.ge [sflag:s23], $0x4000  }
0x1aa: {  	[sflag:s23] =	ssyncset.done $0x0  }
0x1ab: {  	[sflag:s23] =	ssyncadd.s32 $0xFFFFC000  }
0x1ac: {  	_ =	swait.ge [sflag:s30], $0x4000  }
0x1ad: {  	[sflag:s30] =	ssyncset.done $0x0  }
0x1ae: {  	[sflag:s30] =	ssyncadd.s32 $0xFFFFC000  }
0x1af: {  	[spmem:s1] =	stream.indirect.scatter.add.f32 [tilespmem:s28], [sflag:$0x3], $0x80, s3, s25, $0xb8;
	[tilespmem:$0x1E400] =	vst v63  }
0x1b0: {  	_ =	swait.ge [sflag:s23], $0x4000  }
0x1b1: {  	[sflag:s23] =	ssyncset.done $0x0  }
0x1b2: {  	s15 =	simm.s32 $0x0;
	[sflag:s23] =	ssyncadd.s32 $0xFFFFC000  }
0x1b3: {  	[tilespmem:s15], [sflag:$0x3] =	stream.linear.gather [hbm4b:s17+s15], $0x1400, $0x38;
	[tilespmem:$0x1E400] =	vst v63  }
0x1b4: {  	_ =	swait.ge [sflag:s23], $0x1400  }
0x1b5: {  	[sflag:s23] =	ssyncset.done $0x0  }
0x1b6: {  	[sflag:s23] =	ssyncadd.s32 $0xFFFFEC00  }
0x1b7: {  	[tilespmem:s24], [sflag:$0x3] =	stream.linear.gather [hbm4b:s7+s15], $0x1400, $0x38;
	[tilespmem:$0x1E400] =	vst v63  }
0x1b8: {  	_ =	swait.ge [sflag:s23], $0x1400  }
0x1b9: {  	[sflag:s23] =	ssyncset.done $0x0  }
0x1ba: {  	[sflag:s23] =	ssyncadd.s32 $0xFFFFEC00  }
0x1bb: {  	[tilespmem:s26], [sflag:$0x1] =	stream.indirect.gather [hbm4b:s4+s25], $0x80, s15, s25, $0xb8;
	[tilespmem:$0x1E400] =	vst v63  }
0x1bc: {  	s12 =	simm.s32 $0x80  }
0x1bd: {  	[tilespmem:s28], [sflag:$0x2] =	stream.indirect.gather [hbm4b:s4+s25], $0x80, s12, s25, $0xb8;
	[tilespmem:$0x1E400] =	vst v63  }
0x1be: {  	_ =	swait.ge [sflag:s29], $0x4000  }
0x1bf: {  	[sflag:s29] =	ssyncset.done $0x0  }
0x1c0: {  	s13 =	simm.s32 $0x1400;
	[sflag:s29] =	ssyncadd.s32 $0xFFFFC000  }
0x1c1: {  	[spmem:s1] =	stream.indirect.scatter.add.f32 [tilespmem:s26], [sflag:$0x3], $0x80, s13, s25, $0xb8;
	[tilespmem:$0x1E400] =	vst v63  }
0x1c2: {  	_ =	swait.ge [sflag:s23], $0x4000  }
0x1c3: {  	[sflag:s23] =	ssyncset.done $0x0  }
0x1c4: {  	s14 =	simm.s32 $0x100;
	[sflag:s23] =	ssyncadd.s32 $0xFFFFC000  }
0x1c5: {  	[tilespmem:s26], [sflag:$0x1] =	stream.indirect.gather [hbm4b:s4+s25], $0x80, s14, s25, $0xb8;
	[tilespmem:$0x1E400] =	vst v63  }
0x1c6: {  	_ =	swait.ge [sflag:s30], $0x4000  }
0x1c7: {  	[sflag:s30] =	ssyncset.done $0x0  }
0x1c8: {  	s15 =	simm.s32 $0x1480;
	[sflag:s30] =	ssyncadd.s32 $0xFFFFC000  }
0x1c9: {  	[spmem:s1] =	stream.indirect.scatter.add.f32 [tilespmem:s28], [sflag:$0x3], $0x80, s15, s25, $0xb8;
	[tilespmem:$0x1E400] =	vst v63  }
0x1ca: {  	_ =	swait.ge [sflag:s23], $0x4000  }
0x1cb: {  	s11 =	simm.s32 $0x100;
	s12 =	simm.s32 $0x800;
	[sflag:s23] =	ssyncset.done $0x0  }
.LBB2_12:
0x1cc: {  	s13 =	sadd.s32 $0x80, s11  }
0x1cd: {  	[sflag:s23] =	ssyncadd.s32 $0xFFFFC000;
	s14 =	smov.u32 s12;
	s15 =	sadd.s32 $0x400, s12  }
0x1ce: {  	[tilespmem:s28], [sflag:$0x2] =	stream.indirect.gather [hbm4b:s4+s25], $0x80, s13, s25, $0xb8;
	[tilespmem:$0x1E400] =	vst v63  }
0x1cf: {  	p0 =	sne.s32 s12, $0x4800;
	_ =	swait.ge [sflag:s29], $0x4000  }
0x1d0: {  	[sflag:s29] =	ssyncset.done $0x0  }
0x1d1: {  	s12 =	sadd.s32 $0x1400, s11;
	[sflag:s29] =	ssyncadd.s32 $0xFFFFC000  }
0x1d2: {  	[spmem:s1] =	stream.indirect.scatter.add.f32 [tilespmem:s26], [sflag:$0x3], $0x80, s12, s25, $0xb8;
	[tilespmem:$0x1E400] =	vst v63  }
0x1d3: {  	_ =	swait.ge [sflag:s23], $0x4000  }
0x1d4: {  	[sflag:s23] =	ssyncset.done $0x0  }
0x1d5: {  	s12 =	sadd.s32 $0x100, s11;
	[sflag:s23] =	ssyncadd.s32 $0xFFFFC000  }
0x1d6: {  	[tilespmem:s26], [sflag:$0x1] =	stream.indirect.gather [hbm4b:s4+s25], $0x80, s12, s25, $0xb8;
	[tilespmem:$0x1E400] =	vst v63  }
0x1d7: {  	_ =	swait.ge [sflag:s30], $0x4000  }
.Ltmp5:
0x1d8: {  	[sflag:s30] =	ssyncset.done $0x0;
	(pc) =	sbr.rel @p0 .LBB2_12-.Ltmp5, $4  }
0x1d9: {  	s11 =	sadd.s32 $0x1480, s11;
	[sflag:s30] =	ssyncadd.s32 $0xFFFFC000  }
0x1da: {  	[spmem:s1] =	stream.indirect.scatter.add.f32 [tilespmem:s28], [sflag:$0x3], $0x80, s11, s25, $0xb8;
	[tilespmem:$0x1E400] =	vst v63  }
0x1db: {  	_ =	swait.ge [sflag:s23], $0x4000  }
0x1dc: {  	s12 =	smov.u32 s15;
	s11 =	sshra.s32 s14, $0x2;
	[sflag:s23] =	ssyncset.done $0x0  }
0x1dd: {  	s12 =	sadd.s32 $0x80, s11;
	[sflag:s23] =	ssyncadd.s32 $0xFFFFC000  }
0x1de: {  	[tilespmem:s28], [sflag:$0x2] =	stream.indirect.gather [hbm4b:s4+s25], $0x80, s12, s25, $0xb8;
	[tilespmem:$0x1E400] =	vst v63  }
0x1df: {  	_ =	swait.ge [sflag:s29], $0x4000  }
0x1e0: {  	[sflag:s29] =	ssyncset.done $0x0  }
0x1e1: {  	s15 =	sadd.s32 $0x1400, s11;
	[sflag:s29] =	ssyncadd.s32 $0xFFFFC000  }
0x1e2: {  	[spmem:s1] =	stream.indirect.scatter.add.f32 [tilespmem:s26], [sflag:$0x3], $0x80, s15, s25, $0xb8;
	[tilespmem:$0x1E400] =	vst v63  }
0x1e3: {  	_ =	swait.ge [sflag:s23], $0x4000  }
0x1e4: {  	[sflag:s23] =	ssyncset.done $0x0  }
0x1e5: {  	s13 =	sadd.s32 $0x100, s11;
	[sflag:s23] =	ssyncadd.s32 $0xFFFFC000  }
0x1e6: {  	[tilespmem:s26], [sflag:$0x1] =	stream.indirect.gather [hbm4b:s4+s25], $0x80, s13, s25, $0xb8;
	[tilespmem:$0x1E400] =	vst v63  }
0x1e7: {  	_ =	swait.ge [sflag:s30], $0x4000  }
0x1e8: {  	[sflag:s30] =	ssyncset.done $0x0  }
0x1e9: {  	s14 =	sadd.s32 $0x1480, s11;
	[sflag:s30] =	ssyncadd.s32 $0xFFFFC000  }
0x1ea: {  	[spmem:s1] =	stream.indirect.scatter.add.f32 [tilespmem:s28], [sflag:$0x3], $0x80, s14, s25, $0xb8;
	[tilespmem:$0x1E400] =	vst v63  }
0x1eb: {  	_ =	swait.ge [sflag:s23], $0x4000  }
0x1ec: {  	[sflag:s23] =	ssyncset.done $0x0  }
0x1ed: {  	[sflag:s23] =	ssyncadd.s32 $0xFFFFC000  }
0x1ee: {  	[tilespmem:s28], [sflag:$0x2] =	stream.indirect.gather [hbm4b:s4+s25], $0x80, s31, s25, $0xb8;
	[tilespmem:$0x1E400] =	vst v63  }
0x1ef: {  	_ =	swait.ge [sflag:s29], $0x4000  }
0x1f0: {  	[sflag:s29] =	ssyncset.done $0x0  }
0x1f1: {  	[sflag:s29] =	ssyncadd.s32 $0xFFFFC000  }
0x1f2: {  	[spmem:s1] =	stream.indirect.scatter.add.f32 [tilespmem:s26], [sflag:$0x3], $0x80, s0, s25, $0xb8;
	[tilespmem:$0x1E400] =	vst v63  }
0x1f3: {  	_ =	swait.ge [sflag:s23], $0x4000  }
0x1f4: {  	[sflag:s23] =	ssyncset.done $0x0  }
0x1f5: {  	[sflag:s23] =	ssyncadd.s32 $0xFFFFC000  }
0x1f6: {  	_ =	swait.ge [sflag:s30], $0x4000  }
0x1f7: {  	[sflag:s30] =	ssyncset.done $0x0  }
0x1f8: {  	[sflag:s30] =	ssyncadd.s32 $0xFFFFC000  }
0x1f9: {  	[spmem:s1] =	stream.indirect.scatter.add.f32 [tilespmem:s28], [sflag:$0x3], $0x80, s3, s25, $0xb8;
	[tilespmem:$0x1E400] =	vst v63  }
0x1fa: {  	_ =	swait.ge [sflag:s23], $0x4000  }
0x1fb: {  	[sflag:s23] =	ssyncset.done $0x0  }
0x1fc: {  	[sflag:s23] =	ssyncadd.s32 $0xFFFFC000  }
0x1fd: {  	[bflag:$0x0] =	sbarrier.arrive $0xFFFF  }
0x1fe: {  	[hbm:s18], [sflag:s9] =	dma.local [spmem:s10], $0x2780  }
0x1ff: {  	_ =	swait.ge [sflag:s23], $0x2780  }
0x200: {  	[sflag:s23] =	ssyncset.done $0x0  }
0x201: {  	[sflag:s23] =	ssyncadd.s32 $0xFFFFD880  }
0x202: {  	[spmem:s10], [sflag:s9] =	dma.local [hbm:s5], $0x2780  }
0x203: {  	_ =	swait.ge [sflag:s23], $0x2780  }
0x204: {  	[sflag:s23] =	ssyncset.done $0x0  }
0x205: {  	[sflag:s23] =	ssyncadd.s32 $0xFFFFD880  }
0x206: {  	s15 =	simm.s32 $0x0;
	[bflag:$0x0] =	sbarrier.arrive $0xFFFF  }
0x207: {  	[tilespmem:s15], [sflag:$0x3] =	stream.linear.gather [hbm4b:s19+s15], $0x1400, $0x38;
	[tilespmem:$0x1E400] =	vst v63  }
0x208: {  	_ =	swait.ge [sflag:s23], $0x1400  }
0x209: {  	[sflag:s23] =	ssyncset.done $0x0  }
0x20a: {  	[sflag:s23] =	ssyncadd.s32 $0xFFFFEC00  }
0x20b: {  	[tilespmem:s24], [sflag:$0x3] =	stream.linear.gather [hbm4b:s6+s15], $0x1400, $0x38;
	[tilespmem:$0x1E400] =	vst v63  }
0x20c: {  	_ =	swait.ge [sflag:s23], $0x1400  }
0x20d: {  	[sflag:s23] =	ssyncset.done $0x0  }
0x20e: {  	[sflag:s23] =	ssyncadd.s32 $0xFFFFEC00  }
0x20f: {  	[tilespmem:s26], [sflag:$0x1] =	stream.indirect.gather [hbm4b:s4+s25], $0x80, s15, s25, $0xb8;
	[tilespmem:$0x1E400] =	vst v63  }
0x210: {  	s12 =	simm.s32 $0x80  }
0x211: {  	[tilespmem:s28], [sflag:$0x2] =	stream.indirect.gather [hbm4b:s4+s25], $0x80, s12, s25, $0xb8;
	[tilespmem:$0x1E400] =	vst v63  }
0x212: {  	_ =	swait.ge [sflag:s29], $0x4000  }
0x213: {  	[sflag:s29] =	ssyncset.done $0x0  }
0x214: {  	s13 =	simm.s32 $0x1400;
	[sflag:s29] =	ssyncadd.s32 $0xFFFFC000  }
0x215: {  	[spmem:s1] =	stream.indirect.scatter.add.f32 [tilespmem:s26], [sflag:$0x3], $0x80, s13, s25, $0xb8;
	[tilespmem:$0x1E400] =	vst v63  }
0x216: {  	_ =	swait.ge [sflag:s23], $0x4000  }
0x217: {  	[sflag:s23] =	ssyncset.done $0x0  }
0x218: {  	s14 =	simm.s32 $0x100;
	[sflag:s23] =	ssyncadd.s32 $0xFFFFC000  }
0x219: {  	[tilespmem:s26], [sflag:$0x1] =	stream.indirect.gather [hbm4b:s4+s25], $0x80, s14, s25, $0xb8;
	[tilespmem:$0x1E400] =	vst v63  }
0x21a: {  	_ =	swait.ge [sflag:s30], $0x4000  }
0x21b: {  	[sflag:s30] =	ssyncset.done $0x0  }
0x21c: {  	s15 =	simm.s32 $0x1480;
	[sflag:s30] =	ssyncadd.s32 $0xFFFFC000  }
0x21d: {  	[spmem:s1] =	stream.indirect.scatter.add.f32 [tilespmem:s28], [sflag:$0x3], $0x80, s15, s25, $0xb8;
	[tilespmem:$0x1E400] =	vst v63  }
0x21e: {  	_ =	swait.ge [sflag:s23], $0x4000  }
0x21f: {  	s11 =	simm.s32 $0x100;
	s12 =	simm.s32 $0x800;
	[sflag:s23] =	ssyncset.done $0x0  }
.LBB2_14:
0x220: {  	s13 =	sadd.s32 $0x80, s11  }
0x221: {  	[sflag:s23] =	ssyncadd.s32 $0xFFFFC000;
	s14 =	smov.u32 s12;
	s15 =	sadd.s32 $0x400, s12  }
0x222: {  	[tilespmem:s28], [sflag:$0x2] =	stream.indirect.gather [hbm4b:s4+s25], $0x80, s13, s25, $0xb8;
	[tilespmem:$0x1E400] =	vst v63  }
0x223: {  	p0 =	sne.s32 s12, $0x4800;
	_ =	swait.ge [sflag:s29], $0x4000  }
0x224: {  	[sflag:s29] =	ssyncset.done $0x0  }
0x225: {  	s12 =	sadd.s32 $0x1400, s11;
	[sflag:s29] =	ssyncadd.s32 $0xFFFFC000  }
0x226: {  	[spmem:s1] =	stream.indirect.scatter.add.f32 [tilespmem:s26], [sflag:$0x3], $0x80, s12, s25, $0xb8;
	[tilespmem:$0x1E400] =	vst v63  }
0x227: {  	_ =	swait.ge [sflag:s23], $0x4000  }
0x228: {  	[sflag:s23] =	ssyncset.done $0x0  }
0x229: {  	s12 =	sadd.s32 $0x100, s11;
	[sflag:s23] =	ssyncadd.s32 $0xFFFFC000  }
0x22a: {  	[tilespmem:s26], [sflag:$0x1] =	stream.indirect.gather [hbm4b:s4+s25], $0x80, s12, s25, $0xb8;
	[tilespmem:$0x1E400] =	vst v63  }
0x22b: {  	_ =	swait.ge [sflag:s30], $0x4000  }
.Ltmp6:
0x22c: {  	[sflag:s30] =	ssyncset.done $0x0;
	(pc) =	sbr.rel @p0 .LBB2_14-.Ltmp6, $4  }
0x22d: {  	s11 =	sadd.s32 $0x1480, s11;
	[sflag:s30] =	ssyncadd.s32 $0xFFFFC000  }
0x22e: {  	[spmem:s1] =	stream.indirect.scatter.add.f32 [tilespmem:s28], [sflag:$0x3], $0x80, s11, s25, $0xb8;
	[tilespmem:$0x1E400] =	vst v63  }
0x22f: {  	_ =	swait.ge [sflag:s23], $0x4000  }
0x230: {  	s12 =	smov.u32 s15;
	s11 =	sshra.s32 s14, $0x2;
	[sflag:s23] =	ssyncset.done $0x0  }
0x231: {  	s12 =	sadd.s32 $0x80, s11;
	[sflag:s23] =	ssyncadd.s32 $0xFFFFC000  }
0x232: {  	[tilespmem:s28], [sflag:$0x2] =	stream.indirect.gather [hbm4b:s4+s25], $0x80, s12, s25, $0xb8;
	[tilespmem:$0x1E400] =	vst v63  }
0x233: {  	_ =	swait.ge [sflag:s29], $0x4000  }
0x234: {  	[sflag:s29] =	ssyncset.done $0x0  }
0x235: {  	s15 =	sadd.s32 $0x1400, s11;
	[sflag:s29] =	ssyncadd.s32 $0xFFFFC000  }
0x236: {  	[spmem:s1] =	stream.indirect.scatter.add.f32 [tilespmem:s26], [sflag:$0x3], $0x80, s15, s25, $0xb8;
	[tilespmem:$0x1E400] =	vst v63  }
0x237: {  	_ =	swait.ge [sflag:s23], $0x4000  }
0x238: {  	[sflag:s23] =	ssyncset.done $0x0  }
0x239: {  	s13 =	sadd.s32 $0x100, s11;
	[sflag:s23] =	ssyncadd.s32 $0xFFFFC000  }
0x23a: {  	[tilespmem:s26], [sflag:$0x1] =	stream.indirect.gather [hbm4b:s4+s25], $0x80, s13, s25, $0xb8;
	[tilespmem:$0x1E400] =	vst v63  }
0x23b: {  	_ =	swait.ge [sflag:s30], $0x4000  }
0x23c: {  	[sflag:s30] =	ssyncset.done $0x0  }
0x23d: {  	s14 =	sadd.s32 $0x1480, s11;
	[sflag:s30] =	ssyncadd.s32 $0xFFFFC000  }
0x23e: {  	[spmem:s1] =	stream.indirect.scatter.add.f32 [tilespmem:s28], [sflag:$0x3], $0x80, s14, s25, $0xb8;
	[tilespmem:$0x1E400] =	vst v63  }
0x23f: {  	_ =	swait.ge [sflag:s23], $0x4000  }
0x240: {  	[sflag:s23] =	ssyncset.done $0x0  }
0x241: {  	[sflag:s23] =	ssyncadd.s32 $0xFFFFC000  }
0x242: {  	[tilespmem:s28], [sflag:$0x2] =	stream.indirect.gather [hbm4b:s4+s25], $0x80, s31, s25, $0xb8;
	[tilespmem:$0x1E400] =	vst v63  }
0x243: {  	_ =	swait.ge [sflag:s29], $0x4000  }
0x244: {  	[sflag:s29] =	ssyncset.done $0x0  }
0x245: {  	[sflag:s29] =	ssyncadd.s32 $0xFFFFC000  }
0x246: {  	[spmem:s1] =	stream.indirect.scatter.add.f32 [tilespmem:s26], [sflag:$0x3], $0x80, s0, s25, $0xb8;
	[tilespmem:$0x1E400] =	vst v63  }
0x247: {  	_ =	swait.ge [sflag:s23], $0x4000  }
0x248: {  	[sflag:s23] =	ssyncset.done $0x0  }
0x249: {  	[sflag:s23] =	ssyncadd.s32 $0xFFFFC000  }
0x24a: {  	_ =	swait.ge [sflag:s30], $0x4000  }
0x24b: {  	[sflag:s30] =	ssyncset.done $0x0  }
0x24c: {  	[sflag:s30] =	ssyncadd.s32 $0xFFFFC000  }
0x24d: {  	[spmem:s1] =	stream.indirect.scatter.add.f32 [tilespmem:s28], [sflag:$0x3], $0x80, s3, s25, $0xb8;
	[tilespmem:$0x1E400] =	vst v63  }
0x24e: {  	_ =	swait.ge [sflag:s23], $0x4000  }
0x24f: {  	[sflag:s23] =	ssyncset.done $0x0  }
0x250: {  	s15 =	simm.s32 $0x0;
	[sflag:s23] =	ssyncadd.s32 $0xFFFFC000  }
0x251: {  	[tilespmem:s15], [sflag:$0x3] =	stream.linear.gather [hbm4b:s20+s15], $0x1400, $0x38;
	[tilespmem:$0x1E400] =	vst v63  }
0x252: {  	_ =	swait.ge [sflag:s23], $0x1400  }
0x253: {  	[sflag:s23] =	ssyncset.done $0x0  }
0x254: {  	[sflag:s23] =	ssyncadd.s32 $0xFFFFEC00  }
0x255: {  	[tilespmem:s24], [sflag:$0x3] =	stream.linear.gather [hbm4b:s7+s15], $0x1400, $0x38;
	[tilespmem:$0x1E400] =	vst v63  }
0x256: {  	_ =	swait.ge [sflag:s23], $0x1400  }
0x257: {  	[sflag:s23] =	ssyncset.done $0x0  }
0x258: {  	[sflag:s23] =	ssyncadd.s32 $0xFFFFEC00  }
0x259: {  	[tilespmem:s26], [sflag:$0x1] =	stream.indirect.gather [hbm4b:s4+s25], $0x80, s15, s25, $0xb8;
	[tilespmem:$0x1E400] =	vst v63  }
0x25a: {  	s12 =	simm.s32 $0x80  }
0x25b: {  	[tilespmem:s28], [sflag:$0x2] =	stream.indirect.gather [hbm4b:s4+s25], $0x80, s12, s25, $0xb8;
	[tilespmem:$0x1E400] =	vst v63  }
0x25c: {  	_ =	swait.ge [sflag:s29], $0x4000  }
0x25d: {  	[sflag:s29] =	ssyncset.done $0x0  }
0x25e: {  	s13 =	simm.s32 $0x1400;
	[sflag:s29] =	ssyncadd.s32 $0xFFFFC000  }
0x25f: {  	[spmem:s1] =	stream.indirect.scatter.add.f32 [tilespmem:s26], [sflag:$0x3], $0x80, s13, s25, $0xb8;
	[tilespmem:$0x1E400] =	vst v63  }
0x260: {  	_ =	swait.ge [sflag:s23], $0x4000  }
0x261: {  	[sflag:s23] =	ssyncset.done $0x0  }
0x262: {  	s14 =	simm.s32 $0x100;
	[sflag:s23] =	ssyncadd.s32 $0xFFFFC000  }
0x263: {  	[tilespmem:s26], [sflag:$0x1] =	stream.indirect.gather [hbm4b:s4+s25], $0x80, s14, s25, $0xb8;
	[tilespmem:$0x1E400] =	vst v63  }
0x264: {  	_ =	swait.ge [sflag:s30], $0x4000  }
0x265: {  	[sflag:s30] =	ssyncset.done $0x0  }
0x266: {  	s15 =	simm.s32 $0x1480;
	[sflag:s30] =	ssyncadd.s32 $0xFFFFC000  }
0x267: {  	[spmem:s1] =	stream.indirect.scatter.add.f32 [tilespmem:s28], [sflag:$0x3], $0x80, s15, s25, $0xb8;
	[tilespmem:$0x1E400] =	vst v63  }
0x268: {  	_ =	swait.ge [sflag:s23], $0x4000  }
0x269: {  	s11 =	simm.s32 $0x100;
	s12 =	simm.s32 $0x800;
	[sflag:s23] =	ssyncset.done $0x0  }
.LBB2_16:
0x26a: {  	s13 =	sadd.s32 $0x80, s11  }
0x26b: {  	[sflag:s23] =	ssyncadd.s32 $0xFFFFC000;
	s14 =	smov.u32 s12;
	s15 =	sadd.s32 $0x400, s12  }
0x26c: {  	[tilespmem:s28], [sflag:$0x2] =	stream.indirect.gather [hbm4b:s4+s25], $0x80, s13, s25, $0xb8;
	[tilespmem:$0x1E400] =	vst v63  }
0x26d: {  	p0 =	sne.s32 s12, $0x4800;
	_ =	swait.ge [sflag:s29], $0x4000  }
0x26e: {  	[sflag:s29] =	ssyncset.done $0x0  }
0x26f: {  	s12 =	sadd.s32 $0x1400, s11;
	[sflag:s29] =	ssyncadd.s32 $0xFFFFC000  }
0x270: {  	[spmem:s1] =	stream.indirect.scatter.add.f32 [tilespmem:s26], [sflag:$0x3], $0x80, s12, s25, $0xb8;
	[tilespmem:$0x1E400] =	vst v63  }
0x271: {  	_ =	swait.ge [sflag:s23], $0x4000  }
0x272: {  	[sflag:s23] =	ssyncset.done $0x0  }
0x273: {  	s12 =	sadd.s32 $0x100, s11;
	[sflag:s23] =	ssyncadd.s32 $0xFFFFC000  }
0x274: {  	[tilespmem:s26], [sflag:$0x1] =	stream.indirect.gather [hbm4b:s4+s25], $0x80, s12, s25, $0xb8;
	[tilespmem:$0x1E400] =	vst v63  }
0x275: {  	_ =	swait.ge [sflag:s30], $0x4000  }
.Ltmp7:
0x276: {  	[sflag:s30] =	ssyncset.done $0x0;
	(pc) =	sbr.rel @p0 .LBB2_16-.Ltmp7, $4  }
0x277: {  	s11 =	sadd.s32 $0x1480, s11;
	[sflag:s30] =	ssyncadd.s32 $0xFFFFC000  }
0x278: {  	[spmem:s1] =	stream.indirect.scatter.add.f32 [tilespmem:s28], [sflag:$0x3], $0x80, s11, s25, $0xb8;
	[tilespmem:$0x1E400] =	vst v63  }
0x279: {  	_ =	swait.ge [sflag:s23], $0x4000  }
0x27a: {  	s12 =	smov.u32 s15;
	s11 =	sshra.s32 s14, $0x2;
	[sflag:s23] =	ssyncset.done $0x0  }
0x27b: {  	s12 =	sadd.s32 $0x80, s11;
	[sflag:s23] =	ssyncadd.s32 $0xFFFFC000  }
0x27c: {  	[tilespmem:s28], [sflag:$0x2] =	stream.indirect.gather [hbm4b:s4+s25], $0x80, s12, s25, $0xb8;
	[tilespmem:$0x1E400] =	vst v63  }
0x27d: {  	_ =	swait.ge [sflag:s29], $0x4000  }
0x27e: {  	[sflag:s29] =	ssyncset.done $0x0  }
0x27f: {  	s13 =	sadd.s32 $0x1400, s11;
	[sflag:s29] =	ssyncadd.s32 $0xFFFFC000  }
0x280: {  	[spmem:s1] =	stream.indirect.scatter.add.f32 [tilespmem:s26], [sflag:$0x3], $0x80, s13, s25, $0xb8;
	[tilespmem:$0x1E400] =	vst v63  }
0x281: {  	_ =	swait.ge [sflag:s23], $0x4000  }
0x282: {  	[sflag:s23] =	ssyncset.done $0x0  }
0x283: {  	s14 =	sadd.s32 $0x100, s11;
	[sflag:s23] =	ssyncadd.s32 $0xFFFFC000  }
0x284: {  	[tilespmem:s26], [sflag:$0x1] =	stream.indirect.gather [hbm4b:s4+s25], $0x80, s14, s25, $0xb8;
	[tilespmem:$0x1E400] =	vst v63  }
0x285: {  	_ =	swait.ge [sflag:s30], $0x4000  }
0x286: {  	[sflag:s30] =	ssyncset.done $0x0  }
0x287: {  	s15 =	sadd.s32 $0x1480, s11;
	[sflag:s30] =	ssyncadd.s32 $0xFFFFC000  }
0x288: {  	[spmem:s1] =	stream.indirect.scatter.add.f32 [tilespmem:s28], [sflag:$0x3], $0x80, s15, s25, $0xb8;
	[tilespmem:$0x1E400] =	vst v63  }
0x289: {  	_ =	swait.ge [sflag:s23], $0x4000  }
0x28a: {  	[sflag:s23] =	ssyncset.done $0x0  }
0x28b: {  	[sflag:s23] =	ssyncadd.s32 $0xFFFFC000  }
0x28c: {  	[tilespmem:s28], [sflag:$0x2] =	stream.indirect.gather [hbm4b:s4+s25], $0x80, s31, s25, $0xb8;
	[tilespmem:$0x1E400] =	vst v63  }
0x28d: {  	_ =	swait.ge [sflag:s29], $0x4000  }
0x28e: {  	[sflag:s29] =	ssyncset.done $0x0  }
0x28f: {  	[sflag:s29] =	ssyncadd.s32 $0xFFFFC000  }
0x290: {  	[spmem:s1] =	stream.indirect.scatter.add.f32 [tilespmem:s26], [sflag:$0x3], $0x80, s0, s25, $0xb8;
	[tilespmem:$0x1E400] =	vst v63  }
0x291: {  	_ =	swait.ge [sflag:s23], $0x4000  }
0x292: {  	[sflag:s23] =	ssyncset.done $0x0  }
0x293: {  	[sflag:s23] =	ssyncadd.s32 $0xFFFFC000  }
0x294: {  	_ =	swait.ge [sflag:s30], $0x4000  }
0x295: {  	[sflag:s30] =	ssyncset.done $0x0  }
0x296: {  	[sflag:s30] =	ssyncadd.s32 $0xFFFFC000  }
0x297: {  	[spmem:s1] =	stream.indirect.scatter.add.f32 [tilespmem:s28], [sflag:$0x3], $0x80, s3, s25, $0xb8;
	[tilespmem:$0x1E400] =	vst v63  }
0x298: {  	_ =	swait.ge [sflag:s23], $0x4000  }
0x299: {  	s8 =	sadd.s32 $0x1, s8;
	[sflag:s23] =	ssyncset.done $0x0  }
0x29a: {  	p0 =	sne.s32 s8, s22;
	[sflag:s23] =	ssyncadd.s32 $0xFFFFC000  }
.Ltmp8:
0x29b: {  	[bflag:$0x0] =	sbarrier.arrive $0xFFFF;
	(pc) =	sbr.rel @p0 .LBB2_1-.Ltmp8, $4  }
0x29c: {  	[hbm:s21], [sflag:s9] =	dma.local [spmem:s10], $0x2780  }
0x29d: {  	_ =	swait.ge [sflag:s23], $0x2780  }
0x29e: {  	[sflag:s23] =	ssyncset.done $0x0  }
0x29f: {  	[sflag:s23] =	ssyncadd.s32 $0xFFFFD880  }
0x2a0: {  	_ =	sfence.sel $0x180000  }
0x2a1: {  	[bflag:$0x0] =	sbarrier.arrive $0xFFFF  }
0x2a2: {  	_ =	strace $0x9000004A  }
0x2a3: {  	s0 =	stileid.u32;
	[bflag:$0x2] =	sbarrier.arrive $0xFFFF  }
0x2a4: {  	p0 =	sne.s32 s0, $0x0;
	s0 =	rddreg [dreg:$0x3]  }
0x2a5: {  	s0 =	sadd.s32 @!p0 $0x100000, s0  }
0x2a6: {  	[sflag:s0] =	ssyncadd.tile.s32 @!p0 $0x1;
	_ =	shalt  }
.Lfunc_end2:
_tile_overlayer_lowered:
.L_overlay_start_2:
0x2a7: {  	(tag) =	ssettag $0x2  }
0x2a8: {  	s0 =	rddreg [dreg:$0x0];
	s2 =	stileid.u32  }
0x2a9: {  	s1 =	rddreg [dreg:$0x1];
	p0 =	sne.s32 s2, $0x0  }
0x2aa: {  	s3 =	rddreg [dreg:$0x2];
	[bflag:$0x3] =	sbarrier.arrive $0xFFFF;
	s2 =	simm.s32 @!p0 $0x1C03  }
0x2ab: {  	[timem:s3], [sflag:s2] =	dma.local @!p0 [hbm:s0], s1  }
0x2ac: {  	s0 =	simm.s32 @!p0 $0x3  }
0x2ad: {  	_ =	swait.ge @!p0 [sflag:s0], s1  }
0x2ae: {  	s1 =	ssub.s32 @!p0 $0x0, s1;
	[sflag:s0] =	ssyncset.done @!p0 $0x0  }
0x2af: {  	[sflag:s0] =	ssyncadd.s32 @!p0 s1  }
0x2b0: {  	[bflag:$0x3] =	sbarrier.arrive $0xFFFF  }
0x2b1: {  	_ =	shalt  }

// kernel: kernel.16.cloned.1.call-start
scs
__scs_entry_jumppad:
0x0: {  	(pc) =	sbr.rel $0x88, $3  }
0x1: {  	(tag) =	ssettag $0x0;
	lr =	simm.s32 $0x1  }
0x2: {  	[smem:$0x3F8C] =	sst lr;
	_ =	strace $0xD0000000  }
0x3: {  	_ = 	snop  }
0x4: {  	_ = 	snop  }
0x5: {  	_ = 	snop  }
0x6: {  	_ = 	snop  }
0x7: {  	_ = 	snop  }
__scs_overlays_trampoline_lowered:
0x8: {  	[smem:$0x3F9B] =	sst s0  }
0x9: {  	[smem:$0x3F9C] =	sst s1  }
0xa: {  	[smem:$0x3F9D] =	sst s2  }
0xb: {  	[smem:$0x3F9E] =	sst s3  }
0xc: {  	[smem:$0x3F9F] =	sst s4  }
0xd: {  	[smem:$0x3FA0] =	sst s5  }
0xe: {  	[smem:$0x3FA1] =	sst s6  }
0xf: {  	[smem:$0x3FA2] =	sst s7  }
0x10: {  	[smem:$0x3FA3] =	sst s8  }
0x11: {  	[smem:$0x3FA4] =	sst s9;
	s0 =	simm.s32 @!p0 $0x0  }
0x12: {  	s1 =	sld [smem:$0x3F8A];
	s0 =	simm.s32 @p0 $0x1  }
0x13: {  	[smem:$0x3FA5] =	sst s0;
	s0 =	simm.s32 @!p1 $0x0  }
0x14: {  	s2 =	sld [smem:$0x3F89];
	s0 =	simm.s32 @p1 $0x1  }
0x15: {  	[smem:$0x3FA6] =	sst s0;
	s0 =	simm.s32 @!p2 $0x0  }
0x16: {  	s3 =	sld [smem:$0x3FDB];
	s0 =	simm.s32 @p2 $0x1  }
0x17: {  	s4 =	simm.s32 $0x1BF5;
	[smem:$0x3FA8] =	sst s0  }
0x18: {  	s0 =	sld [smem:$0x3F8B];
	_ =	swait.ge [sflag:s4], $0x0  }
0x19: {  	s7 =	sld [smem:$0x3F8C]  }
0x1a: {  	s8 =	sadd.s32 $0xFFFFE003, lr  }
0x1b: {  	s9 =	sadd.s32 $0xFFFFFEF7, lr;
	s5 =	simm.s32 $0xFFFFFFFF;
	p2 =	slt.u32 s8, $0xFFFFF086  }
0x1c: {  	p1 =	slt.u32 s9, $0xF7A;
	s5 =	simm.s32 @!p2 $0x0  }
0x1d: {  	s5 =	simm.s32 @p1 $0x1;
	p0 =	seq.s32 s7, s2  }
0x1e: {  	s7 =	smul.u32 @!p0 $0xF7A, s2;
	p2 =	seq.s32 @!p0 s5, $0x0  }
0x1f: {  	s9 =	smul.u32 $0xF7A, s1;
	s8 =	simm.s32 @!p0 $0x1BF5;
	p2 =	por !p2, p0  }
0x20: {  	[sflag:s8] =	ssyncset.s32 @!p0 $0xFFFFF086;
	s6 =	sadd.s32 @!p0 s3, s7;
	s7 =	simm.s32 @!p0 $0x108  }
0x21: {  	s3 =	sadd.s32 s3, s9;
	s6 =	sadd.s32 @!p0 $0x88, s6;
	s7 =	simm.s32 @p2 $0x1082  }
0x22: {  	[simem:s7], [sflag:s8] =	dma.local @!p0 [hbm:s6], $0xF7A  }
0x23: {  	s9 =	sor.u32 $0xD0000000, s2;
	s6 =	simm.s32 $0x108;
	_ =	swait.ge @!p0 [sflag:s8], $0x0  }
0x24: {  	s3 =	sadd.s32 $0x88, s3;
	s6 =	simm.s32 @!p1 $0x1082;
	[sflag:s4] =	ssyncset.s32 $0xFFFFF086  }
0x25: {  	[simem:s6], [sflag:s4] =	dma.local [hbm:s3], $0xF7A  }
0x26: {  	[smem:$0x3F8C] =	sst s1;
	(tag) =	ssettag s2;
	_ =	strace s9  }
0x27: {  	s1 =	sld [smem:$0x3F9C]  }
0x28: {  	s2 =	sld [smem:$0x3F9D]  }
0x29: {  	s4 =	sld [smem:$0x3F9F]  }
0x2a: {  	p0 =	seq.s32 s5, $0x0;
	s5 =	sld [smem:$0x3FA0]  }
0x2b: {  	s6 =	sld [smem:$0x3FA1]  }
0x2c: {  	s7 =	sld [smem:$0x3FA2]  }
0x2d: {  	s3 =	simm.s32 $0x108;
	s8 =	sld [smem:$0x3FA3]  }
0x2e: {  	s3 =	simm.s32 @!p0 $0x1082;
	s9 =	sld [smem:$0x3FA4]  }
0x2f: {  	lr =	sadd.s32 s0, s3;
	s0 =	sld [smem:$0x3F9B]  }
0x30: {  	s3 =	sld [smem:$0x3F9E]  }
0x31: {  	[smem:$0x3FA7] =	sst s10  }
0x32: {  	s10 =	sld [smem:$0x3FA5];
	_ =	sdelay $0x3  }
0x33: {  	p0 =	seq.s32 s10, $0x1;
	s10 =	sld [smem:$0x3FA7];
	_ =	sdelay $0x3  }
0x34: {  	[smem:$0x3FA7] =	sst s10  }
0x35: {  	s10 =	sld [smem:$0x3FA6];
	_ =	sdelay $0x3  }
0x36: {  	p1 =	seq.s32 s10, $0x1;
	s10 =	sld [smem:$0x3FA7];
	_ =	sdelay $0x3  }
0x37: {  	[smem:$0x3FA7] =	sst s10  }
0x38: {  	s10 =	sld [smem:$0x3FA8]  }
0x39: {  	_ = 	snop;
	(pc) =	sbr.ind lr, $3  }
0x3a: {  	_ = 	snop  }
0x3b: {  	_ = 	snop  }
0x3c: {  	p2 =	seq.s32 s10, $0x1;
	s10 =	sld [smem:$0x3FA7]  }
0x3d: {  	_ =	shalt  }
0x3e: {  	_ =	shalt  }
0x3f: {  	_ =	shalt  }
0x40: {  	_ =	shalt  }
0x41: {  	_ =	shalt  }
0x42: {  	_ =	shalt  }
0x43: {  	_ =	shalt  }
0x44: {  	_ =	shalt  }
0x45: {  	_ =	shalt  }
0x46: {  	_ =	shalt  }
0x47: {  	_ =	shalt  }
0x48: {  	_ =	shalt  }
0x49: {  	_ =	shalt  }
0x4a: {  	_ =	shalt  }
0x4b: {  	_ =	shalt  }
0x4c: {  	_ =	shalt  }
0x4d: {  	_ =	shalt  }
0x4e: {  	_ =	shalt  }
0x4f: {  	_ =	shalt  }
0x50: {  	_ =	shalt  }
0x51: {  	_ =	shalt  }
0x52: {  	_ =	shalt  }
0x53: {  	_ =	shalt  }
0x54: {  	_ =	shalt  }
0x55: {  	_ =	shalt  }
0x56: {  	_ =	shalt  }
0x57: {  	_ =	shalt  }
0x58: {  	_ =	shalt  }
0x59: {  	_ =	shalt  }
0x5a: {  	_ =	shalt  }
0x5b: {  	_ =	shalt  }
0x5c: {  	_ =	shalt  }
0x5d: {  	_ =	shalt  }
0x5e: {  	_ =	shalt  }
0x5f: {  	_ =	shalt  }
0x60: {  	_ =	shalt  }
0x61: {  	_ =	shalt  }
0x62: {  	_ =	shalt  }
0x63: {  	_ =	shalt  }
0x64: {  	_ =	shalt  }
0x65: {  	_ =	shalt  }
0x66: {  	_ =	shalt  }
0x67: {  	_ =	shalt  }
0x68: {  	_ =	shalt  }
0x69: {  	_ =	shalt  }
0x6a: {  	_ =	shalt  }
0x6b: {  	_ =	shalt  }
0x6c: {  	_ =	shalt  }
0x6d: {  	_ =	shalt  }
0x6e: {  	_ =	shalt  }
0x6f: {  	_ =	shalt  }
0x70: {  	_ =	shalt  }
0x71: {  	_ =	shalt  }
0x72: {  	_ =	shalt  }
0x73: {  	_ =	shalt  }
0x74: {  	_ =	shalt  }
0x75: {  	_ =	shalt  }
0x76: {  	_ =	shalt  }
0x77: {  	_ =	shalt  }
0x78: {  	_ =	shalt  }
0x79: {  	_ =	shalt  }
0x7a: {  	_ =	shalt  }
0x7b: {  	_ =	shalt  }
0x7c: {  	_ =	shalt  }
0x7d: {  	_ =	shalt  }
0x7e: {  	_ =	shalt  }
0x7f: {  	_ =	shalt  }
0x80: {  	_ =	shalt  }
0x81: {  	_ =	shalt  }
0x82: {  	_ =	shalt  }
0x83: {  	_ =	shalt  }
0x84: {  	_ =	shalt  }
0x85: {  	_ =	shalt  }
0x86: {  	_ =	shalt  }
0x87: {  	_ =	shalt  }
.Lfunc_end0:
.L_simem_size_0:
called_computation.2_lowered:
.L_overlay_start_0:
0x88: {  	s2 =	sld [smem:$0x3FD9]  }
0x89: {  	s3 =	sld [smem:$0x3FFE];
	_ =	sdelay $0x1  }
0x8a: {  	s1 =	srdreg.scid  }
0x8b: {  	s0 =	sand.u32 $0x1, s1  }
0x8c: {  	s16 =	sshll.u32 s0, $0xA;
	s2 =	sadd.s32 s3, s2  }
0x8d: {  	s2 =	sadd.s32 s2, s16  }
0x8e: {  	[smem:$0x3FB3] =	sst s2  }
0x8f: {  	_ = 	snop  }
0x90: {  	(tm) =	ssettm $0x1  }
0x91: {  	s17 =	sld [smem:$0x3FFB];
	_ =	sdelay $0x3  }
0x92: {  	_ =	strace s17  }
0x93: {  	s2 =	sld [smem:$0x3FFC];
	_ =	sdelay $0x3  }
0x94: {  	_ =	strace s2  }
0x95: {  	s2 =	sld [smem:$0x3FFD];
	_ =	sdelay $0x3  }
0x96: {  	_ =	strace s2  }
0x97: {  	_ =	strace $0x8FFFFFFF  }
0x98: {  	s18 =	sld [smem:$0x3FDB];
	_ =	sdelay $0x1  }
0x99: {  	s19 =	simm.s32 $_scs_section_size  }
0x9a: {  	s4 =	simm.s32 $_size__tile_overlayer_lowered;
	s5 =	simm.s32 $_tile_overlayer_lowered  }
0x9b: {  	s22 =	simm.s32 $0x1BFF;
	s21 =	sshll.u32 s5, $0x1;
	s2 =	sadd.s32 s19, s18  }
0x9c: {  	s6 =	simm.s32 $0x0;
	s20 =	sshll.u32 s4, $0x1;
	s4 =	sadd.s32 s21, s2  }
0x9d: {  	[timem:s6], [sflag:s22] =	dma.local [hbm:s4], s20  }
0x9e: {  	_ =	swait.ge [sflag:s22], s20  }
0x9f: {  	s3 =	ssub.s32 $0x0, s20;
	[sflag:s22] =	ssyncset.done $0x0  }
0xa0: {  	[sflag:s22] =	ssyncadd.s32 s3;
	_ =	sdelay $0x1  }
0xa1: {  	s23 =	simm.s32 $0x1B8B  }
0xa2: {  	_ =	swait.ge [sflag:s23], $0x1  }
0xa3: {  	[sflag:s23] =	ssyncset.done $0x0  }
0xa4: {  	s25 =	simm.s32 $0x1B8E;
	s24 =	sld [smem:$0x3FFE];
	[sflag:s23] =	ssyncadd.s32 $0xFFFFFFFF  }
0xa5: {  	s26 =	simm.s32 $execute0_lowered;
	[smem:$0x3FD2] =	sst s25  }
0xa6: {  	s4 =	sshll.u32 s26, $0x1;
	_ =	strace $0x8000004C;
	[dreg:$0x1] =	wrdreg $0xFFFFFFFF  }
0xa7: {  	s28 =	simm.s32 $_size_execute0_lowered;
	s2 =	sadd.s32 s2, s4;
	[dreg:$0x0] =	wrdreg $0x0  }
0xa8: {  	s4 =	sshll.u32 s28, $0x1;
	[dreg:$0x2] =	wrdreg s2  }
0xa9: {  	[dreg:$0x3] =	wrdreg s4  }
0xaa: {  	[dreg:$0x4] =	wrdreg $0xC0  }
0xab: {  	_ =	task [dreg:s6], $0x5FFFF  }
0xac: {  	[dreg:$0x1] =	wrdreg $0xFFFFFFFF  }
0xad: {  	[dreg:$0x0] =	wrdreg $0x60  }
0xae: {  	[dreg:$0x2] =	wrdreg s24  }
0xaf: {  	[dreg:$0x3] =	wrdreg $0xA8000  }
0xb0: {  	[dreg:$0x4] =	wrdreg $0x9  }
0xb1: {  	_ =	task.clear_ibuf [dreg:s6], $0x5FFFF;
	_ =	strace $0x9000004C  }
0xb2: {  	s29 =	simm.s32 $0x9;
	_ =	strace $0x8000004E  }
0xb3: {  	_ =	swait.ge [sflag:s29], $0x1  }
0xb4: {  	[sflag:s29] =	ssyncadd.s32 $0xFFFFFFFF  }
0xb5: {  	_ =	strace $0x9000004E  }
0xb6: {  	_ =	sfence  }
0xb7: {  	s30 =	sld [smem:$0x0];
	_ =	sdelay $0x2  }
0xb8: {  	s31 =	sshll.u32 s1, $0xD;
	s1 =	sshrl.u32 s1, $0x2  }
0xb9: {  	s3 =	sand.u32 $0x4000, s31;
	s1 =	sadd.s32 s1, s30  }
0xba: {  	s0 =	sor.u32 s3, s0;
	s1 =	sshll.u32 s1, $0x11  }
0xbb: {  	s0 =	sor.u32 s1, s0  }
0xbc: {  	s0 =	sadd.s32 $0x8F2B, s0  }
0xbd: {  	[sflag:s0] =	ssyncadd.remote.s32 $0x1  }
0xbe: {  	_ =	sfence.sel $0xFFFF  }
0xbf: {  	[dreg:$0x0] =	wrdreg $0xFFFFFFFF;
	(pc) =	sbr.abs _section_cstart, $3  }
0xc0: {  	[dreg:$0x1] =	wrdreg $0xFFFFFFFF  }
0xc1: {  	_ =	task.clear_ibuf [dreg:s6], $0x2FFFF;
	_ =	strace $0x9FFFFFFF  }
0xc2: {  	(tm) =	ssettm $0x7FFFFFFF  }
0xc3: {  	_ =	shalt  }
tec
execute0_lowered:
.L_overlay_start_1:
0x0: {  	(tag) =	ssettag $0x1  }
0x1: {  	s6 =	rddreg [dreg:$0x0]  }
0x2: {  	s1 =	rddreg [dreg:$0x1]  }
0x3: {  	s0 =	rddreg [dreg:$0x2];
	s3 =	simm.s32 $0x0;
	s2 =	srdreg.scid  }
0x4: {  	s17 =	simm.s32 $0x2800;
	s18 =	simm.s32 $0x6800;
	s19 =	simm.s32 $0x1  }
0x5: {  	s20 =	simm.s32 $0x2;
	s21 =	simm.s32 $0x1380;
	s7 =	sand.u32 $0x1, s2  }
0x6: {  	s22 =	simm.s32 $0x2700;
	s2 =	stileid.u32;
	s8 =	smul.u32 $0x140000, s7  }
0x7: {  	s23 =	simm.s32 $0x2780;
	[smem:$0x7FF] =	sst s3;
	s9 =	smul.u32 $0x13C00, s2  }
0x8: {  	s4 =	sadd.s32 $0x55400, s6;
	s10 =	sadd.s32 $0xAA400, s6;
	s24 =	smul.u32 $0x4F000, s2  }
0x9: {  	s11 =	sadd.s32 $0xA5400, s6;
	s12 =	ssub.s32 $0x2, s7;
	s7 =	smul.u32 $0x28000, s7  }
0xa: {  	s5 =	sadd.s32 $0xC3400, s6;
	_ =	strace $0x8000004D;
	s14 =	smul.u32 $0x2800, s2  }
0xb: {  	s26 =	sshll.u32 s2, $0x6;
	s13 =	sshrl.u32 s12, $0x1;
	s8 =	sadd.s32 s9, s8  }
0xc: {  	s9 =	sshrl.u32 s24, $0x2;
	s12 =	ssub.s32 s12, s13;
	s28 =	sadd.s32 s14, s7  }
0xd: {  	s16 =	sadd.s32 $0x1400, s14;
	s30 =	sshrl.u32 s14, $0x3;
	s14 =	simm.s32 $0x3  }
0xe: {  	s24 =	simm.s32 $0x0;
	s8 =	sshrl.u32 s8, $0x3;
	s25 =	sadd.s32 s9, s1  }
0xf: {  	s29 =	sadd.s32 s7, s16;
	s31 =	sshrl.u32 s16, $0x3;
	s12 =	smax.u32 s12, $0x1  }
0x10: {  	s16 =	simm.s32 $0x80;
	s15 =	sadd.s32 s8, s6;
	s6 =	sor.u32 $0x1C03, s26  }
0x11: {  	s8 =	sshrl.u32 s28, $0x3;
	s9 =	sshrl.u32 s29, $0x3;
	s13 =	sshrl.u32 s25, $0x3  }
0x12: {  	s7 =	sadd.s32 s10, s8;
	s8 =	sadd.s32 s11, s30;
	s9 =	sadd.s32 s10, s9  }
0x13: {  	s10 =	sadd.s32 s11, s31;
	s11 =	sadd.s32 $0xC5C00, s15;
	s15 =	simm.s32 $0x1400  }
.LBB2_1:
0x14: {  	[spmem:s13], [sflag:s6] =	dma.local [hbm:s5], $0x2780  }
0x15: {  	_ =	swait.ge [sflag:s14], $0x2780  }
0x16: {  	[sflag:s14] =	ssyncset.done $0x0  }
0x17: {  	[sflag:s14] =	ssyncadd.s32 $0xFFFFD880  }
0x18: {  	[bflag:$0x0] =	sbarrier.arrive $0xFFFF  }
0x19: {  	[tilespmem:s3], [sflag:$0x3] =	stream.linear.gather [hbm4b:s7+s3], $0x1400, $0x38;
	[tilespmem:$0x1E400] =	vst v63  }
0x1a: {  	_ =	swait.ge [sflag:s14], $0x1400  }
0x1b: {  	[sflag:s14] =	ssyncset.done $0x0  }
0x1c: {  	[sflag:s14] =	ssyncadd.s32 $0xFFFFEC00  }
0x1d: {  	[tilespmem:s15], [sflag:$0x3] =	stream.linear.gather [hbm4b:s8+s3], $0x1400, $0x38;
	[tilespmem:$0x1E400] =	vst v63  }
0x1e: {  	_ =	swait.ge [sflag:s14], $0x1400  }
0x1f: {  	[sflag:s14] =	ssyncset.done $0x0  }
0x20: {  	[sflag:s14] =	ssyncadd.s32 $0xFFFFEC00  }
0x21: {  	[tilespmem:s17], [sflag:$0x1] =	stream.indirect.gather [hbm4b:s4+s16], $0x80, s3, s16, $0xb8;
	[tilespmem:$0x1E400] =	vst v63  }
0x22: {  	s25 =	simm.s32 $0x80  }
0x23: {  	[tilespmem:s18], [sflag:$0x2] =	stream.indirect.gather [hbm4b:s4+s16], $0x80, s25, s16, $0xb8;
	[tilespmem:$0x1E400] =	vst v63  }
0x24: {  	_ =	swait.ge [sflag:s19], $0x4000  }
0x25: {  	[sflag:s19] =	ssyncset.done $0x0  }
0x26: {  	s29 =	simm.s32 $0x1400;
	[sflag:s19] =	ssyncadd.s32 $0xFFFFC000  }
0x27: {  	[spmem:s1] =	stream.indirect.scatter.add.f32 [tilespmem:s17], [sflag:$0x3], $0x80, s29, s16, $0xb8;
	[tilespmem:$0x1E400] =	vst v63  }
0x28: {  	_ =	swait.ge [sflag:s14], $0x4000  }
0x29: {  	[sflag:s14] =	ssyncset.done $0x0  }
0x2a: {  	s30 =	simm.s32 $0x100;
	[sflag:s14] =	ssyncadd.s32 $0xFFFFC000  }
0x2b: {  	[tilespmem:s17], [sflag:$0x1] =	stream.indirect.gather [hbm4b:s4+s16], $0x80, s30, s16, $0xb8;
	[tilespmem:$0x1E400] =	vst v63  }
0x2c: {  	_ =	swait.ge [sflag:s20], $0x4000  }
0x2d: {  	[sflag:s20] =	ssyncset.done $0x0  }
0x2e: {  	s31 =	simm.s32 $0x1480;
	[sflag:s20] =	ssyncadd.s32 $0xFFFFC000  }
0x2f: {  	[spmem:s1] =	stream.indirect.scatter.add.f32 [tilespmem:s18], [sflag:$0x3], $0x80, s31, s16, $0xb8;
	[tilespmem:$0x1E400] =	vst v63  }
0x30: {  	_ =	swait.ge [sflag:s14], $0x4000  }
0x31: {  	s26 =	simm.s32 $0x800;
	s25 =	simm.s32 $0x100;
	[sflag:s14] =	ssyncset.done $0x0  }
.LBB2_2:
0x32: {  	s28 =	sadd.s32 $0x80, s25  }
0x33: {  	[sflag:s14] =	ssyncadd.s32 $0xFFFFC000;
	s29 =	smov.u32 s26;
	s30 =	sadd.s32 $0x400, s26  }
0x34: {  	[tilespmem:s18], [sflag:$0x2] =	stream.indirect.gather [hbm4b:s4+s16], $0x80, s28, s16, $0xb8;
	[tilespmem:$0x1E400] =	vst v63  }
0x35: {  	p0 =	sne.s32 s26, $0x4800;
	_ =	swait.ge [sflag:s19], $0x4000  }
0x36: {  	[sflag:s19] =	ssyncset.done $0x0  }
0x37: {  	s26 =	sadd.s32 $0x1400, s25;
	[sflag:s19] =	ssyncadd.s32 $0xFFFFC000  }
0x38: {  	[spmem:s1] =	stream.indirect.scatter.add.f32 [tilespmem:s17], [sflag:$0x3], $0x80, s26, s16, $0xb8;
	[tilespmem:$0x1E400] =	vst v63  }
0x39: {  	_ =	swait.ge [sflag:s14], $0x4000  }
0x3a: {  	[sflag:s14] =	ssyncset.done $0x0  }
0x3b: {  	s26 =	sadd.s32 $0x100, s25;
	[sflag:s14] =	ssyncadd.s32 $0xFFFFC000  }
0x3c: {  	[tilespmem:s17], [sflag:$0x1] =	stream.indirect.gather [hbm4b:s4+s16], $0x80, s26, s16, $0xb8;
	[tilespmem:$0x1E400] =	vst v63  }
0x3d: {  	_ =	swait.ge [sflag:s20], $0x4000  }
.Ltmp0:
0x3e: {  	[sflag:s20] =	ssyncset.done $0x0;
	(pc) =	sbr.rel @p0 .LBB2_2-.Ltmp0, $4  }
0x3f: {  	s25 =	sadd.s32 $0x1480, s25;
	[sflag:s20] =	ssyncadd.s32 $0xFFFFC000  }
0x40: {  	[spmem:s1] =	stream.indirect.scatter.add.f32 [tilespmem:s18], [sflag:$0x3], $0x80, s25, s16, $0xb8;
	[tilespmem:$0x1E400] =	vst v63  }
0x41: {  	_ =	swait.ge [sflag:s14], $0x4000  }
0x42: {  	s26 =	smov.u32 s30;
	s25 =	sshra.s32 s29, $0x2;
	[sflag:s14] =	ssyncset.done $0x0  }
0x43: {  	s26 =	sadd.s32 $0x80, s25;
	[sflag:s14] =	ssyncadd.s32 $0xFFFFC000  }
0x44: {  	[tilespmem:s18], [sflag:$0x2] =	stream.indirect.gather [hbm4b:s4+s16], $0x80, s26, s16, $0xb8;
	[tilespmem:$0x1E400] =	vst v63  }
0x45: {  	_ =	swait.ge [sflag:s19], $0x4000  }
0x46: {  	[sflag:s19] =	ssyncset.done $0x0  }
0x47: {  	s29 =	sadd.s32 $0x1400, s25;
	[sflag:s19] =	ssyncadd.s32 $0xFFFFC000  }
0x48: {  	[spmem:s1] =	stream.indirect.scatter.add.f32 [tilespmem:s17], [sflag:$0x3], $0x80, s29, s16, $0xb8;
	[tilespmem:$0x1E400] =	vst v63  }
0x49: {  	_ =	swait.ge [sflag:s14], $0x4000  }
0x4a: {  	[sflag:s14] =	ssyncset.done $0x0  }
0x4b: {  	s30 =	sadd.s32 $0x100, s25;
	[sflag:s14] =	ssyncadd.s32 $0xFFFFC000  }
0x4c: {  	[tilespmem:s17], [sflag:$0x1] =	stream.indirect.gather [hbm4b:s4+s16], $0x80, s30, s16, $0xb8;
	[tilespmem:$0x1E400] =	vst v63  }
0x4d: {  	_ =	swait.ge [sflag:s20], $0x4000  }
0x4e: {  	[sflag:s20] =	ssyncset.done $0x0  }
0x4f: {  	s31 =	sadd.s32 $0x1480, s25;
	[sflag:s20] =	ssyncadd.s32 $0xFFFFC000  }
0x50: {  	[spmem:s1] =	stream.indirect.scatter.add.f32 [tilespmem:s18], [sflag:$0x3], $0x80, s31, s16, $0xb8;
	[tilespmem:$0x1E400] =	vst v63  }
0x51: {  	_ =	swait.ge [sflag:s14], $0x4000  }
0x52: {  	[sflag:s14] =	ssyncset.done $0x0  }
0x53: {  	[sflag:s14] =	ssyncadd.s32 $0xFFFFC000  }
0x54: {  	[tilespmem:s18], [sflag:$0x2] =	stream.indirect.gather [hbm4b:s4+s16], $0x80, s21, s16, $0xb8;
	[tilespmem:$0x1E400] =	vst v63  }
0x55: {  	_ =	swait.ge [sflag:s19], $0x4000  }
0x56: {  	[sflag:s19] =	ssyncset.done $0x0  }
0x57: {  	[sflag:s19] =	ssyncadd.s32 $0xFFFFC000  }
0x58: {  	[spmem:s1] =	stream.indirect.scatter.add.f32 [tilespmem:s17], [sflag:$0x3], $0x80, s22, s16, $0xb8;
	[tilespmem:$0x1E400] =	vst v63  }
0x59: {  	_ =	swait.ge [sflag:s14], $0x4000  }
0x5a: {  	[sflag:s14] =	ssyncset.done $0x0  }
0x5b: {  	[sflag:s14] =	ssyncadd.s32 $0xFFFFC000  }
0x5c: {  	_ =	swait.ge [sflag:s20], $0x4000  }
0x5d: {  	[sflag:s20] =	ssyncset.done $0x0  }
0x5e: {  	[sflag:s20] =	ssyncadd.s32 $0xFFFFC000  }
0x5f: {  	[spmem:s1] =	stream.indirect.scatter.add.f32 [tilespmem:s18], [sflag:$0x3], $0x80, s23, s16, $0xb8;
	[tilespmem:$0x1E400] =	vst v63  }
0x60: {  	_ =	swait.ge [sflag:s14], $0x4000  }
0x61: {  	[sflag:s14] =	ssyncset.done $0x0  }
0x62: {  	s26 =	simm.s32 $0x0;
	[sflag:s14] =	ssyncadd.s32 $0xFFFFC000  }
0x63: {  	[tilespmem:s26], [sflag:$0x3] =	stream.linear.gather [hbm4b:s9+s26], $0x1400, $0x38;
	[tilespmem:$0x1E400] =	vst v63  }
0x64: {  	_ =	swait.ge [sflag:s14], $0x1400  }
0x65: {  	[sflag:s14] =	ssyncset.done $0x0  }
0x66: {  	[sflag:s14] =	ssyncadd.s32 $0xFFFFEC00  }
0x67: {  	[tilespmem:s15], [sflag:$0x3] =	stream.linear.gather [hbm4b:s10+s26], $0x1400, $0x38;
	[tilespmem:$0x1E400] =	vst v63  }
0x68: {  	_ =	swait.ge [sflag:s14], $0x1400  }
0x69: {  	[sflag:s14] =	ssyncset.done $0x0  }
0x6a: {  	[sflag:s14] =	ssyncadd.s32 $0xFFFFEC00  }
0x6b: {  	[tilespmem:s17], [sflag:$0x1] =	stream.indirect.gather [hbm4b:s4+s16], $0x80, s26, s16, $0xb8;
	[tilespmem:$0x1E400] =	vst v63  }
0x6c: {  	s28 =	simm.s32 $0x80  }
0x6d: {  	[tilespmem:s18], [sflag:$0x2] =	stream.indirect.gather [hbm4b:s4+s16], $0x80, s28, s16, $0xb8;
	[tilespmem:$0x1E400] =	vst v63  }
0x6e: {  	_ =	swait.ge [sflag:s19], $0x4000  }
0x6f: {  	[sflag:s19] =	ssyncset.done $0x0  }
0x70: {  	s29 =	simm.s32 $0x1400;
	[sflag:s19] =	ssyncadd.s32 $0xFFFFC000  }
0x71: {  	[spmem:s1] =	stream.indirect.scatter.add.f32 [tilespmem:s17], [sflag:$0x3], $0x80, s29, s16, $0xb8;
	[tilespmem:$0x1E400] =	vst v63  }
0x72: {  	_ =	swait.ge [sflag:s14], $0x4000  }
0x73: {  	[sflag:s14] =	ssyncset.done $0x0  }
0x74: {  	s30 =	simm.s32 $0x100;
	[sflag:s14] =	ssyncadd.s32 $0xFFFFC000  }
0x75: {  	[tilespmem:s17], [sflag:$0x1] =	stream.indirect.gather [hbm4b:s4+s16], $0x80, s30, s16, $0xb8;
	[tilespmem:$0x1E400] =	vst v63  }
0x76: {  	_ =	swait.ge [sflag:s20], $0x4000  }
0x77: {  	[sflag:s20] =	ssyncset.done $0x0  }
0x78: {  	s31 =	simm.s32 $0x1480;
	[sflag:s20] =	ssyncadd.s32 $0xFFFFC000  }
0x79: {  	[spmem:s1] =	stream.indirect.scatter.add.f32 [tilespmem:s18], [sflag:$0x3], $0x80, s31, s16, $0xb8;
	[tilespmem:$0x1E400] =	vst v63  }
0x7a: {  	_ =	swait.ge [sflag:s14], $0x4000  }
0x7b: {  	s25 =	simm.s32 $0x100;
	s26 =	simm.s32 $0x800;
	[sflag:s14] =	ssyncset.done $0x0  }
.LBB2_4:
0x7c: {  	s28 =	sadd.s32 $0x80, s25  }
0x7d: {  	[sflag:s14] =	ssyncadd.s32 $0xFFFFC000;
	s29 =	smov.u32 s26;
	s30 =	sadd.s32 $0x400, s26  }
0x7e: {  	[tilespmem:s18], [sflag:$0x2] =	stream.indirect.gather [hbm4b:s4+s16], $0x80, s28, s16, $0xb8;
	[tilespmem:$0x1E400] =	vst v63  }
0x7f: {  	p0 =	sne.s32 s26, $0x4800;
	_ =	swait.ge [sflag:s19], $0x4000  }
0x80: {  	[sflag:s19] =	ssyncset.done $0x0  }
0x81: {  	s26 =	sadd.s32 $0x1400, s25;
	[sflag:s19] =	ssyncadd.s32 $0xFFFFC000  }
0x82: {  	[spmem:s1] =	stream.indirect.scatter.add.f32 [tilespmem:s17], [sflag:$0x3], $0x80, s26, s16, $0xb8;
	[tilespmem:$0x1E400] =	vst v63  }
0x83: {  	_ =	swait.ge [sflag:s14], $0x4000  }
0x84: {  	[sflag:s14] =	ssyncset.done $0x0  }
0x85: {  	s26 =	sadd.s32 $0x100, s25;
	[sflag:s14] =	ssyncadd.s32 $0xFFFFC000  }
0x86: {  	[tilespmem:s17], [sflag:$0x1] =	stream.indirect.gather [hbm4b:s4+s16], $0x80, s26, s16, $0xb8;
	[tilespmem:$0x1E400] =	vst v63  }
0x87: {  	_ =	swait.ge [sflag:s20], $0x4000  }
.Ltmp1:
0x88: {  	[sflag:s20] =	ssyncset.done $0x0;
	(pc) =	sbr.rel @p0 .LBB2_4-.Ltmp1, $4  }
0x89: {  	s25 =	sadd.s32 $0x1480, s25;
	[sflag:s20] =	ssyncadd.s32 $0xFFFFC000  }
0x8a: {  	[spmem:s1] =	stream.indirect.scatter.add.f32 [tilespmem:s18], [sflag:$0x3], $0x80, s25, s16, $0xb8;
	[tilespmem:$0x1E400] =	vst v63  }
0x8b: {  	_ =	swait.ge [sflag:s14], $0x4000  }
0x8c: {  	s26 =	smov.u32 s30;
	s25 =	sshra.s32 s29, $0x2;
	[sflag:s14] =	ssyncset.done $0x0  }
0x8d: {  	s26 =	sadd.s32 $0x80, s25;
	[sflag:s14] =	ssyncadd.s32 $0xFFFFC000  }
0x8e: {  	[tilespmem:s18], [sflag:$0x2] =	stream.indirect.gather [hbm4b:s4+s16], $0x80, s26, s16, $0xb8;
	[tilespmem:$0x1E400] =	vst v63  }
0x8f: {  	_ =	swait.ge [sflag:s19], $0x4000  }
0x90: {  	[sflag:s19] =	ssyncset.done $0x0  }
0x91: {  	s29 =	sadd.s32 $0x1400, s25;
	[sflag:s19] =	ssyncadd.s32 $0xFFFFC000  }
0x92: {  	[spmem:s1] =	stream.indirect.scatter.add.f32 [tilespmem:s17], [sflag:$0x3], $0x80, s29, s16, $0xb8;
	[tilespmem:$0x1E400] =	vst v63  }
0x93: {  	_ =	swait.ge [sflag:s14], $0x4000  }
0x94: {  	[sflag:s14] =	ssyncset.done $0x0  }
0x95: {  	s30 =	sadd.s32 $0x100, s25;
	[sflag:s14] =	ssyncadd.s32 $0xFFFFC000  }
0x96: {  	[tilespmem:s17], [sflag:$0x1] =	stream.indirect.gather [hbm4b:s4+s16], $0x80, s30, s16, $0xb8;
	[tilespmem:$0x1E400] =	vst v63  }
0x97: {  	_ =	swait.ge [sflag:s20], $0x4000  }
0x98: {  	[sflag:s20] =	ssyncset.done $0x0  }
0x99: {  	s31 =	sadd.s32 $0x1480, s25;
	[sflag:s20] =	ssyncadd.s32 $0xFFFFC000  }
0x9a: {  	[spmem:s1] =	stream.indirect.scatter.add.f32 [tilespmem:s18], [sflag:$0x3], $0x80, s31, s16, $0xb8;
	[tilespmem:$0x1E400] =	vst v63  }
0x9b: {  	_ =	swait.ge [sflag:s14], $0x4000  }
0x9c: {  	[sflag:s14] =	ssyncset.done $0x0  }
0x9d: {  	[sflag:s14] =	ssyncadd.s32 $0xFFFFC000  }
0x9e: {  	[tilespmem:s18], [sflag:$0x2] =	stream.indirect.gather [hbm4b:s4+s16], $0x80, s21, s16, $0xb8;
	[tilespmem:$0x1E400] =	vst v63  }
0x9f: {  	_ =	swait.ge [sflag:s19], $0x4000  }
0xa0: {  	[sflag:s19] =	ssyncset.done $0x0  }
0xa1: {  	[sflag:s19] =	ssyncadd.s32 $0xFFFFC000  }
0xa2: {  	[spmem:s1] =	stream.indirect.scatter.add.f32 [tilespmem:s17], [sflag:$0x3], $0x80, s22, s16, $0xb8;
	[tilespmem:$0x1E400] =	vst v63  }
0xa3: {  	_ =	swait.ge [sflag:s14], $0x4000  }
0xa4: {  	[sflag:s14] =	ssyncset.done $0x0  }
0xa5: {  	[sflag:s14] =	ssyncadd.s32 $0xFFFFC000  }
0xa6: {  	_ =	swait.ge [sflag:s20], $0x4000  }
0xa7: {  	[sflag:s20] =	ssyncset.done $0x0  }
0xa8: {  	[sflag:s20] =	ssyncadd.s32 $0xFFFFC000  }
0xa9: {  	[spmem:s1] =	stream.indirect.scatter.add.f32 [tilespmem:s18], [sflag:$0x3], $0x80, s23, s16, $0xb8;
	[tilespmem:$0x1E400] =	vst v63  }
0xaa: {  	_ =	swait.ge [sflag:s14], $0x4000  }
0xab: {  	s24 =	sadd.s32 $0x1, s24;
	[sflag:s14] =	ssyncset.done $0x0  }
0xac: {  	p0 =	sne.s32 s24, s12;
	[sflag:s14] =	ssyncadd.s32 $0xFFFFC000  }
.Ltmp2:
0xad: {  	[bflag:$0x0] =	sbarrier.arrive $0xFFFF;
	(pc) =	sbr.rel @p0 .LBB2_1-.Ltmp2, $4  }
0xae: {  	[hbm:s11], [sflag:s6] =	dma.local [spmem:s13], $0x2780  }
0xaf: {  	_ =	swait.ge [sflag:s14], $0x2780  }
0xb0: {  	[sflag:s14] =	ssyncset.done $0x0  }
0xb1: {  	[sflag:s14] =	ssyncadd.s32 $0xFFFFD880  }
0xb2: {  	_ =	sfence.sel $0x180000  }
0xb3: {  	[bflag:$0x0] =	sbarrier.arrive $0xFFFF  }
0xb4: {  	p0 =	sne.s32 s2, $0x0;
	_ =	strace $0x9000004D  }
0xb5: {  	s0 =	sadd.s32 @!p0 $0x100000, s0;
	[bflag:$0x2] =	sbarrier.arrive $0xFFFF  }
0xb6: {  	[sflag:s0] =	ssyncadd.tile.s32 @!p0 $0x1;
	_ =	shalt  }
.Lfunc_end2:
_tile_overlayer_lowered:
.L_overlay_start_2:
0xb7: {  	(tag) =	ssettag $0x2  }
0xb8: {  	s0 =	rddreg [dreg:$0x0];
	s2 =	stileid.u32  }
0xb9: {  	s1 =	rddreg [dreg:$0x1];
	p0 =	sne.s32 s2, $0x0  }
0xba: {  	s3 =	rddreg [dreg:$0x2];
	[bflag:$0x3] =	sbarrier.arrive $0xFFFF;
	s2 =	simm.s32 @!p0 $0x1C03  }
0xbb: {  	[timem:s3], [sflag:s2] =	dma.local @!p0 [hbm:s0], s1  }
0xbc: {  	s0 =	simm.s32 @!p0 $0x3  }
0xbd: {  	_ =	swait.ge @!p0 [sflag:s0], s1  }
0xbe: {  	s1 =	ssub.s32 @!p0 $0x0, s1;
	[sflag:s0] =	ssyncset.done @!p0 $0x0  }
0xbf: {  	[sflag:s0] =	ssyncadd.s32 @!p0 s1  }
0xc0: {  	[bflag:$0x3] =	sbarrier.arrive $0xFFFF  }
0xc1: {  	_ =	shalt  }

</sc_bundles>
